<compile_context>
chip_gen: v7x
topology: tpu7x:2x2x1
jax: 0.10.2.dev20260603
libtpu: 0.0.44.dev20260713+nightly
codegen_flags: <defaults>
</compile_context>

<pallas_src>
import functools

import jax
import jax.numpy as jnp
from jax import lax
from jax.experimental import pallas as pl
from jax.experimental.pallas import tpu as pltpu
from jax.experimental.pallas import tpu_sc as plsc

_F = 26
_V = 100000
_D = 16
_B = 4096
_H1 = 256
_H2 = 128

_NC = 2
_NS = 16
_NW = _NC * _NS
_BPW = _B // _NW
_LPW = _BPW * _F
_CHUNK = 128
_NCHUNK = _LPW // _CHUNK



_CH = 16
_NCH = _LPW // _CH

_DIV26_M = 20165
_DIV26_S = 19


def _gather_body(idx_hbm, table_hbm, out_hbm, iall, qall, tiles, rows2,
                 sem0, sem1):
    wid = lax.axis_index("s") * _NC + lax.axis_index("c")
    pltpu.sync_copy(idx_hbm.at[wid], iall)
    iota = lax.iota(jnp.int32, 16)

    def prep(c, carry):
        for u in range(8):
            qall[c, pl.ds(u * 16, 16)] = lax.shift_right_logical(
                iall[c, pl.ds(u * 16, 16)], 3)
        return carry

    lax.fori_loop(0, _NCHUNK, prep, 0, unroll=False)

    def extract(c, b):
        tb = tiles.at[b]
        for k in range(8):
            colb = k * 16
            vec = iall[c, pl.ds(colb, 16)]
            s_vec = lax.bitwise_and(vec, 7)
            g_vec = iota + colb
            p_vec = iota + (c * _CHUNK + colb)
            brow = lax.shift_right_logical(p_vec * _DIV26_M, _DIV26_S)
            col0 = (p_vec - brow * _F) * _D
            lane0 = s_vec * _D
            for j in range(_D):
                vals = plsc.load_gather(tb, [g_vec, lane0 + j])
                plsc.store_scatter(rows2, [brow, col0 + j], vals)

    def pair(ci, carry):
        c0 = ci * 2
        h0 = pltpu.async_copy(table_hbm.at[qall.at[c0]], tiles.at[0], sem0)
        h1 = pltpu.async_copy(table_hbm.at[qall.at[c0 + 1]], tiles.at[1], sem1)
        h0.wait()
        extract(c0, 0)
        h1.wait()
        extract(c0 + 1, 1)
        return carry

    lax.fori_loop(0, _NCHUNK // 2, pair, 0, unroll=False)
    pltpu.sync_copy(rows2, out_hbm.at[pl.ds(wid * _BPW, _BPW)])


@functools.lru_cache(maxsize=1)
def _make_sc_gather():
    return functools.partial(
        pl.kernel,
        out_type=jax.ShapeDtypeStruct((_B, 512), jnp.float32),
        mesh=plsc.VectorSubcoreMesh(core_axis_name="c", subcore_axis_name="s"),
        scratch_types=[
            pltpu.VMEM((32, _CHUNK), jnp.int32),
            pltpu.VMEM((_NCHUNK, _CHUNK), jnp.int32),
            pltpu.VMEM((2, _CHUNK, 8 * _D), jnp.float32),
            pltpu.VMEM((_BPW, 512), jnp.float32),
            pltpu.SemaphoreType.DMA,
            pltpu.SemaphoreType.DMA,
        ],
        compiler_params=pltpu.CompilerParams(needs_layout_passes=False),
    )(_gather_body)


def _mlp_body(x_ref, bn0_g, bn0_b, w1, b1, bn1_g, bn1_b, w2, b2,
              bn2_g, bn2_b, w3, b3, out_ref):
    eps = 1e-5
    x = x_ref[...][:, : _F * _D]
    mu = jnp.mean(x, axis=0, keepdims=True)
    var = jnp.mean((x - mu) * (x - mu), axis=0, keepdims=True)
    x = (x - mu) * lax.rsqrt(var + eps) * bn0_g[...] + bn0_b[...]
    h = jnp.maximum(
        jnp.dot(x, w1[...], preferred_element_type=jnp.float32) + b1[...], 0.0)
    mu = jnp.mean(h, axis=0, keepdims=True)
    var = jnp.mean((h - mu) * (h - mu), axis=0, keepdims=True)
    h = (h - mu) * lax.rsqrt(var + eps) * bn1_g[...] + bn1_b[...]
    h = jnp.maximum(
        jnp.dot(h, w2[...], preferred_element_type=jnp.float32) + b2[...], 0.0)
    mu = jnp.mean(h, axis=0, keepdims=True)
    var = jnp.mean((h - mu) * (h - mu), axis=0, keepdims=True)
    h = (h - mu) * lax.rsqrt(var + eps) * bn2_g[...] + bn2_b[...]
    logit = jnp.sum(h * w3[...], axis=1, keepdims=True) + b3[0, 0]
    out_ref[...] = 1.0 / (1.0 + jnp.exp(-logit))


def _run_mlp(x, bn0_g, bn0_b, w1, b1, bn1_g, bn1_b, w2, b2,
             bn2_g, bn2_b, w3, b3, *, interpret=False):
    return pl.pallas_call(
        _mlp_body,
        out_shape=jax.ShapeDtypeStruct((_B, 1), jnp.float32),
        interpret=interpret,
    )(x, bn0_g, bn0_b, w1, b1, bn1_g, bn1_b, w2, b2, bn2_g, bn2_b, w3, b3)


def kernel(x_cat, emb_tables, bn0_g, bn0_b, W1, b1, bn1_g, bn1_b,
           W2, b2, bn2_g, bn2_b, W3, b3):
    flat_idx = (x_cat.astype(jnp.int32)
                + (jnp.arange(_F, dtype=jnp.int32) * _V)[None, :])
    flat_idx = flat_idx.reshape(_NW, _NCHUNK, _CHUNK)
    flat_idx = jnp.pad(flat_idx, ((0, 0), (0, 32 - _NCHUNK), (0, 0)))
    table = emb_tables.reshape(_F * _V // 8, 8 * _D)
    x = _make_sc_gather()(flat_idx, table)
    out = _run_mlp(
        x,
        bn0_g.reshape(1, -1), bn0_b.reshape(1, -1),
        W1, b1.reshape(1, -1),
        bn1_g.reshape(1, -1), bn1_b.reshape(1, -1),
        W2, b2.reshape(1, -1),
        bn2_g.reshape(1, -1), bn2_b.reshape(1, -1),
        W3.reshape(1, _H2), b3.reshape(1, 1),
    )
    return out.reshape(_B)

# --- scband reference (transcript-rebuilt; emitter-appended) ---
"""Pipeline reference for scband-ctrnet-50843822850236 (READ-ONLY COPY).

The authoritative reference and input builder live on the scoring server;
editing this copy changes nothing except your own understanding.
"""

import jax, jax.numpy as jnp
import numpy as np

F = 26
V = 100000
D = 16
B = 4096
H1 = 256
H2 = 128


def _bn(x, g, b, eps=1e-5):
    mu = jnp.mean(x, axis=0)
    var = jnp.var(x, axis=0)
    return (x - mu) / jnp.sqrt(var + eps) * g + b


def setup_inputs(seed: int = 0) -> dict:
    key = jax.random.key(seed)
    ks = jax.random.split(key, 8)
    d_in = F * D
    x_cat = jax.random.randint(ks[0], (B, F), 0, V)
    emb_tables = jax.random.normal(ks[1], (F, V, D), dtype=jnp.float32) * 0.05
    W1 = jax.random.normal(ks[2], (d_in, H1), dtype=jnp.float32) * (1.0 / np.sqrt(d_in))
    b1 = jnp.zeros((H1,), dtype=jnp.float32)
    W2 = jax.random.normal(ks[3], (H1, H2), dtype=jnp.float32) * (1.0 / np.sqrt(H1))
    b2 = jnp.zeros((H2,), dtype=jnp.float32)
    W3 = jax.random.normal(ks[4], (H2, 1), dtype=jnp.float32) * (1.0 / np.sqrt(H2))
    b3 = jnp.zeros((1,), dtype=jnp.float32)
    bn0_g = jnp.ones((d_in,), dtype=jnp.float32)
    bn0_b = jnp.zeros((d_in,), dtype=jnp.float32)
    bn1_g = jnp.ones((H1,), dtype=jnp.float32)
    bn1_b = jnp.zeros((H1,), dtype=jnp.float32)
    bn2_g = jnp.ones((H2,), dtype=jnp.float32)
    bn2_b = jnp.zeros((H2,), dtype=jnp.float32)
    return {
        "x_cat": x_cat,
        "emb_tables": emb_tables,
        "bn0_g": bn0_g, "bn0_b": bn0_b,
        "W1": W1, "b1": b1,
        "bn1_g": bn1_g, "bn1_b": bn1_b,
        "W2": W2, "b2": b2,
        "bn2_g": bn2_g, "bn2_b": bn2_b,
        "W3": W3, "b3": b3,
    }


def reference(x_cat, emb_tables, bn0_g, bn0_b, W1, b1, bn1_g, bn1_b, W2, b2, bn2_g, bn2_b, W3, b3):
    # per-field embedding lookup: emb_tables[F, V, D], x_cat[B, F] -> [B, F, D]
    f_idx = jnp.arange(emb_tables.shape[0])
    embs = emb_tables[f_idx[None, :], x_cat]
    x = embs.reshape(x_cat.shape[0], -1)
    x = _bn(x, bn0_g, bn0_b)
    x = jnp.maximum(x @ W1 + b1, 0.0)
    x = _bn(x, bn1_g, bn1_b)
    # dropout is identity in eval / deterministic reference
    x = jnp.maximum(x @ W2 + b2, 0.0)
    x = _bn(x, bn2_g, bn2_b)
    x = jax.nn.sigmoid(x @ W3 + b3)
    return x.squeeze(-1)

if __name__ == "__main__":
    import jax
    _d = setup_inputs()
    print(jax.jit(kernel)(*tuple(_d.values())))

</pallas_src>

<mosaic_0001>
#map = affine_map<(d0, d1) -> (0, 0, 0)>
#map1 = affine_map<(d0, d1) -> (0, 0)>
module attributes {stable_mosaic.version = 14 : i64} {
  func.func @_gather_body(%arg0: i32, %arg1: i32, %arg2: memref<32x32x128xi32, #tpu.memory_space<hbm>>, %arg3: memref<325000x128xf32, #tpu.memory_space<hbm>>, %arg4: memref<4096x512xf32, #tpu.memory_space<hbm>>, %arg5: memref<32x128xi32, #tpu.memory_space<vmem>>, %arg6: memref<26x128xi32, #tpu.memory_space<vmem>>, %arg7: memref<2x128x128xf32, #tpu.memory_space<vmem>>, %arg8: memref<128x512xf32, #tpu.memory_space<vmem>>, %arg9: memref<!tpu.dma_semaphore, #tpu.memory_space<semaphore_mem>>, %arg10: memref<!tpu.dma_semaphore, #tpu.memory_space<semaphore_mem>>) attributes {dimension_semantics = [#tpu.dimension_semantics<core_parallel>, #tpu.dimension_semantics<subcore_parallel>], iteration_bounds = array<i64: 2, 16>, scalar_prefetch = 0 : i64, scratch_operands = 6 : i64, tpu.core_type = #tpu.core_type<sc_vector_subcore>, window_params = [{transform_indices = #map}, {transform_indices = #map1}, {transform_indices = #map1}]} {
    %mul3A = arith.constant 2 : i32
    %mul3A_0 = arith.muli %arg1, %mul3A : i32
    %add3A = arith.addi %mul3A_0, %arg0 : i32
    "tpu.region"() ({
      %run_scoped3A = tpu.sem_alloc : memref<!tpu.dma_semaphore, #tpu.memory_space<semaphore_mem>>
      %dma_start3A = arith.constant 0 : i32
      %dma_start3A_14 = arith.constant 0 : i32
      %dma_start3A_15 = tpu.memref_slice %arg2[%add3A, %dma_start3A, %dma_start3A_14] : memref<32x32x128xi32, #tpu.memory_space<hbm>> -> memref<1x32x128xi32, #tpu.memory_space<hbm>>
      %dma_start3A_16 = tpu.memref_squeeze %dma_start3A_15 : memref<1x32x128xi32, #tpu.memory_space<hbm>> -> memref<32x128xi32, #tpu.memory_space<hbm>>
      %dma_start3A_17 = arith.constant 0 : i32
      %dma_start3A_18 = arith.constant 0 : i32
      %dma_start3A_19 = tpu.memref_slice %arg2[%add3A, %dma_start3A_17, %dma_start3A_18] : memref<32x32x128xi32, #tpu.memory_space<hbm>> -> memref<1x32x128xi32, #tpu.memory_space<hbm>>
      %dma_start3A_20 = tpu.memref_squeeze %dma_start3A_19 : memref<1x32x128xi32, #tpu.memory_space<hbm>> -> memref<32x128xi32, #tpu.memory_space<hbm>>
      tpu.enqueue_dma source(%dma_start3A_20 : memref<32x128xi32, #tpu.memory_space<hbm>>) target(%arg5 : memref<32x128xi32, #tpu.memory_space<vmem>>) target_semaphore(%run_scoped3A : memref<!tpu.dma_semaphore, #tpu.memory_space<semaphore_mem>>)
      %dma_wait3A = arith.constant 0 : i32
      %dma_wait3A_21 = arith.constant 0 : i32
      %dma_wait3A_22 = tpu.memref_slice %arg2[%add3A, %dma_wait3A, %dma_wait3A_21] : memref<32x32x128xi32, #tpu.memory_space<hbm>> -> memref<1x32x128xi32, #tpu.memory_space<hbm>>
      %dma_wait3A_23 = tpu.memref_squeeze %dma_wait3A_22 : memref<1x32x128xi32, #tpu.memory_space<hbm>> -> memref<32x128xi32, #tpu.memory_space<hbm>>
      %dma_wait3A_24 = arith.constant 0 : i32
      %dma_wait3A_25 = arith.constant 0 : i32
      %dma_wait3A_26 = tpu.memref_slice %arg2[%add3A, %dma_wait3A_24, %dma_wait3A_25] : memref<32x32x128xi32, #tpu.memory_space<hbm>> -> memref<1x32x128xi32, #tpu.memory_space<hbm>>
      %dma_wait3A_27 = tpu.memref_squeeze %dma_wait3A_26 : memref<1x32x128xi32, #tpu.memory_space<hbm>> -> memref<32x128xi32, #tpu.memory_space<hbm>>
      tpu.wait_dma2 semaphore(%run_scoped3A : memref<!tpu.dma_semaphore, #tpu.memory_space<semaphore_mem>>) src(%dma_wait3A_27 : memref<32x128xi32, #tpu.memory_space<hbm>>) dst(%arg5 : memref<32x128xi32, #tpu.memory_space<vmem>>)
      tpu.yield
    }) : () -> ()
    %iota3A = tpu.iota {dimensions = array<i32: 0>} : vector<16xi32>
    %scan3A = arith.constant 0 : i32
    %scan3A_1 = arith.constant 0 : i32
    %scan3A_2 = arith.constant 26 : i32
    %scan3A_3 = arith.addi %scan3A_1, %scan3A_2 : i32
    %scan3A_4 = arith.constant 1 : i32
    scf.for %scan3A_14 = %scan3A_1 to %scan3A_3 step %scan3A_4  : i32 {
      %get3A = arith.index_cast %scan3A_14 : i32 to index
      %get3A_15 = arith.constant 0 : index
      %get3A_16 = tpu.vector_load %arg5[%get3A, %get3A_15] {strides = array<i32>} : memref<32x128xi32, #tpu.memory_space<vmem>>, vector<16xi32>,
      %shift_right_logical3A = arith.constant 3 : i32
      %shift_right_logical3A_17 = vector.broadcast %shift_right_logical3A : i32 to vector<16xi32>
      %shift_right_logical3A_18 = arith.shrui %get3A_16, %shift_right_logical3A_17 : vector<16xi32>
      %swap3A = arith.index_cast %scan3A_14 : i32 to index
      %swap3A_19 = arith.constant 0 : index
      %swap3A_20 = tpu.vector_load %arg6[%swap3A, %swap3A_19] {strides = array<i32>} : memref<26x128xi32, #tpu.memory_space<vmem>>, vector<16xi32>,
      tpu.vector_store %arg6[%swap3A, %swap3A_19], %shift_right_logical3A_18 {strides = array<i32>} : memref<26x128xi32, #tpu.memory_space<vmem>>, vector<16xi32>,
      %get3A_21 = arith.index_cast %scan3A_14 : i32 to index
      %get3A_22 = arith.constant 16 : index
      %get3A_23 = tpu.vector_load %arg5[%get3A_21, %get3A_22] {strides = array<i32>} : memref<32x128xi32, #tpu.memory_space<vmem>>, vector<16xi32>,
      %shift_right_logical3A_24 = arith.constant 3 : i32
      %shift_right_logical3A_25 = vector.broadcast %shift_right_logical3A_24 : i32 to vector<16xi32>
      %shift_right_logical3A_26 = arith.shrui %get3A_23, %shift_right_logical3A_25 : vector<16xi32>
      %swap3A_27 = arith.index_cast %scan3A_14 : i32 to index
      %swap3A_28 = arith.constant 16 : index
      %swap3A_29 = tpu.vector_load %arg6[%swap3A_27, %swap3A_28] {strides = array<i32>} : memref<26x128xi32, #tpu.memory_space<vmem>>, vector<16xi32>,
      tpu.vector_store %arg6[%swap3A_27, %swap3A_28], %shift_right_logical3A_26 {strides = array<i32>} : memref<26x128xi32, #tpu.memory_space<vmem>>, vector<16xi32>,
      %get3A_30 = arith.index_cast %scan3A_14 : i32 to index
      %get3A_31 = arith.constant 32 : index
      %get3A_32 = tpu.vector_load %arg5[%get3A_30, %get3A_31] {strides = array<i32>} : memref<32x128xi32, #tpu.memory_space<vmem>>, vector<16xi32>,
      %shift_right_logical3A_33 = arith.constant 3 : i32
      %shift_right_logical3A_34 = vector.broadcast %shift_right_logical3A_33 : i32 to vector<16xi32>
      %shift_right_logical3A_35 = arith.shrui %get3A_32, %shift_right_logical3A_34 : vector<16xi32>
      %swap3A_36 = arith.index_cast %scan3A_14 : i32 to index
      %swap3A_37 = arith.constant 32 : index
      %swap3A_38 = tpu.vector_load %arg6[%swap3A_36, %swap3A_37] {strides = array<i32>} : memref<26x128xi32, #tpu.memory_space<vmem>>, vector<16xi32>,
      tpu.vector_store %arg6[%swap3A_36, %swap3A_37], %shift_right_logical3A_35 {strides = array<i32>} : memref<26x128xi32, #tpu.memory_space<vmem>>, vector<16xi32>,
      %get3A_39 = arith.index_cast %scan3A_14 : i32 to index
      %get3A_40 = arith.constant 48 : index
      %get3A_41 = tpu.vector_load %arg5[%get3A_39, %get3A_40] {strides = array<i32>} : memref<32x128xi32, #tpu.memory_space<vmem>>, vector<16xi32>,
      %shift_right_logical3A_42 = arith.constant 3 : i32
      %shift_right_logical3A_43 = vector.broadcast %shift_right_logical3A_42 : i32 to vector<16xi32>
      %shift_right_logical3A_44 = arith.shrui %get3A_41, %shift_right_logical3A_43 : vector<16xi32>
      %swap3A_45 = arith.index_cast %scan3A_14 : i32 to index
      %swap3A_46 = arith.constant 48 : index
      %swap3A_47 = tpu.vector_load %arg6[%swap3A_45, %swap3A_46] {strides = array<i32>} : memref<26x128xi32, #tpu.memory_space<vmem>>, vector<16xi32>,
      tpu.vector_store %arg6[%swap3A_45, %swap3A_46], %shift_right_logical3A_44 {strides = array<i32>} : memref<26x128xi32, #tpu.memory_space<vmem>>, vector<16xi32>,
      %get3A_48 = arith.index_cast %scan3A_14 : i32 to index
      %get3A_49 = arith.constant 64 : index
      %get3A_50 = tpu.vector_load %arg5[%get3A_48, %get3A_49] {strides = array<i32>} : memref<32x128xi32, #tpu.memory_space<vmem>>, vector<16xi32>,
      %shift_right_logical3A_51 = arith.constant 3 : i32
      %shift_right_logical3A_52 = vector.broadcast %shift_right_logical3A_51 : i32 to vector<16xi32>
      %shift_right_logical3A_53 = arith.shrui %get3A_50, %shift_right_logical3A_52 : vector<16xi32>
      %swap3A_54 = arith.index_cast %scan3A_14 : i32 to index
      %swap3A_55 = arith.constant 64 : index
      %swap3A_56 = tpu.vector_load %arg6[%swap3A_54, %swap3A_55] {strides = array<i32>} : memref<26x128xi32, #tpu.memory_space<vmem>>, vector<16xi32>,
      tpu.vector_store %arg6[%swap3A_54, %swap3A_55], %shift_right_logical3A_53 {strides = array<i32>} : memref<26x128xi32, #tpu.memory_space<vmem>>, vector<16xi32>,
      %get3A_57 = arith.index_cast %scan3A_14 : i32 to index
      %get3A_58 = arith.constant 80 : index
      %get3A_59 = tpu.vector_load %arg5[%get3A_57, %get3A_58] {strides = array<i32>} : memref<32x128xi32, #tpu.memory_space<vmem>>, vector<16xi32>,
      %shift_right_logical3A_60 = arith.constant 3 : i32
      %shift_right_logical3A_61 = vector.broadcast %shift_right_logical3A_60 : i32 to vector<16xi32>
      %shift_right_logical3A_62 = arith.shrui %get3A_59, %shift_right_logical3A_61 : vector<16xi32>
      %swap3A_63 = arith.index_cast %scan3A_14 : i32 to index
      %swap3A_64 = arith.constant 80 : index
      %swap3A_65 = tpu.vector_load %arg6[%swap3A_63, %swap3A_64] {strides = array<i32>} : memref<26x128xi32, #tpu.memory_space<vmem>>, vector<16xi32>,
      tpu.vector_store %arg6[%swap3A_63, %swap3A_64], %shift_right_logical3A_62 {strides = array<i32>} : memref<26x128xi32, #tpu.memory_space<vmem>>, vector<16xi32>,
      %get3A_66 = arith.index_cast %scan3A_14 : i32 to index
      %get3A_67 = arith.constant 96 : index
      %get3A_68 = tpu.vector_load %arg5[%get3A_66, %get3A_67] {strides = array<i32>} : memref<32x128xi32, #tpu.memory_space<vmem>>, vector<16xi32>,
      %shift_right_logical3A_69 = arith.constant 3 : i32
      %shift_right_logical3A_70 = vector.broadcast %shift_right_logical3A_69 : i32 to vector<16xi32>
      %shift_right_logical3A_71 = arith.shrui %get3A_68, %shift_right_logical3A_70 : vector<16xi32>
      %swap3A_72 = arith.index_cast %scan3A_14 : i32 to index
      %swap3A_73 = arith.constant 96 : index
      %swap3A_74 = tpu.vector_load %arg6[%swap3A_72, %swap3A_73] {strides = array<i32>} : memref<26x128xi32, #tpu.memory_space<vmem>>, vector<16xi32>,
      tpu.vector_store %arg6[%swap3A_72, %swap3A_73], %shift_right_logical3A_71 {strides = array<i32>} : memref<26x128xi32, #tpu.memory_space<vmem>>, vector<16xi32>,
      %get3A_75 = arith.index_cast %scan3A_14 : i32 to index
      %get3A_76 = arith.constant 112 : index
      %get3A_77 = tpu.vector_load %arg5[%get3A_75, %get3A_76] {strides = array<i32>} : memref<32x128xi32, #tpu.memory_space<vmem>>, vector<16xi32>,
      %shift_right_logical3A_78 = arith.constant 3 : i32
      %shift_right_logical3A_79 = vector.broadcast %shift_right_logical3A_78 : i32 to vector<16xi32>
      %shift_right_logical3A_80 = arith.shrui %get3A_77, %shift_right_logical3A_79 : vector<16xi32>
      %swap3A_81 = arith.index_cast %scan3A_14 : i32 to index
      %swap3A_82 = arith.constant 112 : index
      %swap3A_83 = tpu.vector_load %arg6[%swap3A_81, %swap3A_82] {strides = array<i32>} : memref<26x128xi32, #tpu.memory_space<vmem>>, vector<16xi32>,
      tpu.vector_store %arg6[%swap3A_81, %swap3A_82], %shift_right_logical3A_80 {strides = array<i32>} : memref<26x128xi32, #tpu.memory_space<vmem>>, vector<16xi32>,
    }
    %scan3A_5 = arith.constant 26 : i32
    %scan3A_6 = arith.constant 0 : i32
    %scan3A_7 = arith.constant 0 : i32
    %scan3A_8 = arith.constant 13 : i32
    %scan3A_9 = arith.addi %scan3A_7, %scan3A_8 : i32
    %scan3A_10 = arith.constant 1 : i32
    scf.for %scan3A_14 = %scan3A_7 to %scan3A_9 step %scan3A_10  : i32 {
      %mul3A_15 = arith.constant 2 : i32
      %mul3A_16 = arith.muli %scan3A_14, %mul3A_15 : i32
      %dma_start3A = arith.constant 0 : i32
      %dma_start3A_17 = arith.constant 0 : i32
      %dma_start3A_18 = arith.constant 0 : i32
      %dma_start3A_19 = tpu.memref_slice %arg7[%dma_start3A, %dma_start3A_17, %dma_start3A_18] : memref<2x128x128xf32, #tpu.memory_space<vmem>> -> memref<1x128x128xf32, #tpu.memory_space<vmem>>
      %dma_start3A_20 = tpu.memref_squeeze %dma_start3A_19 : memref<1x128x128xf32, #tpu.memory_space<vmem>> -> memref<128x128xf32, #tpu.memory_space<vmem>>
      %dma_start3A_21 = arith.constant 0 : i32
      %dma_start3A_22 = tpu.memref_slice %arg6[%mul3A_16, %dma_start3A_21] : memref<26x128xi32, #tpu.memory_space<vmem>> -> memref<1x128xi32, #tpu.memory_space<vmem>>
      %dma_start3A_23 = tpu.memref_squeeze %dma_start3A_22 : memref<1x128xi32, #tpu.memory_space<vmem>> -> memref<128xi32, #tpu.memory_space<vmem>>
      %dma_start3A_24 = arith.constant 0 : i32
      %dma_start3A_25 = arith.constant 0 : i32
      %dma_start3A_26 = tpu.memref_slice %arg3[%dma_start3A_24, %dma_start3A_25] : memref<325000x128xf32, #tpu.memory_space<hbm>> -> memref<325000x128xf32, #tpu.memory_space<hbm>>
      tpu.enqueue_indirect_dma source(%dma_start3A_26 : memref<325000x128xf32, #tpu.memory_space<hbm>>) target(%dma_start3A_20 : memref<128x128xf32, #tpu.memory_space<vmem>>) offsets(%dma_start3A_23 : memref<128xi32, #tpu.memory_space<vmem>>) semaphore(%arg9 : memref<!tpu.dma_semaphore, #tpu.memory_space<semaphore_mem>>)
      %add3A_27 = arith.constant 1 : i32
      %add3A_28 = arith.addi %mul3A_16, %add3A_27 : i32
      %dma_start3A_29 = arith.constant 1 : i32
      %dma_start3A_30 = arith.constant 0 : i32
      %dma_start3A_31 = arith.constant 0 : i32
      %dma_start3A_32 = tpu.memref_slice %arg7[%dma_start3A_29, %dma_start3A_30, %dma_start3A_31] : memref<2x128x128xf32, #tpu.memory_space<vmem>> -> memref<1x128x128xf32, #tpu.memory_space<vmem>>
      %dma_start3A_33 = tpu.memref_squeeze %dma_start3A_32 : memref<1x128x128xf32, #tpu.memory_space<vmem>> -> memref<128x128xf32, #tpu.memory_space<vmem>>
      %dma_start3A_34 = arith.constant 0 : i32
      %dma_start3A_35 = tpu.memref_slice %arg6[%add3A_28, %dma_start3A_34] : memref<26x128xi32, #tpu.memory_space<vmem>> -> memref<1x128xi32, #tpu.memory_space<vmem>>
      %dma_start3A_36 = tpu.memref_squeeze %dma_start3A_35 : memref<1x128xi32, #tpu.memory_space<vmem>> -> memref<128xi32, #tpu.memory_space<vmem>>
      %dma_start3A_37 = arith.constant 0 : i32
      %dma_start3A_38 = arith.constant 0 : i32
      %dma_start3A_39 = tpu.memref_slice %arg3[%dma_start3A_37, %dma_start3A_38] : memref<325000x128xf32, #tpu.memory_space<hbm>> -> memref<325000x128xf32, #tpu.memory_space<hbm>>
      tpu.enqueue_indirect_dma source(%dma_start3A_39 : memref<325000x128xf32, #tpu.memory_space<hbm>>) target(%dma_start3A_33 : memref<128x128xf32, #tpu.memory_space<vmem>>) offsets(%dma_start3A_36 : memref<128xi32, #tpu.memory_space<vmem>>) semaphore(%arg10 : memref<!tpu.dma_semaphore, #tpu.memory_space<semaphore_mem>>)
      %dma_wait3A = arith.constant 0 : i32
      %dma_wait3A_40 = arith.constant 0 : i32
      %dma_wait3A_41 = arith.constant 0 : i32
      %dma_wait3A_42 = tpu.memref_slice %arg7[%dma_wait3A, %dma_wait3A_40, %dma_wait3A_41] : memref<2x128x128xf32, #tpu.memory_space<vmem>> -> memref<1x128x128xf32, #tpu.memory_space<vmem>>
      %dma_wait3A_43 = tpu.memref_squeeze %dma_wait3A_42 : memref<1x128x128xf32, #tpu.memory_space<vmem>> -> memref<128x128xf32, #tpu.memory_space<vmem>>
      %dma_wait3A_44 = arith.constant 0 : i32
      %dma_wait3A_45 = tpu.memref_slice %arg6[%mul3A_16, %dma_wait3A_44] : memref<26x128xi32, #tpu.memory_space<vmem>> -> memref<1x128xi32, #tpu.memory_space<vmem>>
      %dma_wait3A_46 = tpu.memref_squeeze %dma_wait3A_45 : memref<1x128xi32, #tpu.memory_space<vmem>> -> memref<128xi32, #tpu.memory_space<vmem>>
      %dma_wait3A_47 = arith.constant 0 : i32
      %dma_wait3A_48 = arith.constant 0 : i32
      %dma_wait3A_49 = tpu.memref_slice %arg3[%dma_wait3A_47, %dma_wait3A_48] : memref<325000x128xf32, #tpu.memory_space<hbm>> -> memref<325000x128xf32, #tpu.memory_space<hbm>>
      tpu.wait_indirect_dma semaphore(%arg9 : memref<!tpu.dma_semaphore, #tpu.memory_space<semaphore_mem>>) src(%dma_wait3A_49 : memref<325000x128xf32, #tpu.memory_space<hbm>>) dst(%dma_wait3A_43 : memref<128x128xf32, #tpu.memory_space<vmem>>)
      %get3A = arith.index_cast %mul3A_16 : i32 to index
      %get3A_50 = arith.constant 0 : index
      %get3A_51 = tpu.vector_load %arg5[%get3A, %get3A_50] {strides = array<i32>} : memref<32x128xi32, #tpu.memory_space<vmem>>, vector<16xi32>,
      %and3A = arith.constant 7 : i32
      %and3A_52 = vector.broadcast %and3A : i32 to vector<16xi32>
      %and3A_53 = arith.andi %get3A_51, %and3A_52 : vector<16xi32>
      %add3A_54 = arith.constant 0 : i32
      %add3A_55 = vector.broadcast %add3A_54 : i32 to vector<16xi32>
      %add3A_56 = arith.addi %iota3A, %add3A_55 : vector<16xi32>
      %mul3A_57 = arith.constant 128 : i32
      %mul3A_58 = arith.muli %mul3A_16, %mul3A_57 : i32
      %add3A_59 = arith.constant 0 : i32
      %add3A_60 = arith.addi %mul3A_58, %add3A_59 : i32
      %add3A_61 = vector.broadcast %add3A_60 : i32 to vector<16xi32>
      %add3A_62 = arith.addi %iota3A, %add3A_61 : vector<16xi32>
      %mul3A_63 = arith.constant 20165 : i32
      %mul3A_64 = vector.broadcast %mul3A_63 : i32 to vector<16xi32>
      %mul3A_65 = arith.muli %add3A_62, %mul3A_64 : vector<16xi32>
      %shift_right_logical3A = arith.constant 19 : i32
      %shift_right_logical3A_66 = vector.broadcast %shift_right_logical3A : i32 to vector<16xi32>
      %shift_right_logical3A_67 = arith.shrui %mul3A_65, %shift_right_logical3A_66 : vector<16xi32>
      %mul3A_68 = arith.constant 26 : i32
      %mul3A_69 = vector.broadcast %mul3A_68 : i32 to vector<16xi32>
      %mul3A_70 = arith.muli %shift_right_logical3A_67, %mul3A_69 : vector<16xi32>
      %sub3A = arith.subi %add3A_62, %mul3A_70 : vector<16xi32>
      %mul3A_71 = arith.constant 16 : i32
      %mul3A_72 = vector.broadcast %mul3A_71 : i32 to vector<16xi32>
      %mul3A_73 = arith.muli %sub3A, %mul3A_72 : vector<16xi32>
      %mul3A_74 = arith.constant 16 : i32
      %mul3A_75 = vector.broadcast %mul3A_74 : i32 to vector<16xi32>
      %mul3A_76 = arith.muli %and3A_53, %mul3A_75 : vector<16xi32>
      %add3A_77 = arith.constant 0 : i32
      %add3A_78 = vector.broadcast %add3A_77 : i32 to vector<16xi32>
      %add3A_79 = arith.addi %mul3A_76, %add3A_78 : vector<16xi32>
      %gather3A = arith.constant 0 : i32
      %gather3A_80 = arith.constant 0 : i32
      %gather3A_81 = arith.constant 0 : i32
      %gather3A_82 = tpu.memref_slice %arg7[%gather3A, %gather3A_80, %gather3A_81] : memref<2x128x128xf32, #tpu.memory_space<vmem>> -> memref<1x128x128xf32, #tpu.memory_space<vmem>>
      %gather3A_83 = tpu.memref_squeeze %gather3A_82 : memref<1x128x128xf32, #tpu.memory_space<vmem>> -> memref<128x128xf32, #tpu.memory_space<vmem>>
      %gather3A_84 = tpu.vector_load_idx %gather3A_83[%add3A_56, %add3A_79] : memref<128x128xf32, #tpu.memory_space<vmem>>[vector<16xi32>, vector<16xi32>], vector<16xf32>,
      %add3A_85 = arith.constant 0 : i32
      %add3A_86 = vector.broadcast %add3A_85 : i32 to vector<16xi32>
      %add3A_87 = arith.addi %mul3A_73, %add3A_86 : vector<16xi32>
      tpu.vector_store_idx %arg8[%shift_right_logical3A_67, %add3A_87], %gather3A_84 : memref<128x512xf32, #tpu.memory_space<vmem>>[vector<16xi32>, vector<16xi32>], vector<16xf32>,
      %add3A_88 = arith.constant 1 : i32
      %add3A_89 = vector.broadcast %add3A_88 : i32 to vector<16xi32>
      %add3A_90 = arith.addi %mul3A_76, %add3A_89 : vector<16xi32>
      %gather3A_91 = arith.constant 0 : i32
      %gather3A_92 = arith.constant 0 : i32
      %gather3A_93 = arith.constant 0 : i32
      %gather3A_94 = tpu.memref_slice %arg7[%gather3A_91, %gather3A_92, %gather3A_93] : memref<2x128x128xf32, #tpu.memory_space<vmem>> -> memref<1x128x128xf32, #tpu.memory_space<vmem>>
      %gather3A_95 = tpu.memref_squeeze %gather3A_94 : memref<1x128x128xf32, #tpu.memory_space<vmem>> -> memref<128x128xf32, #tpu.memory_space<vmem>>
      %gather3A_96 = tpu.vector_load_idx %gather3A_95[%add3A_56, %add3A_90] : memref<128x128xf32, #tpu.memory_space<vmem>>[vector<16xi32>, vector<16xi32>], vector<16xf32>,
      %add3A_97 = arith.constant 1 : i32
      %add3A_98 = vector.broadcast %add3A_97 : i32 to vector<16xi32>
      %add3A_99 = arith.addi %mul3A_73, %add3A_98 : vector<16xi32>
      tpu.vector_store_idx %arg8[%shift_right_logical3A_67, %add3A_99], %gather3A_96 : memref<128x512xf32, #tpu.memory_space<vmem>>[vector<16xi32>, vector<16xi32>], vector<16xf32>,
      %add3A_100 = arith.constant 2 : i32
      %add3A_101 = vector.broadcast %add3A_100 : i32 to vector<16xi32>
      %add3A_102 = arith.addi %mul3A_76, %add3A_101 : vector<16xi32>
      %gather3A_103 = arith.constant 0 : i32
      %gather3A_104 = arith.constant 0 : i32
      %gather3A_105 = arith.constant 0 : i32
      %gather3A_106 = tpu.memref_slice %arg7[%gather3A_103, %gather3A_104, %gather3A_105] : memref<2x128x128xf32, #tpu.memory_space<vmem>> -> memref<1x128x128xf32, #tpu.memory_space<vmem>>
      %gather3A_107 = tpu.memref_squeeze %gather3A_106 : memref<1x128x128xf32, #tpu.memory_space<vmem>> -> memref<128x128xf32, #tpu.memory_space<vmem>>
      %gather3A_108 = tpu.vector_load_idx %gather3A_107[%add3A_56, %add3A_102] : memref<128x128xf32, #tpu.memory_space<vmem>>[vector<16xi32>, vector<16xi32>], vector<16xf32>,
      %add3A_109 = arith.constant 2 : i32
      %add3A_110 = vector.broadcast %add3A_109 : i32 to vector<16xi32>
      %add3A_111 = arith.addi %mul3A_73, %add3A_110 : vector<16xi32>
      tpu.vector_store_idx %arg8[%shift_right_logical3A_67, %add3A_111], %gather3A_108 : memref<128x512xf32, #tpu.memory_space<vmem>>[vector<16xi32>, vector<16xi32>], vector<16xf32>,
      %add3A_112 = arith.constant 3 : i32
      %add3A_113 = vector.broadcast %add3A_112 : i32 to vector<16xi32>
      %add3A_114 = arith.addi %mul3A_76, %add3A_113 : vector<16xi32>
      %gather3A_115 = arith.constant 0 : i32
      %gather3A_116 = arith.constant 0 : i32
      %gather3A_117 = arith.constant 0 : i32
      %gather3A_118 = tpu.memref_slice %arg7[%gather3A_115, %gather3A_116, %gather3A_117] : memref<2x128x128xf32, #tpu.memory_space<vmem>> -> memref<1x128x128xf32, #tpu.memory_space<vmem>>
      %gather3A_119 = tpu.memref_squeeze %gather3A_118 : memref<1x128x128xf32, #tpu.memory_space<vmem>> -> memref<128x128xf32, #tpu.memory_space<vmem>>
      %gather3A_120 = tpu.vector_load_idx %gather3A_119[%add3A_56, %add3A_114] : memref<128x128xf32, #tpu.memory_space<vmem>>[vector<16xi32>, vector<16xi32>], vector<16xf32>,
      %add3A_121 = arith.constant 3 : i32
      %add3A_122 = vector.broadcast %add3A_121 : i32 to vector<16xi32>
      %add3A_123 = arith.addi %mul3A_73, %add3A_122 : vector<16xi32>
      tpu.vector_store_idx %arg8[%shift_right_logical3A_67, %add3A_123], %gather3A_120 : memref<128x512xf32, #tpu.memory_space<vmem>>[vector<16xi32>, vector<16xi32>], vector<16xf32>,
      %add3A_124 = arith.constant 4 : i32
      %add3A_125 = vector.broadcast %add3A_124 : i32 to vector<16xi32>
      %add3A_126 = arith.addi %mul3A_76, %add3A_125 : vector<16xi32>
      %gather3A_127 = arith.constant 0 : i32
      %gather3A_128 = arith.constant 0 : i32
      %gather3A_129 = arith.constant 0 : i32
      %gather3A_130 = tpu.memref_slice %arg7[%gather3A_127, %gather3A_128, %gather3A_129] : memref<2x128x128xf32, #tpu.memory_space<vmem>> -> memref<1x128x128xf32, #tpu.memory_space<vmem>>
      %gather3A_131 = tpu.memref_squeeze %gather3A_130 : memref<1x128x128xf32, #tpu.memory_space<vmem>> -> memref<128x128xf32, #tpu.memory_space<vmem>>
      %gather3A_132 = tpu.vector_load_idx %gather3A_131[%add3A_56, %add3A_126] : memref<128x128xf32, #tpu.memory_space<vmem>>[vector<16xi32>, vector<16xi32>], vector<16xf32>,
      %add3A_133 = arith.constant 4 : i32
      %add3A_134 = vector.broadcast %add3A_133 : i32 to vector<16xi32>
      %add3A_135 = arith.addi %mul3A_73, %add3A_134 : vector<16xi32>
      tpu.vector_store_idx %arg8[%shift_right_logical3A_67, %add3A_135], %gather3A_132 : memref<128x512xf32, #tpu.memory_space<vmem>>[vector<16xi32>, vector<16xi32>], vector<16xf32>,
      %add3A_136 = arith.constant 5 : i32
      %add3A_137 = vector.broadcast %add3A_136 : i32 to vector<16xi32>
      %add3A_138 = arith.addi %mul3A_76, %add3A_137 : vector<16xi32>
      %gather3A_139 = arith.constant 0 : i32
      %gather3A_140 = arith.constant 0 : i32
      %gather3A_141 = arith.constant 0 : i32
      %gather3A_142 = tpu.memref_slice %arg7[%gather3A_139, %gather3A_140, %gather3A_141] : memref<2x128x128xf32, #tpu.memory_space<vmem>> -> memref<1x128x128xf32, #tpu.memory_space<vmem>>
      %gather3A_143 = tpu.memref_squeeze %gather3A_142 : memref<1x128x128xf32, #tpu.memory_space<vmem>> -> memref<128x128xf32, #tpu.memory_space<vmem>>
      %gather3A_144 = tpu.vector_load_idx %gather3A_143[%add3A_56, %add3A_138] : memref<128x128xf32, #tpu.memory_space<vmem>>[vector<16xi32>, vector<16xi32>], vector<16xf32>,
      %add3A_145 = arith.constant 5 : i32
      %add3A_146 = vector.broadcast %add3A_145 : i32 to vector<16xi32>
      %add3A_147 = arith.addi %mul3A_73, %add3A_146 : vector<16xi32>
      tpu.vector_store_idx %arg8[%shift_right_logical3A_67, %add3A_147], %gather3A_144 : memref<128x512xf32, #tpu.memory_space<vmem>>[vector<16xi32>, vector<16xi32>], vector<16xf32>,
      %add3A_148 = arith.constant 6 : i32
      %add3A_149 = vector.broadcast %add3A_148 : i32 to vector<16xi32>
      %add3A_150 = arith.addi %mul3A_76, %add3A_149 : vector<16xi32>
      %gather3A_151 = arith.constant 0 : i32
      %gather3A_152 = arith.constant 0 : i32
      %gather3A_153 = arith.constant 0 : i32
      %gather3A_154 = tpu.memref_slice %arg7[%gather3A_151, %gather3A_152, %gather3A_153] : memref<2x128x128xf32, #tpu.memory_space<vmem>> -> memref<1x128x128xf32, #tpu.memory_space<vmem>>
      %gather3A_155 = tpu.memref_squeeze %gather3A_154 : memref<1x128x128xf32, #tpu.memory_space<vmem>> -> memref<128x128xf32, #tpu.memory_space<vmem>>
      %gather3A_156 = tpu.vector_load_idx %gather3A_155[%add3A_56, %add3A_150] : memref<128x128xf32, #tpu.memory_space<vmem>>[vector<16xi32>, vector<16xi32>], vector<16xf32>,
      %add3A_157 = arith.constant 6 : i32
      %add3A_158 = vector.broadcast %add3A_157 : i32 to vector<16xi32>
      %add3A_159 = arith.addi %mul3A_73, %add3A_158 : vector<16xi32>
      tpu.vector_store_idx %arg8[%shift_right_logical3A_67, %add3A_159], %gather3A_156 : memref<128x512xf32, #tpu.memory_space<vmem>>[vector<16xi32>, vector<16xi32>], vector<16xf32>,
      %add3A_160 = arith.constant 7 : i32
      %add3A_161 = vector.broadcast %add3A_160 : i32 to vector<16xi32>
      %add3A_162 = arith.addi %mul3A_76, %add3A_161 : vector<16xi32>
      %gather3A_163 = arith.constant 0 : i32
      %gather3A_164 = arith.constant 0 : i32
      %gather3A_165 = arith.constant 0 : i32
      %gather3A_166 = tpu.memref_slice %arg7[%gather3A_163, %gather3A_164, %gather3A_165] : memref<2x128x128xf32, #tpu.memory_space<vmem>> -> memref<1x128x128xf32, #tpu.memory_space<vmem>>
      %gather3A_167 = tpu.memref_squeeze %gather3A_166 : memref<1x128x128xf32, #tpu.memory_space<vmem>> -> memref<128x128xf32, #tpu.memory_space<vmem>>
      %gather3A_168 = tpu.vector_load_idx %gather3A_167[%add3A_56, %add3A_162] : memref<128x128xf32, #tpu.memory_space<vmem>>[vector<16xi32>, vector<16xi32>], vector<16xf32>,
      %add3A_169 = arith.constant 7 : i32
      %add3A_170 = vector.broadcast %add3A_169 : i32 to vector<16xi32>
      %add3A_171 = arith.addi %mul3A_73, %add3A_170 : vector<16xi32>
      tpu.vector_store_idx %arg8[%shift_right_logical3A_67, %add3A_171], %gather3A_168 : memref<128x512xf32, #tpu.memory_space<vmem>>[vector<16xi32>, vector<16xi32>], vector<16xf32>,
      %add3A_172 = arith.constant 8 : i32
      %add3A_173 = vector.broadcast %add3A_172 : i32 to vector<16xi32>
      %add3A_174 = arith.addi %mul3A_76, %add3A_173 : vector<16xi32>
      %gather3A_175 = arith.constant 0 : i32
      %gather3A_176 = arith.constant 0 : i32
      %gather3A_177 = arith.constant 0 : i32
      %gather3A_178 = tpu.memref_slice %arg7[%gather3A_175, %gather3A_176, %gather3A_177] : memref<2x128x128xf32, #tpu.memory_space<vmem>> -> memref<1x128x128xf32, #tpu.memory_space<vmem>>
      %gather3A_179 = tpu.memref_squeeze %gather3A_178 : memref<1x128x128xf32, #tpu.memory_space<vmem>> -> memref<128x128xf32, #tpu.memory_space<vmem>>
      %gather3A_180 = tpu.vector_load_idx %gather3A_179[%add3A_56, %add3A_174] : memref<128x128xf32, #tpu.memory_space<vmem>>[vector<16xi32>, vector<16xi32>], vector<16xf32>,
      %add3A_181 = arith.constant 8 : i32
      %add3A_182 = vector.broadcast %add3A_181 : i32 to vector<16xi32>
      %add3A_183 = arith.addi %mul3A_73, %add3A_182 : vector<16xi32>
      tpu.vector_store_idx %arg8[%shift_right_logical3A_67, %add3A_183], %gather3A_180 : memref<128x512xf32, #tpu.memory_space<vmem>>[vector<16xi32>, vector<16xi32>], vector<16xf32>,
      %add3A_184 = arith.constant 9 : i32
      %add3A_185 = vector.broadcast %add3A_184 : i32 to vector<16xi32>
      %add3A_186 = arith.addi %mul3A_76, %add3A_185 : vector<16xi32>
      %gather3A_187 = arith.constant 0 : i32
      %gather3A_188 = arith.constant 0 : i32
      %gather3A_189 = arith.constant 0 : i32
      %gather3A_190 = tpu.memref_slice %arg7[%gather3A_187, %gather3A_188, %gather3A_189] : memref<2x128x128xf32, #tpu.memory_space<vmem>> -> memref<1x128x128xf32, #tpu.memory_space<vmem>>
      %gather3A_191 = tpu.memref_squeeze %gather3A_190 : memref<1x128x128xf32, #tpu.memory_space<vmem>> -> memref<128x128xf32, #tpu.memory_space<vmem>>
      %gather3A_192 = tpu.vector_load_idx %gather3A_191[%add3A_56, %add3A_186] : memref<128x128xf32, #tpu.memory_space<vmem>>[vector<16xi32>, vector<16xi32>], vector<16xf32>,
      %add3A_193 = arith.constant 9 : i32
      %add3A_194 = vector.broadcast %add3A_193 : i32 to vector<16xi32>
      %add3A_195 = arith.addi %mul3A_73, %add3A_194 : vector<16xi32>
      tpu.vector_store_idx %arg8[%shift_right_logical3A_67, %add3A_195], %gather3A_192 : memref<128x512xf32, #tpu.memory_space<vmem>>[vector<16xi32>, vector<16xi32>], vector<16xf32>,
      %add3A_196 = arith.constant 10 : i32
      %add3A_197 = vector.broadcast %add3A_196 : i32 to vector<16xi32>
      %add3A_198 = arith.addi %mul3A_76, %add3A_197 : vector<16xi32>
      %gather3A_199 = arith.constant 0 : i32
      %gather3A_200 = arith.constant 0 : i32
      %gather3A_201 = arith.constant 0 : i32
      %gather3A_202 = tpu.memref_slice %arg7[%gather3A_199, %gather3A_200, %gather3A_201] : memref<2x128x128xf32, #tpu.memory_space<vmem>> -> memref<1x128x128xf32, #tpu.memory_space<vmem>>
      %gather3A_203 = tpu.memref_squeeze %gather3A_202 : memref<1x128x128xf32, #tpu.memory_space<vmem>> -> memref<128x128xf32, #tpu.memory_space<vmem>>
      %gather3A_204 = tpu.vector_load_idx %gather3A_203[%add3A_56, %add3A_198] : memref<128x128xf32, #tpu.memory_space<vmem>>[vector<16xi32>, vector<16xi32>], vector<16xf32>,
      %add3A_205 = arith.constant 10 : i32
      %add3A_206 = vector.broadcast %add3A_205 : i32 to vector<16xi32>
      %add3A_207 = arith.addi %mul3A_73, %add3A_206 : vector<16xi32>
      tpu.vector_store_idx %arg8[%shift_right_logical3A_67, %add3A_207], %gather3A_204 : memref<128x512xf32, #tpu.memory_space<vmem>>[vector<16xi32>, vector<16xi32>], vector<16xf32>,
      %add3A_208 = arith.constant 11 : i32
      %add3A_209 = vector.broadcast %add3A_208 : i32 to vector<16xi32>
      %add3A_210 = arith.addi %mul3A_76, %add3A_209 : vector<16xi32>
      %gather3A_211 = arith.constant 0 : i32
      %gather3A_212 = arith.constant 0 : i32
      %gather3A_213 = arith.constant 0 : i32
      %gather3A_214 = tpu.memref_slice %arg7[%gather3A_211, %gather3A_212, %gather3A_213] : memref<2x128x128xf32, #tpu.memory_space<vmem>> -> memref<1x128x128xf32, #tpu.memory_space<vmem>>
      %gather3A_215 = tpu.memref_squeeze %gather3A_214 : memref<1x128x128xf32, #tpu.memory_space<vmem>> -> memref<128x128xf32, #tpu.memory_space<vmem>>
      %gather3A_216 = tpu.vector_load_idx %gather3A_215[%add3A_56, %add3A_210] : memref<128x128xf32, #tpu.memory_space<vmem>>[vector<16xi32>, vector<16xi32>], vector<16xf32>,
      %add3A_217 = arith.constant 11 : i32
      %add3A_218 = vector.broadcast %add3A_217 : i32 to vector<16xi32>
      %add3A_219 = arith.addi %mul3A_73, %add3A_218 : vector<16xi32>
      tpu.vector_store_idx %arg8[%shift_right_logical3A_67, %add3A_219], %gather3A_216 : memref<128x512xf32, #tpu.memory_space<vmem>>[vector<16xi32>, vector<16xi32>], vector<16xf32>,
      %add3A_220 = arith.constant 12 : i32
      %add3A_221 = vector.broadcast %add3A_220 : i32 to vector<16xi32>
      %add3A_222 = arith.addi %mul3A_76, %add3A_221 : vector<16xi32>
      %gather3A_223 = arith.constant 0 : i32
      %gather3A_224 = arith.constant 0 : i32
      %gather3A_225 = arith.constant 0 : i32
      %gather3A_226 = tpu.memref_slice %arg7[%gather3A_223, %gather3A_224, %gather3A_225] : memref<2x128x128xf32, #tpu.memory_space<vmem>> -> memref<1x128x128xf32, #tpu.memory_space<vmem>>
      %gather3A_227 = tpu.memref_squeeze %gather3A_226 : memref<1x128x128xf32, #tpu.memory_space<vmem>> -> memref<128x128xf32, #tpu.memory_space<vmem>>
      %gather3A_228 = tpu.vector_load_idx %gather3A_227[%add3A_56, %add3A_222] : memref<128x128xf32, #tpu.memory_space<vmem>>[vector<16xi32>, vector<16xi32>], vector<16xf32>,
      %add3A_229 = arith.constant 12 : i32
      %add3A_230 = vector.broadcast %add3A_229 : i32 to vector<16xi32>
      %add3A_231 = arith.addi %mul3A_73, %add3A_230 : vector<16xi32>
      tpu.vector_store_idx %arg8[%shift_right_logical3A_67, %add3A_231], %gather3A_228 : memref<128x512xf32, #tpu.memory_space<vmem>>[vector<16xi32>, vector<16xi32>], vector<16xf32>,
      %add3A_232 = arith.constant 13 : i32
      %add3A_233 = vector.broadcast %add3A_232 : i32 to vector<16xi32>
      %add3A_234 = arith.addi %mul3A_76, %add3A_233 : vector<16xi32>
      %gather3A_235 = arith.constant 0 : i32
      %gather3A_236 = arith.constant 0 : i32
      %gather3A_237 = arith.constant 0 : i32
      %gather3A_238 = tpu.memref_slice %arg7[%gather3A_235, %gather3A_236, %gather3A_237] : memref<2x128x128xf32, #tpu.memory_space<vmem>> -> memref<1x128x128xf32, #tpu.memory_space<vmem>>
      %gather3A_239 = tpu.memref_squeeze %gather3A_238 : memref<1x128x128xf32, #tpu.memory_space<vmem>> -> memref<128x128xf32, #tpu.memory_space<vmem>>
      %gather3A_240 = tpu.vector_load_idx %gather3A_239[%add3A_56, %add3A_234] : memref<128x128xf32, #tpu.memory_space<vmem>>[vector<16xi32>, vector<16xi32>], vector<16xf32>,
      %add3A_241 = arith.constant 13 : i32
      %add3A_242 = vector.broadcast %add3A_241 : i32 to vector<16xi32>
      %add3A_243 = arith.addi %mul3A_73, %add3A_242 : vector<16xi32>
      tpu.vector_store_idx %arg8[%shift_right_logical3A_67, %add3A_243], %gather3A_240 : memref<128x512xf32, #tpu.memory_space<vmem>>[vector<16xi32>, vector<16xi32>], vector<16xf32>,
      %add3A_244 = arith.constant 14 : i32
      %add3A_245 = vector.broadcast %add3A_244 : i32 to vector<16xi32>
      %add3A_246 = arith.addi %mul3A_76, %add3A_245 : vector<16xi32>
      %gather3A_247 = arith.constant 0 : i32
      %gather3A_248 = arith.constant 0 : i32
      %gather3A_249 = arith.constant 0 : i32
      %gather3A_250 = tpu.memref_slice %arg7[%gather3A_247, %gather3A_248, %gather3A_249] : memref<2x128x128xf32, #tpu.memory_space<vmem>> -> memref<1x128x128xf32, #tpu.memory_space<vmem>>
      %gather3A_251 = tpu.memref_squeeze %gather3A_250 : memref<1x128x128xf32, #tpu.memory_space<vmem>> -> memref<128x128xf32, #tpu.memory_space<vmem>>
      %gather3A_252 = tpu.vector_load_idx %gather3A_251[%add3A_56, %add3A_246] : memref<128x128xf32, #tpu.memory_space<vmem>>[vector<16xi32>, vector<16xi32>], vector<16xf32>,
      %add3A_253 = arith.constant 14 : i32
      %add3A_254 = vector.broadcast %add3A_253 : i32 to vector<16xi32>
      %add3A_255 = arith.addi %mul3A_73, %add3A_254 : vector<16xi32>
      tpu.vector_store_idx %arg8[%shift_right_logical3A_67, %add3A_255], %gather3A_252 : memref<128x512xf32, #tpu.memory_space<vmem>>[vector<16xi32>, vector<16xi32>], vector<16xf32>,
      %add3A_256 = arith.constant 15 : i32
      %add3A_257 = vector.broadcast %add3A_256 : i32 to vector<16xi32>
      %add3A_258 = arith.addi %mul3A_76, %add3A_257 : vector<16xi32>
      %gather3A_259 = arith.constant 0 : i32
      %gather3A_260 = arith.constant 0 : i32
      %gather3A_261 = arith.constant 0 : i32
      %gather3A_262 = tpu.memref_slice %arg7[%gather3A_259, %gather3A_260, %gather3A_261] : memref<2x128x128xf32, #tpu.memory_space<vmem>> -> memref<1x128x128xf32, #tpu.memory_space<vmem>>
      %gather3A_263 = tpu.memref_squeeze %gather3A_262 : memref<1x128x128xf32, #tpu.memory_space<vmem>> -> memref<128x128xf32, #tpu.memory_space<vmem>>
      %gather3A_264 = tpu.vector_load_idx %gather3A_263[%add3A_56, %add3A_258] : memref<128x128xf32, #tpu.memory_space<vmem>>[vector<16xi32>, vector<16xi32>], vector<16xf32>,
      %add3A_265 = arith.constant 15 : i32
      %add3A_266 = vector.broadcast %add3A_265 : i32 to vector<16xi32>
      %add3A_267 = arith.addi %mul3A_73, %add3A_266 : vector<16xi32>
      tpu.vector_store_idx %arg8[%shift_right_logical3A_67, %add3A_267], %gather3A_264 : memref<128x512xf32, #tpu.memory_space<vmem>>[vector<16xi32>, vector<16xi32>], vector<16xf32>,
      %get3A_268 = arith.index_cast %mul3A_16 : i32 to index
      %get3A_269 = arith.constant 16 : index
      %get3A_270 = tpu.vector_load %arg5[%get3A_268, %get3A_269] {strides = array<i32>} : memref<32x128xi32, #tpu.memory_space<vmem>>, vector<16xi32>,
      %and3A_271 = arith.constant 7 : i32
      %and3A_272 = vector.broadcast %and3A_271 : i32 to vector<16xi32>
      %and3A_273 = arith.andi %get3A_270, %and3A_272 : vector<16xi32>
      %add3A_274 = arith.constant 16 : i32
      %add3A_275 = vector.broadcast %add3A_274 : i32 to vector<16xi32>
      %add3A_276 = arith.addi %iota3A, %add3A_275 : vector<16xi32>
      %mul3A_277 = arith.constant 128 : i32
      %mul3A_278 = arith.muli %mul3A_16, %mul3A_277 : i32
      %add3A_279 = arith.constant 16 : i32
      %add3A_280 = arith.addi %mul3A_278, %add3A_279 : i32
      %add3A_281 = vector.broadcast %add3A_280 : i32 to vector<16xi32>
      %add3A_282 = arith.addi %iota3A, %add3A_281 : vector<16xi32>
      %mul3A_283 = arith.constant 20165 : i32
      %mul3A_284 = vector.broadcast %mul3A_283 : i32 to vector<16xi32>
      %mul3A_285 = arith.muli %add3A_282, %mul3A_284 : vector<16xi32>
      %shift_right_logical3A_286 = arith.constant 19 : i32
      %shift_right_logical3A_287 = vector.broadcast %shift_right_logical3A_286 : i32 to vector<16xi32>
      %shift_right_logical3A_288 = arith.shrui %mul3A_285, %shift_right_logical3A_287 : vector<16xi32>
      %mul3A_289 = arith.constant 26 : i32
      %mul3A_290 = vector.broadcast %mul3A_289 : i32 to vector<16xi32>
      %mul3A_291 = arith.muli %shift_right_logical3A_288, %mul3A_290 : vector<16xi32>
      %sub3A_292 = arith.subi %add3A_282, %mul3A_291 : vector<16xi32>
      %mul3A_293 = arith.constant 16 : i32
      %mul3A_294 = vector.broadcast %mul3A_293 : i32 to vector<16xi32>
      %mul3A_295 = arith.muli %sub3A_292, %mul3A_294 : vector<16xi32>
      %mul3A_296 = arith.constant 16 : i32
      %mul3A_297 = vector.broadcast %mul3A_296 : i32 to vector<16xi32>
      %mul3A_298 = arith.muli %and3A_273, %mul3A_297 : vector<16xi32>
      %add3A_299 = arith.constant 0 : i32
      %add3A_300 = vector.broadcast %add3A_299 : i32 to vector<16xi32>
      %add3A_301 = arith.addi %mul3A_298, %add3A_300 : vector<16xi32>
      %gather3A_302 = arith.constant 0 : i32
      %gather3A_303 = arith.constant 0 : i32
      %gather3A_304 = arith.constant 0 : i32
      %gather3A_305 = tpu.memref_slice %arg7[%gather3A_302, %gather3A_303, %gather3A_304] : memref<2x128x128xf32, #tpu.memory_space<vmem>> -> memref<1x128x128xf32, #tpu.memory_space<vmem>>
      %gather3A_306 = tpu.memref_squeeze %gather3A_305 : memref<1x128x128xf32, #tpu.memory_space<vmem>> -> memref<128x128xf32, #tpu.memory_space<vmem>>
      %gather3A_307 = tpu.vector_load_idx %gather3A_306[%add3A_276, %add3A_301] : memref<128x128xf32, #tpu.memory_space<vmem>>[vector<16xi32>, vector<16xi32>], vector<16xf32>,
      %add3A_308 = arith.constant 0 : i32
      %add3A_309 = vector.broadcast %add3A_308 : i32 to vector<16xi32>
      %add3A_310 = arith.addi %mul3A_295, %add3A_309 : vector<16xi32>
      tpu.vector_store_idx %arg8[%shift_right_logical3A_288, %add3A_310], %gather3A_307 : memref<128x512xf32, #tpu.memory_space<vmem>>[vector<16xi32>, vector<16xi32>], vector<16xf32>,
      %add3A_311 = arith.constant 1 : i32
      %add3A_312 = vector.broadcast %add3A_311 : i32 to vector<16xi32>
      %add3A_313 = arith.addi %mul3A_298, %add3A_312 : vector<16xi32>
      %gather3A_314 = arith.constant 0 : i32
      %gather3A_315 = arith.constant 0 : i32
      %gather3A_316 = arith.constant 0 : i32
      %gather3A_317 = tpu.memref_slice %arg7[%gather3A_314, %gather3A_315, %gather3A_316] : memref<2x128x128xf32, #tpu.memory_space<vmem>> -> memref<1x128x128xf32, #tpu.memory_space<vmem>>
      %gather3A_318 = tpu.memref_squeeze %gather3A_317 : memref<1x128x128xf32, #tpu.memory_space<vmem>> -> memref<128x128xf32, #tpu.memory_space<vmem>>
      %gather3A_319 = tpu.vector_load_idx %gather3A_318[%add3A_276, %add3A_313] : memref<128x128xf32, #tpu.memory_space<vmem>>[vector<16xi32>, vector<16xi32>], vector<16xf32>,
      %add3A_320 = arith.constant 1 : i32
      %add3A_321 = vector.broadcast %add3A_320 : i32 to vector<16xi32>
      %add3A_322 = arith.addi %mul3A_295, %add3A_321 : vector<16xi32>
      tpu.vector_store_idx %arg8[%shift_right_logical3A_288, %add3A_322], %gather3A_319 : memref<128x512xf32, #tpu.memory_space<vmem>>[vector<16xi32>, vector<16xi32>], vector<16xf32>,
      %add3A_323 = arith.constant 2 : i32
      %add3A_324 = vector.broadcast %add3A_323 : i32 to vector<16xi32>
      %add3A_325 = arith.addi %mul3A_298, %add3A_324 : vector<16xi32>
      %gather3A_326 = arith.constant 0 : i32
      %gather3A_327 = arith.constant 0 : i32
      %gather3A_328 = arith.constant 0 : i32
      %gather3A_329 = tpu.memref_slice %arg7[%gather3A_326, %gather3A_327, %gather3A_328] : memref<2x128x128xf32, #tpu.memory_space<vmem>> -> memref<1x128x128xf32, #tpu.memory_space<vmem>>
      %gather3A_330 = tpu.memref_squeeze %gather3A_329 : memref<1x128x128xf32, #tpu.memory_space<vmem>> -> memref<128x128xf32, #tpu.memory_space<vmem>>
      %gather3A_331 = tpu.vector_load_idx %gather3A_330[%add3A_276, %add3A_325] : memref<128x128xf32, #tpu.memory_space<vmem>>[vector<16xi32>, vector<16xi32>], vector<16xf32>,
      %add3A_332 = arith.constant 2 : i32
      %add3A_333 = vector.broadcast %add3A_332 : i32 to vector<16xi32>
      %add3A_334 = arith.addi %mul3A_295, %add3A_333 : vector<16xi32>
      tpu.vector_store_idx %arg8[%shift_right_logical3A_288, %add3A_334], %gather3A_331 : memref<128x512xf32, #tpu.memory_space<vmem>>[vector<16xi32>, vector<16xi32>], vector<16xf32>,
      %add3A_335 = arith.constant 3 : i32
      %add3A_336 = vector.broadcast %add3A_335 : i32 to vector<16xi32>
      %add3A_337 = arith.addi %mul3A_298, %add3A_336 : vector<16xi32>
      %gather3A_338 = arith.constant 0 : i32
      %gather3A_339 = arith.constant 0 : i32
      %gather3A_340 = arith.constant 0 : i32
      %gather3A_341 = tpu.memref_slice %arg7[%gather3A_338, %gather3A_339, %gather3A_340] : memref<2x128x128xf32, #tpu.memory_space<vmem>> -> memref<1x128x128xf32, #tpu.memory_space<vmem>>
      %gather3A_342 = tpu.memref_squeeze %gather3A_341 : memref<1x128x128xf32, #tpu.memory_space<vmem>> -> memref<128x128xf32, #tpu.memory_space<vmem>>
      %gather3A_343 = tpu.vector_load_idx %gather3A_342[%add3A_276, %add3A_337] : memref<128x128xf32, #tpu.memory_space<vmem>>[vector<16xi32>, vector<16xi32>], vector<16xf32>,
      %add3A_344 = arith.constant 3 : i32
      %add3A_345 = vector.broadcast %add3A_344 : i32 to vector<16xi32>
      %add3A_346 = arith.addi %mul3A_295, %add3A_345 : vector<16xi32>
      tpu.vector_store_idx %arg8[%shift_right_logical3A_288, %add3A_346], %gather3A_343 : memref<128x512xf32, #tpu.memory_space<vmem>>[vector<16xi32>, vector<16xi32>], vector<16xf32>,
      %add3A_347 = arith.constant 4 : i32
      %add3A_348 = vector.broadcast %add3A_347 : i32 to vector<16xi32>
      %add3A_349 = arith.addi %mul3A_298, %add3A_348 : vector<16xi32>
      %gather3A_350 = arith.constant 0 : i32
      %gather3A_351 = arith.constant 0 : i32
      %gather3A_352 = arith.constant 0 : i32
      %gather3A_353 = tpu.memref_slice %arg7[%gather3A_350, %gather3A_351, %gather3A_352] : memref<2x128x128xf32, #tpu.memory_space<vmem>> -> memref<1x128x128xf32, #tpu.memory_space<vmem>>
      %gather3A_354 = tpu.memref_squeeze %gather3A_353 : memref<1x128x128xf32, #tpu.memory_space<vmem>> -> memref<128x128xf32, #tpu.memory_space<vmem>>
      %gather3A_355 = tpu.vector_load_idx %gather3A_354[%add3A_276, %add3A_349] : memref<128x128xf32, #tpu.memory_space<vmem>>[vector<16xi32>, vector<16xi32>], vector<16xf32>,
      %add3A_356 = arith.constant 4 : i32
      %add3A_357 = vector.broadcast %add3A_356 : i32 to vector<16xi32>
      %add3A_358 = arith.addi %mul3A_295, %add3A_357 : vector<16xi32>
      tpu.vector_store_idx %arg8[%shift_right_logical3A_288, %add3A_358], %gather3A_355 : memref<128x512xf32, #tpu.memory_space<vmem>>[vector<16xi32>, vector<16xi32>], vector<16xf32>,
      %add3A_359 = arith.constant 5 : i32
      %add3A_360 = vector.broadcast %add3A_359 : i32 to vector<16xi32>
      %add3A_361 = arith.addi %mul3A_298, %add3A_360 : vector<16xi32>
      %gather3A_362 = arith.constant 0 : i32
      %gather3A_363 = arith.constant 0 : i32
      %gather3A_364 = arith.constant 0 : i32
      %gather3A_365 = tpu.memref_slice %arg7[%gather3A_362, %gather3A_363, %gather3A_364] : memref<2x128x128xf32, #tpu.memory_space<vmem>> -> memref<1x128x128xf32, #tpu.memory_space<vmem>>
      %gather3A_366 = tpu.memref_squeeze %gather3A_365 : memref<1x128x128xf32, #tpu.memory_space<vmem>> -> memref<128x128xf32, #tpu.memory_space<vmem>>
      %gather3A_367 = tpu.vector_load_idx %gather3A_366[%add3A_276, %add3A_361] : memref<128x128xf32, #tpu.memory_space<vmem>>[vector<16xi32>, vector<16xi32>], vector<16xf32>,
      %add3A_368 = arith.constant 5 : i32
      %add3A_369 = vector.broadcast %add3A_368 : i32 to vector<16xi32>
      %add3A_370 = arith.addi %mul3A_295, %add3A_369 : vector<16xi32>
      tpu.vector_store_idx %arg8[%shift_right_logical3A_288, %add3A_370], %gather3A_367 : memref<128x512xf32, #tpu.memory_space<vmem>>[vector<16xi32>, vector<16xi32>], vector<16xf32>,
      %add3A_371 = arith.constant 6 : i32
      %add3A_372 = vector.broadcast %add3A_371 : i32 to vector<16xi32>
      %add3A_373 = arith.addi %mul3A_298, %add3A_372 : vector<16xi32>
      %gather3A_374 = arith.constant 0 : i32
      %gather3A_375 = arith.constant 0 : i32
      %gather3A_376 = arith.constant 0 : i32
      %gather3A_377 = tpu.memref_slice %arg7[%gather3A_374, %gather3A_375, %gather3A_376] : memref<2x128x128xf32, #tpu.memory_space<vmem>> -> memref<1x128x128xf32, #tpu.memory_space<vmem>>
      %gather3A_378 = tpu.memref_squeeze %gather3A_377 : memref<1x128x128xf32, #tpu.memory_space<vmem>> -> memref<128x128xf32, #tpu.memory_space<vmem>>
      %gather3A_379 = tpu.vector_load_idx %gather3A_378[%add3A_276, %add3A_373] : memref<128x128xf32, #tpu.memory_space<vmem>>[vector<16xi32>, vector<16xi32>], vector<16xf32>,
      %add3A_380 = arith.constant 6 : i32
      %add3A_381 = vector.broadcast %add3A_380 : i32 to vector<16xi32>
      %add3A_382 = arith.addi %mul3A_295, %add3A_381 : vector<16xi32>
      tpu.vector_store_idx %arg8[%shift_right_logical3A_288, %add3A_382], %gather3A_379 : memref<128x512xf32, #tpu.memory_space<vmem>>[vector<16xi32>, vector<16xi32>], vector<16xf32>,
      %add3A_383 = arith.constant 7 : i32
      %add3A_384 = vector.broadcast %add3A_383 : i32 to vector<16xi32>
      %add3A_385 = arith.addi %mul3A_298, %add3A_384 : vector<16xi32>
      %gather3A_386 = arith.constant 0 : i32
      %gather3A_387 = arith.constant 0 : i32
      %gather3A_388 = arith.constant 0 : i32
      %gather3A_389 = tpu.memref_slice %arg7[%gather3A_386, %gather3A_387, %gather3A_388] : memref<2x128x128xf32, #tpu.memory_space<vmem>> -> memref<1x128x128xf32, #tpu.memory_space<vmem>>
      %gather3A_390 = tpu.memref_squeeze %gather3A_389 : memref<1x128x128xf32, #tpu.memory_space<vmem>> -> memref<128x128xf32, #tpu.memory_space<vmem>>
      %gather3A_391 = tpu.vector_load_idx %gather3A_390[%add3A_276, %add3A_385] : memref<128x128xf32, #tpu.memory_space<vmem>>[vector<16xi32>, vector<16xi32>], vector<16xf32>,
      %add3A_392 = arith.constant 7 : i32
      %add3A_393 = vector.broadcast %add3A_392 : i32 to vector<16xi32>
      %add3A_394 = arith.addi %mul3A_295, %add3A_393 : vector<16xi32>
      tpu.vector_store_idx %arg8[%shift_right_logical3A_288, %add3A_394], %gather3A_391 : memref<128x512xf32, #tpu.memory_space<vmem>>[vector<16xi32>, vector<16xi32>], vector<16xf32>,
      %add3A_395 = arith.constant 8 : i32
      %add3A_396 = vector.broadcast %add3A_395 : i32 to vector<16xi32>
      %add3A_397 = arith.addi %mul3A_298, %add3A_396 : vector<16xi32>
      %gather3A_398 = arith.constant 0 : i32
      %gather3A_399 = arith.constant 0 : i32
      %gather3A_400 = arith.constant 0 : i32
      %gather3A_401 = tpu.memref_slice %arg7[%gather3A_398, %gather3A_399, %gather3A_400] : memref<2x128x128xf32, #tpu.memory_space<vmem>> -> memref<1x128x128xf32, #tpu.memory_space<vmem>>
      %gather3A_402 = tpu.memref_squeeze %gather3A_401 : memref<1x128x128xf32, #tpu.memory_space<vmem>> -> memref<128x128xf32, #tpu.memory_space<vmem>>
      %gather3A_403 = tpu.vector_load_idx %gather3A_402[%add3A_276, %add3A_397] : memref<128x128xf32, #tpu.memory_space<vmem>>[vector<16xi32>, vector<16xi32>], vector<16xf32>,
      %add3A_404 = arith.constant 8 : i32
      %add3A_405 = vector.broadcast %add3A_404 : i32 to vector<16xi32>
      %add3A_406 = arith.addi %mul3A_295, %add3A_405 : vector<16xi32>
      tpu.vector_store_idx %arg8[%shift_right_logical3A_288, %add3A_406], %gather3A_403 : memref<128x512xf32, #tpu.memory_space<vmem>>[vector<16xi32>, vector<16xi32>], vector<16xf32>,
      %add3A_407 = arith.constant 9 : i32
      %add3A_408 = vector.broadcast %add3A_407 : i32 to vector<16xi32>
      %add3A_409 = arith.addi %mul3A_298, %add3A_408 : vector<16xi32>
      %gather3A_410 = arith.constant 0 : i32
      %gather3A_411 = arith.constant 0 : i32
      %gather3A_412 = arith.constant 0 : i32
      %gather3A_413 = tpu.memref_slice %arg7[%gather3A_410, %gather3A_411, %gather3A_412] : memref<2x128x128xf32, #tpu.memory_space<vmem>> -> memref<1x128x128xf32, #tpu.memory_space<vmem>>
      %gather3A_414 = tpu.memref_squeeze %gather3A_413 : memref<1x128x128xf32, #tpu.memory_space<vmem>> -> memref<128x128xf32, #tpu.memory_space<vmem>>
      %gather3A_415 = tpu.vector_load_idx %gather3A_414[%add3A_276, %add3A_409] : memref<128x128xf32, #tpu.memory_space<vmem>>[vector<16xi32>, vector<16xi32>], vector<16xf32>,
      %add3A_416 = arith.constant 9 : i32
      %add3A_417 = vector.broadcast %add3A_416 : i32 to vector<16xi32>
      %add3A_418 = arith.addi %mul3A_295, %add3A_417 : vector<16xi32>
      tpu.vector_store_idx %arg8[%shift_right_logical3A_288, %add3A_418], %gather3A_415 : memref<128x512xf32, #tpu.memory_space<vmem>>[vector<16xi32>, vector<16xi32>], vector<16xf32>,
      %add3A_419 = arith.constant 10 : i32
      %add3A_420 = vector.broadcast %add3A_419 : i32 to vector<16xi32>
      %add3A_421 = arith.addi %mul3A_298, %add3A_420 : vector<16xi32>
      %gather3A_422 = arith.constant 0 : i32
      %gather3A_423 = arith.constant 0 : i32
      %gather3A_424 = arith.constant 0 : i32
      %gather3A_425 = tpu.memref_slice %arg7[%gather3A_422, %gather3A_423, %gather3A_424] : memref<2x128x128xf32, #tpu.memory_space<vmem>> -> memref<1x128x128xf32, #tpu.memory_space<vmem>>
      %gather3A_426 = tpu.memref_squeeze %gather3A_425 : memref<1x128x128xf32, #tpu.memory_space<vmem>> -> memref<128x128xf32, #tpu.memory_space<vmem>>
      %gather3A_427 = tpu.vector_load_idx %gather3A_426[%add3A_276, %add3A_421] : memref<128x128xf32, #tpu.memory_space<vmem>>[vector<16xi32>, vector<16xi32>], vector<16xf32>,
      %add3A_428 = arith.constant 10 : i32
      %add3A_429 = vector.broadcast %add3A_428 : i32 to vector<16xi32>
      %add3A_430 = arith.addi %mul3A_295, %add3A_429 : vector<16xi32>
      tpu.vector_store_idx %arg8[%shift_right_logical3A_288, %add3A_430], %gather3A_427 : memref<128x512xf32, #tpu.memory_space<vmem>>[vector<16xi32>, vector<16xi32>], vector<16xf32>,
      %add3A_431 = arith.constant 11 : i32
      %add3A_432 = vector.broadcast %add3A_431 : i32 to vector<16xi32>
      %add3A_433 = arith.addi %mul3A_298, %add3A_432 : vector<16xi32>
      %gather3A_434 = arith.constant 0 : i32
      %gather3A_435 = arith.constant 0 : i32
      %gather3A_436 = arith.constant 0 : i32
      %gather3A_437 = tpu.memref_slice %arg7[%gather3A_434, %gather3A_435, %gather3A_436] : memref<2x128x128xf32, #tpu.memory_space<vmem>> -> memref<1x128x128xf32, #tpu.memory_space<vmem>>
      %gather3A_438 = tpu.memref_squeeze %gather3A_437 : memref<1x128x128xf32, #tpu.memory_space<vmem>> -> memref<128x128xf32, #tpu.memory_space<vmem>>
      %gather3A_439 = tpu.vector_load_idx %gather3A_438[%add3A_276, %add3A_433] : memref<128x128xf32, #tpu.memory_space<vmem>>[vector<16xi32>, vector<16xi32>], vector<16xf32>,
      %add3A_440 = arith.constant 11 : i32
      %add3A_441 = vector.broadcast %add3A_440 : i32 to vector<16xi32>
      %add3A_442 = arith.addi %mul3A_295, %add3A_441 : vector<16xi32>
      tpu.vector_store_idx %arg8[%shift_right_logical3A_288, %add3A_442], %gather3A_439 : memref<128x512xf32, #tpu.memory_space<vmem>>[vector<16xi32>, vector<16xi32>], vector<16xf32>,
      %add3A_443 = arith.constant 12 : i32
      %add3A_444 = vector.broadcast %add3A_443 : i32 to vector<16xi32>
      %add3A_445 = arith.addi %mul3A_298, %add3A_444 : vector<16xi32>
      %gather3A_446 = arith.constant 0 : i32
      %gather3A_447 = arith.constant 0 : i32
      %gather3A_448 = arith.constant 0 : i32
      %gather3A_449 = tpu.memref_slice %arg7[%gather3A_446, %gather3A_447, %gather3A_448] : memref<2x128x128xf32, #tpu.memory_space<vmem>> -> memref<1x128x128xf32, #tpu.memory_space<vmem>>
      %gather3A_450 = tpu.memref_squeeze %gather3A_449 : memref<1x128x128xf32, #tpu.memory_space<vmem>> -> memref<128x128xf32, #tpu.memory_space<vmem>>
      %gather3A_451 = tpu.vector_load_idx %gather3A_450[%add3A_276, %add3A_445] : memref<128x128xf32, #tpu.memory_space<vmem>>[vector<16xi32>, vector<16xi32>], vector<16xf32>,
      %add3A_452 = arith.constant 12 : i32
      %add3A_453 = vector.broadcast %add3A_452 : i32 to vector<16xi32>
      %add3A_454 = arith.addi %mul3A_295, %add3A_453 : vector<16xi32>
      tpu.vector_store_idx %arg8[%shift_right_logical3A_288, %add3A_454], %gather3A_451 : memref<128x512xf32, #tpu.memory_space<vmem>>[vector<16xi32>, vector<16xi32>], vector<16xf32>,
      %add3A_455 = arith.constant 13 : i32
      %add3A_456 = vector.broadcast %add3A_455 : i32 to vector<16xi32>
      %add3A_457 = arith.addi %mul3A_298, %add3A_456 : vector<16xi32>
      %gather3A_458 = arith.constant 0 : i32
      %gather3A_459 = arith.constant 0 : i32
      %gather3A_460 = arith.constant 0 : i32
      %gather3A_461 = tpu.memref_slice %arg7[%gather3A_458, %gather3A_459, %gather3A_460] : memref<2x128x128xf32, #tpu.memory_space<vmem>> -> memref<1x128x128xf32, #tpu.memory_space<vmem>>
      %gather3A_462 = tpu.memref_squeeze %gather3A_461 : memref<1x128x128xf32, #tpu.memory_space<vmem>> -> memref<128x128xf32, #tpu.memory_space<vmem>>
      %gather3A_463 = tpu.vector_load_idx %gather3A_462[%add3A_276, %add3A_457] : memref<128x128xf32, #tpu.memory_space<vmem>>[vector<16xi32>, vector<16xi32>], vector<16xf32>,
      %add3A_464 = arith.constant 13 : i32
      %add3A_465 = vector.broadcast %add3A_464 : i32 to vector<16xi32>
      %add3A_466 = arith.addi %mul3A_295, %add3A_465 : vector<16xi32>
      tpu.vector_store_idx %arg8[%shift_right_logical3A_288, %add3A_466], %gather3A_463 : memref<128x512xf32, #tpu.memory_space<vmem>>[vector<16xi32>, vector<16xi32>], vector<16xf32>,
      %add3A_467 = arith.constant 14 : i32
      %add3A_468 = vector.broadcast %add3A_467 : i32 to vector<16xi32>
      %add3A_469 = arith.addi %mul3A_298, %add3A_468 : vector<16xi32>
      %gather3A_470 = arith.constant 0 : i32
      %gather3A_471 = arith.constant 0 : i32
      %gather3A_472 = arith.constant 0 : i32
      %gather3A_473 = tpu.memref_slice %arg7[%gather3A_470, %gather3A_471, %gather3A_472] : memref<2x128x128xf32, #tpu.memory_space<vmem>> -> memref<1x128x128xf32, #tpu.memory_space<vmem>>
      %gather3A_474 = tpu.memref_squeeze %gather3A_473 : memref<1x128x128xf32, #tpu.memory_space<vmem>> -> memref<128x128xf32, #tpu.memory_space<vmem>>
      %gather3A_475 = tpu.vector_load_idx %gather3A_474[%add3A_276, %add3A_469] : memref<128x128xf32, #tpu.memory_space<vmem>>[vector<16xi32>, vector<16xi32>], vector<16xf32>,
      %add3A_476 = arith.constant 14 : i32
      %add3A_477 = vector.broadcast %add3A_476 : i32 to vector<16xi32>
      %add3A_478 = arith.addi %mul3A_295, %add3A_477 : vector<16xi32>
      tpu.vector_store_idx %arg8[%shift_right_logical3A_288, %add3A_478], %gather3A_475 : memref<128x512xf32, #tpu.memory_space<vmem>>[vector<16xi32>, vector<16xi32>], vector<16xf32>,
      %add3A_479 = arith.constant 15 : i32
      %add3A_480 = vector.broadcast %add3A_479 : i32 to vector<16xi32>
      %add3A_481 = arith.addi %mul3A_298, %add3A_480 : vector<16xi32>
      %gather3A_482 = arith.constant 0 : i32
      %gather3A_483 = arith.constant 0 : i32
      %gather3A_484 = arith.constant 0 : i32
      %gather3A_485 = tpu.memref_slice %arg7[%gather3A_482, %gather3A_483, %gather3A_484] : memref<2x128x128xf32, #tpu.memory_space<vmem>> -> memref<1x128x128xf32, #tpu.memory_space<vmem>>
      %gather3A_486 = tpu.memref_squeeze %gather3A_485 : memref<1x128x128xf32, #tpu.memory_space<vmem>> -> memref<128x128xf32, #tpu.memory_space<vmem>>
      %gather3A_487 = tpu.vector_load_idx %gather3A_486[%add3A_276, %add3A_481] : memref<128x128xf32, #tpu.memory_space<vmem>>[vector<16xi32>, vector<16xi32>], vector<16xf32>,
      %add3A_488 = arith.constant 15 : i32
      %add3A_489 = vector.broadcast %add3A_488 : i32 to vector<16xi32>
      %add3A_490 = arith.addi %mul3A_295, %add3A_489 : vector<16xi32>
      tpu.vector_store_idx %arg8[%shift_right_logical3A_288, %add3A_490], %gather3A_487 : memref<128x512xf32, #tpu.memory_space<vmem>>[vector<16xi32>, vector<16xi32>], vector<16xf32>,
      %get3A_491 = arith.index_cast %mul3A_16 : i32 to index
      %get3A_492 = arith.constant 32 : index
      %get3A_493 = tpu.vector_load %arg5[%get3A_491, %get3A_492] {strides = array<i32>} : memref<32x128xi32, #tpu.memory_space<vmem>>, vector<16xi32>,
      %and3A_494 = arith.constant 7 : i32
      %and3A_495 = vector.broadcast %and3A_494 : i32 to vector<16xi32>
      %and3A_496 = arith.andi %get3A_493, %and3A_495 : vector<16xi32>
      %add3A_497 = arith.constant 32 : i32
      %add3A_498 = vector.broadcast %add3A_497 : i32 to vector<16xi32>
      %add3A_499 = arith.addi %iota3A, %add3A_498 : vector<16xi32>
      %mul3A_500 = arith.constant 128 : i32
      %mul3A_501 = arith.muli %mul3A_16, %mul3A_500 : i32
      %add3A_502 = arith.constant 32 : i32
      %add3A_503 = arith.addi %mul3A_501, %add3A_502 : i32
      %add3A_504 = vector.broadcast %add3A_503 : i32 to vector<16xi32>
      %add3A_505 = arith.addi %iota3A, %add3A_504 : vector<16xi32>
      %mul3A_506 = arith.constant 20165 : i32
      %mul3A_507 = vector.broadcast %mul3A_506 : i32 to vector<16xi32>
      %mul3A_508 = arith.muli %add3A_505, %mul3A_507 : vector<16xi32>
      %shift_right_logical3A_509 = arith.constant 19 : i32
      %shift_right_logical3A_510 = vector.broadcast %shift_right_logical3A_509 : i32 to vector<16xi32>
      %shift_right_logical3A_511 = arith.shrui %mul3A_508, %shift_right_logical3A_510 : vector<16xi32>
      %mul3A_512 = arith.constant 26 : i32
      %mul3A_513 = vector.broadcast %mul3A_512 : i32 to vector<16xi32>
      %mul3A_514 = arith.muli %shift_right_logical3A_511, %mul3A_513 : vector<16xi32>
      %sub3A_515 = arith.subi %add3A_505, %mul3A_514 : vector<16xi32>
      %mul3A_516 = arith.constant 16 : i32
      %mul3A_517 = vector.broadcast %mul3A_516 : i32 to vector<16xi32>
      %mul3A_518 = arith.muli %sub3A_515, %mul3A_517 : vector<16xi32>
      %mul3A_519 = arith.constant 16 : i32
      %mul3A_520 = vector.broadcast %mul3A_519 : i32 to vector<16xi32>
      %mul3A_521 = arith.muli %and3A_496, %mul3A_520 : vector<16xi32>
      %add3A_522 = arith.constant 0 : i32
      %add3A_523 = vector.broadcast %add3A_522 : i32 to vector<16xi32>
      %add3A_524 = arith.addi %mul3A_521, %add3A_523 : vector<16xi32>
      %gather3A_525 = arith.constant 0 : i32
      %gather3A_526 = arith.constant 0 : i32
      %gather3A_527 = arith.constant 0 : i32
      %gather3A_528 = tpu.memref_slice %arg7[%gather3A_525, %gather3A_526, %gather3A_527] : memref<2x128x128xf32, #tpu.memory_space<vmem>> -> memref<1x128x128xf32, #tpu.memory_space<vmem>>
      %gather3A_529 = tpu.memref_squeeze %gather3A_528 : memref<1x128x128xf32, #tpu.memory_space<vmem>> -> memref<128x128xf32, #tpu.memory_space<vmem>>
      %gather3A_530 = tpu.vector_load_idx %gather3A_529[%add3A_499, %add3A_524] : memref<128x128xf32, #tpu.memory_space<vmem>>[vector<16xi32>, vector<16xi32>], vector<16xf32>,
      %add3A_531 = arith.constant 0 : i32
      %add3A_532 = vector.broadcast %add3A_531 : i32 to vector<16xi32>
      %add3A_533 = arith.addi %mul3A_518, %add3A_532 : vector<16xi32>
      tpu.vector_store_idx %arg8[%shift_right_logical3A_511, %add3A_533], %gather3A_530 : memref<128x512xf32, #tpu.memory_space<vmem>>[vector<16xi32>, vector<16xi32>], vector<16xf32>,
      %add3A_534 = arith.constant 1 : i32
      %add3A_535 = vector.broadcast %add3A_534 : i32 to vector<16xi32>
      %add3A_536 = arith.addi %mul3A_521, %add3A_535 : vector<16xi32>
      %gather3A_537 = arith.constant 0 : i32
      %gather3A_538 = arith.constant 0 : i32
      %gather3A_539 = arith.constant 0 : i32
      %gather3A_540 = tpu.memref_slice %arg7[%gather3A_537, %gather3A_538, %gather3A_539] : memref<2x128x128xf32, #tpu.memory_space<vmem>> -> memref<1x128x128xf32, #tpu.memory_space<vmem>>
      %gather3A_541 = tpu.memref_squeeze %gather3A_540 : memref<1x128x128xf32, #tpu.memory_space<vmem>> -> memref<128x128xf32, #tpu.memory_space<vmem>>
      %gather3A_542 = tpu.vector_load_idx %gather3A_541[%add3A_499, %add3A_536] : memref<128x128xf32, #tpu.memory_space<vmem>>[vector<16xi32>, vector<16xi32>], vector<16xf32>,
      %add3A_543 = arith.constant 1 : i32
      %add3A_544 = vector.broadcast %add3A_543 : i32 to vector<16xi32>
      %add3A_545 = arith.addi %mul3A_518, %add3A_544 : vector<16xi32>
      tpu.vector_store_idx %arg8[%shift_right_logical3A_511, %add3A_545], %gather3A_542 : memref<128x512xf32, #tpu.memory_space<vmem>>[vector<16xi32>, vector<16xi32>], vector<16xf32>,
      %add3A_546 = arith.constant 2 : i32
      %add3A_547 = vector.broadcast %add3A_546 : i32 to vector<16xi32>
      %add3A_548 = arith.addi %mul3A_521, %add3A_547 : vector<16xi32>
      %gather3A_549 = arith.constant 0 : i32
      %gather3A_550 = arith.constant 0 : i32
      %gather3A_551 = arith.constant 0 : i32
      %gather3A_552 = tpu.memref_slice %arg7[%gather3A_549, %gather3A_550, %gather3A_551] : memref<2x128x128xf32, #tpu.memory_space<vmem>> -> memref<1x128x128xf32, #tpu.memory_space<vmem>>
      %gather3A_553 = tpu.memref_squeeze %gather3A_552 : memref<1x128x128xf32, #tpu.memory_space<vmem>> -> memref<128x128xf32, #tpu.memory_space<vmem>>
      %gather3A_554 = tpu.vector_load_idx %gather3A_553[%add3A_499, %add3A_548] : memref<128x128xf32, #tpu.memory_space<vmem>>[vector<16xi32>, vector<16xi32>], vector<16xf32>,
      %add3A_555 = arith.constant 2 : i32
      %add3A_556 = vector.broadcast %add3A_555 : i32 to vector<16xi32>
      %add3A_557 = arith.addi %mul3A_518, %add3A_556 : vector<16xi32>
      tpu.vector_store_idx %arg8[%shift_right_logical3A_511, %add3A_557], %gather3A_554 : memref<128x512xf32, #tpu.memory_space<vmem>>[vector<16xi32>, vector<16xi32>], vector<16xf32>,
      %add3A_558 = arith.constant 3 : i32
      %add3A_559 = vector.broadcast %add3A_558 : i32 to vector<16xi32>
      %add3A_560 = arith.addi %mul3A_521, %add3A_559 : vector<16xi32>
      %gather3A_561 = arith.constant 0 : i32
      %gather3A_562 = arith.constant 0 : i32
      %gather3A_563 = arith.constant 0 : i32
      %gather3A_564 = tpu.memref_slice %arg7[%gather3A_561, %gather3A_562, %gather3A_563] : memref<2x128x128xf32, #tpu.memory_space<vmem>> -> memref<1x128x128xf32, #tpu.memory_space<vmem>>
      %gather3A_565 = tpu.memref_squeeze %gather3A_564 : memref<1x128x128xf32, #tpu.memory_space<vmem>> -> memref<128x128xf32, #tpu.memory_space<vmem>>
      %gather3A_566 = tpu.vector_load_idx %gather3A_565[%add3A_499, %add3A_560] : memref<128x128xf32, #tpu.memory_space<vmem>>[vector<16xi32>, vector<16xi32>], vector<16xf32>,
      %add3A_567 = arith.constant 3 : i32
      %add3A_568 = vector.broadcast %add3A_567 : i32 to vector<16xi32>
      %add3A_569 = arith.addi %mul3A_518, %add3A_568 : vector<16xi32>
      tpu.vector_store_idx %arg8[%shift_right_logical3A_511, %add3A_569], %gather3A_566 : memref<128x512xf32, #tpu.memory_space<vmem>>[vector<16xi32>, vector<16xi32>], vector<16xf32>,
      %add3A_570 = arith.constant 4 : i32
      %add3A_571 = vector.broadcast %add3A_570 : i32 to vector<16xi32>
      %add3A_572 = arith.addi %mul3A_521, %add3A_571 : vector<16xi32>
      %gather3A_573 = arith.constant 0 : i32
      %gather3A_574 = arith.constant 0 : i32
      %gather3A_575 = arith.constant 0 : i32
      %gather3A_576 = tpu.memref_slice %arg7[%gather3A_573, %gather3A_574, %gather3A_575] : memref<2x128x128xf32, #tpu.memory_space<vmem>> -> memref<1x128x128xf32, #tpu.memory_space<vmem>>
      %gather3A_577 = tpu.memref_squeeze %gather3A_576 : memref<1x128x128xf32, #tpu.memory_space<vmem>> -> memref<128x128xf32, #tpu.memory_space<vmem>>
      %gather3A_578 = tpu.vector_load_idx %gather3A_577[%add3A_499, %add3A_572] : memref<128x128xf32, #tpu.memory_space<vmem>>[vector<16xi32>, vector<16xi32>], vector<16xf32>,
      %add3A_579 = arith.constant 4 : i32
      %add3A_580 = vector.broadcast %add3A_579 : i32 to vector<16xi32>
      %add3A_581 = arith.addi %mul3A_518, %add3A_580 : vector<16xi32>
      tpu.vector_store_idx %arg8[%shift_right_logical3A_511, %add3A_581], %gather3A_578 : memref<128x512xf32, #tpu.memory_space<vmem>>[vector<16xi32>, vector<16xi32>], vector<16xf32>,
      %add3A_582 = arith.constant 5 : i32
      %add3A_583 = vector.broadcast %add3A_582 : i32 to vector<16xi32>
      %add3A_584 = arith.addi %mul3A_521, %add3A_583 : vector<16xi32>
      %gather3A_585 = arith.constant 0 : i32
      %gather3A_586 = arith.constant 0 : i32
      %gather3A_587 = arith.constant 0 : i32
      %gather3A_588 = tpu.memref_slice %arg7[%gather3A_585, %gather3A_586, %gather3A_587] : memref<2x128x128xf32, #tpu.memory_space<vmem>> -> memref<1x128x128xf32, #tpu.memory_space<vmem>>
      %gather3A_589 = tpu.memref_squeeze %gather3A_588 : memref<1x128x128xf32, #tpu.memory_space<vmem>> -> memref<128x128xf32, #tpu.memory_space<vmem>>
      %gather3A_590 = tpu.vector_load_idx %gather3A_589[%add3A_499, %add3A_584] : memref<128x128xf32, #tpu.memory_space<vmem>>[vector<16xi32>, vector<16xi32>], vector<16xf32>,
      %add3A_591 = arith.constant 5 : i32
      %add3A_592 = vector.broadcast %add3A_591 : i32 to vector<16xi32>
      %add3A_593 = arith.addi %mul3A_518, %add3A_592 : vector<16xi32>
      tpu.vector_store_idx %arg8[%shift_right_logical3A_511, %add3A_593], %gather3A_590 : memref<128x512xf32, #tpu.memory_space<vmem>>[vector<16xi32>, vector<16xi32>], vector<16xf32>,
      %add3A_594 = arith.constant 6 : i32
      %add3A_595 = vector.broadcast %add3A_594 : i32 to vector<16xi32>
      %add3A_596 = arith.addi %mul3A_521, %add3A_595 : vector<16xi32>
      %gather3A_597 = arith.constant 0 : i32
      %gather3A_598 = arith.constant 0 : i32
      %gather3A_599 = arith.constant 0 : i32
      %gather3A_600 = tpu.memref_slice %arg7[%gather3A_597, %gather3A_598, %gather3A_599] : memref<2x128x128xf32, #tpu.memory_space<vmem>> -> memref<1x128x128xf32, #tpu.memory_space<vmem>>
      %gather3A_601 = tpu.memref_squeeze %gather3A_600 : memref<1x128x128xf32, #tpu.memory_space<vmem>> -> memref<128x128xf32, #tpu.memory_space<vmem>>
      %gather3A_602 = tpu.vector_load_idx %gather3A_601[%add3A_499, %add3A_596] : memref<128x128xf32, #tpu.memory_space<vmem>>[vector<16xi32>, vector<16xi32>], vector<16xf32>,
      %add3A_603 = arith.constant 6 : i32
      %add3A_604 = vector.broadcast %add3A_603 : i32 to vector<16xi32>
      %add3A_605 = arith.addi %mul3A_518, %add3A_604 : vector<16xi32>
      tpu.vector_store_idx %arg8[%shift_right_logical3A_511, %add3A_605], %gather3A_602 : memref<128x512xf32, #tpu.memory_space<vmem>>[vector<16xi32>, vector<16xi32>], vector<16xf32>,
      %add3A_606 = arith.constant 7 : i32
      %add3A_607 = vector.broadcast %add3A_606 : i32 to vector<16xi32>
      %add3A_608 = arith.addi %mul3A_521, %add3A_607 : vector<16xi32>
      %gather3A_609 = arith.constant 0 : i32
      %gather3A_610 = arith.constant 0 : i32
      %gather3A_611 = arith.constant 0 : i32
      %gather3A_612 = tpu.memref_slice %arg7[%gather3A_609, %gather3A_610, %gather3A_611] : memref<2x128x128xf32, #tpu.memory_space<vmem>> -> memref<1x128x128xf32, #tpu.memory_space<vmem>>
      %gather3A_613 = tpu.memref_squeeze %gather3A_612 : memref<1x128x128xf32, #tpu.memory_space<vmem>> -> memref<128x128xf32, #tpu.memory_space<vmem>>
      %gather3A_614 = tpu.vector_load_idx %gather3A_613[%add3A_499, %add3A_608] : memref<128x128xf32, #tpu.memory_space<vmem>>[vector<16xi32>, vector<16xi32>], vector<16xf32>,
      %add3A_615 = arith.constant 7 : i32
      %add3A_616 = vector.broadcast %add3A_615 : i32 to vector<16xi32>
      %add3A_617 = arith.addi %mul3A_518, %add3A_616 : vector<16xi32>
      tpu.vector_store_idx %arg8[%shift_right_logical3A_511, %add3A_617], %gather3A_614 : memref<128x512xf32, #tpu.memory_space<vmem>>[vector<16xi32>, vector<16xi32>], vector<16xf32>,
      %add3A_618 = arith.constant 8 : i32
      %add3A_619 = vector.broadcast %add3A_618 : i32 to vector<16xi32>
      %add3A_620 = arith.addi %mul3A_521, %add3A_619 : vector<16xi32>
      %gather3A_621 = arith.constant 0 : i32
      %gather3A_622 = arith.constant 0 : i32
      %gather3A_623 = arith.constant 0 : i32
      %gather3A_624 = tpu.memref_slice %arg7[%gather3A_621, %gather3A_622, %gather3A_623] : memref<2x128x128xf32, #tpu.memory_space<vmem>> -> memref<1x128x128xf32, #tpu.memory_space<vmem>>
      %gather3A_625 = tpu.memref_squeeze %gather3A_624 : memref<1x128x128xf32, #tpu.memory_space<vmem>> -> memref<128x128xf32, #tpu.memory_space<vmem>>
      %gather3A_626 = tpu.vector_load_idx %gather3A_625[%add3A_499, %add3A_620] : memref<128x128xf32, #tpu.memory_space<vmem>>[vector<16xi32>, vector<16xi32>], vector<16xf32>,
      %add3A_627 = arith.constant 8 : i32
      %add3A_628 = vector.broadcast %add3A_627 : i32 to vector<16xi32>
      %add3A_629 = arith.addi %mul3A_518, %add3A_628 : vector<16xi32>
      tpu.vector_store_idx %arg8[%shift_right_logical3A_511, %add3A_629], %gather3A_626 : memref<128x512xf32, #tpu.memory_space<vmem>>[vector<16xi32>, vector<16xi32>], vector<16xf32>,
      %add3A_630 = arith.constant 9 : i32
      %add3A_631 = vector.broadcast %add3A_630 : i32 to vector<16xi32>
      %add3A_632 = arith.addi %mul3A_521, %add3A_631 : vector<16xi32>
      %gather3A_633 = arith.constant 0 : i32
      %gather3A_634 = arith.constant 0 : i32
      %gather3A_635 = arith.constant 0 : i32
      %gather3A_636 = tpu.memref_slice %arg7[%gather3A_633, %gather3A_634, %gather3A_635] : memref<2x128x128xf32, #tpu.memory_space<vmem>> -> memref<1x128x128xf32, #tpu.memory_space<vmem>>
      %gather3A_637 = tpu.memref_squeeze %gather3A_636 : memref<1x128x128xf32, #tpu.memory_space<vmem>> -> memref<128x128xf32, #tpu.memory_space<vmem>>
      %gather3A_638 = tpu.vector_load_idx %gather3A_637[%add3A_499, %add3A_632] : memref<128x128xf32, #tpu.memory_space<vmem>>[vector<16xi32>, vector<16xi32>], vector<16xf32>,
      %add3A_639 = arith.constant 9 : i32
      %add3A_640 = vector.broadcast %add3A_639 : i32 to vector<16xi32>
      %add3A_641 = arith.addi %mul3A_518, %add3A_640 : vector<16xi32>
      tpu.vector_store_idx %arg8[%shift_right_logical3A_511, %add3A_641], %gather3A_638 : memref<128x512xf32, #tpu.memory_space<vmem>>[vector<16xi32>, vector<16xi32>], vector<16xf32>,
      %add3A_642 = arith.constant 10 : i32
      %add3A_643 = vector.broadcast %add3A_642 : i32 to vector<16xi32>
      %add3A_644 = arith.addi %mul3A_521, %add3A_643 : vector<16xi32>
      %gather3A_645 = arith.constant 0 : i32
      %gather3A_646 = arith.constant 0 : i32
      %gather3A_647 = arith.constant 0 : i32
      %gather3A_648 = tpu.memref_slice %arg7[%gather3A_645, %gather3A_646, %gather3A_647] : memref<2x128x128xf32, #tpu.memory_space<vmem>> -> memref<1x128x128xf32, #tpu.memory_space<vmem>>
      %gather3A_649 = tpu.memref_squeeze %gather3A_648 : memref<1x128x128xf32, #tpu.memory_space<vmem>> -> memref<128x128xf32, #tpu.memory_space<vmem>>
      %gather3A_650 = tpu.vector_load_idx %gather3A_649[%add3A_499, %add3A_644] : memref<128x128xf32, #tpu.memory_space<vmem>>[vector<16xi32>, vector<16xi32>], vector<16xf32>,
      %add3A_651 = arith.constant 10 : i32
      %add3A_652 = vector.broadcast %add3A_651 : i32 to vector<16xi32>
      %add3A_653 = arith.addi %mul3A_518, %add3A_652 : vector<16xi32>
      tpu.vector_store_idx %arg8[%shift_right_logical3A_511, %add3A_653], %gather3A_650 : memref<128x512xf32, #tpu.memory_space<vmem>>[vector<16xi32>, vector<16xi32>], vector<16xf32>,
      %add3A_654 = arith.constant 11 : i32
      %add3A_655 = vector.broadcast %add3A_654 : i32 to vector<16xi32>
      %add3A_656 = arith.addi %mul3A_521, %add3A_655 : vector<16xi32>
      %gather3A_657 = arith.constant 0 : i32
      %gather3A_658 = arith.constant 0 : i32
      %gather3A_659 = arith.constant 0 : i32
      %gather3A_660 = tpu.memref_slice %arg7[%gather3A_657, %gather3A_658, %gather3A_659] : memref<2x128x128xf32, #tpu.memory_space<vmem>> -> memref<1x128x128xf32, #tpu.memory_space<vmem>>
      %gather3A_661 = tpu.memref_squeeze %gather3A_660 : memref<1x128x128xf32, #tpu.memory_space<vmem>> -> memref<128x128xf32, #tpu.memory_space<vmem>>
      %gather3A_662 = tpu.vector_load_idx %gather3A_661[%add3A_499, %add3A_656] : memref<128x128xf32, #tpu.memory_space<vmem>>[vector<16xi32>, vector<16xi32>], vector<16xf32>,
      %add3A_663 = arith.constant 11 : i32
      %add3A_664 = vector.broadcast %add3A_663 : i32 to vector<16xi32>
      %add3A_665 = arith.addi %mul3A_518, %add3A_664 : vector<16xi32>
      tpu.vector_store_idx %arg8[%shift_right_logical3A_511, %add3A_665], %gather3A_662 : memref<128x512xf32, #tpu.memory_space<vmem>>[vector<16xi32>, vector<16xi32>], vector<16xf32>,
      %add3A_666 = arith.constant 12 : i32
      %add3A_667 = vector.broadcast %add3A_666 : i32 to vector<16xi32>
      %add3A_668 = arith.addi %mul3A_521, %add3A_667 : vector<16xi32>
      %gather3A_669 = arith.constant 0 : i32
      %gather3A_670 = arith.constant 0 : i32
      %gather3A_671 = arith.constant 0 : i32
      %gather3A_672 = tpu.memref_slice %arg7[%gather3A_669, %gather3A_670, %gather3A_671] : memref<2x128x128xf32, #tpu.memory_space<vmem>> -> memref<1x128x128xf32, #tpu.memory_space<vmem>>
      %gather3A_673 = tpu.memref_squeeze %gather3A_672 : memref<1x128x128xf32, #tpu.memory_space<vmem>> -> memref<128x128xf32, #tpu.memory_space<vmem>>
      %gather3A_674 = tpu.vector_load_idx %gather3A_673[%add3A_499, %add3A_668] : memref<128x128xf32, #tpu.memory_space<vmem>>[vector<16xi32>, vector<16xi32>], vector<16xf32>,
      %add3A_675 = arith.constant 12 : i32
      %add3A_676 = vector.broadcast %add3A_675 : i32 to vector<16xi32>
      %add3A_677 = arith.addi %mul3A_518, %add3A_676 : vector<16xi32>
      tpu.vector_store_idx %arg8[%shift_right_logical3A_511, %add3A_677], %gather3A_674 : memref<128x512xf32, #tpu.memory_space<vmem>>[vector<16xi32>, vector<16xi32>], vector<16xf32>,
      %add3A_678 = arith.constant 13 : i32
      %add3A_679 = vector.broadcast %add3A_678 : i32 to vector<16xi32>
      %add3A_680 = arith.addi %mul3A_521, %add3A_679 : vector<16xi32>
      %gather3A_681 = arith.constant 0 : i32
      %gather3A_682 = arith.constant 0 : i32
      %gather3A_683 = arith.constant 0 : i32
      %gather3A_684 = tpu.memref_slice %arg7[%gather3A_681, %gather3A_682, %gather3A_683] : memref<2x128x128xf32, #tpu.memory_space<vmem>> -> memref<1x128x128xf32, #tpu.memory_space<vmem>>
      %gather3A_685 = tpu.memref_squeeze %gather3A_684 : memref<1x128x128xf32, #tpu.memory_space<vmem>> -> memref<128x128xf32, #tpu.memory_space<vmem>>
      %gather3A_686 = tpu.vector_load_idx %gather3A_685[%add3A_499, %add3A_680] : memref<128x128xf32, #tpu.memory_space<vmem>>[vector<16xi32>, vector<16xi32>], vector<16xf32>,
      %add3A_687 = arith.constant 13 : i32
      %add3A_688 = vector.broadcast %add3A_687 : i32 to vector<16xi32>
      %add3A_689 = arith.addi %mul3A_518, %add3A_688 : vector<16xi32>
      tpu.vector_store_idx %arg8[%shift_right_logical3A_511, %add3A_689], %gather3A_686 : memref<128x512xf32, #tpu.memory_space<vmem>>[vector<16xi32>, vector<16xi32>], vector<16xf32>,
      %add3A_690 = arith.constant 14 : i32
      %add3A_691 = vector.broadcast %add3A_690 : i32 to vector<16xi32>
      %add3A_692 = arith.addi %mul3A_521, %add3A_691 : vector<16xi32>
      %gather3A_693 = arith.constant 0 : i32
      %gather3A_694 = arith.constant 0 : i32
      %gather3A_695 = arith.constant 0 : i32
      %gather3A_696 = tpu.memref_slice %arg7[%gather3A_693, %gather3A_694, %gather3A_695] : memref<2x128x128xf32, #tpu.memory_space<vmem>> -> memref<1x128x128xf32, #tpu.memory_space<vmem>>
      %gather3A_697 = tpu.memref_squeeze %gather3A_696 : memref<1x128x128xf32, #tpu.memory_space<vmem>> -> memref<128x128xf32, #tpu.memory_space<vmem>>
      %gather3A_698 = tpu.vector_load_idx %gather3A_697[%add3A_499, %add3A_692] : memref<128x128xf32, #tpu.memory_space<vmem>>[vector<16xi32>, vector<16xi32>], vector<16xf32>,
      %add3A_699 = arith.constant 14 : i32
      %add3A_700 = vector.broadcast %add3A_699 : i32 to vector<16xi32>
      %add3A_701 = arith.addi %mul3A_518, %add3A_700 : vector<16xi32>
      tpu.vector_store_idx %arg8[%shift_right_logical3A_511, %add3A_701], %gather3A_698 : memref<128x512xf32, #tpu.memory_space<vmem>>[vector<16xi32>, vector<16xi32>], vector<16xf32>,
      %add3A_702 = arith.constant 15 : i32
      %add3A_703 = vector.broadcast %add3A_702 : i32 to vector<16xi32>
      %add3A_704 = arith.addi %mul3A_521, %add3A_703 : vector<16xi32>
      %gather3A_705 = arith.constant 0 : i32
      %gather3A_706 = arith.constant 0 : i32
      %gather3A_707 = arith.constant 0 : i32
      %gather3A_708 = tpu.memref_slice %arg7[%gather3A_705, %gather3A_706, %gather3A_707] : memref<2x128x128xf32, #tpu.memory_space<vmem>> -> memref<1x128x128xf32, #tpu.memory_space<vmem>>
      %gather3A_709 = tpu.memref_squeeze %gather3A_708 : memref<1x128x128xf32, #tpu.memory_space<vmem>> -> memref<128x128xf32, #tpu.memory_space<vmem>>
      %gather3A_710 = tpu.vector_load_idx %gather3A_709[%add3A_499, %add3A_704] : memref<128x128xf32, #tpu.memory_space<vmem>>[vector<16xi32>, vector<16xi32>], vector<16xf32>,
      %add3A_711 = arith.constant 15 : i32
      %add3A_712 = vector.broadcast %add3A_711 : i32 to vector<16xi32>
      %add3A_713 = arith.addi %mul3A_518, %add3A_712 : vector<16xi32>
      tpu.vector_store_idx %arg8[%shift_right_logical3A_511, %add3A_713], %gather3A_710 : memref<128x512xf32, #tpu.memory_space<vmem>>[vector<16xi32>, vector<16xi32>], vector<16xf32>,
      %get3A_714 = arith.index_cast %mul3A_16 : i32 to index
      %get3A_715 = arith.constant 48 : index
      %get3A_716 = tpu.vector_load %arg5[%get3A_714, %get3A_715] {strides = array<i32>} : memref<32x128xi32, #tpu.memory_space<vmem>>, vector<16xi32>,
      %and3A_717 = arith.constant 7 : i32
      %and3A_718 = vector.broadcast %and3A_717 : i32 to vector<16xi32>
      %and3A_719 = arith.andi %get3A_716, %and3A_718 : vector<16xi32>
      %add3A_720 = arith.constant 48 : i32
      %add3A_721 = vector.broadcast %add3A_720 : i32 to vector<16xi32>
      %add3A_722 = arith.addi %iota3A, %add3A_721 : vector<16xi32>
      %mul3A_723 = arith.constant 128 : i32
      %mul3A_724 = arith.muli %mul3A_16, %mul3A_723 : i32
      %add3A_725 = arith.constant 48 : i32
      %add3A_726 = arith.addi %mul3A_724, %add3A_725 : i32
      %add3A_727 = vector.broadcast %add3A_726 : i32 to vector<16xi32>
      %add3A_728 = arith.addi %iota3A, %add3A_727 : vector<16xi32>
      %mul3A_729 = arith.constant 20165 : i32
      %mul3A_730 = vector.broadcast %mul3A_729 : i32 to vector<16xi32>
      %mul3A_731 = arith.muli %add3A_728, %mul3A_730 : vector<16xi32>
      %shift_right_logical3A_732 = arith.constant 19 : i32
      %shift_right_logical3A_733 = vector.broadcast %shift_right_logical3A_732 : i32 to vector<16xi32>
      %shift_right_logical3A_734 = arith.shrui %mul3A_731, %shift_right_logical3A_733 : vector<16xi32>
      %mul3A_735 = arith.constant 26 : i32
      %mul3A_736 = vector.broadcast %mul3A_735 : i32 to vector<16xi32>
      %mul3A_737 = arith.muli %shift_right_logical3A_734, %mul3A_736 : vector<16xi32>
      %sub3A_738 = arith.subi %add3A_728, %mul3A_737 : vector<16xi32>
      %mul3A_739 = arith.constant 16 : i32
      %mul3A_740 = vector.broadcast %mul3A_739 : i32 to vector<16xi32>
      %mul3A_741 = arith.muli %sub3A_738, %mul3A_740 : vector<16xi32>
      %mul3A_742 = arith.constant 16 : i32
      %mul3A_743 = vector.broadcast %mul3A_742 : i32 to vector<16xi32>
      %mul3A_744 = arith.muli %and3A_719, %mul3A_743 : vector<16xi32>
      %add3A_745 = arith.constant 0 : i32
      %add3A_746 = vector.broadcast %add3A_745 : i32 to vector<16xi32>
      %add3A_747 = arith.addi %mul3A_744, %add3A_746 : vector<16xi32>
      %gather3A_748 = arith.constant 0 : i32
      %gather3A_749 = arith.constant 0 : i32
      %gather3A_750 = arith.constant 0 : i32
      %gather3A_751 = tpu.memref_slice %arg7[%gather3A_748, %gather3A_749, %gather3A_750] : memref<2x128x128xf32, #tpu.memory_space<vmem>> -> memref<1x128x128xf32, #tpu.memory_space<vmem>>
      %gather3A_752 = tpu.memref_squeeze %gather3A_751 : memref<1x128x128xf32, #tpu.memory_space<vmem>> -> memref<128x128xf32, #tpu.memory_space<vmem>>
      %gather3A_753 = tpu.vector_load_idx %gather3A_752[%add3A_722, %add3A_747] : memref<128x128xf32, #tpu.memory_space<vmem>>[vector<16xi32>, vector<16xi32>], vector<16xf32>,
      %add3A_754 = arith.constant 0 : i32
      %add3A_755 = vector.broadcast %add3A_754 : i32 to vector<16xi32>
      %add3A_756 = arith.addi %mul3A_741, %add3A_755 : vector<16xi32>
      tpu.vector_store_idx %arg8[%shift_right_logical3A_734, %add3A_756], %gather3A_753 : memref<128x512xf32, #tpu.memory_space<vmem>>[vector<16xi32>, vector<16xi32>], vector<16xf32>,
      %add3A_757 = arith.constant 1 : i32
      %add3A_758 = vector.broadcast %add3A_757 : i32 to vector<16xi32>
      %add3A_759 = arith.addi %mul3A_744, %add3A_758 : vector<16xi32>
      %gather3A_760 = arith.constant 0 : i32
      %gather3A_761 = arith.constant 0 : i32
      %gather3A_762 = arith.constant 0 : i32
      %gather3A_763 = tpu.memref_slice %arg7[%gather3A_760, %gather3A_761, %gather3A_762] : memref<2x128x128xf32, #tpu.memory_space<vmem>> -> memref<1x128x128xf32, #tpu.memory_space<vmem>>
      %gather3A_764 = tpu.memref_squeeze %gather3A_763 : memref<1x128x128xf32, #tpu.memory_space<vmem>> -> memref<128x128xf32, #tpu.memory_space<vmem>>
      %gather3A_765 = tpu.vector_load_idx %gather3A_764[%add3A_722, %add3A_759] : memref<128x128xf32, #tpu.memory_space<vmem>>[vector<16xi32>, vector<16xi32>], vector<16xf32>,
      %add3A_766 = arith.constant 1 : i32
      %add3A_767 = vector.broadcast %add3A_766 : i32 to vector<16xi32>
      %add3A_768 = arith.addi %mul3A_741, %add3A_767 : vector<16xi32>
      tpu.vector_store_idx %arg8[%shift_right_logical3A_734, %add3A_768], %gather3A_765 : memref<128x512xf32, #tpu.memory_space<vmem>>[vector<16xi32>, vector<16xi32>], vector<16xf32>,
      %add3A_769 = arith.constant 2 : i32
      %add3A_770 = vector.broadcast %add3A_769 : i32 to vector<16xi32>
      %add3A_771 = arith.addi %mul3A_744, %add3A_770 : vector<16xi32>
      %gather3A_772 = arith.constant 0 : i32
      %gather3A_773 = arith.constant 0 : i32
      %gather3A_774 = arith.constant 0 : i32
      %gather3A_775 = tpu.memref_slice %arg7[%gather3A_772, %gather3A_773, %gather3A_774] : memref<2x128x128xf32, #tpu.memory_space<vmem>> -> memref<1x128x128xf32, #tpu.memory_space<vmem>>
      %gather3A_776 = tpu.memref_squeeze %gather3A_775 : memref<1x128x128xf32, #tpu.memory_space<vmem>> -> memref<128x128xf32, #tpu.memory_space<vmem>>
      %gather3A_777 = tpu.vector_load_idx %gather3A_776[%add3A_722, %add3A_771] : memref<128x128xf32, #tpu.memory_space<vmem>>[vector<16xi32>, vector<16xi32>], vector<16xf32>,
      %add3A_778 = arith.constant 2 : i32
      %add3A_779 = vector.broadcast %add3A_778 : i32 to vector<16xi32>
      %add3A_780 = arith.addi %mul3A_741, %add3A_779 : vector<16xi32>
      tpu.vector_store_idx %arg8[%shift_right_logical3A_734, %add3A_780], %gather3A_777 : memref<128x512xf32, #tpu.memory_space<vmem>>[vector<16xi32>, vector<16xi32>], vector<16xf32>,
      %add3A_781 = arith.constant 3 : i32
      %add3A_782 = vector.broadcast %add3A_781 : i32 to vector<16xi32>
      %add3A_783 = arith.addi %mul3A_744, %add3A_782 : vector<16xi32>
      %gather3A_784 = arith.constant 0 : i32
      %gather3A_785 = arith.constant 0 : i32
      %gather3A_786 = arith.constant 0 : i32
      %gather3A_787 = tpu.memref_slice %arg7[%gather3A_784, %gather3A_785, %gather3A_786] : memref<2x128x128xf32, #tpu.memory_space<vmem>> -> memref<1x128x128xf32, #tpu.memory_space<vmem>>
      %gather3A_788 = tpu.memref_squeeze %gather3A_787 : memref<1x128x128xf32, #tpu.memory_space<vmem>> -> memref<128x128xf32, #tpu.memory_space<vmem>>
      %gather3A_789 = tpu.vector_load_idx %gather3A_788[%add3A_722, %add3A_783] : memref<128x128xf32, #tpu.memory_space<vmem>>[vector<16xi32>, vector<16xi32>], vector<16xf32>,
      %add3A_790 = arith.constant 3 : i32
      %add3A_791 = vector.broadcast %add3A_790 : i32 to vector<16xi32>
      %add3A_792 = arith.addi %mul3A_741, %add3A_791 : vector<16xi32>
      tpu.vector_store_idx %arg8[%shift_right_logical3A_734, %add3A_792], %gather3A_789 : memref<128x512xf32, #tpu.memory_space<vmem>>[vector<16xi32>, vector<16xi32>], vector<16xf32>,
      %add3A_793 = arith.constant 4 : i32
      %add3A_794 = vector.broadcast %add3A_793 : i32 to vector<16xi32>
      %add3A_795 = arith.addi %mul3A_744, %add3A_794 : vector<16xi32>
      %gather3A_796 = arith.constant 0 : i32
      %gather3A_797 = arith.constant 0 : i32
      %gather3A_798 = arith.constant 0 : i32
      %gather3A_799 = tpu.memref_slice %arg7[%gather3A_796, %gather3A_797, %gather3A_798] : memref<2x128x128xf32, #tpu.memory_space<vmem>> -> memref<1x128x128xf32, #tpu.memory_space<vmem>>
      %gather3A_800 = tpu.memref_squeeze %gather3A_799 : memref<1x128x128xf32, #tpu.memory_space<vmem>> -> memref<128x128xf32, #tpu.memory_space<vmem>>
      %gather3A_801 = tpu.vector_load_idx %gather3A_800[%add3A_722, %add3A_795] : memref<128x128xf32, #tpu.memory_space<vmem>>[vector<16xi32>, vector<16xi32>], vector<16xf32>,
      %add3A_802 = arith.constant 4 : i32
      %add3A_803 = vector.broadcast %add3A_802 : i32 to vector<16xi32>
      %add3A_804 = arith.addi %mul3A_741, %add3A_803 : vector<16xi32>
      tpu.vector_store_idx %arg8[%shift_right_logical3A_734, %add3A_804], %gather3A_801 : memref<128x512xf32, #tpu.memory_space<vmem>>[vector<16xi32>, vector<16xi32>], vector<16xf32>,
      %add3A_805 = arith.constant 5 : i32
      %add3A_806 = vector.broadcast %add3A_805 : i32 to vector<16xi32>
      %add3A_807 = arith.addi %mul3A_744, %add3A_806 : vector<16xi32>
      %gather3A_808 = arith.constant 0 : i32
      %gather3A_809 = arith.constant 0 : i32
      %gather3A_810 = arith.constant 0 : i32
      %gather3A_811 = tpu.memref_slice %arg7[%gather3A_808, %gather3A_809, %gather3A_810] : memref<2x128x128xf32, #tpu.memory_space<vmem>> -> memref<1x128x128xf32, #tpu.memory_space<vmem>>
      %gather3A_812 = tpu.memref_squeeze %gather3A_811 : memref<1x128x128xf32, #tpu.memory_space<vmem>> -> memref<128x128xf32, #tpu.memory_space<vmem>>
      %gather3A_813 = tpu.vector_load_idx %gather3A_812[%add3A_722, %add3A_807] : memref<128x128xf32, #tpu.memory_space<vmem>>[vector<16xi32>, vector<16xi32>], vector<16xf32>,
      %add3A_814 = arith.constant 5 : i32
      %add3A_815 = vector.broadcast %add3A_814 : i32 to vector<16xi32>
      %add3A_816 = arith.addi %mul3A_741, %add3A_815 : vector<16xi32>
      tpu.vector_store_idx %arg8[%shift_right_logical3A_734, %add3A_816], %gather3A_813 : memref<128x512xf32, #tpu.memory_space<vmem>>[vector<16xi32>, vector<16xi32>], vector<16xf32>,
      %add3A_817 = arith.constant 6 : i32
      %add3A_818 = vector.broadcast %add3A_817 : i32 to vector<16xi32>
      %add3A_819 = arith.addi %mul3A_744, %add3A_818 : vector<16xi32>
      %gather3A_820 = arith.constant 0 : i32
      %gather3A_821 = arith.constant 0 : i32
      %gather3A_822 = arith.constant 0 : i32
      %gather3A_823 = tpu.memref_slice %arg7[%gather3A_820, %gather3A_821, %gather3A_822] : memref<2x128x128xf32, #tpu.memory_space<vmem>> -> memref<1x128x128xf32, #tpu.memory_space<vmem>>
      %gather3A_824 = tpu.memref_squeeze %gather3A_823 : memref<1x128x128xf32, #tpu.memory_space<vmem>> -> memref<128x128xf32, #tpu.memory_space<vmem>>
      %gather3A_825 = tpu.vector_load_idx %gather3A_824[%add3A_722, %add3A_819] : memref<128x128xf32, #tpu.memory_space<vmem>>[vector<16xi32>, vector<16xi32>], vector<16xf32>,
      %add3A_826 = arith.constant 6 : i32
      %add3A_827 = vector.broadcast %add3A_826 : i32 to vector<16xi32>
      %add3A_828 = arith.addi %mul3A_741, %add3A_827 : vector<16xi32>
      tpu.vector_store_idx %arg8[%shift_right_logical3A_734, %add3A_828], %gather3A_825 : memref<128x512xf32, #tpu.memory_space<vmem>>[vector<16xi32>, vector<16xi32>], vector<16xf32>,
      %add3A_829 = arith.constant 7 : i32
      %add3A_830 = vector.broadcast %add3A_829 : i32 to vector<16xi32>
      %add3A_831 = arith.addi %mul3A_744, %add3A_830 : vector<16xi32>
      %gather3A_832 = arith.constant 0 : i32
      %gather3A_833 = arith.constant 0 : i32
      %gather3A_834 = arith.constant 0 : i32
      %gather3A_835 = tpu.memref_slice %arg7[%gather3A_832, %gather3A_833, %gather3A_834] : memref<2x128x128xf32, #tpu.memory_space<vmem>> -> memref<1x128x128xf32, #tpu.memory_space<vmem>>
      %gather3A_836 = tpu.memref_squeeze %gather3A_835 : memref<1x128x128xf32, #tpu.memory_space<vmem>> -> memref<128x128xf32, #tpu.memory_space<vmem>>
      %gather3A_837 = tpu.vector_load_idx %gather3A_836[%add3A_722, %add3A_831] : memref<128x128xf32, #tpu.memory_space<vmem>>[vector<16xi32>, vector<16xi32>], vector<16xf32>,
      %add3A_838 = arith.constant 7 : i32
      %add3A_839 = vector.broadcast %add3A_838 : i32 to vector<16xi32>
      %add3A_840 = arith.addi %mul3A_741, %add3A_839 : vector<16xi32>
      tpu.vector_store_idx %arg8[%shift_right_logical3A_734, %add3A_840], %gather3A_837 : memref<128x512xf32, #tpu.memory_space<vmem>>[vector<16xi32>, vector<16xi32>], vector<16xf32>,
      %add3A_841 = arith.constant 8 : i32
      %add3A_842 = vector.broadcast %add3A_841 : i32 to vector<16xi32>
      %add3A_843 = arith.addi %mul3A_744, %add3A_842 : vector<16xi32>
      %gather3A_844 = arith.constant 0 : i32
      %gather3A_845 = arith.constant 0 : i32
      %gather3A_846 = arith.constant 0 : i32
      %gather3A_847 = tpu.memref_slice %arg7[%gather3A_844, %gather3A_845, %gather3A_846] : memref<2x128x128xf32, #tpu.memory_space<vmem>> -> memref<1x128x128xf32, #tpu.memory_space<vmem>>
      %gather3A_848 = tpu.memref_squeeze %gather3A_847 : memref<1x128x128xf32, #tpu.memory_space<vmem>> -> memref<128x128xf32, #tpu.memory_space<vmem>>
      %gather3A_849 = tpu.vector_load_idx %gather3A_848[%add3A_722, %add3A_843] : memref<128x128xf32, #tpu.memory_space<vmem>>[vector<16xi32>, vector<16xi32>], vector<16xf32>,
      %add3A_850 = arith.constant 8 : i32
      %add3A_851 = vector.broadcast %add3A_850 : i32 to vector<16xi32>
      %add3A_852 = arith.addi %mul3A_741, %add3A_851 : vector<16xi32>
      tpu.vector_store_idx %arg8[%shift_right_logical3A_734, %add3A_852], %gather3A_849 : memref<128x512xf32, #tpu.memory_space<vmem>>[vector<16xi32>, vector<16xi32>], vector<16xf32>,
      %add3A_853 = arith.constant 9 : i32
      %add3A_854 = vector.broadcast %add3A_853 : i32 to vector<16xi32>
      %add3A_855 = arith.addi %mul3A_744, %add3A_854 : vector<16xi32>
      %gather3A_856 = arith.constant 0 : i32
      %gather3A_857 = arith.constant 0 : i32
      %gather3A_858 = arith.constant 0 : i32
      %gather3A_859 = tpu.memref_slice %arg7[%gather3A_856, %gather3A_857, %gather3A_858] : memref<2x128x128xf32, #tpu.memory_space<vmem>> -> memref<1x128x128xf32, #tpu.memory_space<vmem>>
      %gather3A_860 = tpu.memref_squeeze %gather3A_859 : memref<1x128x128xf32, #tpu.memory_space<vmem>> -> memref<128x128xf32, #tpu.memory_space<vmem>>
      %gather3A_861 = tpu.vector_load_idx %gather3A_860[%add3A_722, %add3A_855] : memref<128x128xf32, #tpu.memory_space<vmem>>[vector<16xi32>, vector<16xi32>], vector<16xf32>,
      %add3A_862 = arith.constant 9 : i32
      %add3A_863 = vector.broadcast %add3A_862 : i32 to vector<16xi32>
      %add3A_864 = arith.addi %mul3A_741, %add3A_863 : vector<16xi32>
      tpu.vector_store_idx %arg8[%shift_right_logical3A_734, %add3A_864], %gather3A_861 : memref<128x512xf32, #tpu.memory_space<vmem>>[vector<16xi32>, vector<16xi32>], vector<16xf32>,
      %add3A_865 = arith.constant 10 : i32
      %add3A_866 = vector.broadcast %add3A_865 : i32 to vector<16xi32>
      %add3A_867 = arith.addi %mul3A_744, %add3A_866 : vector<16xi32>
      %gather3A_868 = arith.constant 0 : i32
      %gather3A_869 = arith.constant 0 : i32
      %gather3A_870 = arith.constant 0 : i32
      %gather3A_871 = tpu.memref_slice %arg7[%gather3A_868, %gather3A_869, %gather3A_870] : memref<2x128x128xf32, #tpu.memory_space<vmem>> -> memref<1x128x128xf32, #tpu.memory_space<vmem>>
      %gather3A_872 = tpu.memref_squeeze %gather3A_871 : memref<1x128x128xf32, #tpu.memory_space<vmem>> -> memref<128x128xf32, #tpu.memory_space<vmem>>
      %gather3A_873 = tpu.vector_load_idx %gather3A_872[%add3A_722, %add3A_867] : memref<128x128xf32, #tpu.memory_space<vmem>>[vector<16xi32>, vector<16xi32>], vector<16xf32>,
      %add3A_874 = arith.constant 10 : i32
      %add3A_875 = vector.broadcast %add3A_874 : i32 to vector<16xi32>
      %add3A_876 = arith.addi %mul3A_741, %add3A_875 : vector<16xi32>
      tpu.vector_store_idx %arg8[%shift_right_logical3A_734, %add3A_876], %gather3A_873 : memref<128x512xf32, #tpu.memory_space<vmem>>[vector<16xi32>, vector<16xi32>], vector<16xf32>,
      %add3A_877 = arith.constant 11 : i32
      %add3A_878 = vector.broadcast %add3A_877 : i32 to vector<16xi32>
      %add3A_879 = arith.addi %mul3A_744, %add3A_878 : vector<16xi32>
      %gather3A_880 = arith.constant 0 : i32
      %gather3A_881 = arith.constant 0 : i32
      %gather3A_882 = arith.constant 0 : i32
      %gather3A_883 = tpu.memref_slice %arg7[%gather3A_880, %gather3A_881, %gather3A_882] : memref<2x128x128xf32, #tpu.memory_space<vmem>> -> memref<1x128x128xf32, #tpu.memory_space<vmem>>
      %gather3A_884 = tpu.memref_squeeze %gather3A_883 : memref<1x128x128xf32, #tpu.memory_space<vmem>> -> memref<128x128xf32, #tpu.memory_space<vmem>>
      %gather3A_885 = tpu.vector_load_idx %gather3A_884[%add3A_722, %add3A_879] : memref<128x128xf32, #tpu.memory_space<vmem>>[vector<16xi32>, vector<16xi32>], vector<16xf32>,
      %add3A_886 = arith.constant 11 : i32
      %add3A_887 = vector.broadcast %add3A_886 : i32 to vector<16xi32>
      %add3A_888 = arith.addi %mul3A_741, %add3A_887 : vector<16xi32>
      tpu.vector_store_idx %arg8[%shift_right_logical3A_734, %add3A_888], %gather3A_885 : memref<128x512xf32, #tpu.memory_space<vmem>>[vector<16xi32>, vector<16xi32>], vector<16xf32>,
      %add3A_889 = arith.constant 12 : i32
      %add3A_890 = vector.broadcast %add3A_889 : i32 to vector<16xi32>
      %add3A_891 = arith.addi %mul3A_744, %add3A_890 : vector<16xi32>
      %gather3A_892 = arith.constant 0 : i32
      %gather3A_893 = arith.constant 0 : i32
      %gather3A_894 = arith.constant 0 : i32
      %gather3A_895 = tpu.memref_slice %arg7[%gather3A_892, %gather3A_893, %gather3A_894] : memref<2x128x128xf32, #tpu.memory_space<vmem>> -> memref<1x128x128xf32, #tpu.memory_space<vmem>>
      %gather3A_896 = tpu.memref_squeeze %gather3A_895 : memref<1x128x128xf32, #tpu.memory_space<vmem>> -> memref<128x128xf32, #tpu.memory_space<vmem>>
      %gather3A_897 = tpu.vector_load_idx %gather3A_896[%add3A_722, %add3A_891] : memref<128x128xf32, #tpu.memory_space<vmem>>[vector<16xi32>, vector<16xi32>], vector<16xf32>,
      %add3A_898 = arith.constant 12 : i32
      %add3A_899 = vector.broadcast %add3A_898 : i32 to vector<16xi32>
      %add3A_900 = arith.addi %mul3A_741, %add3A_899 : vector<16xi32>
      tpu.vector_store_idx %arg8[%shift_right_logical3A_734, %add3A_900], %gather3A_897 : memref<128x512xf32, #tpu.memory_space<vmem>>[vector<16xi32>, vector<16xi32>], vector<16xf32>,
      %add3A_901 = arith.constant 13 : i32
      %add3A_902 = vector.broadcast %add3A_901 : i32 to vector<16xi32>
      %add3A_903 = arith.addi %mul3A_744, %add3A_902 : vector<16xi32>
      %gather3A_904 = arith.constant 0 : i32
      %gather3A_905 = arith.constant 0 : i32
      %gather3A_906 = arith.constant 0 : i32
      %gather3A_907 = tpu.memref_slice %arg7[%gather3A_904, %gather3A_905, %gather3A_906] : memref<2x128x128xf32, #tpu.memory_space<vmem>> -> memref<1x128x128xf32, #tpu.memory_space<vmem>>
      %gather3A_908 = tpu.memref_squeeze %gather3A_907 : memref<1x128x128xf32, #tpu.memory_space<vmem>> -> memref<128x128xf32, #tpu.memory_space<vmem>>
      %gather3A_909 = tpu.vector_load_idx %gather3A_908[%add3A_722, %add3A_903] : memref<128x128xf32, #tpu.memory_space<vmem>>[vector<16xi32>, vector<16xi32>], vector<16xf32>,
      %add3A_910 = arith.constant 13 : i32
      %add3A_911 = vector.broadcast %add3A_910 : i32 to vector<16xi32>
      %add3A_912 = arith.addi %mul3A_741, %add3A_911 : vector<16xi32>
      tpu.vector_store_idx %arg8[%shift_right_logical3A_734, %add3A_912], %gather3A_909 : memref<128x512xf32, #tpu.memory_space<vmem>>[vector<16xi32>, vector<16xi32>], vector<16xf32>,
      %add3A_913 = arith.constant 14 : i32
      %add3A_914 = vector.broadcast %add3A_913 : i32 to vector<16xi32>
      %add3A_915 = arith.addi %mul3A_744, %add3A_914 : vector<16xi32>
      %gather3A_916 = arith.constant 0 : i32
      %gather3A_917 = arith.constant 0 : i32
      %gather3A_918 = arith.constant 0 : i32
      %gather3A_919 = tpu.memref_slice %arg7[%gather3A_916, %gather3A_917, %gather3A_918] : memref<2x128x128xf32, #tpu.memory_space<vmem>> -> memref<1x128x128xf32, #tpu.memory_space<vmem>>
      %gather3A_920 = tpu.memref_squeeze %gather3A_919 : memref<1x128x128xf32, #tpu.memory_space<vmem>> -> memref<128x128xf32, #tpu.memory_space<vmem>>
      %gather3A_921 = tpu.vector_load_idx %gather3A_920[%add3A_722, %add3A_915] : memref<128x128xf32, #tpu.memory_space<vmem>>[vector<16xi32>, vector<16xi32>], vector<16xf32>,
      %add3A_922 = arith.constant 14 : i32
      %add3A_923 = vector.broadcast %add3A_922 : i32 to vector<16xi32>
      %add3A_924 = arith.addi %mul3A_741, %add3A_923 : vector<16xi32>
      tpu.vector_store_idx %arg8[%shift_right_logical3A_734, %add3A_924], %gather3A_921 : memref<128x512xf32, #tpu.memory_space<vmem>>[vector<16xi32>, vector<16xi32>], vector<16xf32>,
      %add3A_925 = arith.constant 15 : i32
      %add3A_926 = vector.broadcast %add3A_925 : i32 to vector<16xi32>
      %add3A_927 = arith.addi %mul3A_744, %add3A_926 : vector<16xi32>
      %gather3A_928 = arith.constant 0 : i32
      %gather3A_929 = arith.constant 0 : i32
      %gather3A_930 = arith.constant 0 : i32
      %gather3A_931 = tpu.memref_slice %arg7[%gather3A_928, %gather3A_929, %gather3A_930] : memref<2x128x128xf32, #tpu.memory_space<vmem>> -> memref<1x128x128xf32, #tpu.memory_space<vmem>>
      %gather3A_932 = tpu.memref_squeeze %gather3A_931 : memref<1x128x128xf32, #tpu.memory_space<vmem>> -> memref<128x128xf32, #tpu.memory_space<vmem>>
      %gather3A_933 = tpu.vector_load_idx %gather3A_932[%add3A_722, %add3A_927] : memref<128x128xf32, #tpu.memory_space<vmem>>[vector<16xi32>, vector<16xi32>], vector<16xf32>,
      %add3A_934 = arith.constant 15 : i32
      %add3A_935 = vector.broadcast %add3A_934 : i32 to vector<16xi32>
      %add3A_936 = arith.addi %mul3A_741, %add3A_935 : vector<16xi32>
      tpu.vector_store_idx %arg8[%shift_right_logical3A_734, %add3A_936], %gather3A_933 : memref<128x512xf32, #tpu.memory_space<vmem>>[vector<16xi32>, vector<16xi32>], vector<16xf32>,
      %get3A_937 = arith.index_cast %mul3A_16 : i32 to index
      %get3A_938 = arith.constant 64 : index
      %get3A_939 = tpu.vector_load %arg5[%get3A_937, %get3A_938] {strides = array<i32>} : memref<32x128xi32, #tpu.memory_space<vmem>>, vector<16xi32>,
      %and3A_940 = arith.constant 7 : i32
      %and3A_941 = vector.broadcast %and3A_940 : i32 to vector<16xi32>
      %and3A_942 = arith.andi %get3A_939, %and3A_941 : vector<16xi32>
      %add3A_943 = arith.constant 64 : i32
      %add3A_944 = vector.broadcast %add3A_943 : i32 to vector<16xi32>
      %add3A_945 = arith.addi %iota3A, %add3A_944 : vector<16xi32>
      %mul3A_946 = arith.constant 128 : i32
      %mul3A_947 = arith.muli %mul3A_16, %mul3A_946 : i32
      %add3A_948 = arith.constant 64 : i32
      %add3A_949 = arith.addi %mul3A_947, %add3A_948 : i32
      %add3A_950 = vector.broadcast %add3A_949 : i32 to vector<16xi32>
      %add3A_951 = arith.addi %iota3A, %add3A_950 : vector<16xi32>
      %mul3A_952 = arith.constant 20165 : i32
      %mul3A_953 = vector.broadcast %mul3A_952 : i32 to vector<16xi32>
      %mul3A_954 = arith.muli %add3A_951, %mul3A_953 : vector<16xi32>
      %shift_right_logical3A_955 = arith.constant 19 : i32
      %shift_right_logical3A_956 = vector.broadcast %shift_right_logical3A_955 : i32 to vector<16xi32>
      %shift_right_logical3A_957 = arith.shrui %mul3A_954, %shift_right_logical3A_956 : vector<16xi32>
      %mul3A_958 = arith.constant 26 : i32
      %mul3A_959 = vector.broadcast %mul3A_958 : i32 to vector<16xi32>
      %mul3A_960 = arith.muli %shift_right_logical3A_957, %mul3A_959 : vector<16xi32>
      %sub3A_961 = arith.subi %add3A_951, %mul3A_960 : vector<16xi32>
      %mul3A_962 = arith.constant 16 : i32
      %mul3A_963 = vector.broadcast %mul3A_962 : i32 to vector<16xi32>
      %mul3A_964 = arith.muli %sub3A_961, %mul3A_963 : vector<16xi32>
      %mul3A_965 = arith.constant 16 : i32
      %mul3A_966 = vector.broadcast %mul3A_965 : i32 to vector<16xi32>
      %mul3A_967 = arith.muli %and3A_942, %mul3A_966 : vector<16xi32>
      %add3A_968 = arith.constant 0 : i32
      %add3A_969 = vector.broadcast %add3A_968 : i32 to vector<16xi32>
      %add3A_970 = arith.addi %mul3A_967, %add3A_969 : vector<16xi32>
      %gather3A_971 = arith.constant 0 : i32
      %gather3A_972 = arith.constant 0 : i32
      %gather3A_973 = arith.constant 0 : i32
      %gather3A_974 = tpu.memref_slice %arg7[%gather3A_971, %gather3A_972, %gather3A_973] : memref<2x128x128xf32, #tpu.memory_space<vmem>> -> memref<1x128x128xf32, #tpu.memory_space<vmem>>
      %gather3A_975 = tpu.memref_squeeze %gather3A_974 : memref<1x128x128xf32, #tpu.memory_space<vmem>> -> memref<128x128xf32, #tpu.memory_space<vmem>>
      %gather3A_976 = tpu.vector_load_idx %gather3A_975[%add3A_945, %add3A_970] : memref<128x128xf32, #tpu.memory_space<vmem>>[vector<16xi32>, vector<16xi32>], vector<16xf32>,
      %add3A_977 = arith.constant 0 : i32
      %add3A_978 = vector.broadcast %add3A_977 : i32 to vector<16xi32>
      %add3A_979 = arith.addi %mul3A_964, %add3A_978 : vector<16xi32>
      tpu.vector_store_idx %arg8[%shift_right_logical3A_957, %add3A_979], %gather3A_976 : memref<128x512xf32, #tpu.memory_space<vmem>>[vector<16xi32>, vector<16xi32>], vector<16xf32>,
      %add3A_980 = arith.constant 1 : i32
      %add3A_981 = vector.broadcast %add3A_980 : i32 to vector<16xi32>
      %add3A_982 = arith.addi %mul3A_967, %add3A_981 : vector<16xi32>
      %gather3A_983 = arith.constant 0 : i32
      %gather3A_984 = arith.constant 0 : i32
      %gather3A_985 = arith.constant 0 : i32
      %gather3A_986 = tpu.memref_slice %arg7[%gather3A_983, %gather3A_984, %gather3A_985] : memref<2x128x128xf32, #tpu.memory_space<vmem>> -> memref<1x128x128xf32, #tpu.memory_space<vmem>>
      %gather3A_987 = tpu.memref_squeeze %gather3A_986 : memref<1x128x128xf32, #tpu.memory_space<vmem>> -> memref<128x128xf32, #tpu.memory_space<vmem>>
      %gather3A_988 = tpu.vector_load_idx %gather3A_987[%add3A_945, %add3A_982] : memref<128x128xf32, #tpu.memory_space<vmem>>[vector<16xi32>, vector<16xi32>], vector<16xf32>,
      %add3A_989 = arith.constant 1 : i32
      %add3A_990 = vector.broadcast %add3A_989 : i32 to vector<16xi32>
      %add3A_991 = arith.addi %mul3A_964, %add3A_990 : vector<16xi32>
      tpu.vector_store_idx %arg8[%shift_right_logical3A_957, %add3A_991], %gather3A_988 : memref<128x512xf32, #tpu.memory_space<vmem>>[vector<16xi32>, vector<16xi32>], vector<16xf32>,
      %add3A_992 = arith.constant 2 : i32
      %add3A_993 = vector.broadcast %add3A_992 : i32 to vector<16xi32>
      %add3A_994 = arith.addi %mul3A_967, %add3A_993 : vector<16xi32>
      %gather3A_995 = arith.constant 0 : i32
      %gather3A_996 = arith.constant 0 : i32
      %gather3A_997 = arith.constant 0 : i32
      %gather3A_998 = tpu.memref_slice %arg7[%gather3A_995, %gather3A_996, %gather3A_997] : memref<2x128x128xf32, #tpu.memory_space<vmem>> -> memref<1x128x128xf32, #tpu.memory_space<vmem>>
      %gather3A_999 = tpu.memref_squeeze %gather3A_998 : memref<1x128x128xf32, #tpu.memory_space<vmem>> -> memref<128x128xf32, #tpu.memory_space<vmem>>
      %gather3A_1000 = tpu.vector_load_idx %gather3A_999[%add3A_945, %add3A_994] : memref<128x128xf32, #tpu.memory_space<vmem>>[vector<16xi32>, vector<16xi32>], vector<16xf32>,
      %add3A_1001 = arith.constant 2 : i32
      %add3A_1002 = vector.broadcast %add3A_1001 : i32 to vector<16xi32>
      %add3A_1003 = arith.addi %mul3A_964, %add3A_1002 : vector<16xi32>
      tpu.vector_store_idx %arg8[%shift_right_logical3A_957, %add3A_1003], %gather3A_1000 : memref<128x512xf32, #tpu.memory_space<vmem>>[vector<16xi32>, vector<16xi32>], vector<16xf32>,
      %add3A_1004 = arith.constant 3 : i32
      %add3A_1005 = vector.broadcast %add3A_1004 : i32 to vector<16xi32>
      %add3A_1006 = arith.addi %mul3A_967, %add3A_1005 : vector<16xi32>
      %gather3A_1007 = arith.constant 0 : i32
      %gather3A_1008 = arith.constant 0 : i32
      %gather3A_1009 = arith.constant 0 : i32
      %gather3A_1010 = tpu.memref_slice %arg7[%gather3A_1007, %gather3A_1008, %gather3A_1009] : memref<2x128x128xf32, #tpu.memory_space<vmem>> -> memref<1x128x128xf32, #tpu.memory_space<vmem>>
      %gather3A_1011 = tpu.memref_squeeze %gather3A_1010 : memref<1x128x128xf32, #tpu.memory_space<vmem>> -> memref<128x128xf32, #tpu.memory_space<vmem>>
      %gather3A_1012 = tpu.vector_load_idx %gather3A_1011[%add3A_945, %add3A_1006] : memref<128x128xf32, #tpu.memory_space<vmem>>[vector<16xi32>, vector<16xi32>], vector<16xf32>,
      %add3A_1013 = arith.constant 3 : i32
      %add3A_1014 = vector.broadcast %add3A_1013 : i32 to vector<16xi32>
      %add3A_1015 = arith.addi %mul3A_964, %add3A_1014 : vector<16xi32>
      tpu.vector_store_idx %arg8[%shift_right_logical3A_957, %add3A_1015], %gather3A_1012 : memref<128x512xf32, #tpu.memory_space<vmem>>[vector<16xi32>, vector<16xi32>], vector<16xf32>,
      %add3A_1016 = arith.constant 4 : i32
      %add3A_1017 = vector.broadcast %add3A_1016 : i32 to vector<16xi32>
      %add3A_1018 = arith.addi %mul3A_967, %add3A_1017 : vector<16xi32>
      %gather3A_1019 = arith.constant 0 : i32
      %gather3A_1020 = arith.constant 0 : i32
      %gather3A_1021 = arith.constant 0 : i32
      %gather3A_1022 = tpu.memref_slice %arg7[%gather3A_1019, %gather3A_1020, %gather3A_1021] : memref<2x128x128xf32, #tpu.memory_space<vmem>> -> memref<1x128x128xf32, #tpu.memory_space<vmem>>
      %gather3A_1023 = tpu.memref_squeeze %gather3A_1022 : memref<1x128x128xf32, #tpu.memory_space<vmem>> -> memref<128x128xf32, #tpu.memory_space<vmem>>
      %gather3A_1024 = tpu.vector_load_idx %gather3A_1023[%add3A_945, %add3A_1018] : memref<128x128xf32, #tpu.memory_space<vmem>>[vector<16xi32>, vector<16xi32>], vector<16xf32>,
      %add3A_1025 = arith.constant 4 : i32
      %add3A_1026 = vector.broadcast %add3A_1025 : i32 to vector<16xi32>
      %add3A_1027 = arith.addi %mul3A_964, %add3A_1026 : vector<16xi32>
      tpu.vector_store_idx %arg8[%shift_right_logical3A_957, %add3A_1027], %gather3A_1024 : memref<128x512xf32, #tpu.memory_space<vmem>>[vector<16xi32>, vector<16xi32>], vector<16xf32>,
      %add3A_1028 = arith.constant 5 : i32
      %add3A_1029 = vector.broadcast %add3A_1028 : i32 to vector<16xi32>
      %add3A_1030 = arith.addi %mul3A_967, %add3A_1029 : vector<16xi32>
      %gather3A_1031 = arith.constant 0 : i32
      %gather3A_1032 = arith.constant 0 : i32
      %gather3A_1033 = arith.constant 0 : i32
      %gather3A_1034 = tpu.memref_slice %arg7[%gather3A_1031, %gather3A_1032, %gather3A_1033] : memref<2x128x128xf32, #tpu.memory_space<vmem>> -> memref<1x128x128xf32, #tpu.memory_space<vmem>>
      %gather3A_1035 = tpu.memref_squeeze %gather3A_1034 : memref<1x128x128xf32, #tpu.memory_space<vmem>> -> memref<128x128xf32, #tpu.memory_space<vmem>>
      %gather3A_1036 = tpu.vector_load_idx %gather3A_1035[%add3A_945, %add3A_1030] : memref<128x128xf32, #tpu.memory_space<vmem>>[vector<16xi32>, vector<16xi32>], vector<16xf32>,
      %add3A_1037 = arith.constant 5 : i32
      %add3A_1038 = vector.broadcast %add3A_1037 : i32 to vector<16xi32>
      %add3A_1039 = arith.addi %mul3A_964, %add3A_1038 : vector<16xi32>
      tpu.vector_store_idx %arg8[%shift_right_logical3A_957, %add3A_1039], %gather3A_1036 : memref<128x512xf32, #tpu.memory_space<vmem>>[vector<16xi32>, vector<16xi32>], vector<16xf32>,
      %add3A_1040 = arith.constant 6 : i32
      %add3A_1041 = vector.broadcast %add3A_1040 : i32 to vector<16xi32>
      %add3A_1042 = arith.addi %mul3A_967, %add3A_1041 : vector<16xi32>
      %gather3A_1043 = arith.constant 0 : i32
      %gather3A_1044 = arith.constant 0 : i32
      %gather3A_1045 = arith.constant 0 : i32
      %gather3A_1046 = tpu.memref_slice %arg7[%gather3A_1043, %gather3A_1044, %gather3A_1045] : memref<2x128x128xf32, #tpu.memory_space<vmem>> -> memref<1x128x128xf32, #tpu.memory_space<vmem>>
      %gather3A_1047 = tpu.memref_squeeze %gather3A_1046 : memref<1x128x128xf32, #tpu.memory_space<vmem>> -> memref<128x128xf32, #tpu.memory_space<vmem>>
      %gather3A_1048 = tpu.vector_load_idx %gather3A_1047[%add3A_945, %add3A_1042] : memref<128x128xf32, #tpu.memory_space<vmem>>[vector<16xi32>, vector<16xi32>], vector<16xf32>,
      %add3A_1049 = arith.constant 6 : i32
      %add3A_1050 = vector.broadcast %add3A_1049 : i32 to vector<16xi32>
      %add3A_1051 = arith.addi %mul3A_964, %add3A_1050 : vector<16xi32>
      tpu.vector_store_idx %arg8[%shift_right_logical3A_957, %add3A_1051], %gather3A_1048 : memref<128x512xf32, #tpu.memory_space<vmem>>[vector<16xi32>, vector<16xi32>], vector<16xf32>,
      %add3A_1052 = arith.constant 7 : i32
      %add3A_1053 = vector.broadcast %add3A_1052 : i32 to vector<16xi32>
      %add3A_1054 = arith.addi %mul3A_967, %add3A_1053 : vector<16xi32>
      %gather3A_1055 = arith.constant 0 : i32
      %gather3A_1056 = arith.constant 0 : i32
      %gather3A_1057 = arith.constant 0 : i32
      %gather3A_1058 = tpu.memref_slice %arg7[%gather3A_1055, %gather3A_1056, %gather3A_1057] : memref<2x128x128xf32, #tpu.memory_space<vmem>> -> memref<1x128x128xf32, #tpu.memory_space<vmem>>
      %gather3A_1059 = tpu.memref_squeeze %gather3A_1058 : memref<1x128x128xf32, #tpu.memory_space<vmem>> -> memref<128x128xf32, #tpu.memory_space<vmem>>
      %gather3A_1060 = tpu.vector_load_idx %gather3A_1059[%add3A_945, %add3A_1054] : memref<128x128xf32, #tpu.memory_space<vmem>>[vector<16xi32>, vector<16xi32>], vector<16xf32>,
      %add3A_1061 = arith.constant 7 : i32
      %add3A_1062 = vector.broadcast %add3A_1061 : i32 to vector<16xi32>
      %add3A_1063 = arith.addi %mul3A_964, %add3A_1062 : vector<16xi32>
      tpu.vector_store_idx %arg8[%shift_right_logical3A_957, %add3A_1063], %gather3A_1060 : memref<128x512xf32, #tpu.memory_space<vmem>>[vector<16xi32>, vector<16xi32>], vector<16xf32>,
      %add3A_1064 = arith.constant 8 : i32
      %add3A_1065 = vector.broadcast %add3A_1064 : i32 to vector<16xi32>
      %add3A_1066 = arith.addi %mul3A_967, %add3A_1065 : vector<16xi32>
      %gather3A_1067 = arith.constant 0 : i32
      %gather3A_1068 = arith.constant 0 : i32
      %gather3A_1069 = arith.constant 0 : i32
      %gather3A_1070 = tpu.memref_slice %arg7[%gather3A_1067, %gather3A_1068, %gather3A_1069] : memref<2x128x128xf32, #tpu.memory_space<vmem>> -> memref<1x128x128xf32, #tpu.memory_space<vmem>>
      %gather3A_1071 = tpu.memref_squeeze %gather3A_1070 : memref<1x128x128xf32, #tpu.memory_space<vmem>> -> memref<128x128xf32, #tpu.memory_space<vmem>>
      %gather3A_1072 = tpu.vector_load_idx %gather3A_1071[%add3A_945, %add3A_1066] : memref<128x128xf32, #tpu.memory_space<vmem>>[vector<16xi32>, vector<16xi32>], vector<16xf32>,
      %add3A_1073 = arith.constant 8 : i32
      %add3A_1074 = vector.broadcast %add3A_1073 : i32 to vector<16xi32>
      %add3A_1075 = arith.addi %mul3A_964, %add3A_1074 : vector<16xi32>
      tpu.vector_store_idx %arg8[%shift_right_logical3A_957, %add3A_1075], %gather3A_1072 : memref<128x512xf32, #tpu.memory_space<vmem>>[vector<16xi32>, vector<16xi32>], vector<16xf32>,
      %add3A_1076 = arith.constant 9 : i32
      %add3A_1077 = vector.broadcast %add3A_1076 : i32 to vector<16xi32>
      %add3A_1078 = arith.addi %mul3A_967, %add3A_1077 : vector<16xi32>
      %gather3A_1079 = arith.constant 0 : i32
      %gather3A_1080 = arith.constant 0 : i32
      %gather3A_1081 = arith.constant 0 : i32
      %gather3A_1082 = tpu.memref_slice %arg7[%gather3A_1079, %gather3A_1080, %gather3A_1081] : memref<2x128x128xf32, #tpu.memory_space<vmem>> -> memref<1x128x128xf32, #tpu.memory_space<vmem>>
      %gather3A_1083 = tpu.memref_squeeze %gather3A_1082 : memref<1x128x128xf32, #tpu.memory_space<vmem>> -> memref<128x128xf32, #tpu.memory_space<vmem>>
      %gather3A_1084 = tpu.vector_load_idx %gather3A_1083[%add3A_945, %add3A_1078] : memref<128x128xf32, #tpu.memory_space<vmem>>[vector<16xi32>, vector<16xi32>], vector<16xf32>,
      %add3A_1085 = arith.constant 9 : i32
      %add3A_1086 = vector.broadcast %add3A_1085 : i32 to vector<16xi32>
      %add3A_1087 = arith.addi %mul3A_964, %add3A_1086 : vector<16xi32>
      tpu.vector_store_idx %arg8[%shift_right_logical3A_957, %add3A_1087], %gather3A_1084 : memref<128x512xf32, #tpu.memory_space<vmem>>[vector<16xi32>, vector<16xi32>], vector<16xf32>,
      %add3A_1088 = arith.constant 10 : i32
      %add3A_1089 = vector.broadcast %add3A_1088 : i32 to vector<16xi32>
      %add3A_1090 = arith.addi %mul3A_967, %add3A_1089 : vector<16xi32>
      %gather3A_1091 = arith.constant 0 : i32
      %gather3A_1092 = arith.constant 0 : i32
      %gather3A_1093 = arith.constant 0 : i32
      %gather3A_1094 = tpu.memref_slice %arg7[%gather3A_1091, %gather3A_1092, %gather3A_1093] : memref<2x128x128xf32, #tpu.memory_space<vmem>> -> memref<1x128x128xf32, #tpu.memory_space<vmem>>
      %gather3A_1095 = tpu.memref_squeeze %gather3A_1094 : memref<1x128x128xf32, #tpu.memory_space<vmem>> -> memref<128x128xf32, #tpu.memory_space<vmem>>
      %gather3A_1096 = tpu.vector_load_idx %gather3A_1095[%add3A_945, %add3A_1090] : memref<128x128xf32, #tpu.memory_space<vmem>>[vector<16xi32>, vector<16xi32>], vector<16xf32>,
      %add3A_1097 = arith.constant 10 : i32
      %add3A_1098 = vector.broadcast %add3A_1097 : i32 to vector<16xi32>
      %add3A_1099 = arith.addi %mul3A_964, %add3A_1098 : vector<16xi32>
      tpu.vector_store_idx %arg8[%shift_right_logical3A_957, %add3A_1099], %gather3A_1096 : memref<128x512xf32, #tpu.memory_space<vmem>>[vector<16xi32>, vector<16xi32>], vector<16xf32>,
      %add3A_1100 = arith.constant 11 : i32
      %add3A_1101 = vector.broadcast %add3A_1100 : i32 to vector<16xi32>
      %add3A_1102 = arith.addi %mul3A_967, %add3A_1101 : vector<16xi32>
      %gather3A_1103 = arith.constant 0 : i32
      %gather3A_1104 = arith.constant 0 : i32
      %gather3A_1105 = arith.constant 0 : i32
      %gather3A_1106 = tpu.memref_slice %arg7[%gather3A_1103, %gather3A_1104, %gather3A_1105] : memref<2x128x128xf32, #tpu.memory_space<vmem>> -> memref<1x128x128xf32, #tpu.memory_space<vmem>>
      %gather3A_1107 = tpu.memref_squeeze %gather3A_1106 : memref<1x128x128xf32, #tpu.memory_space<vmem>> -> memref<128x128xf32, #tpu.memory_space<vmem>>
      %gather3A_1108 = tpu.vector_load_idx %gather3A_1107[%add3A_945, %add3A_1102] : memref<128x128xf32, #tpu.memory_space<vmem>>[vector<16xi32>, vector<16xi32>], vector<16xf32>,
      %add3A_1109 = arith.constant 11 : i32
      %add3A_1110 = vector.broadcast %add3A_1109 : i32 to vector<16xi32>
      %add3A_1111 = arith.addi %mul3A_964, %add3A_1110 : vector<16xi32>
      tpu.vector_store_idx %arg8[%shift_right_logical3A_957, %add3A_1111], %gather3A_1108 : memref<128x512xf32, #tpu.memory_space<vmem>>[vector<16xi32>, vector<16xi32>], vector<16xf32>,
      %add3A_1112 = arith.constant 12 : i32
      %add3A_1113 = vector.broadcast %add3A_1112 : i32 to vector<16xi32>
      %add3A_1114 = arith.addi %mul3A_967, %add3A_1113 : vector<16xi32>
      %gather3A_1115 = arith.constant 0 : i32
      %gather3A_1116 = arith.constant 0 : i32
      %gather3A_1117 = arith.constant 0 : i32
      %gather3A_1118 = tpu.memref_slice %arg7[%gather3A_1115, %gather3A_1116, %gather3A_1117] : memref<2x128x128xf32, #tpu.memory_space<vmem>> -> memref<1x128x128xf32, #tpu.memory_space<vmem>>
      %gather3A_1119 = tpu.memref_squeeze %gather3A_1118 : memref<1x128x128xf32, #tpu.memory_space<vmem>> -> memref<128x128xf32, #tpu.memory_space<vmem>>
      %gather3A_1120 = tpu.vector_load_idx %gather3A_1119[%add3A_945, %add3A_1114] : memref<128x128xf32, #tpu.memory_space<vmem>>[vector<16xi32>, vector<16xi32>], vector<16xf32>,
      %add3A_1121 = arith.constant 12 : i32
      %add3A_1122 = vector.broadcast %add3A_1121 : i32 to vector<16xi32>
      %add3A_1123 = arith.addi %mul3A_964, %add3A_1122 : vector<16xi32>
      tpu.vector_store_idx %arg8[%shift_right_logical3A_957, %add3A_1123], %gather3A_1120 : memref<128x512xf32, #tpu.memory_space<vmem>>[vector<16xi32>, vector<16xi32>], vector<16xf32>,
      %add3A_1124 = arith.constant 13 : i32
      %add3A_1125 = vector.broadcast %add3A_1124 : i32 to vector<16xi32>
      %add3A_1126 = arith.addi %mul3A_967, %add3A_1125 : vector<16xi32>
      %gather3A_1127 = arith.constant 0 : i32
      %gather3A_1128 = arith.constant 0 : i32
      %gather3A_1129 = arith.constant 0 : i32
      %gather3A_1130 = tpu.memref_slice %arg7[%gather3A_1127, %gather3A_1128, %gather3A_1129] : memref<2x128x128xf32, #tpu.memory_space<vmem>> -> memref<1x128x128xf32, #tpu.memory_space<vmem>>
      %gather3A_1131 = tpu.memref_squeeze %gather3A_1130 : memref<1x128x128xf32, #tpu.memory_space<vmem>> -> memref<128x128xf32, #tpu.memory_space<vmem>>
      %gather3A_1132 = tpu.vector_load_idx %gather3A_1131[%add3A_945, %add3A_1126] : memref<128x128xf32, #tpu.memory_space<vmem>>[vector<16xi32>, vector<16xi32>], vector<16xf32>,
      %add3A_1133 = arith.constant 13 : i32
      %add3A_1134 = vector.broadcast %add3A_1133 : i32 to vector<16xi32>
      %add3A_1135 = arith.addi %mul3A_964, %add3A_1134 : vector<16xi32>
      tpu.vector_store_idx %arg8[%shift_right_logical3A_957, %add3A_1135], %gather3A_1132 : memref<128x512xf32, #tpu.memory_space<vmem>>[vector<16xi32>, vector<16xi32>], vector<16xf32>,
      %add3A_1136 = arith.constant 14 : i32
      %add3A_1137 = vector.broadcast %add3A_1136 : i32 to vector<16xi32>
      %add3A_1138 = arith.addi %mul3A_967, %add3A_1137 : vector<16xi32>
      %gather3A_1139 = arith.constant 0 : i32
      %gather3A_1140 = arith.constant 0 : i32
      %gather3A_1141 = arith.constant 0 : i32
      %gather3A_1142 = tpu.memref_slice %arg7[%gather3A_1139, %gather3A_1140, %gather3A_1141] : memref<2x128x128xf32, #tpu.memory_space<vmem>> -> memref<1x128x128xf32, #tpu.memory_space<vmem>>
      %gather3A_1143 = tpu.memref_squeeze %gather3A_1142 : memref<1x128x128xf32, #tpu.memory_space<vmem>> -> memref<128x128xf32, #tpu.memory_space<vmem>>
      %gather3A_1144 = tpu.vector_load_idx %gather3A_1143[%add3A_945, %add3A_1138] : memref<128x128xf32, #tpu.memory_space<vmem>>[vector<16xi32>, vector<16xi32>], vector<16xf32>,
      %add3A_1145 = arith.constant 14 : i32
      %add3A_1146 = vector.broadcast %add3A_1145 : i32 to vector<16xi32>
      %add3A_1147 = arith.addi %mul3A_964, %add3A_1146 : vector<16xi32>
      tpu.vector_store_idx %arg8[%shift_right_logical3A_957, %add3A_1147], %gather3A_1144 : memref<128x512xf32, #tpu.memory_space<vmem>>[vector<16xi32>, vector<16xi32>], vector<16xf32>,
      %add3A_1148 = arith.constant 15 : i32
      %add3A_1149 = vector.broadcast %add3A_1148 : i32 to vector<16xi32>
      %add3A_1150 = arith.addi %mul3A_967, %add3A_1149 : vector<16xi32>
      %gather3A_1151 = arith.constant 0 : i32
      %gather3A_1152 = arith.constant 0 : i32
      %gather3A_1153 = arith.constant 0 : i32
      %gather3A_1154 = tpu.memref_slice %arg7[%gather3A_1151, %gather3A_1152, %gather3A_1153] : memref<2x128x128xf32, #tpu.memory_space<vmem>> -> memref<1x128x128xf32, #tpu.memory_space<vmem>>
      %gather3A_1155 = tpu.memref_squeeze %gather3A_1154 : memref<1x128x128xf32, #tpu.memory_space<vmem>> -> memref<128x128xf32, #tpu.memory_space<vmem>>
      %gather3A_1156 = tpu.vector_load_idx %gather3A_1155[%add3A_945, %add3A_1150] : memref<128x128xf32, #tpu.memory_space<vmem>>[vector<16xi32>, vector<16xi32>], vector<16xf32>,
      %add3A_1157 = arith.constant 15 : i32
      %add3A_1158 = vector.broadcast %add3A_1157 : i32 to vector<16xi32>
      %add3A_1159 = arith.addi %mul3A_964, %add3A_1158 : vector<16xi32>
      tpu.vector_store_idx %arg8[%shift_right_logical3A_957, %add3A_1159], %gather3A_1156 : memref<128x512xf32, #tpu.memory_space<vmem>>[vector<16xi32>, vector<16xi32>], vector<16xf32>,
      %get3A_1160 = arith.index_cast %mul3A_16 : i32 to index
      %get3A_1161 = arith.constant 80 : index
      %get3A_1162 = tpu.vector_load %arg5[%get3A_1160, %get3A_1161] {strides = array<i32>} : memref<32x128xi32, #tpu.memory_space<vmem>>, vector<16xi32>,
      %and3A_1163 = arith.constant 7 : i32
      %and3A_1164 = vector.broadcast %and3A_1163 : i32 to vector<16xi32>
      %and3A_1165 = arith.andi %get3A_1162, %and3A_1164 : vector<16xi32>
      %add3A_1166 = arith.constant 80 : i32
      %add3A_1167 = vector.broadcast %add3A_1166 : i32 to vector<16xi32>
      %add3A_1168 = arith.addi %iota3A, %add3A_1167 : vector<16xi32>
      %mul3A_1169 = arith.constant 128 : i32
      %mul3A_1170 = arith.muli %mul3A_16, %mul3A_1169 : i32
      %add3A_1171 = arith.constant 80 : i32
      %add3A_1172 = arith.addi %mul3A_1170, %add3A_1171 : i32
      %add3A_1173 = vector.broadcast %add3A_1172 : i32 to vector<16xi32>
      %add3A_1174 = arith.addi %iota3A, %add3A_1173 : vector<16xi32>
      %mul3A_1175 = arith.constant 20165 : i32
      %mul3A_1176 = vector.broadcast %mul3A_1175 : i32 to vector<16xi32>
      %mul3A_1177 = arith.muli %add3A_1174, %mul3A_1176 : vector<16xi32>
      %shift_right_logical3A_1178 = arith.constant 19 : i32
      %shift_right_logical3A_1179 = vector.broadcast %shift_right_logical3A_1178 : i32 to vector<16xi32>
      %shift_right_logical3A_1180 = arith.shrui %mul3A_1177, %shift_right_logical3A_1179 : vector<16xi32>
      %mul3A_1181 = arith.constant 26 : i32
      %mul3A_1182 = vector.broadcast %mul3A_1181 : i32 to vector<16xi32>
      %mul3A_1183 = arith.muli %shift_right_logical3A_1180, %mul3A_1182 : vector<16xi32>
      %sub3A_1184 = arith.subi %add3A_1174, %mul3A_1183 : vector<16xi32>
      %mul3A_1185 = arith.constant 16 : i32
      %mul3A_1186 = vector.broadcast %mul3A_1185 : i32 to vector<16xi32>
      %mul3A_1187 = arith.muli %sub3A_1184, %mul3A_1186 : vector<16xi32>
      %mul3A_1188 = arith.constant 16 : i32
      %mul3A_1189 = vector.broadcast %mul3A_1188 : i32 to vector<16xi32>
      %mul3A_1190 = arith.muli %and3A_1165, %mul3A_1189 : vector<16xi32>
      %add3A_1191 = arith.constant 0 : i32
      %add3A_1192 = vector.broadcast %add3A_1191 : i32 to vector<16xi32>
      %add3A_1193 = arith.addi %mul3A_1190, %add3A_1192 : vector<16xi32>
      %gather3A_1194 = arith.constant 0 : i32
      %gather3A_1195 = arith.constant 0 : i32
      %gather3A_1196 = arith.constant 0 : i32
      %gather3A_1197 = tpu.memref_slice %arg7[%gather3A_1194, %gather3A_1195, %gather3A_1196] : memref<2x128x128xf32, #tpu.memory_space<vmem>> -> memref<1x128x128xf32, #tpu.memory_space<vmem>>
      %gather3A_1198 = tpu.memref_squeeze %gather3A_1197 : memref<1x128x128xf32, #tpu.memory_space<vmem>> -> memref<128x128xf32, #tpu.memory_space<vmem>>
      %gather3A_1199 = tpu.vector_load_idx %gather3A_1198[%add3A_1168, %add3A_1193] : memref<128x128xf32, #tpu.memory_space<vmem>>[vector<16xi32>, vector<16xi32>], vector<16xf32>,
      %add3A_1200 = arith.constant 0 : i32
      %add3A_1201 = vector.broadcast %add3A_1200 : i32 to vector<16xi32>
      %add3A_1202 = arith.addi %mul3A_1187, %add3A_1201 : vector<16xi32>
      tpu.vector_store_idx %arg8[%shift_right_logical3A_1180, %add3A_1202], %gather3A_1199 : memref<128x512xf32, #tpu.memory_space<vmem>>[vector<16xi32>, vector<16xi32>], vector<16xf32>,
      %add3A_1203 = arith.constant 1 : i32
      %add3A_1204 = vector.broadcast %add3A_1203 : i32 to vector<16xi32>
      %add3A_1205 = arith.addi %mul3A_1190, %add3A_1204 : vector<16xi32>
      %gather3A_1206 = arith.constant 0 : i32
      %gather3A_1207 = arith.constant 0 : i32
      %gather3A_1208 = arith.constant 0 : i32
      %gather3A_1209 = tpu.memref_slice %arg7[%gather3A_1206, %gather3A_1207, %gather3A_1208] : memref<2x128x128xf32, #tpu.memory_space<vmem>> -> memref<1x128x128xf32, #tpu.memory_space<vmem>>
      %gather3A_1210 = tpu.memref_squeeze %gather3A_1209 : memref<1x128x128xf32, #tpu.memory_space<vmem>> -> memref<128x128xf32, #tpu.memory_space<vmem>>
      %gather3A_1211 = tpu.vector_load_idx %gather3A_1210[%add3A_1168, %add3A_1205] : memref<128x128xf32, #tpu.memory_space<vmem>>[vector<16xi32>, vector<16xi32>], vector<16xf32>,
      %add3A_1212 = arith.constant 1 : i32
      %add3A_1213 = vector.broadcast %add3A_1212 : i32 to vector<16xi32>
      %add3A_1214 = arith.addi %mul3A_1187, %add3A_1213 : vector<16xi32>
      tpu.vector_store_idx %arg8[%shift_right_logical3A_1180, %add3A_1214], %gather3A_1211 : memref<128x512xf32, #tpu.memory_space<vmem>>[vector<16xi32>, vector<16xi32>], vector<16xf32>,
      %add3A_1215 = arith.constant 2 : i32
      %add3A_1216 = vector.broadcast %add3A_1215 : i32 to vector<16xi32>
      %add3A_1217 = arith.addi %mul3A_1190, %add3A_1216 : vector<16xi32>
      %gather3A_1218 = arith.constant 0 : i32
      %gather3A_1219 = arith.constant 0 : i32
      %gather3A_1220 = arith.constant 0 : i32
      %gather3A_1221 = tpu.memref_slice %arg7[%gather3A_1218, %gather3A_1219, %gather3A_1220] : memref<2x128x128xf32, #tpu.memory_space<vmem>> -> memref<1x128x128xf32, #tpu.memory_space<vmem>>
      %gather3A_1222 = tpu.memref_squeeze %gather3A_1221 : memref<1x128x128xf32, #tpu.memory_space<vmem>> -> memref<128x128xf32, #tpu.memory_space<vmem>>
      %gather3A_1223 = tpu.vector_load_idx %gather3A_1222[%add3A_1168, %add3A_1217] : memref<128x128xf32, #tpu.memory_space<vmem>>[vector<16xi32>, vector<16xi32>], vector<16xf32>,
      %add3A_1224 = arith.constant 2 : i32
      %add3A_1225 = vector.broadcast %add3A_1224 : i32 to vector<16xi32>
      %add3A_1226 = arith.addi %mul3A_1187, %add3A_1225 : vector<16xi32>
      tpu.vector_store_idx %arg8[%shift_right_logical3A_1180, %add3A_1226], %gather3A_1223 : memref<128x512xf32, #tpu.memory_space<vmem>>[vector<16xi32>, vector<16xi32>], vector<16xf32>,
      %add3A_1227 = arith.constant 3 : i32
      %add3A_1228 = vector.broadcast %add3A_1227 : i32 to vector<16xi32>
      %add3A_1229 = arith.addi %mul3A_1190, %add3A_1228 : vector<16xi32>
      %gather3A_1230 = arith.constant 0 : i32
      %gather3A_1231 = arith.constant 0 : i32
      %gather3A_1232 = arith.constant 0 : i32
      %gather3A_1233 = tpu.memref_slice %arg7[%gather3A_1230, %gather3A_1231, %gather3A_1232] : memref<2x128x128xf32, #tpu.memory_space<vmem>> -> memref<1x128x128xf32, #tpu.memory_space<vmem>>
      %gather3A_1234 = tpu.memref_squeeze %gather3A_1233 : memref<1x128x128xf32, #tpu.memory_space<vmem>> -> memref<128x128xf32, #tpu.memory_space<vmem>>
      %gather3A_1235 = tpu.vector_load_idx %gather3A_1234[%add3A_1168, %add3A_1229] : memref<128x128xf32, #tpu.memory_space<vmem>>[vector<16xi32>, vector<16xi32>], vector<16xf32>,
      %add3A_1236 = arith.constant 3 : i32
      %add3A_1237 = vector.broadcast %add3A_1236 : i32 to vector<16xi32>
      %add3A_1238 = arith.addi %mul3A_1187, %add3A_1237 : vector<16xi32>
      tpu.vector_store_idx %arg8[%shift_right_logical3A_1180, %add3A_1238], %gather3A_1235 : memref<128x512xf32, #tpu.memory_space<vmem>>[vector<16xi32>, vector<16xi32>], vector<16xf32>,
      %add3A_1239 = arith.constant 4 : i32
      %add3A_1240 = vector.broadcast %add3A_1239 : i32 to vector<16xi32>
      %add3A_1241 = arith.addi %mul3A_1190, %add3A_1240 : vector<16xi32>
      %gather3A_1242 = arith.constant 0 : i32
      %gather3A_1243 = arith.constant 0 : i32
      %gather3A_1244 = arith.constant 0 : i32
      %gather3A_1245 = tpu.memref_slice %arg7[%gather3A_1242, %gather3A_1243, %gather3A_1244] : memref<2x128x128xf32, #tpu.memory_space<vmem>> -> memref<1x128x128xf32, #tpu.memory_space<vmem>>
      %gather3A_1246 = tpu.memref_squeeze %gather3A_1245 : memref<1x128x128xf32, #tpu.memory_space<vmem>> -> memref<128x128xf32, #tpu.memory_space<vmem>>
      %gather3A_1247 = tpu.vector_load_idx %gather3A_1246[%add3A_1168, %add3A_1241] : memref<128x128xf32, #tpu.memory_space<vmem>>[vector<16xi32>, vector<16xi32>], vector<16xf32>,
      %add3A_1248 = arith.constant 4 : i32
      %add3A_1249 = vector.broadcast %add3A_1248 : i32 to vector<16xi32>
      %add3A_1250 = arith.addi %mul3A_1187, %add3A_1249 : vector<16xi32>
      tpu.vector_store_idx %arg8[%shift_right_logical3A_1180, %add3A_1250], %gather3A_1247 : memref<128x512xf32, #tpu.memory_space<vmem>>[vector<16xi32>, vector<16xi32>], vector<16xf32>,
      %add3A_1251 = arith.constant 5 : i32
      %add3A_1252 = vector.broadcast %add3A_1251 : i32 to vector<16xi32>
      %add3A_1253 = arith.addi %mul3A_1190, %add3A_1252 : vector<16xi32>
      %gather3A_1254 = arith.constant 0 : i32
      %gather3A_1255 = arith.constant 0 : i32
      %gather3A_1256 = arith.constant 0 : i32
      %gather3A_1257 = tpu.memref_slice %arg7[%gather3A_1254, %gather3A_1255, %gather3A_1256] : memref<2x128x128xf32, #tpu.memory_space<vmem>> -> memref<1x128x128xf32, #tpu.memory_space<vmem>>
      %gather3A_1258 = tpu.memref_squeeze %gather3A_1257 : memref<1x128x128xf32, #tpu.memory_space<vmem>> -> memref<128x128xf32, #tpu.memory_space<vmem>>
      %gather3A_1259 = tpu.vector_load_idx %gather3A_1258[%add3A_1168, %add3A_1253] : memref<128x128xf32, #tpu.memory_space<vmem>>[vector<16xi32>, vector<16xi32>], vector<16xf32>,
      %add3A_1260 = arith.constant 5 : i32
      %add3A_1261 = vector.broadcast %add3A_1260 : i32 to vector<16xi32>
      %add3A_1262 = arith.addi %mul3A_1187, %add3A_1261 : vector<16xi32>
      tpu.vector_store_idx %arg8[%shift_right_logical3A_1180, %add3A_1262], %gather3A_1259 : memref<128x512xf32, #tpu.memory_space<vmem>>[vector<16xi32>, vector<16xi32>], vector<16xf32>,
      %add3A_1263 = arith.constant 6 : i32
      %add3A_1264 = vector.broadcast %add3A_1263 : i32 to vector<16xi32>
      %add3A_1265 = arith.addi %mul3A_1190, %add3A_1264 : vector<16xi32>
      %gather3A_1266 = arith.constant 0 : i32
      %gather3A_1267 = arith.constant 0 : i32
      %gather3A_1268 = arith.constant 0 : i32
      %gather3A_1269 = tpu.memref_slice %arg7[%gather3A_1266, %gather3A_1267, %gather3A_1268] : memref<2x128x128xf32, #tpu.memory_space<vmem>> -> memref<1x128x128xf32, #tpu.memory_space<vmem>>
      %gather3A_1270 = tpu.memref_squeeze %gather3A_1269 : memref<1x128x128xf32, #tpu.memory_space<vmem>> -> memref<128x128xf32, #tpu.memory_space<vmem>>
      %gather3A_1271 = tpu.vector_load_idx %gather3A_1270[%add3A_1168, %add3A_1265] : memref<128x128xf32, #tpu.memory_space<vmem>>[vector<16xi32>, vector<16xi32>], vector<16xf32>,
      %add3A_1272 = arith.constant 6 : i32
      %add3A_1273 = vector.broadcast %add3A_1272 : i32 to vector<16xi32>
      %add3A_1274 = arith.addi %mul3A_1187, %add3A_1273 : vector<16xi32>
      tpu.vector_store_idx %arg8[%shift_right_logical3A_1180, %add3A_1274], %gather3A_1271 : memref<128x512xf32, #tpu.memory_space<vmem>>[vector<16xi32>, vector<16xi32>], vector<16xf32>,
      %add3A_1275 = arith.constant 7 : i32
      %add3A_1276 = vector.broadcast %add3A_1275 : i32 to vector<16xi32>
      %add3A_1277 = arith.addi %mul3A_1190, %add3A_1276 : vector<16xi32>
      %gather3A_1278 = arith.constant 0 : i32
      %gather3A_1279 = arith.constant 0 : i32
      %gather3A_1280 = arith.constant 0 : i32
      %gather3A_1281 = tpu.memref_slice %arg7[%gather3A_1278, %gather3A_1279, %gather3A_1280] : memref<2x128x128xf32, #tpu.memory_space<vmem>> -> memref<1x128x128xf32, #tpu.memory_space<vmem>>
      %gather3A_1282 = tpu.memref_squeeze %gather3A_1281 : memref<1x128x128xf32, #tpu.memory_space<vmem>> -> memref<128x128xf32, #tpu.memory_space<vmem>>
      %gather3A_1283 = tpu.vector_load_idx %gather3A_1282[%add3A_1168, %add3A_1277] : memref<128x128xf32, #tpu.memory_space<vmem>>[vector<16xi32>, vector<16xi32>], vector<16xf32>,
      %add3A_1284 = arith.constant 7 : i32
      %add3A_1285 = vector.broadcast %add3A_1284 : i32 to vector<16xi32>
      %add3A_1286 = arith.addi %mul3A_1187, %add3A_1285 : vector<16xi32>
      tpu.vector_store_idx %arg8[%shift_right_logical3A_1180, %add3A_1286], %gather3A_1283 : memref<128x512xf32, #tpu.memory_space<vmem>>[vector<16xi32>, vector<16xi32>], vector<16xf32>,
      %add3A_1287 = arith.constant 8 : i32
      %add3A_1288 = vector.broadcast %add3A_1287 : i32 to vector<16xi32>
      %add3A_1289 = arith.addi %mul3A_1190, %add3A_1288 : vector<16xi32>
      %gather3A_1290 = arith.constant 0 : i32
      %gather3A_1291 = arith.constant 0 : i32
      %gather3A_1292 = arith.constant 0 : i32
      %gather3A_1293 = tpu.memref_slice %arg7[%gather3A_1290, %gather3A_1291, %gather3A_1292] : memref<2x128x128xf32, #tpu.memory_space<vmem>> -> memref<1x128x128xf32, #tpu.memory_space<vmem>>
      %gather3A_1294 = tpu.memref_squeeze %gather3A_1293 : memref<1x128x128xf32, #tpu.memory_space<vmem>> -> memref<128x128xf32, #tpu.memory_space<vmem>>
      %gather3A_1295 = tpu.vector_load_idx %gather3A_1294[%add3A_1168, %add3A_1289] : memref<128x128xf32, #tpu.memory_space<vmem>>[vector<16xi32>, vector<16xi32>], vector<16xf32>,
      %add3A_1296 = arith.constant 8 : i32
      %add3A_1297 = vector.broadcast %add3A_1296 : i32 to vector<16xi32>
      %add3A_1298 = arith.addi %mul3A_1187, %add3A_1297 : vector<16xi32>
      tpu.vector_store_idx %arg8[%shift_right_logical3A_1180, %add3A_1298], %gather3A_1295 : memref<128x512xf32, #tpu.memory_space<vmem>>[vector<16xi32>, vector<16xi32>], vector<16xf32>,
      %add3A_1299 = arith.constant 9 : i32
      %add3A_1300 = vector.broadcast %add3A_1299 : i32 to vector<16xi32>
      %add3A_1301 = arith.addi %mul3A_1190, %add3A_1300 : vector<16xi32>
      %gather3A_1302 = arith.constant 0 : i32
      %gather3A_1303 = arith.constant 0 : i32
      %gather3A_1304 = arith.constant 0 : i32
      %gather3A_1305 = tpu.memref_slice %arg7[%gather3A_1302, %gather3A_1303, %gather3A_1304] : memref<2x128x128xf32, #tpu.memory_space<vmem>> -> memref<1x128x128xf32, #tpu.memory_space<vmem>>
      %gather3A_1306 = tpu.memref_squeeze %gather3A_1305 : memref<1x128x128xf32, #tpu.memory_space<vmem>> -> memref<128x128xf32, #tpu.memory_space<vmem>>
      %gather3A_1307 = tpu.vector_load_idx %gather3A_1306[%add3A_1168, %add3A_1301] : memref<128x128xf32, #tpu.memory_space<vmem>>[vector<16xi32>, vector<16xi32>], vector<16xf32>,
      %add3A_1308 = arith.constant 9 : i32
      %add3A_1309 = vector.broadcast %add3A_1308 : i32 to vector<16xi32>
      %add3A_1310 = arith.addi %mul3A_1187, %add3A_1309 : vector<16xi32>
      tpu.vector_store_idx %arg8[%shift_right_logical3A_1180, %add3A_1310], %gather3A_1307 : memref<128x512xf32, #tpu.memory_space<vmem>>[vector<16xi32>, vector<16xi32>], vector<16xf32>,
      %add3A_1311 = arith.constant 10 : i32
      %add3A_1312 = vector.broadcast %add3A_1311 : i32 to vector<16xi32>
      %add3A_1313 = arith.addi %mul3A_1190, %add3A_1312 : vector<16xi32>
      %gather3A_1314 = arith.constant 0 : i32
      %gather3A_1315 = arith.constant 0 : i32
      %gather3A_1316 = arith.constant 0 : i32
      %gather3A_1317 = tpu.memref_slice %arg7[%gather3A_1314, %gather3A_1315, %gather3A_1316] : memref<2x128x128xf32, #tpu.memory_space<vmem>> -> memref<1x128x128xf32, #tpu.memory_space<vmem>>
      %gather3A_1318 = tpu.memref_squeeze %gather3A_1317 : memref<1x128x128xf32, #tpu.memory_space<vmem>> -> memref<128x128xf32, #tpu.memory_space<vmem>>
      %gather3A_1319 = tpu.vector_load_idx %gather3A_1318[%add3A_1168, %add3A_1313] : memref<128x128xf32, #tpu.memory_space<vmem>>[vector<16xi32>, vector<16xi32>], vector<16xf32>,
      %add3A_1320 = arith.constant 10 : i32
      %add3A_1321 = vector.broadcast %add3A_1320 : i32 to vector<16xi32>
      %add3A_1322 = arith.addi %mul3A_1187, %add3A_1321 : vector<16xi32>
      tpu.vector_store_idx %arg8[%shift_right_logical3A_1180, %add3A_1322], %gather3A_1319 : memref<128x512xf32, #tpu.memory_space<vmem>>[vector<16xi32>, vector<16xi32>], vector<16xf32>,
      %add3A_1323 = arith.constant 11 : i32
      %add3A_1324 = vector.broadcast %add3A_1323 : i32 to vector<16xi32>
      %add3A_1325 = arith.addi %mul3A_1190, %add3A_1324 : vector<16xi32>
      %gather3A_1326 = arith.constant 0 : i32
      %gather3A_1327 = arith.constant 0 : i32
      %gather3A_1328 = arith.constant 0 : i32
      %gather3A_1329 = tpu.memref_slice %arg7[%gather3A_1326, %gather3A_1327, %gather3A_1328] : memref<2x128x128xf32, #tpu.memory_space<vmem>> -> memref<1x128x128xf32, #tpu.memory_space<vmem>>
      %gather3A_1330 = tpu.memref_squeeze %gather3A_1329 : memref<1x128x128xf32, #tpu.memory_space<vmem>> -> memref<128x128xf32, #tpu.memory_space<vmem>>
      %gather3A_1331 = tpu.vector_load_idx %gather3A_1330[%add3A_1168, %add3A_1325] : memref<128x128xf32, #tpu.memory_space<vmem>>[vector<16xi32>, vector<16xi32>], vector<16xf32>,
      %add3A_1332 = arith.constant 11 : i32
      %add3A_1333 = vector.broadcast %add3A_1332 : i32 to vector<16xi32>
      %add3A_1334 = arith.addi %mul3A_1187, %add3A_1333 : vector<16xi32>
      tpu.vector_store_idx %arg8[%shift_right_logical3A_1180, %add3A_1334], %gather3A_1331 : memref<128x512xf32, #tpu.memory_space<vmem>>[vector<16xi32>, vector<16xi32>], vector<16xf32>,
      %add3A_1335 = arith.constant 12 : i32
      %add3A_1336 = vector.broadcast %add3A_1335 : i32 to vector<16xi32>
      %add3A_1337 = arith.addi %mul3A_1190, %add3A_1336 : vector<16xi32>
      %gather3A_1338 = arith.constant 0 : i32
      %gather3A_1339 = arith.constant 0 : i32
      %gather3A_1340 = arith.constant 0 : i32
      %gather3A_1341 = tpu.memref_slice %arg7[%gather3A_1338, %gather3A_1339, %gather3A_1340] : memref<2x128x128xf32, #tpu.memory_space<vmem>> -> memref<1x128x128xf32, #tpu.memory_space<vmem>>
      %gather3A_1342 = tpu.memref_squeeze %gather3A_1341 : memref<1x128x128xf32, #tpu.memory_space<vmem>> -> memref<128x128xf32, #tpu.memory_space<vmem>>
      %gather3A_1343 = tpu.vector_load_idx %gather3A_1342[%add3A_1168, %add3A_1337] : memref<128x128xf32, #tpu.memory_space<vmem>>[vector<16xi32>, vector<16xi32>], vector<16xf32>,
      %add3A_1344 = arith.constant 12 : i32
      %add3A_1345 = vector.broadcast %add3A_1344 : i32 to vector<16xi32>
      %add3A_1346 = arith.addi %mul3A_1187, %add3A_1345 : vector<16xi32>
      tpu.vector_store_idx %arg8[%shift_right_logical3A_1180, %add3A_1346], %gather3A_1343 : memref<128x512xf32, #tpu.memory_space<vmem>>[vector<16xi32>, vector<16xi32>], vector<16xf32>,
      %add3A_1347 = arith.constant 13 : i32
      %add3A_1348 = vector.broadcast %add3A_1347 : i32 to vector<16xi32>
      %add3A_1349 = arith.addi %mul3A_1190, %add3A_1348 : vector<16xi32>
      %gather3A_1350 = arith.constant 0 : i32
      %gather3A_1351 = arith.constant 0 : i32
      %gather3A_1352 = arith.constant 0 : i32
      %gather3A_1353 = tpu.memref_slice %arg7[%gather3A_1350, %gather3A_1351, %gather3A_1352] : memref<2x128x128xf32, #tpu.memory_space<vmem>> -> memref<1x128x128xf32, #tpu.memory_space<vmem>>
      %gather3A_1354 = tpu.memref_squeeze %gather3A_1353 : memref<1x128x128xf32, #tpu.memory_space<vmem>> -> memref<128x128xf32, #tpu.memory_space<vmem>>
      %gather3A_1355 = tpu.vector_load_idx %gather3A_1354[%add3A_1168, %add3A_1349] : memref<128x128xf32, #tpu.memory_space<vmem>>[vector<16xi32>, vector<16xi32>], vector<16xf32>,
      %add3A_1356 = arith.constant 13 : i32
      %add3A_1357 = vector.broadcast %add3A_1356 : i32 to vector<16xi32>
      %add3A_1358 = arith.addi %mul3A_1187, %add3A_1357 : vector<16xi32>
      tpu.vector_store_idx %arg8[%shift_right_logical3A_1180, %add3A_1358], %gather3A_1355 : memref<128x512xf32, #tpu.memory_space<vmem>>[vector<16xi32>, vector<16xi32>], vector<16xf32>,
      %add3A_1359 = arith.constant 14 : i32
      %add3A_1360 = vector.broadcast %add3A_1359 : i32 to vector<16xi32>
      %add3A_1361 = arith.addi %mul3A_1190, %add3A_1360 : vector<16xi32>
      %gather3A_1362 = arith.constant 0 : i32
      %gather3A_1363 = arith.constant 0 : i32
      %gather3A_1364 = arith.constant 0 : i32
      %gather3A_1365 = tpu.memref_slice %arg7[%gather3A_1362, %gather3A_1363, %gather3A_1364] : memref<2x128x128xf32, #tpu.memory_space<vmem>> -> memref<1x128x128xf32, #tpu.memory_space<vmem>>
      %gather3A_1366 = tpu.memref_squeeze %gather3A_1365 : memref<1x128x128xf32, #tpu.memory_space<vmem>> -> memref<128x128xf32, #tpu.memory_space<vmem>>
      %gather3A_1367 = tpu.vector_load_idx %gather3A_1366[%add3A_1168, %add3A_1361] : memref<128x128xf32, #tpu.memory_space<vmem>>[vector<16xi32>, vector<16xi32>], vector<16xf32>,
      %add3A_1368 = arith.constant 14 : i32
      %add3A_1369 = vector.broadcast %add3A_1368 : i32 to vector<16xi32>
      %add3A_1370 = arith.addi %mul3A_1187, %add3A_1369 : vector<16xi32>
      tpu.vector_store_idx %arg8[%shift_right_logical3A_1180, %add3A_1370], %gather3A_1367 : memref<128x512xf32, #tpu.memory_space<vmem>>[vector<16xi32>, vector<16xi32>], vector<16xf32>,
      %add3A_1371 = arith.constant 15 : i32
      %add3A_1372 = vector.broadcast %add3A_1371 : i32 to vector<16xi32>
      %add3A_1373 = arith.addi %mul3A_1190, %add3A_1372 : vector<16xi32>
      %gather3A_1374 = arith.constant 0 : i32
      %gather3A_1375 = arith.constant 0 : i32
      %gather3A_1376 = arith.constant 0 : i32
      %gather3A_1377 = tpu.memref_slice %arg7[%gather3A_1374, %gather3A_1375, %gather3A_1376] : memref<2x128x128xf32, #tpu.memory_space<vmem>> -> memref<1x128x128xf32, #tpu.memory_space<vmem>>
      %gather3A_1378 = tpu.memref_squeeze %gather3A_1377 : memref<1x128x128xf32, #tpu.memory_space<vmem>> -> memref<128x128xf32, #tpu.memory_space<vmem>>
      %gather3A_1379 = tpu.vector_load_idx %gather3A_1378[%add3A_1168, %add3A_1373] : memref<128x128xf32, #tpu.memory_space<vmem>>[vector<16xi32>, vector<16xi32>], vector<16xf32>,
      %add3A_1380 = arith.constant 15 : i32
      %add3A_1381 = vector.broadcast %add3A_1380 : i32 to vector<16xi32>
      %add3A_1382 = arith.addi %mul3A_1187, %add3A_1381 : vector<16xi32>
      tpu.vector_store_idx %arg8[%shift_right_logical3A_1180, %add3A_1382], %gather3A_1379 : memref<128x512xf32, #tpu.memory_space<vmem>>[vector<16xi32>, vector<16xi32>], vector<16xf32>,
      %get3A_1383 = arith.index_cast %mul3A_16 : i32 to index
      %get3A_1384 = arith.constant 96 : index
      %get3A_1385 = tpu.vector_load %arg5[%get3A_1383, %get3A_1384] {strides = array<i32>} : memref<32x128xi32, #tpu.memory_space<vmem>>, vector<16xi32>,
      %and3A_1386 = arith.constant 7 : i32
      %and3A_1387 = vector.broadcast %and3A_1386 : i32 to vector<16xi32>
      %and3A_1388 = arith.andi %get3A_1385, %and3A_1387 : vector<16xi32>
      %add3A_1389 = arith.constant 96 : i32
      %add3A_1390 = vector.broadcast %add3A_1389 : i32 to vector<16xi32>
      %add3A_1391 = arith.addi %iota3A, %add3A_1390 : vector<16xi32>
      %mul3A_1392 = arith.constant 128 : i32
      %mul3A_1393 = arith.muli %mul3A_16, %mul3A_1392 : i32
      %add3A_1394 = arith.constant 96 : i32
      %add3A_1395 = arith.addi %mul3A_1393, %add3A_1394 : i32
      %add3A_1396 = vector.broadcast %add3A_1395 : i32 to vector<16xi32>
      %add3A_1397 = arith.addi %iota3A, %add3A_1396 : vector<16xi32>
      %mul3A_1398 = arith.constant 20165 : i32
      %mul3A_1399 = vector.broadcast %mul3A_1398 : i32 to vector<16xi32>
      %mul3A_1400 = arith.muli %add3A_1397, %mul3A_1399 : vector<16xi32>
      %shift_right_logical3A_1401 = arith.constant 19 : i32
      %shift_right_logical3A_1402 = vector.broadcast %shift_right_logical3A_1401 : i32 to vector<16xi32>
      %shift_right_logical3A_1403 = arith.shrui %mul3A_1400, %shift_right_logical3A_1402 : vector<16xi32>
      %mul3A_1404 = arith.constant 26 : i32
      %mul3A_1405 = vector.broadcast %mul3A_1404 : i32 to vector<16xi32>
      %mul3A_1406 = arith.muli %shift_right_logical3A_1403, %mul3A_1405 : vector<16xi32>
      %sub3A_1407 = arith.subi %add3A_1397, %mul3A_1406 : vector<16xi32>
      %mul3A_1408 = arith.constant 16 : i32
      %mul3A_1409 = vector.broadcast %mul3A_1408 : i32 to vector<16xi32>
      %mul3A_1410 = arith.muli %sub3A_1407, %mul3A_1409 : vector<16xi32>
      %mul3A_1411 = arith.constant 16 : i32
      %mul3A_1412 = vector.broadcast %mul3A_1411 : i32 to vector<16xi32>
      %mul3A_1413 = arith.muli %and3A_1388, %mul3A_1412 : vector<16xi32>
      %add3A_1414 = arith.constant 0 : i32
      %add3A_1415 = vector.broadcast %add3A_1414 : i32 to vector<16xi32>
      %add3A_1416 = arith.addi %mul3A_1413, %add3A_1415 : vector<16xi32>
      %gather3A_1417 = arith.constant 0 : i32
      %gather3A_1418 = arith.constant 0 : i32
      %gather3A_1419 = arith.constant 0 : i32
      %gather3A_1420 = tpu.memref_slice %arg7[%gather3A_1417, %gather3A_1418, %gather3A_1419] : memref<2x128x128xf32, #tpu.memory_space<vmem>> -> memref<1x128x128xf32, #tpu.memory_space<vmem>>
      %gather3A_1421 = tpu.memref_squeeze %gather3A_1420 : memref<1x128x128xf32, #tpu.memory_space<vmem>> -> memref<128x128xf32, #tpu.memory_space<vmem>>
      %gather3A_1422 = tpu.vector_load_idx %gather3A_1421[%add3A_1391, %add3A_1416] : memref<128x128xf32, #tpu.memory_space<vmem>>[vector<16xi32>, vector<16xi32>], vector<16xf32>,
      %add3A_1423 = arith.constant 0 : i32
      %add3A_1424 = vector.broadcast %add3A_1423 : i32 to vector<16xi32>
      %add3A_1425 = arith.addi %mul3A_1410, %add3A_1424 : vector<16xi32>
      tpu.vector_store_idx %arg8[%shift_right_logical3A_1403, %add3A_1425], %gather3A_1422 : memref<128x512xf32, #tpu.memory_space<vmem>>[vector<16xi32>, vector<16xi32>], vector<16xf32>,
      %add3A_1426 = arith.constant 1 : i32
      %add3A_1427 = vector.broadcast %add3A_1426 : i32 to vector<16xi32>
      %add3A_1428 = arith.addi %mul3A_1413, %add3A_1427 : vector<16xi32>
      %gather3A_1429 = arith.constant 0 : i32
      %gather3A_1430 = arith.constant 0 : i32
      %gather3A_1431 = arith.constant 0 : i32
      %gather3A_1432 = tpu.memref_slice %arg7[%gather3A_1429, %gather3A_1430, %gather3A_1431] : memref<2x128x128xf32, #tpu.memory_space<vmem>> -> memref<1x128x128xf32, #tpu.memory_space<vmem>>
      %gather3A_1433 = tpu.memref_squeeze %gather3A_1432 : memref<1x128x128xf32, #tpu.memory_space<vmem>> -> memref<128x128xf32, #tpu.memory_space<vmem>>
      %gather3A_1434 = tpu.vector_load_idx %gather3A_1433[%add3A_1391, %add3A_1428] : memref<128x128xf32, #tpu.memory_space<vmem>>[vector<16xi32>, vector<16xi32>], vector<16xf32>,
      %add3A_1435 = arith.constant 1 : i32
      %add3A_1436 = vector.broadcast %add3A_1435 : i32 to vector<16xi32>
      %add3A_1437 = arith.addi %mul3A_1410, %add3A_1436 : vector<16xi32>
      tpu.vector_store_idx %arg8[%shift_right_logical3A_1403, %add3A_1437], %gather3A_1434 : memref<128x512xf32, #tpu.memory_space<vmem>>[vector<16xi32>, vector<16xi32>], vector<16xf32>,
      %add3A_1438 = arith.constant 2 : i32
      %add3A_1439 = vector.broadcast %add3A_1438 : i32 to vector<16xi32>
      %add3A_1440 = arith.addi %mul3A_1413, %add3A_1439 : vector<16xi32>
      %gather3A_1441 = arith.constant 0 : i32
      %gather3A_1442 = arith.constant 0 : i32
      %gather3A_1443 = arith.constant 0 : i32
      %gather3A_1444 = tpu.memref_slice %arg7[%gather3A_1441, %gather3A_1442, %gather3A_1443] : memref<2x128x128xf32, #tpu.memory_space<vmem>> -> memref<1x128x128xf32, #tpu.memory_space<vmem>>
      %gather3A_1445 = tpu.memref_squeeze %gather3A_1444 : memref<1x128x128xf32, #tpu.memory_space<vmem>> -> memref<128x128xf32, #tpu.memory_space<vmem>>
      %gather3A_1446 = tpu.vector_load_idx %gather3A_1445[%add3A_1391, %add3A_1440] : memref<128x128xf32, #tpu.memory_space<vmem>>[vector<16xi32>, vector<16xi32>], vector<16xf32>,
      %add3A_1447 = arith.constant 2 : i32
      %add3A_1448 = vector.broadcast %add3A_1447 : i32 to vector<16xi32>
      %add3A_1449 = arith.addi %mul3A_1410, %add3A_1448 : vector<16xi32>
      tpu.vector_store_idx %arg8[%shift_right_logical3A_1403, %add3A_1449], %gather3A_1446 : memref<128x512xf32, #tpu.memory_space<vmem>>[vector<16xi32>, vector<16xi32>], vector<16xf32>,
      %add3A_1450 = arith.constant 3 : i32
      %add3A_1451 = vector.broadcast %add3A_1450 : i32 to vector<16xi32>
      %add3A_1452 = arith.addi %mul3A_1413, %add3A_1451 : vector<16xi32>
      %gather3A_1453 = arith.constant 0 : i32
      %gather3A_1454 = arith.constant 0 : i32
      %gather3A_1455 = arith.constant 0 : i32
      %gather3A_1456 = tpu.memref_slice %arg7[%gather3A_1453, %gather3A_1454, %gather3A_1455] : memref<2x128x128xf32, #tpu.memory_space<vmem>> -> memref<1x128x128xf32, #tpu.memory_space<vmem>>
      %gather3A_1457 = tpu.memref_squeeze %gather3A_1456 : memref<1x128x128xf32, #tpu.memory_space<vmem>> -> memref<128x128xf32, #tpu.memory_space<vmem>>
      %gather3A_1458 = tpu.vector_load_idx %gather3A_1457[%add3A_1391, %add3A_1452] : memref<128x128xf32, #tpu.memory_space<vmem>>[vector<16xi32>, vector<16xi32>], vector<16xf32>,
      %add3A_1459 = arith.constant 3 : i32
      %add3A_1460 = vector.broadcast %add3A_1459 : i32 to vector<16xi32>
      %add3A_1461 = arith.addi %mul3A_1410, %add3A_1460 : vector<16xi32>
      tpu.vector_store_idx %arg8[%shift_right_logical3A_1403, %add3A_1461], %gather3A_1458 : memref<128x512xf32, #tpu.memory_space<vmem>>[vector<16xi32>, vector<16xi32>], vector<16xf32>,
      %add3A_1462 = arith.constant 4 : i32
      %add3A_1463 = vector.broadcast %add3A_1462 : i32 to vector<16xi32>
      %add3A_1464 = arith.addi %mul3A_1413, %add3A_1463 : vector<16xi32>
      %gather3A_1465 = arith.constant 0 : i32
      %gather3A_1466 = arith.constant 0 : i32
      %gather3A_1467 = arith.constant 0 : i32
      %gather3A_1468 = tpu.memref_slice %arg7[%gather3A_1465, %gather3A_1466, %gather3A_1467] : memref<2x128x128xf32, #tpu.memory_space<vmem>> -> memref<1x128x128xf32, #tpu.memory_space<vmem>>
      %gather3A_1469 = tpu.memref_squeeze %gather3A_1468 : memref<1x128x128xf32, #tpu.memory_space<vmem>> -> memref<128x128xf32, #tpu.memory_space<vmem>>
      %gather3A_1470 = tpu.vector_load_idx %gather3A_1469[%add3A_1391, %add3A_1464] : memref<128x128xf32, #tpu.memory_space<vmem>>[vector<16xi32>, vector<16xi32>], vector<16xf32>,
      %add3A_1471 = arith.constant 4 : i32
      %add3A_1472 = vector.broadcast %add3A_1471 : i32 to vector<16xi32>
      %add3A_1473 = arith.addi %mul3A_1410, %add3A_1472 : vector<16xi32>
      tpu.vector_store_idx %arg8[%shift_right_logical3A_1403, %add3A_1473], %gather3A_1470 : memref<128x512xf32, #tpu.memory_space<vmem>>[vector<16xi32>, vector<16xi32>], vector<16xf32>,
      %add3A_1474 = arith.constant 5 : i32
      %add3A_1475 = vector.broadcast %add3A_1474 : i32 to vector<16xi32>
      %add3A_1476 = arith.addi %mul3A_1413, %add3A_1475 : vector<16xi32>
      %gather3A_1477 = arith.constant 0 : i32
      %gather3A_1478 = arith.constant 0 : i32
      %gather3A_1479 = arith.constant 0 : i32
      %gather3A_1480 = tpu.memref_slice %arg7[%gather3A_1477, %gather3A_1478, %gather3A_1479] : memref<2x128x128xf32, #tpu.memory_space<vmem>> -> memref<1x128x128xf32, #tpu.memory_space<vmem>>
      %gather3A_1481 = tpu.memref_squeeze %gather3A_1480 : memref<1x128x128xf32, #tpu.memory_space<vmem>> -> memref<128x128xf32, #tpu.memory_space<vmem>>
      %gather3A_1482 = tpu.vector_load_idx %gather3A_1481[%add3A_1391, %add3A_1476] : memref<128x128xf32, #tpu.memory_space<vmem>>[vector<16xi32>, vector<16xi32>], vector<16xf32>,
      %add3A_1483 = arith.constant 5 : i32
      %add3A_1484 = vector.broadcast %add3A_1483 : i32 to vector<16xi32>
      %add3A_1485 = arith.addi %mul3A_1410, %add3A_1484 : vector<16xi32>
      tpu.vector_store_idx %arg8[%shift_right_logical3A_1403, %add3A_1485], %gather3A_1482 : memref<128x512xf32, #tpu.memory_space<vmem>>[vector<16xi32>, vector<16xi32>], vector<16xf32>,
      %add3A_1486 = arith.constant 6 : i32
      %add3A_1487 = vector.broadcast %add3A_1486 : i32 to vector<16xi32>
      %add3A_1488 = arith.addi %mul3A_1413, %add3A_1487 : vector<16xi32>
      %gather3A_1489 = arith.constant 0 : i32
      %gather3A_1490 = arith.constant 0 : i32
      %gather3A_1491 = arith.constant 0 : i32
      %gather3A_1492 = tpu.memref_slice %arg7[%gather3A_1489, %gather3A_1490, %gather3A_1491] : memref<2x128x128xf32, #tpu.memory_space<vmem>> -> memref<1x128x128xf32, #tpu.memory_space<vmem>>
      %gather3A_1493 = tpu.memref_squeeze %gather3A_1492 : memref<1x128x128xf32, #tpu.memory_space<vmem>> -> memref<128x128xf32, #tpu.memory_space<vmem>>
      %gather3A_1494 = tpu.vector_load_idx %gather3A_1493[%add3A_1391, %add3A_1488] : memref<128x128xf32, #tpu.memory_space<vmem>>[vector<16xi32>, vector<16xi32>], vector<16xf32>,
      %add3A_1495 = arith.constant 6 : i32
      %add3A_1496 = vector.broadcast %add3A_1495 : i32 to vector<16xi32>
      %add3A_1497 = arith.addi %mul3A_1410, %add3A_1496 : vector<16xi32>
      tpu.vector_store_idx %arg8[%shift_right_logical3A_1403, %add3A_1497], %gather3A_1494 : memref<128x512xf32, #tpu.memory_space<vmem>>[vector<16xi32>, vector<16xi32>], vector<16xf32>,
      %add3A_1498 = arith.constant 7 : i32
      %add3A_1499 = vector.broadcast %add3A_1498 : i32 to vector<16xi32>
      %add3A_1500 = arith.addi %mul3A_1413, %add3A_1499 : vector<16xi32>
      %gather3A_1501 = arith.constant 0 : i32
      %gather3A_1502 = arith.constant 0 : i32
      %gather3A_1503 = arith.constant 0 : i32
      %gather3A_1504 = tpu.memref_slice %arg7[%gather3A_1501, %gather3A_1502, %gather3A_1503] : memref<2x128x128xf32, #tpu.memory_space<vmem>> -> memref<1x128x128xf32, #tpu.memory_space<vmem>>
      %gather3A_1505 = tpu.memref_squeeze %gather3A_1504 : memref<1x128x128xf32, #tpu.memory_space<vmem>> -> memref<128x128xf32, #tpu.memory_space<vmem>>
      %gather3A_1506 = tpu.vector_load_idx %gather3A_1505[%add3A_1391, %add3A_1500] : memref<128x128xf32, #tpu.memory_space<vmem>>[vector<16xi32>, vector<16xi32>], vector<16xf32>,
      %add3A_1507 = arith.constant 7 : i32
      %add3A_1508 = vector.broadcast %add3A_1507 : i32 to vector<16xi32>
      %add3A_1509 = arith.addi %mul3A_1410, %add3A_1508 : vector<16xi32>
      tpu.vector_store_idx %arg8[%shift_right_logical3A_1403, %add3A_1509], %gather3A_1506 : memref<128x512xf32, #tpu.memory_space<vmem>>[vector<16xi32>, vector<16xi32>], vector<16xf32>,
      %add3A_1510 = arith.constant 8 : i32
      %add3A_1511 = vector.broadcast %add3A_1510 : i32 to vector<16xi32>
      %add3A_1512 = arith.addi %mul3A_1413, %add3A_1511 : vector<16xi32>
      %gather3A_1513 = arith.constant 0 : i32
      %gather3A_1514 = arith.constant 0 : i32
      %gather3A_1515 = arith.constant 0 : i32
      %gather3A_1516 = tpu.memref_slice %arg7[%gather3A_1513, %gather3A_1514, %gather3A_1515] : memref<2x128x128xf32, #tpu.memory_space<vmem>> -> memref<1x128x128xf32, #tpu.memory_space<vmem>>
      %gather3A_1517 = tpu.memref_squeeze %gather3A_1516 : memref<1x128x128xf32, #tpu.memory_space<vmem>> -> memref<128x128xf32, #tpu.memory_space<vmem>>
      %gather3A_1518 = tpu.vector_load_idx %gather3A_1517[%add3A_1391, %add3A_1512] : memref<128x128xf32, #tpu.memory_space<vmem>>[vector<16xi32>, vector<16xi32>], vector<16xf32>,
      %add3A_1519 = arith.constant 8 : i32
      %add3A_1520 = vector.broadcast %add3A_1519 : i32 to vector<16xi32>
      %add3A_1521 = arith.addi %mul3A_1410, %add3A_1520 : vector<16xi32>
      tpu.vector_store_idx %arg8[%shift_right_logical3A_1403, %add3A_1521], %gather3A_1518 : memref<128x512xf32, #tpu.memory_space<vmem>>[vector<16xi32>, vector<16xi32>], vector<16xf32>,
      %add3A_1522 = arith.constant 9 : i32
      %add3A_1523 = vector.broadcast %add3A_1522 : i32 to vector<16xi32>
      %add3A_1524 = arith.addi %mul3A_1413, %add3A_1523 : vector<16xi32>
      %gather3A_1525 = arith.constant 0 : i32
      %gather3A_1526 = arith.constant 0 : i32
      %gather3A_1527 = arith.constant 0 : i32
      %gather3A_1528 = tpu.memref_slice %arg7[%gather3A_1525, %gather3A_1526, %gather3A_1527] : memref<2x128x128xf32, #tpu.memory_space<vmem>> -> memref<1x128x128xf32, #tpu.memory_space<vmem>>
      %gather3A_1529 = tpu.memref_squeeze %gather3A_1528 : memref<1x128x128xf32, #tpu.memory_space<vmem>> -> memref<128x128xf32, #tpu.memory_space<vmem>>
      %gather3A_1530 = tpu.vector_load_idx %gather3A_1529[%add3A_1391, %add3A_1524] : memref<128x128xf32, #tpu.memory_space<vmem>>[vector<16xi32>, vector<16xi32>], vector<16xf32>,
      %add3A_1531 = arith.constant 9 : i32
      %add3A_1532 = vector.broadcast %add3A_1531 : i32 to vector<16xi32>
      %add3A_1533 = arith.addi %mul3A_1410, %add3A_1532 : vector<16xi32>
      tpu.vector_store_idx %arg8[%shift_right_logical3A_1403, %add3A_1533], %gather3A_1530 : memref<128x512xf32, #tpu.memory_space<vmem>>[vector<16xi32>, vector<16xi32>], vector<16xf32>,
      %add3A_1534 = arith.constant 10 : i32
      %add3A_1535 = vector.broadcast %add3A_1534 : i32 to vector<16xi32>
      %add3A_1536 = arith.addi %mul3A_1413, %add3A_1535 : vector<16xi32>
      %gather3A_1537 = arith.constant 0 : i32
      %gather3A_1538 = arith.constant 0 : i32
      %gather3A_1539 = arith.constant 0 : i32
      %gather3A_1540 = tpu.memref_slice %arg7[%gather3A_1537, %gather3A_1538, %gather3A_1539] : memref<2x128x128xf32, #tpu.memory_space<vmem>> -> memref<1x128x128xf32, #tpu.memory_space<vmem>>
      %gather3A_1541 = tpu.memref_squeeze %gather3A_1540 : memref<1x128x128xf32, #tpu.memory_space<vmem>> -> memref<128x128xf32, #tpu.memory_space<vmem>>
      %gather3A_1542 = tpu.vector_load_idx %gather3A_1541[%add3A_1391, %add3A_1536] : memref<128x128xf32, #tpu.memory_space<vmem>>[vector<16xi32>, vector<16xi32>], vector<16xf32>,
      %add3A_1543 = arith.constant 10 : i32
      %add3A_1544 = vector.broadcast %add3A_1543 : i32 to vector<16xi32>
      %add3A_1545 = arith.addi %mul3A_1410, %add3A_1544 : vector<16xi32>
      tpu.vector_store_idx %arg8[%shift_right_logical3A_1403, %add3A_1545], %gather3A_1542 : memref<128x512xf32, #tpu.memory_space<vmem>>[vector<16xi32>, vector<16xi32>], vector<16xf32>,
      %add3A_1546 = arith.constant 11 : i32
      %add3A_1547 = vector.broadcast %add3A_1546 : i32 to vector<16xi32>
      %add3A_1548 = arith.addi %mul3A_1413, %add3A_1547 : vector<16xi32>
      %gather3A_1549 = arith.constant 0 : i32
      %gather3A_1550 = arith.constant 0 : i32
      %gather3A_1551 = arith.constant 0 : i32
      %gather3A_1552 = tpu.memref_slice %arg7[%gather3A_1549, %gather3A_1550, %gather3A_1551] : memref<2x128x128xf32, #tpu.memory_space<vmem>> -> memref<1x128x128xf32, #tpu.memory_space<vmem>>
      %gather3A_1553 = tpu.memref_squeeze %gather3A_1552 : memref<1x128x128xf32, #tpu.memory_space<vmem>> -> memref<128x128xf32, #tpu.memory_space<vmem>>
      %gather3A_1554 = tpu.vector_load_idx %gather3A_1553[%add3A_1391, %add3A_1548] : memref<128x128xf32, #tpu.memory_space<vmem>>[vector<16xi32>, vector<16xi32>], vector<16xf32>,
      %add3A_1555 = arith.constant 11 : i32
      %add3A_1556 = vector.broadcast %add3A_1555 : i32 to vector<16xi32>
      %add3A_1557 = arith.addi %mul3A_1410, %add3A_1556 : vector<16xi32>
      tpu.vector_store_idx %arg8[%shift_right_logical3A_1403, %add3A_1557], %gather3A_1554 : memref<128x512xf32, #tpu.memory_space<vmem>>[vector<16xi32>, vector<16xi32>], vector<16xf32>,
      %add3A_1558 = arith.constant 12 : i32
      %add3A_1559 = vector.broadcast %add3A_1558 : i32 to vector<16xi32>
      %add3A_1560 = arith.addi %mul3A_1413, %add3A_1559 : vector<16xi32>
      %gather3A_1561 = arith.constant 0 : i32
      %gather3A_1562 = arith.constant 0 : i32
      %gather3A_1563 = arith.constant 0 : i32
      %gather3A_1564 = tpu.memref_slice %arg7[%gather3A_1561, %gather3A_1562, %gather3A_1563] : memref<2x128x128xf32, #tpu.memory_space<vmem>> -> memref<1x128x128xf32, #tpu.memory_space<vmem>>
      %gather3A_1565 = tpu.memref_squeeze %gather3A_1564 : memref<1x128x128xf32, #tpu.memory_space<vmem>> -> memref<128x128xf32, #tpu.memory_space<vmem>>
      %gather3A_1566 = tpu.vector_load_idx %gather3A_1565[%add3A_1391, %add3A_1560] : memref<128x128xf32, #tpu.memory_space<vmem>>[vector<16xi32>, vector<16xi32>], vector<16xf32>,
      %add3A_1567 = arith.constant 12 : i32
      %add3A_1568 = vector.broadcast %add3A_1567 : i32 to vector<16xi32>
      %add3A_1569 = arith.addi %mul3A_1410, %add3A_1568 : vector<16xi32>
      tpu.vector_store_idx %arg8[%shift_right_logical3A_1403, %add3A_1569], %gather3A_1566 : memref<128x512xf32, #tpu.memory_space<vmem>>[vector<16xi32>, vector<16xi32>], vector<16xf32>,
      %add3A_1570 = arith.constant 13 : i32
      %add3A_1571 = vector.broadcast %add3A_1570 : i32 to vector<16xi32>
      %add3A_1572 = arith.addi %mul3A_1413, %add3A_1571 : vector<16xi32>
      %gather3A_1573 = arith.constant 0 : i32
      %gather3A_1574 = arith.constant 0 : i32
      %gather3A_1575 = arith.constant 0 : i32
      %gather3A_1576 = tpu.memref_slice %arg7[%gather3A_1573, %gather3A_1574, %gather3A_1575] : memref<2x128x128xf32, #tpu.memory_space<vmem>> -> memref<1x128x128xf32, #tpu.memory_space<vmem>>
      %gather3A_1577 = tpu.memref_squeeze %gather3A_1576 : memref<1x128x128xf32, #tpu.memory_space<vmem>> -> memref<128x128xf32, #tpu.memory_space<vmem>>
      %gather3A_1578 = tpu.vector_load_idx %gather3A_1577[%add3A_1391, %add3A_1572] : memref<128x128xf32, #tpu.memory_space<vmem>>[vector<16xi32>, vector<16xi32>], vector<16xf32>,
      %add3A_1579 = arith.constant 13 : i32
      %add3A_1580 = vector.broadcast %add3A_1579 : i32 to vector<16xi32>
      %add3A_1581 = arith.addi %mul3A_1410, %add3A_1580 : vector<16xi32>
      tpu.vector_store_idx %arg8[%shift_right_logical3A_1403, %add3A_1581], %gather3A_1578 : memref<128x512xf32, #tpu.memory_space<vmem>>[vector<16xi32>, vector<16xi32>], vector<16xf32>,
      %add3A_1582 = arith.constant 14 : i32
      %add3A_1583 = vector.broadcast %add3A_1582 : i32 to vector<16xi32>
      %add3A_1584 = arith.addi %mul3A_1413, %add3A_1583 : vector<16xi32>
      %gather3A_1585 = arith.constant 0 : i32
      %gather3A_1586 = arith.constant 0 : i32
      %gather3A_1587 = arith.constant 0 : i32
      %gather3A_1588 = tpu.memref_slice %arg7[%gather3A_1585, %gather3A_1586, %gather3A_1587] : memref<2x128x128xf32, #tpu.memory_space<vmem>> -> memref<1x128x128xf32, #tpu.memory_space<vmem>>
      %gather3A_1589 = tpu.memref_squeeze %gather3A_1588 : memref<1x128x128xf32, #tpu.memory_space<vmem>> -> memref<128x128xf32, #tpu.memory_space<vmem>>
      %gather3A_1590 = tpu.vector_load_idx %gather3A_1589[%add3A_1391, %add3A_1584] : memref<128x128xf32, #tpu.memory_space<vmem>>[vector<16xi32>, vector<16xi32>], vector<16xf32>,
      %add3A_1591 = arith.constant 14 : i32
      %add3A_1592 = vector.broadcast %add3A_1591 : i32 to vector<16xi32>
      %add3A_1593 = arith.addi %mul3A_1410, %add3A_1592 : vector<16xi32>
      tpu.vector_store_idx %arg8[%shift_right_logical3A_1403, %add3A_1593], %gather3A_1590 : memref<128x512xf32, #tpu.memory_space<vmem>>[vector<16xi32>, vector<16xi32>], vector<16xf32>,
      %add3A_1594 = arith.constant 15 : i32
      %add3A_1595 = vector.broadcast %add3A_1594 : i32 to vector<16xi32>
      %add3A_1596 = arith.addi %mul3A_1413, %add3A_1595 : vector<16xi32>
      %gather3A_1597 = arith.constant 0 : i32
      %gather3A_1598 = arith.constant 0 : i32
      %gather3A_1599 = arith.constant 0 : i32
      %gather3A_1600 = tpu.memref_slice %arg7[%gather3A_1597, %gather3A_1598, %gather3A_1599] : memref<2x128x128xf32, #tpu.memory_space<vmem>> -> memref<1x128x128xf32, #tpu.memory_space<vmem>>
      %gather3A_1601 = tpu.memref_squeeze %gather3A_1600 : memref<1x128x128xf32, #tpu.memory_space<vmem>> -> memref<128x128xf32, #tpu.memory_space<vmem>>
      %gather3A_1602 = tpu.vector_load_idx %gather3A_1601[%add3A_1391, %add3A_1596] : memref<128x128xf32, #tpu.memory_space<vmem>>[vector<16xi32>, vector<16xi32>], vector<16xf32>,
      %add3A_1603 = arith.constant 15 : i32
      %add3A_1604 = vector.broadcast %add3A_1603 : i32 to vector<16xi32>
      %add3A_1605 = arith.addi %mul3A_1410, %add3A_1604 : vector<16xi32>
      tpu.vector_store_idx %arg8[%shift_right_logical3A_1403, %add3A_1605], %gather3A_1602 : memref<128x512xf32, #tpu.memory_space<vmem>>[vector<16xi32>, vector<16xi32>], vector<16xf32>,
      %get3A_1606 = arith.index_cast %mul3A_16 : i32 to index
      %get3A_1607 = arith.constant 112 : index
      %get3A_1608 = tpu.vector_load %arg5[%get3A_1606, %get3A_1607] {strides = array<i32>} : memref<32x128xi32, #tpu.memory_space<vmem>>, vector<16xi32>,
      %and3A_1609 = arith.constant 7 : i32
      %and3A_1610 = vector.broadcast %and3A_1609 : i32 to vector<16xi32>
      %and3A_1611 = arith.andi %get3A_1608, %and3A_1610 : vector<16xi32>
      %add3A_1612 = arith.constant 112 : i32
      %add3A_1613 = vector.broadcast %add3A_1612 : i32 to vector<16xi32>
      %add3A_1614 = arith.addi %iota3A, %add3A_1613 : vector<16xi32>
      %mul3A_1615 = arith.constant 128 : i32
      %mul3A_1616 = arith.muli %mul3A_16, %mul3A_1615 : i32
      %add3A_1617 = arith.constant 112 : i32
      %add3A_1618 = arith.addi %mul3A_1616, %add3A_1617 : i32
      %add3A_1619 = vector.broadcast %add3A_1618 : i32 to vector<16xi32>
      %add3A_1620 = arith.addi %iota3A, %add3A_1619 : vector<16xi32>
      %mul3A_1621 = arith.constant 20165 : i32
      %mul3A_1622 = vector.broadcast %mul3A_1621 : i32 to vector<16xi32>
      %mul3A_1623 = arith.muli %add3A_1620, %mul3A_1622 : vector<16xi32>
      %shift_right_logical3A_1624 = arith.constant 19 : i32
      %shift_right_logical3A_1625 = vector.broadcast %shift_right_logical3A_1624 : i32 to vector<16xi32>
      %shift_right_logical3A_1626 = arith.shrui %mul3A_1623, %shift_right_logical3A_1625 : vector<16xi32>
      %mul3A_1627 = arith.constant 26 : i32
      %mul3A_1628 = vector.broadcast %mul3A_1627 : i32 to vector<16xi32>
      %mul3A_1629 = arith.muli %shift_right_logical3A_1626, %mul3A_1628 : vector<16xi32>
      %sub3A_1630 = arith.subi %add3A_1620, %mul3A_1629 : vector<16xi32>
      %mul3A_1631 = arith.constant 16 : i32
      %mul3A_1632 = vector.broadcast %mul3A_1631 : i32 to vector<16xi32>
      %mul3A_1633 = arith.muli %sub3A_1630, %mul3A_1632 : vector<16xi32>
      %mul3A_1634 = arith.constant 16 : i32
      %mul3A_1635 = vector.broadcast %mul3A_1634 : i32 to vector<16xi32>
      %mul3A_1636 = arith.muli %and3A_1611, %mul3A_1635 : vector<16xi32>
      %add3A_1637 = arith.constant 0 : i32
      %add3A_1638 = vector.broadcast %add3A_1637 : i32 to vector<16xi32>
      %add3A_1639 = arith.addi %mul3A_1636, %add3A_1638 : vector<16xi32>
      %gather3A_1640 = arith.constant 0 : i32
      %gather3A_1641 = arith.constant 0 : i32
      %gather3A_1642 = arith.constant 0 : i32
      %gather3A_1643 = tpu.memref_slice %arg7[%gather3A_1640, %gather3A_1641, %gather3A_1642] : memref<2x128x128xf32, #tpu.memory_space<vmem>> -> memref<1x128x128xf32, #tpu.memory_space<vmem>>
      %gather3A_1644 = tpu.memref_squeeze %gather3A_1643 : memref<1x128x128xf32, #tpu.memory_space<vmem>> -> memref<128x128xf32, #tpu.memory_space<vmem>>
      %gather3A_1645 = tpu.vector_load_idx %gather3A_1644[%add3A_1614, %add3A_1639] : memref<128x128xf32, #tpu.memory_space<vmem>>[vector<16xi32>, vector<16xi32>], vector<16xf32>,
      %add3A_1646 = arith.constant 0 : i32
      %add3A_1647 = vector.broadcast %add3A_1646 : i32 to vector<16xi32>
      %add3A_1648 = arith.addi %mul3A_1633, %add3A_1647 : vector<16xi32>
      tpu.vector_store_idx %arg8[%shift_right_logical3A_1626, %add3A_1648], %gather3A_1645 : memref<128x512xf32, #tpu.memory_space<vmem>>[vector<16xi32>, vector<16xi32>], vector<16xf32>,
      %add3A_1649 = arith.constant 1 : i32
      %add3A_1650 = vector.broadcast %add3A_1649 : i32 to vector<16xi32>
      %add3A_1651 = arith.addi %mul3A_1636, %add3A_1650 : vector<16xi32>
      %gather3A_1652 = arith.constant 0 : i32
      %gather3A_1653 = arith.constant 0 : i32
      %gather3A_1654 = arith.constant 0 : i32
      %gather3A_1655 = tpu.memref_slice %arg7[%gather3A_1652, %gather3A_1653, %gather3A_1654] : memref<2x128x128xf32, #tpu.memory_space<vmem>> -> memref<1x128x128xf32, #tpu.memory_space<vmem>>
      %gather3A_1656 = tpu.memref_squeeze %gather3A_1655 : memref<1x128x128xf32, #tpu.memory_space<vmem>> -> memref<128x128xf32, #tpu.memory_space<vmem>>
      %gather3A_1657 = tpu.vector_load_idx %gather3A_1656[%add3A_1614, %add3A_1651] : memref<128x128xf32, #tpu.memory_space<vmem>>[vector<16xi32>, vector<16xi32>], vector<16xf32>,
      %add3A_1658 = arith.constant 1 : i32
      %add3A_1659 = vector.broadcast %add3A_1658 : i32 to vector<16xi32>
      %add3A_1660 = arith.addi %mul3A_1633, %add3A_1659 : vector<16xi32>
      tpu.vector_store_idx %arg8[%shift_right_logical3A_1626, %add3A_1660], %gather3A_1657 : memref<128x512xf32, #tpu.memory_space<vmem>>[vector<16xi32>, vector<16xi32>], vector<16xf32>,
      %add3A_1661 = arith.constant 2 : i32
      %add3A_1662 = vector.broadcast %add3A_1661 : i32 to vector<16xi32>
      %add3A_1663 = arith.addi %mul3A_1636, %add3A_1662 : vector<16xi32>
      %gather3A_1664 = arith.constant 0 : i32
      %gather3A_1665 = arith.constant 0 : i32
      %gather3A_1666 = arith.constant 0 : i32
      %gather3A_1667 = tpu.memref_slice %arg7[%gather3A_1664, %gather3A_1665, %gather3A_1666] : memref<2x128x128xf32, #tpu.memory_space<vmem>> -> memref<1x128x128xf32, #tpu.memory_space<vmem>>
      %gather3A_1668 = tpu.memref_squeeze %gather3A_1667 : memref<1x128x128xf32, #tpu.memory_space<vmem>> -> memref<128x128xf32, #tpu.memory_space<vmem>>
      %gather3A_1669 = tpu.vector_load_idx %gather3A_1668[%add3A_1614, %add3A_1663] : memref<128x128xf32, #tpu.memory_space<vmem>>[vector<16xi32>, vector<16xi32>], vector<16xf32>,
      %add3A_1670 = arith.constant 2 : i32
      %add3A_1671 = vector.broadcast %add3A_1670 : i32 to vector<16xi32>
      %add3A_1672 = arith.addi %mul3A_1633, %add3A_1671 : vector<16xi32>
      tpu.vector_store_idx %arg8[%shift_right_logical3A_1626, %add3A_1672], %gather3A_1669 : memref<128x512xf32, #tpu.memory_space<vmem>>[vector<16xi32>, vector<16xi32>], vector<16xf32>,
      %add3A_1673 = arith.constant 3 : i32
      %add3A_1674 = vector.broadcast %add3A_1673 : i32 to vector<16xi32>
      %add3A_1675 = arith.addi %mul3A_1636, %add3A_1674 : vector<16xi32>
      %gather3A_1676 = arith.constant 0 : i32
      %gather3A_1677 = arith.constant 0 : i32
      %gather3A_1678 = arith.constant 0 : i32
      %gather3A_1679 = tpu.memref_slice %arg7[%gather3A_1676, %gather3A_1677, %gather3A_1678] : memref<2x128x128xf32, #tpu.memory_space<vmem>> -> memref<1x128x128xf32, #tpu.memory_space<vmem>>
      %gather3A_1680 = tpu.memref_squeeze %gather3A_1679 : memref<1x128x128xf32, #tpu.memory_space<vmem>> -> memref<128x128xf32, #tpu.memory_space<vmem>>
      %gather3A_1681 = tpu.vector_load_idx %gather3A_1680[%add3A_1614, %add3A_1675] : memref<128x128xf32, #tpu.memory_space<vmem>>[vector<16xi32>, vector<16xi32>], vector<16xf32>,
      %add3A_1682 = arith.constant 3 : i32
      %add3A_1683 = vector.broadcast %add3A_1682 : i32 to vector<16xi32>
      %add3A_1684 = arith.addi %mul3A_1633, %add3A_1683 : vector<16xi32>
      tpu.vector_store_idx %arg8[%shift_right_logical3A_1626, %add3A_1684], %gather3A_1681 : memref<128x512xf32, #tpu.memory_space<vmem>>[vector<16xi32>, vector<16xi32>], vector<16xf32>,
      %add3A_1685 = arith.constant 4 : i32
      %add3A_1686 = vector.broadcast %add3A_1685 : i32 to vector<16xi32>
      %add3A_1687 = arith.addi %mul3A_1636, %add3A_1686 : vector<16xi32>
      %gather3A_1688 = arith.constant 0 : i32
      %gather3A_1689 = arith.constant 0 : i32
      %gather3A_1690 = arith.constant 0 : i32
      %gather3A_1691 = tpu.memref_slice %arg7[%gather3A_1688, %gather3A_1689, %gather3A_1690] : memref<2x128x128xf32, #tpu.memory_space<vmem>> -> memref<1x128x128xf32, #tpu.memory_space<vmem>>
      %gather3A_1692 = tpu.memref_squeeze %gather3A_1691 : memref<1x128x128xf32, #tpu.memory_space<vmem>> -> memref<128x128xf32, #tpu.memory_space<vmem>>
      %gather3A_1693 = tpu.vector_load_idx %gather3A_1692[%add3A_1614, %add3A_1687] : memref<128x128xf32, #tpu.memory_space<vmem>>[vector<16xi32>, vector<16xi32>], vector<16xf32>,
      %add3A_1694 = arith.constant 4 : i32
      %add3A_1695 = vector.broadcast %add3A_1694 : i32 to vector<16xi32>
      %add3A_1696 = arith.addi %mul3A_1633, %add3A_1695 : vector<16xi32>
      tpu.vector_store_idx %arg8[%shift_right_logical3A_1626, %add3A_1696], %gather3A_1693 : memref<128x512xf32, #tpu.memory_space<vmem>>[vector<16xi32>, vector<16xi32>], vector<16xf32>,
      %add3A_1697 = arith.constant 5 : i32
      %add3A_1698 = vector.broadcast %add3A_1697 : i32 to vector<16xi32>
      %add3A_1699 = arith.addi %mul3A_1636, %add3A_1698 : vector<16xi32>
      %gather3A_1700 = arith.constant 0 : i32
      %gather3A_1701 = arith.constant 0 : i32
      %gather3A_1702 = arith.constant 0 : i32
      %gather3A_1703 = tpu.memref_slice %arg7[%gather3A_1700, %gather3A_1701, %gather3A_1702] : memref<2x128x128xf32, #tpu.memory_space<vmem>> -> memref<1x128x128xf32, #tpu.memory_space<vmem>>
      %gather3A_1704 = tpu.memref_squeeze %gather3A_1703 : memref<1x128x128xf32, #tpu.memory_space<vmem>> -> memref<128x128xf32, #tpu.memory_space<vmem>>
      %gather3A_1705 = tpu.vector_load_idx %gather3A_1704[%add3A_1614, %add3A_1699] : memref<128x128xf32, #tpu.memory_space<vmem>>[vector<16xi32>, vector<16xi32>], vector<16xf32>,
      %add3A_1706 = arith.constant 5 : i32
      %add3A_1707 = vector.broadcast %add3A_1706 : i32 to vector<16xi32>
      %add3A_1708 = arith.addi %mul3A_1633, %add3A_1707 : vector<16xi32>
      tpu.vector_store_idx %arg8[%shift_right_logical3A_1626, %add3A_1708], %gather3A_1705 : memref<128x512xf32, #tpu.memory_space<vmem>>[vector<16xi32>, vector<16xi32>], vector<16xf32>,
      %add3A_1709 = arith.constant 6 : i32
      %add3A_1710 = vector.broadcast %add3A_1709 : i32 to vector<16xi32>
      %add3A_1711 = arith.addi %mul3A_1636, %add3A_1710 : vector<16xi32>
      %gather3A_1712 = arith.constant 0 : i32
      %gather3A_1713 = arith.constant 0 : i32
      %gather3A_1714 = arith.constant 0 : i32
      %gather3A_1715 = tpu.memref_slice %arg7[%gather3A_1712, %gather3A_1713, %gather3A_1714] : memref<2x128x128xf32, #tpu.memory_space<vmem>> -> memref<1x128x128xf32, #tpu.memory_space<vmem>>
      %gather3A_1716 = tpu.memref_squeeze %gather3A_1715 : memref<1x128x128xf32, #tpu.memory_space<vmem>> -> memref<128x128xf32, #tpu.memory_space<vmem>>
      %gather3A_1717 = tpu.vector_load_idx %gather3A_1716[%add3A_1614, %add3A_1711] : memref<128x128xf32, #tpu.memory_space<vmem>>[vector<16xi32>, vector<16xi32>], vector<16xf32>,
      %add3A_1718 = arith.constant 6 : i32
      %add3A_1719 = vector.broadcast %add3A_1718 : i32 to vector<16xi32>
      %add3A_1720 = arith.addi %mul3A_1633, %add3A_1719 : vector<16xi32>
      tpu.vector_store_idx %arg8[%shift_right_logical3A_1626, %add3A_1720], %gather3A_1717 : memref<128x512xf32, #tpu.memory_space<vmem>>[vector<16xi32>, vector<16xi32>], vector<16xf32>,
      %add3A_1721 = arith.constant 7 : i32
      %add3A_1722 = vector.broadcast %add3A_1721 : i32 to vector<16xi32>
      %add3A_1723 = arith.addi %mul3A_1636, %add3A_1722 : vector<16xi32>
      %gather3A_1724 = arith.constant 0 : i32
      %gather3A_1725 = arith.constant 0 : i32
      %gather3A_1726 = arith.constant 0 : i32
      %gather3A_1727 = tpu.memref_slice %arg7[%gather3A_1724, %gather3A_1725, %gather3A_1726] : memref<2x128x128xf32, #tpu.memory_space<vmem>> -> memref<1x128x128xf32, #tpu.memory_space<vmem>>
      %gather3A_1728 = tpu.memref_squeeze %gather3A_1727 : memref<1x128x128xf32, #tpu.memory_space<vmem>> -> memref<128x128xf32, #tpu.memory_space<vmem>>
      %gather3A_1729 = tpu.vector_load_idx %gather3A_1728[%add3A_1614, %add3A_1723] : memref<128x128xf32, #tpu.memory_space<vmem>>[vector<16xi32>, vector<16xi32>], vector<16xf32>,
      %add3A_1730 = arith.constant 7 : i32
      %add3A_1731 = vector.broadcast %add3A_1730 : i32 to vector<16xi32>
      %add3A_1732 = arith.addi %mul3A_1633, %add3A_1731 : vector<16xi32>
      tpu.vector_store_idx %arg8[%shift_right_logical3A_1626, %add3A_1732], %gather3A_1729 : memref<128x512xf32, #tpu.memory_space<vmem>>[vector<16xi32>, vector<16xi32>], vector<16xf32>,
      %add3A_1733 = arith.constant 8 : i32
      %add3A_1734 = vector.broadcast %add3A_1733 : i32 to vector<16xi32>
      %add3A_1735 = arith.addi %mul3A_1636, %add3A_1734 : vector<16xi32>
      %gather3A_1736 = arith.constant 0 : i32
      %gather3A_1737 = arith.constant 0 : i32
      %gather3A_1738 = arith.constant 0 : i32
      %gather3A_1739 = tpu.memref_slice %arg7[%gather3A_1736, %gather3A_1737, %gather3A_1738] : memref<2x128x128xf32, #tpu.memory_space<vmem>> -> memref<1x128x128xf32, #tpu.memory_space<vmem>>
      %gather3A_1740 = tpu.memref_squeeze %gather3A_1739 : memref<1x128x128xf32, #tpu.memory_space<vmem>> -> memref<128x128xf32, #tpu.memory_space<vmem>>
      %gather3A_1741 = tpu.vector_load_idx %gather3A_1740[%add3A_1614, %add3A_1735] : memref<128x128xf32, #tpu.memory_space<vmem>>[vector<16xi32>, vector<16xi32>], vector<16xf32>,
      %add3A_1742 = arith.constant 8 : i32
      %add3A_1743 = vector.broadcast %add3A_1742 : i32 to vector<16xi32>
      %add3A_1744 = arith.addi %mul3A_1633, %add3A_1743 : vector<16xi32>
      tpu.vector_store_idx %arg8[%shift_right_logical3A_1626, %add3A_1744], %gather3A_1741 : memref<128x512xf32, #tpu.memory_space<vmem>>[vector<16xi32>, vector<16xi32>], vector<16xf32>,
      %add3A_1745 = arith.constant 9 : i32
      %add3A_1746 = vector.broadcast %add3A_1745 : i32 to vector<16xi32>
      %add3A_1747 = arith.addi %mul3A_1636, %add3A_1746 : vector<16xi32>
      %gather3A_1748 = arith.constant 0 : i32
      %gather3A_1749 = arith.constant 0 : i32
      %gather3A_1750 = arith.constant 0 : i32
      %gather3A_1751 = tpu.memref_slice %arg7[%gather3A_1748, %gather3A_1749, %gather3A_1750] : memref<2x128x128xf32, #tpu.memory_space<vmem>> -> memref<1x128x128xf32, #tpu.memory_space<vmem>>
      %gather3A_1752 = tpu.memref_squeeze %gather3A_1751 : memref<1x128x128xf32, #tpu.memory_space<vmem>> -> memref<128x128xf32, #tpu.memory_space<vmem>>
      %gather3A_1753 = tpu.vector_load_idx %gather3A_1752[%add3A_1614, %add3A_1747] : memref<128x128xf32, #tpu.memory_space<vmem>>[vector<16xi32>, vector<16xi32>], vector<16xf32>,
      %add3A_1754 = arith.constant 9 : i32
      %add3A_1755 = vector.broadcast %add3A_1754 : i32 to vector<16xi32>
      %add3A_1756 = arith.addi %mul3A_1633, %add3A_1755 : vector<16xi32>
      tpu.vector_store_idx %arg8[%shift_right_logical3A_1626, %add3A_1756], %gather3A_1753 : memref<128x512xf32, #tpu.memory_space<vmem>>[vector<16xi32>, vector<16xi32>], vector<16xf32>,
      %add3A_1757 = arith.constant 10 : i32
      %add3A_1758 = vector.broadcast %add3A_1757 : i32 to vector<16xi32>
      %add3A_1759 = arith.addi %mul3A_1636, %add3A_1758 : vector<16xi32>
      %gather3A_1760 = arith.constant 0 : i32
      %gather3A_1761 = arith.constant 0 : i32
      %gather3A_1762 = arith.constant 0 : i32
      %gather3A_1763 = tpu.memref_slice %arg7[%gather3A_1760, %gather3A_1761, %gather3A_1762] : memref<2x128x128xf32, #tpu.memory_space<vmem>> -> memref<1x128x128xf32, #tpu.memory_space<vmem>>
      %gather3A_1764 = tpu.memref_squeeze %gather3A_1763 : memref<1x128x128xf32, #tpu.memory_space<vmem>> -> memref<128x128xf32, #tpu.memory_space<vmem>>
      %gather3A_1765 = tpu.vector_load_idx %gather3A_1764[%add3A_1614, %add3A_1759] : memref<128x128xf32, #tpu.memory_space<vmem>>[vector<16xi32>, vector<16xi32>], vector<16xf32>,
      %add3A_1766 = arith.constant 10 : i32
      %add3A_1767 = vector.broadcast %add3A_1766 : i32 to vector<16xi32>
      %add3A_1768 = arith.addi %mul3A_1633, %add3A_1767 : vector<16xi32>
      tpu.vector_store_idx %arg8[%shift_right_logical3A_1626, %add3A_1768], %gather3A_1765 : memref<128x512xf32, #tpu.memory_space<vmem>>[vector<16xi32>, vector<16xi32>], vector<16xf32>,
      %add3A_1769 = arith.constant 11 : i32
      %add3A_1770 = vector.broadcast %add3A_1769 : i32 to vector<16xi32>
      %add3A_1771 = arith.addi %mul3A_1636, %add3A_1770 : vector<16xi32>
      %gather3A_1772 = arith.constant 0 : i32
      %gather3A_1773 = arith.constant 0 : i32
      %gather3A_1774 = arith.constant 0 : i32
      %gather3A_1775 = tpu.memref_slice %arg7[%gather3A_1772, %gather3A_1773, %gather3A_1774] : memref<2x128x128xf32, #tpu.memory_space<vmem>> -> memref<1x128x128xf32, #tpu.memory_space<vmem>>
      %gather3A_1776 = tpu.memref_squeeze %gather3A_1775 : memref<1x128x128xf32, #tpu.memory_space<vmem>> -> memref<128x128xf32, #tpu.memory_space<vmem>>
      %gather3A_1777 = tpu.vector_load_idx %gather3A_1776[%add3A_1614, %add3A_1771] : memref<128x128xf32, #tpu.memory_space<vmem>>[vector<16xi32>, vector<16xi32>], vector<16xf32>,
      %add3A_1778 = arith.constant 11 : i32
      %add3A_1779 = vector.broadcast %add3A_1778 : i32 to vector<16xi32>
      %add3A_1780 = arith.addi %mul3A_1633, %add3A_1779 : vector<16xi32>
      tpu.vector_store_idx %arg8[%shift_right_logical3A_1626, %add3A_1780], %gather3A_1777 : memref<128x512xf32, #tpu.memory_space<vmem>>[vector<16xi32>, vector<16xi32>], vector<16xf32>,
      %add3A_1781 = arith.constant 12 : i32
      %add3A_1782 = vector.broadcast %add3A_1781 : i32 to vector<16xi32>
      %add3A_1783 = arith.addi %mul3A_1636, %add3A_1782 : vector<16xi32>
      %gather3A_1784 = arith.constant 0 : i32
      %gather3A_1785 = arith.constant 0 : i32
      %gather3A_1786 = arith.constant 0 : i32
      %gather3A_1787 = tpu.memref_slice %arg7[%gather3A_1784, %gather3A_1785, %gather3A_1786] : memref<2x128x128xf32, #tpu.memory_space<vmem>> -> memref<1x128x128xf32, #tpu.memory_space<vmem>>
      %gather3A_1788 = tpu.memref_squeeze %gather3A_1787 : memref<1x128x128xf32, #tpu.memory_space<vmem>> -> memref<128x128xf32, #tpu.memory_space<vmem>>
      %gather3A_1789 = tpu.vector_load_idx %gather3A_1788[%add3A_1614, %add3A_1783] : memref<128x128xf32, #tpu.memory_space<vmem>>[vector<16xi32>, vector<16xi32>], vector<16xf32>,
      %add3A_1790 = arith.constant 12 : i32
      %add3A_1791 = vector.broadcast %add3A_1790 : i32 to vector<16xi32>
      %add3A_1792 = arith.addi %mul3A_1633, %add3A_1791 : vector<16xi32>
      tpu.vector_store_idx %arg8[%shift_right_logical3A_1626, %add3A_1792], %gather3A_1789 : memref<128x512xf32, #tpu.memory_space<vmem>>[vector<16xi32>, vector<16xi32>], vector<16xf32>,
      %add3A_1793 = arith.constant 13 : i32
      %add3A_1794 = vector.broadcast %add3A_1793 : i32 to vector<16xi32>
      %add3A_1795 = arith.addi %mul3A_1636, %add3A_1794 : vector<16xi32>
      %gather3A_1796 = arith.constant 0 : i32
      %gather3A_1797 = arith.constant 0 : i32
      %gather3A_1798 = arith.constant 0 : i32
      %gather3A_1799 = tpu.memref_slice %arg7[%gather3A_1796, %gather3A_1797, %gather3A_1798] : memref<2x128x128xf32, #tpu.memory_space<vmem>> -> memref<1x128x128xf32, #tpu.memory_space<vmem>>
      %gather3A_1800 = tpu.memref_squeeze %gather3A_1799 : memref<1x128x128xf32, #tpu.memory_space<vmem>> -> memref<128x128xf32, #tpu.memory_space<vmem>>
      %gather3A_1801 = tpu.vector_load_idx %gather3A_1800[%add3A_1614, %add3A_1795] : memref<128x128xf32, #tpu.memory_space<vmem>>[vector<16xi32>, vector<16xi32>], vector<16xf32>,
      %add3A_1802 = arith.constant 13 : i32
      %add3A_1803 = vector.broadcast %add3A_1802 : i32 to vector<16xi32>
      %add3A_1804 = arith.addi %mul3A_1633, %add3A_1803 : vector<16xi32>
      tpu.vector_store_idx %arg8[%shift_right_logical3A_1626, %add3A_1804], %gather3A_1801 : memref<128x512xf32, #tpu.memory_space<vmem>>[vector<16xi32>, vector<16xi32>], vector<16xf32>,
      %add3A_1805 = arith.constant 14 : i32
      %add3A_1806 = vector.broadcast %add3A_1805 : i32 to vector<16xi32>
      %add3A_1807 = arith.addi %mul3A_1636, %add3A_1806 : vector<16xi32>
      %gather3A_1808 = arith.constant 0 : i32
      %gather3A_1809 = arith.constant 0 : i32
      %gather3A_1810 = arith.constant 0 : i32
      %gather3A_1811 = tpu.memref_slice %arg7[%gather3A_1808, %gather3A_1809, %gather3A_1810] : memref<2x128x128xf32, #tpu.memory_space<vmem>> -> memref<1x128x128xf32, #tpu.memory_space<vmem>>
      %gather3A_1812 = tpu.memref_squeeze %gather3A_1811 : memref<1x128x128xf32, #tpu.memory_space<vmem>> -> memref<128x128xf32, #tpu.memory_space<vmem>>
      %gather3A_1813 = tpu.vector_load_idx %gather3A_1812[%add3A_1614, %add3A_1807] : memref<128x128xf32, #tpu.memory_space<vmem>>[vector<16xi32>, vector<16xi32>], vector<16xf32>,
      %add3A_1814 = arith.constant 14 : i32
      %add3A_1815 = vector.broadcast %add3A_1814 : i32 to vector<16xi32>
      %add3A_1816 = arith.addi %mul3A_1633, %add3A_1815 : vector<16xi32>
      tpu.vector_store_idx %arg8[%shift_right_logical3A_1626, %add3A_1816], %gather3A_1813 : memref<128x512xf32, #tpu.memory_space<vmem>>[vector<16xi32>, vector<16xi32>], vector<16xf32>,
      %add3A_1817 = arith.constant 15 : i32
      %add3A_1818 = vector.broadcast %add3A_1817 : i32 to vector<16xi32>
      %add3A_1819 = arith.addi %mul3A_1636, %add3A_1818 : vector<16xi32>
      %gather3A_1820 = arith.constant 0 : i32
      %gather3A_1821 = arith.constant 0 : i32
      %gather3A_1822 = arith.constant 0 : i32
      %gather3A_1823 = tpu.memref_slice %arg7[%gather3A_1820, %gather3A_1821, %gather3A_1822] : memref<2x128x128xf32, #tpu.memory_space<vmem>> -> memref<1x128x128xf32, #tpu.memory_space<vmem>>
      %gather3A_1824 = tpu.memref_squeeze %gather3A_1823 : memref<1x128x128xf32, #tpu.memory_space<vmem>> -> memref<128x128xf32, #tpu.memory_space<vmem>>
      %gather3A_1825 = tpu.vector_load_idx %gather3A_1824[%add3A_1614, %add3A_1819] : memref<128x128xf32, #tpu.memory_space<vmem>>[vector<16xi32>, vector<16xi32>], vector<16xf32>,
      %add3A_1826 = arith.constant 15 : i32
      %add3A_1827 = vector.broadcast %add3A_1826 : i32 to vector<16xi32>
      %add3A_1828 = arith.addi %mul3A_1633, %add3A_1827 : vector<16xi32>
      tpu.vector_store_idx %arg8[%shift_right_logical3A_1626, %add3A_1828], %gather3A_1825 : memref<128x512xf32, #tpu.memory_space<vmem>>[vector<16xi32>, vector<16xi32>], vector<16xf32>,
      %dma_wait3A_1829 = arith.constant 1 : i32
      %dma_wait3A_1830 = arith.constant 0 : i32
      %dma_wait3A_1831 = arith.constant 0 : i32
      %dma_wait3A_1832 = tpu.memref_slice %arg7[%dma_wait3A_1829, %dma_wait3A_1830, %dma_wait3A_1831] : memref<2x128x128xf32, #tpu.memory_space<vmem>> -> memref<1x128x128xf32, #tpu.memory_space<vmem>>
      %dma_wait3A_1833 = tpu.memref_squeeze %dma_wait3A_1832 : memref<1x128x128xf32, #tpu.memory_space<vmem>> -> memref<128x128xf32, #tpu.memory_space<vmem>>
      %dma_wait3A_1834 = arith.constant 0 : i32
      %dma_wait3A_1835 = tpu.memref_slice %arg6[%add3A_28, %dma_wait3A_1834] : memref<26x128xi32, #tpu.memory_space<vmem>> -> memref<1x128xi32, #tpu.memory_space<vmem>>
      %dma_wait3A_1836 = tpu.memref_squeeze %dma_wait3A_1835 : memref<1x128xi32, #tpu.memory_space<vmem>> -> memref<128xi32, #tpu.memory_space<vmem>>
      %dma_wait3A_1837 = arith.constant 0 : i32
      %dma_wait3A_1838 = arith.constant 0 : i32
      %dma_wait3A_1839 = tpu.memref_slice %arg3[%dma_wait3A_1837, %dma_wait3A_1838] : memref<325000x128xf32, #tpu.memory_space<hbm>> -> memref<325000x128xf32, #tpu.memory_space<hbm>>
      tpu.wait_indirect_dma semaphore(%arg10 : memref<!tpu.dma_semaphore, #tpu.memory_space<semaphore_mem>>) src(%dma_wait3A_1839 : memref<325000x128xf32, #tpu.memory_space<hbm>>) dst(%dma_wait3A_1833 : memref<128x128xf32, #tpu.memory_space<vmem>>)
      %add3A_1840 = arith.constant 1 : i32
      %add3A_1841 = arith.addi %mul3A_16, %add3A_1840 : i32
      %get3A_1842 = arith.index_cast %add3A_1841 : i32 to index
      %get3A_1843 = arith.constant 0 : index
      %get3A_1844 = tpu.vector_load %arg5[%get3A_1842, %get3A_1843] {strides = array<i32>} : memref<32x128xi32, #tpu.memory_space<vmem>>, vector<16xi32>,
      %and3A_1845 = arith.constant 7 : i32
      %and3A_1846 = vector.broadcast %and3A_1845 : i32 to vector<16xi32>
      %and3A_1847 = arith.andi %get3A_1844, %and3A_1846 : vector<16xi32>
      %add3A_1848 = arith.constant 0 : i32
      %add3A_1849 = vector.broadcast %add3A_1848 : i32 to vector<16xi32>
      %add3A_1850 = arith.addi %iota3A, %add3A_1849 : vector<16xi32>
      %mul3A_1851 = arith.constant 128 : i32
      %mul3A_1852 = arith.muli %add3A_1841, %mul3A_1851 : i32
      %add3A_1853 = arith.constant 0 : i32
      %add3A_1854 = arith.addi %mul3A_1852, %add3A_1853 : i32
      %add3A_1855 = vector.broadcast %add3A_1854 : i32 to vector<16xi32>
      %add3A_1856 = arith.addi %iota3A, %add3A_1855 : vector<16xi32>
      %mul3A_1857 = arith.constant 20165 : i32
      %mul3A_1858 = vector.broadcast %mul3A_1857 : i32 to vector<16xi32>
      %mul3A_1859 = arith.muli %add3A_1856, %mul3A_1858 : vector<16xi32>
      %shift_right_logical3A_1860 = arith.constant 19 : i32
      %shift_right_logical3A_1861 = vector.broadcast %shift_right_logical3A_1860 : i32 to vector<16xi32>
      %shift_right_logical3A_1862 = arith.shrui %mul3A_1859, %shift_right_logical3A_1861 : vector<16xi32>
      %mul3A_1863 = arith.constant 26 : i32
      %mul3A_1864 = vector.broadcast %mul3A_1863 : i32 to vector<16xi32>
      %mul3A_1865 = arith.muli %shift_right_logical3A_1862, %mul3A_1864 : vector<16xi32>
      %sub3A_1866 = arith.subi %add3A_1856, %mul3A_1865 : vector<16xi32>
      %mul3A_1867 = arith.constant 16 : i32
      %mul3A_1868 = vector.broadcast %mul3A_1867 : i32 to vector<16xi32>
      %mul3A_1869 = arith.muli %sub3A_1866, %mul3A_1868 : vector<16xi32>
      %mul3A_1870 = arith.constant 16 : i32
      %mul3A_1871 = vector.broadcast %mul3A_1870 : i32 to vector<16xi32>
      %mul3A_1872 = arith.muli %and3A_1847, %mul3A_1871 : vector<16xi32>
      %add3A_1873 = arith.constant 0 : i32
      %add3A_1874 = vector.broadcast %add3A_1873 : i32 to vector<16xi32>
      %add3A_1875 = arith.addi %mul3A_1872, %add3A_1874 : vector<16xi32>
      %gather3A_1876 = arith.constant 1 : i32
      %gather3A_1877 = arith.constant 0 : i32
      %gather3A_1878 = arith.constant 0 : i32
      %gather3A_1879 = tpu.memref_slice %arg7[%gather3A_1876, %gather3A_1877, %gather3A_1878] : memref<2x128x128xf32, #tpu.memory_space<vmem>> -> memref<1x128x128xf32, #tpu.memory_space<vmem>>
      %gather3A_1880 = tpu.memref_squeeze %gather3A_1879 : memref<1x128x128xf32, #tpu.memory_space<vmem>> -> memref<128x128xf32, #tpu.memory_space<vmem>>
      %gather3A_1881 = tpu.vector_load_idx %gather3A_1880[%add3A_1850, %add3A_1875] : memref<128x128xf32, #tpu.memory_space<vmem>>[vector<16xi32>, vector<16xi32>], vector<16xf32>,
      %add3A_1882 = arith.constant 0 : i32
      %add3A_1883 = vector.broadcast %add3A_1882 : i32 to vector<16xi32>
      %add3A_1884 = arith.addi %mul3A_1869, %add3A_1883 : vector<16xi32>
      tpu.vector_store_idx %arg8[%shift_right_logical3A_1862, %add3A_1884], %gather3A_1881 : memref<128x512xf32, #tpu.memory_space<vmem>>[vector<16xi32>, vector<16xi32>], vector<16xf32>,
      %add3A_1885 = arith.constant 1 : i32
      %add3A_1886 = vector.broadcast %add3A_1885 : i32 to vector<16xi32>
      %add3A_1887 = arith.addi %mul3A_1872, %add3A_1886 : vector<16xi32>
      %gather3A_1888 = arith.constant 1 : i32
      %gather3A_1889 = arith.constant 0 : i32
      %gather3A_1890 = arith.constant 0 : i32
      %gather3A_1891 = tpu.memref_slice %arg7[%gather3A_1888, %gather3A_1889, %gather3A_1890] : memref<2x128x128xf32, #tpu.memory_space<vmem>> -> memref<1x128x128xf32, #tpu.memory_space<vmem>>
      %gather3A_1892 = tpu.memref_squeeze %gather3A_1891 : memref<1x128x128xf32, #tpu.memory_space<vmem>> -> memref<128x128xf32, #tpu.memory_space<vmem>>
      %gather3A_1893 = tpu.vector_load_idx %gather3A_1892[%add3A_1850, %add3A_1887] : memref<128x128xf32, #tpu.memory_space<vmem>>[vector<16xi32>, vector<16xi32>], vector<16xf32>,
      %add3A_1894 = arith.constant 1 : i32
      %add3A_1895 = vector.broadcast %add3A_1894 : i32 to vector<16xi32>
      %add3A_1896 = arith.addi %mul3A_1869, %add3A_1895 : vector<16xi32>
      tpu.vector_store_idx %arg8[%shift_right_logical3A_1862, %add3A_1896], %gather3A_1893 : memref<128x512xf32, #tpu.memory_space<vmem>>[vector<16xi32>, vector<16xi32>], vector<16xf32>,
      %add3A_1897 = arith.constant 2 : i32
      %add3A_1898 = vector.broadcast %add3A_1897 : i32 to vector<16xi32>
      %add3A_1899 = arith.addi %mul3A_1872, %add3A_1898 : vector<16xi32>
      %gather3A_1900 = arith.constant 1 : i32
      %gather3A_1901 = arith.constant 0 : i32
      %gather3A_1902 = arith.constant 0 : i32
      %gather3A_1903 = tpu.memref_slice %arg7[%gather3A_1900, %gather3A_1901, %gather3A_1902] : memref<2x128x128xf32, #tpu.memory_space<vmem>> -> memref<1x128x128xf32, #tpu.memory_space<vmem>>
      %gather3A_1904 = tpu.memref_squeeze %gather3A_1903 : memref<1x128x128xf32, #tpu.memory_space<vmem>> -> memref<128x128xf32, #tpu.memory_space<vmem>>
      %gather3A_1905 = tpu.vector_load_idx %gather3A_1904[%add3A_1850, %add3A_1899] : memref<128x128xf32, #tpu.memory_space<vmem>>[vector<16xi32>, vector<16xi32>], vector<16xf32>,
      %add3A_1906 = arith.constant 2 : i32
      %add3A_1907 = vector.broadcast %add3A_1906 : i32 to vector<16xi32>
      %add3A_1908 = arith.addi %mul3A_1869, %add3A_1907 : vector<16xi32>
      tpu.vector_store_idx %arg8[%shift_right_logical3A_1862, %add3A_1908], %gather3A_1905 : memref<128x512xf32, #tpu.memory_space<vmem>>[vector<16xi32>, vector<16xi32>], vector<16xf32>,
      %add3A_1909 = arith.constant 3 : i32
      %add3A_1910 = vector.broadcast %add3A_1909 : i32 to vector<16xi32>
      %add3A_1911 = arith.addi %mul3A_1872, %add3A_1910 : vector<16xi32>
      %gather3A_1912 = arith.constant 1 : i32
      %gather3A_1913 = arith.constant 0 : i32
      %gather3A_1914 = arith.constant 0 : i32
      %gather3A_1915 = tpu.memref_slice %arg7[%gather3A_1912, %gather3A_1913, %gather3A_1914] : memref<2x128x128xf32, #tpu.memory_space<vmem>> -> memref<1x128x128xf32, #tpu.memory_space<vmem>>
      %gather3A_1916 = tpu.memref_squeeze %gather3A_1915 : memref<1x128x128xf32, #tpu.memory_space<vmem>> -> memref<128x128xf32, #tpu.memory_space<vmem>>
      %gather3A_1917 = tpu.vector_load_idx %gather3A_1916[%add3A_1850, %add3A_1911] : memref<128x128xf32, #tpu.memory_space<vmem>>[vector<16xi32>, vector<16xi32>], vector<16xf32>,
      %add3A_1918 = arith.constant 3 : i32
      %add3A_1919 = vector.broadcast %add3A_1918 : i32 to vector<16xi32>
      %add3A_1920 = arith.addi %mul3A_1869, %add3A_1919 : vector<16xi32>
      tpu.vector_store_idx %arg8[%shift_right_logical3A_1862, %add3A_1920], %gather3A_1917 : memref<128x512xf32, #tpu.memory_space<vmem>>[vector<16xi32>, vector<16xi32>], vector<16xf32>,
      %add3A_1921 = arith.constant 4 : i32
      %add3A_1922 = vector.broadcast %add3A_1921 : i32 to vector<16xi32>
      %add3A_1923 = arith.addi %mul3A_1872, %add3A_1922 : vector<16xi32>
      %gather3A_1924 = arith.constant 1 : i32
      %gather3A_1925 = arith.constant 0 : i32
      %gather3A_1926 = arith.constant 0 : i32
      %gather3A_1927 = tpu.memref_slice %arg7[%gather3A_1924, %gather3A_1925, %gather3A_1926] : memref<2x128x128xf32, #tpu.memory_space<vmem>> -> memref<1x128x128xf32, #tpu.memory_space<vmem>>
      %gather3A_1928 = tpu.memref_squeeze %gather3A_1927 : memref<1x128x128xf32, #tpu.memory_space<vmem>> -> memref<128x128xf32, #tpu.memory_space<vmem>>
      %gather3A_1929 = tpu.vector_load_idx %gather3A_1928[%add3A_1850, %add3A_1923] : memref<128x128xf32, #tpu.memory_space<vmem>>[vector<16xi32>, vector<16xi32>], vector<16xf32>,
      %add3A_1930 = arith.constant 4 : i32
      %add3A_1931 = vector.broadcast %add3A_1930 : i32 to vector<16xi32>
      %add3A_1932 = arith.addi %mul3A_1869, %add3A_1931 : vector<16xi32>
      tpu.vector_store_idx %arg8[%shift_right_logical3A_1862, %add3A_1932], %gather3A_1929 : memref<128x512xf32, #tpu.memory_space<vmem>>[vector<16xi32>, vector<16xi32>], vector<16xf32>,
      %add3A_1933 = arith.constant 5 : i32
      %add3A_1934 = vector.broadcast %add3A_1933 : i32 to vector<16xi32>
      %add3A_1935 = arith.addi %mul3A_1872, %add3A_1934 : vector<16xi32>
      %gather3A_1936 = arith.constant 1 : i32
      %gather3A_1937 = arith.constant 0 : i32
      %gather3A_1938 = arith.constant 0 : i32
      %gather3A_1939 = tpu.memref_slice %arg7[%gather3A_1936, %gather3A_1937, %gather3A_1938] : memref<2x128x128xf32, #tpu.memory_space<vmem>> -> memref<1x128x128xf32, #tpu.memory_space<vmem>>
      %gather3A_1940 = tpu.memref_squeeze %gather3A_1939 : memref<1x128x128xf32, #tpu.memory_space<vmem>> -> memref<128x128xf32, #tpu.memory_space<vmem>>
      %gather3A_1941 = tpu.vector_load_idx %gather3A_1940[%add3A_1850, %add3A_1935] : memref<128x128xf32, #tpu.memory_space<vmem>>[vector<16xi32>, vector<16xi32>], vector<16xf32>,
      %add3A_1942 = arith.constant 5 : i32
      %add3A_1943 = vector.broadcast %add3A_1942 : i32 to vector<16xi32>
      %add3A_1944 = arith.addi %mul3A_1869, %add3A_1943 : vector<16xi32>
      tpu.vector_store_idx %arg8[%shift_right_logical3A_1862, %add3A_1944], %gather3A_1941 : memref<128x512xf32, #tpu.memory_space<vmem>>[vector<16xi32>, vector<16xi32>], vector<16xf32>,
      %add3A_1945 = arith.constant 6 : i32
      %add3A_1946 = vector.broadcast %add3A_1945 : i32 to vector<16xi32>
      %add3A_1947 = arith.addi %mul3A_1872, %add3A_1946 : vector<16xi32>
      %gather3A_1948 = arith.constant 1 : i32
      %gather3A_1949 = arith.constant 0 : i32
      %gather3A_1950 = arith.constant 0 : i32
      %gather3A_1951 = tpu.memref_slice %arg7[%gather3A_1948, %gather3A_1949, %gather3A_1950] : memref<2x128x128xf32, #tpu.memory_space<vmem>> -> memref<1x128x128xf32, #tpu.memory_space<vmem>>
      %gather3A_1952 = tpu.memref_squeeze %gather3A_1951 : memref<1x128x128xf32, #tpu.memory_space<vmem>> -> memref<128x128xf32, #tpu.memory_space<vmem>>
      %gather3A_1953 = tpu.vector_load_idx %gather3A_1952[%add3A_1850, %add3A_1947] : memref<128x128xf32, #tpu.memory_space<vmem>>[vector<16xi32>, vector<16xi32>], vector<16xf32>,
      %add3A_1954 = arith.constant 6 : i32
      %add3A_1955 = vector.broadcast %add3A_1954 : i32 to vector<16xi32>
      %add3A_1956 = arith.addi %mul3A_1869, %add3A_1955 : vector<16xi32>
      tpu.vector_store_idx %arg8[%shift_right_logical3A_1862, %add3A_1956], %gather3A_1953 : memref<128x512xf32, #tpu.memory_space<vmem>>[vector<16xi32>, vector<16xi32>], vector<16xf32>,
      %add3A_1957 = arith.constant 7 : i32
      %add3A_1958 = vector.broadcast %add3A_1957 : i32 to vector<16xi32>
      %add3A_1959 = arith.addi %mul3A_1872, %add3A_1958 : vector<16xi32>
      %gather3A_1960 = arith.constant 1 : i32
      %gather3A_1961 = arith.constant 0 : i32
      %gather3A_1962 = arith.constant 0 : i32
      %gather3A_1963 = tpu.memref_slice %arg7[%gather3A_1960, %gather3A_1961, %gather3A_1962] : memref<2x128x128xf32, #tpu.memory_space<vmem>> -> memref<1x128x128xf32, #tpu.memory_space<vmem>>
      %gather3A_1964 = tpu.memref_squeeze %gather3A_1963 : memref<1x128x128xf32, #tpu.memory_space<vmem>> -> memref<128x128xf32, #tpu.memory_space<vmem>>
      %gather3A_1965 = tpu.vector_load_idx %gather3A_1964[%add3A_1850, %add3A_1959] : memref<128x128xf32, #tpu.memory_space<vmem>>[vector<16xi32>, vector<16xi32>], vector<16xf32>,
      %add3A_1966 = arith.constant 7 : i32
      %add3A_1967 = vector.broadcast %add3A_1966 : i32 to vector<16xi32>
      %add3A_1968 = arith.addi %mul3A_1869, %add3A_1967 : vector<16xi32>
      tpu.vector_store_idx %arg8[%shift_right_logical3A_1862, %add3A_1968], %gather3A_1965 : memref<128x512xf32, #tpu.memory_space<vmem>>[vector<16xi32>, vector<16xi32>], vector<16xf32>,
      %add3A_1969 = arith.constant 8 : i32
      %add3A_1970 = vector.broadcast %add3A_1969 : i32 to vector<16xi32>
      %add3A_1971 = arith.addi %mul3A_1872, %add3A_1970 : vector<16xi32>
      %gather3A_1972 = arith.constant 1 : i32
      %gather3A_1973 = arith.constant 0 : i32
      %gather3A_1974 = arith.constant 0 : i32
      %gather3A_1975 = tpu.memref_slice %arg7[%gather3A_1972, %gather3A_1973, %gather3A_1974] : memref<2x128x128xf32, #tpu.memory_space<vmem>> -> memref<1x128x128xf32, #tpu.memory_space<vmem>>
      %gather3A_1976 = tpu.memref_squeeze %gather3A_1975 : memref<1x128x128xf32, #tpu.memory_space<vmem>> -> memref<128x128xf32, #tpu.memory_space<vmem>>
      %gather3A_1977 = tpu.vector_load_idx %gather3A_1976[%add3A_1850, %add3A_1971] : memref<128x128xf32, #tpu.memory_space<vmem>>[vector<16xi32>, vector<16xi32>], vector<16xf32>,
      %add3A_1978 = arith.constant 8 : i32
      %add3A_1979 = vector.broadcast %add3A_1978 : i32 to vector<16xi32>
      %add3A_1980 = arith.addi %mul3A_1869, %add3A_1979 : vector<16xi32>
      tpu.vector_store_idx %arg8[%shift_right_logical3A_1862, %add3A_1980], %gather3A_1977 : memref<128x512xf32, #tpu.memory_space<vmem>>[vector<16xi32>, vector<16xi32>], vector<16xf32>,
      %add3A_1981 = arith.constant 9 : i32
      %add3A_1982 = vector.broadcast %add3A_1981 : i32 to vector<16xi32>
      %add3A_1983 = arith.addi %mul3A_1872, %add3A_1982 : vector<16xi32>
      %gather3A_1984 = arith.constant 1 : i32
      %gather3A_1985 = arith.constant 0 : i32
      %gather3A_1986 = arith.constant 0 : i32
      %gather3A_1987 = tpu.memref_slice %arg7[%gather3A_1984, %gather3A_1985, %gather3A_1986] : memref<2x128x128xf32, #tpu.memory_space<vmem>> -> memref<1x128x128xf32, #tpu.memory_space<vmem>>
      %gather3A_1988 = tpu.memref_squeeze %gather3A_1987 : memref<1x128x128xf32, #tpu.memory_space<vmem>> -> memref<128x128xf32, #tpu.memory_space<vmem>>
      %gather3A_1989 = tpu.vector_load_idx %gather3A_1988[%add3A_1850, %add3A_1983] : memref<128x128xf32, #tpu.memory_space<vmem>>[vector<16xi32>, vector<16xi32>], vector<16xf32>,
      %add3A_1990 = arith.constant 9 : i32
      %add3A_1991 = vector.broadcast %add3A_1990 : i32 to vector<16xi32>
      %add3A_1992 = arith.addi %mul3A_1869, %add3A_1991 : vector<16xi32>
      tpu.vector_store_idx %arg8[%shift_right_logical3A_1862, %add3A_1992], %gather3A_1989 : memref<128x512xf32, #tpu.memory_space<vmem>>[vector<16xi32>, vector<16xi32>], vector<16xf32>,
      %add3A_1993 = arith.constant 10 : i32
      %add3A_1994 = vector.broadcast %add3A_1993 : i32 to vector<16xi32>
      %add3A_1995 = arith.addi %mul3A_1872, %add3A_1994 : vector<16xi32>
      %gather3A_1996 = arith.constant 1 : i32
      %gather3A_1997 = arith.constant 0 : i32
      %gather3A_1998 = arith.constant 0 : i32
      %gather3A_1999 = tpu.memref_slice %arg7[%gather3A_1996, %gather3A_1997, %gather3A_1998] : memref<2x128x128xf32, #tpu.memory_space<vmem>> -> memref<1x128x128xf32, #tpu.memory_space<vmem>>
      %gather3A_2000 = tpu.memref_squeeze %gather3A_1999 : memref<1x128x128xf32, #tpu.memory_space<vmem>> -> memref<128x128xf32, #tpu.memory_space<vmem>>
      %gather3A_2001 = tpu.vector_load_idx %gather3A_2000[%add3A_1850, %add3A_1995] : memref<128x128xf32, #tpu.memory_space<vmem>>[vector<16xi32>, vector<16xi32>], vector<16xf32>,
      %add3A_2002 = arith.constant 10 : i32
      %add3A_2003 = vector.broadcast %add3A_2002 : i32 to vector<16xi32>
      %add3A_2004 = arith.addi %mul3A_1869, %add3A_2003 : vector<16xi32>
      tpu.vector_store_idx %arg8[%shift_right_logical3A_1862, %add3A_2004], %gather3A_2001 : memref<128x512xf32, #tpu.memory_space<vmem>>[vector<16xi32>, vector<16xi32>], vector<16xf32>,
      %add3A_2005 = arith.constant 11 : i32
      %add3A_2006 = vector.broadcast %add3A_2005 : i32 to vector<16xi32>
      %add3A_2007 = arith.addi %mul3A_1872, %add3A_2006 : vector<16xi32>
      %gather3A_2008 = arith.constant 1 : i32
      %gather3A_2009 = arith.constant 0 : i32
      %gather3A_2010 = arith.constant 0 : i32
      %gather3A_2011 = tpu.memref_slice %arg7[%gather3A_2008, %gather3A_2009, %gather3A_2010] : memref<2x128x128xf32, #tpu.memory_space<vmem>> -> memref<1x128x128xf32, #tpu.memory_space<vmem>>
      %gather3A_2012 = tpu.memref_squeeze %gather3A_2011 : memref<1x128x128xf32, #tpu.memory_space<vmem>> -> memref<128x128xf32, #tpu.memory_space<vmem>>
      %gather3A_2013 = tpu.vector_load_idx %gather3A_2012[%add3A_1850, %add3A_2007] : memref<128x128xf32, #tpu.memory_space<vmem>>[vector<16xi32>, vector<16xi32>], vector<16xf32>,
      %add3A_2014 = arith.constant 11 : i32
      %add3A_2015 = vector.broadcast %add3A_2014 : i32 to vector<16xi32>
      %add3A_2016 = arith.addi %mul3A_1869, %add3A_2015 : vector<16xi32>
      tpu.vector_store_idx %arg8[%shift_right_logical3A_1862, %add3A_2016], %gather3A_2013 : memref<128x512xf32, #tpu.memory_space<vmem>>[vector<16xi32>, vector<16xi32>], vector<16xf32>,
      %add3A_2017 = arith.constant 12 : i32
      %add3A_2018 = vector.broadcast %add3A_2017 : i32 to vector<16xi32>
      %add3A_2019 = arith.addi %mul3A_1872, %add3A_2018 : vector<16xi32>
      %gather3A_2020 = arith.constant 1 : i32
      %gather3A_2021 = arith.constant 0 : i32
      %gather3A_2022 = arith.constant 0 : i32
      %gather3A_2023 = tpu.memref_slice %arg7[%gather3A_2020, %gather3A_2021, %gather3A_2022] : memref<2x128x128xf32, #tpu.memory_space<vmem>> -> memref<1x128x128xf32, #tpu.memory_space<vmem>>
      %gather3A_2024 = tpu.memref_squeeze %gather3A_2023 : memref<1x128x128xf32, #tpu.memory_space<vmem>> -> memref<128x128xf32, #tpu.memory_space<vmem>>
      %gather3A_2025 = tpu.vector_load_idx %gather3A_2024[%add3A_1850, %add3A_2019] : memref<128x128xf32, #tpu.memory_space<vmem>>[vector<16xi32>, vector<16xi32>], vector<16xf32>,
      %add3A_2026 = arith.constant 12 : i32
      %add3A_2027 = vector.broadcast %add3A_2026 : i32 to vector<16xi32>
      %add3A_2028 = arith.addi %mul3A_1869, %add3A_2027 : vector<16xi32>
      tpu.vector_store_idx %arg8[%shift_right_logical3A_1862, %add3A_2028], %gather3A_2025 : memref<128x512xf32, #tpu.memory_space<vmem>>[vector<16xi32>, vector<16xi32>], vector<16xf32>,
      %add3A_2029 = arith.constant 13 : i32
      %add3A_2030 = vector.broadcast %add3A_2029 : i32 to vector<16xi32>
      %add3A_2031 = arith.addi %mul3A_1872, %add3A_2030 : vector<16xi32>
      %gather3A_2032 = arith.constant 1 : i32
      %gather3A_2033 = arith.constant 0 : i32
      %gather3A_2034 = arith.constant 0 : i32
      %gather3A_2035 = tpu.memref_slice %arg7[%gather3A_2032, %gather3A_2033, %gather3A_2034] : memref<2x128x128xf32, #tpu.memory_space<vmem>> -> memref<1x128x128xf32, #tpu.memory_space<vmem>>
      %gather3A_2036 = tpu.memref_squeeze %gather3A_2035 : memref<1x128x128xf32, #tpu.memory_space<vmem>> -> memref<128x128xf32, #tpu.memory_space<vmem>>
      %gather3A_2037 = tpu.vector_load_idx %gather3A_2036[%add3A_1850, %add3A_2031] : memref<128x128xf32, #tpu.memory_space<vmem>>[vector<16xi32>, vector<16xi32>], vector<16xf32>,
      %add3A_2038 = arith.constant 13 : i32
      %add3A_2039 = vector.broadcast %add3A_2038 : i32 to vector<16xi32>
      %add3A_2040 = arith.addi %mul3A_1869, %add3A_2039 : vector<16xi32>
      tpu.vector_store_idx %arg8[%shift_right_logical3A_1862, %add3A_2040], %gather3A_2037 : memref<128x512xf32, #tpu.memory_space<vmem>>[vector<16xi32>, vector<16xi32>], vector<16xf32>,
      %add3A_2041 = arith.constant 14 : i32
      %add3A_2042 = vector.broadcast %add3A_2041 : i32 to vector<16xi32>
      %add3A_2043 = arith.addi %mul3A_1872, %add3A_2042 : vector<16xi32>
      %gather3A_2044 = arith.constant 1 : i32
      %gather3A_2045 = arith.constant 0 : i32
      %gather3A_2046 = arith.constant 0 : i32
      %gather3A_2047 = tpu.memref_slice %arg7[%gather3A_2044, %gather3A_2045, %gather3A_2046] : memref<2x128x128xf32, #tpu.memory_space<vmem>> -> memref<1x128x128xf32, #tpu.memory_space<vmem>>
      %gather3A_2048 = tpu.memref_squeeze %gather3A_2047 : memref<1x128x128xf32, #tpu.memory_space<vmem>> -> memref<128x128xf32, #tpu.memory_space<vmem>>
      %gather3A_2049 = tpu.vector_load_idx %gather3A_2048[%add3A_1850, %add3A_2043] : memref<128x128xf32, #tpu.memory_space<vmem>>[vector<16xi32>, vector<16xi32>], vector<16xf32>,
      %add3A_2050 = arith.constant 14 : i32
      %add3A_2051 = vector.broadcast %add3A_2050 : i32 to vector<16xi32>
      %add3A_2052 = arith.addi %mul3A_1869, %add3A_2051 : vector<16xi32>
      tpu.vector_store_idx %arg8[%shift_right_logical3A_1862, %add3A_2052], %gather3A_2049 : memref<128x512xf32, #tpu.memory_space<vmem>>[vector<16xi32>, vector<16xi32>], vector<16xf32>,
      %add3A_2053 = arith.constant 15 : i32
      %add3A_2054 = vector.broadcast %add3A_2053 : i32 to vector<16xi32>
      %add3A_2055 = arith.addi %mul3A_1872, %add3A_2054 : vector<16xi32>
      %gather3A_2056 = arith.constant 1 : i32
      %gather3A_2057 = arith.constant 0 : i32
      %gather3A_2058 = arith.constant 0 : i32
      %gather3A_2059 = tpu.memref_slice %arg7[%gather3A_2056, %gather3A_2057, %gather3A_2058] : memref<2x128x128xf32, #tpu.memory_space<vmem>> -> memref<1x128x128xf32, #tpu.memory_space<vmem>>
      %gather3A_2060 = tpu.memref_squeeze %gather3A_2059 : memref<1x128x128xf32, #tpu.memory_space<vmem>> -> memref<128x128xf32, #tpu.memory_space<vmem>>
      %gather3A_2061 = tpu.vector_load_idx %gather3A_2060[%add3A_1850, %add3A_2055] : memref<128x128xf32, #tpu.memory_space<vmem>>[vector<16xi32>, vector<16xi32>], vector<16xf32>,
      %add3A_2062 = arith.constant 15 : i32
      %add3A_2063 = vector.broadcast %add3A_2062 : i32 to vector<16xi32>
      %add3A_2064 = arith.addi %mul3A_1869, %add3A_2063 : vector<16xi32>
      tpu.vector_store_idx %arg8[%shift_right_logical3A_1862, %add3A_2064], %gather3A_2061 : memref<128x512xf32, #tpu.memory_space<vmem>>[vector<16xi32>, vector<16xi32>], vector<16xf32>,
      %get3A_2065 = arith.index_cast %add3A_1841 : i32 to index
      %get3A_2066 = arith.constant 16 : index
      %get3A_2067 = tpu.vector_load %arg5[%get3A_2065, %get3A_2066] {strides = array<i32>} : memref<32x128xi32, #tpu.memory_space<vmem>>, vector<16xi32>,
      %and3A_2068 = arith.constant 7 : i32
      %and3A_2069 = vector.broadcast %and3A_2068 : i32 to vector<16xi32>
      %and3A_2070 = arith.andi %get3A_2067, %and3A_2069 : vector<16xi32>
      %add3A_2071 = arith.constant 16 : i32
      %add3A_2072 = vector.broadcast %add3A_2071 : i32 to vector<16xi32>
      %add3A_2073 = arith.addi %iota3A, %add3A_2072 : vector<16xi32>
      %mul3A_2074 = arith.constant 128 : i32
      %mul3A_2075 = arith.muli %add3A_1841, %mul3A_2074 : i32
      %add3A_2076 = arith.constant 16 : i32
      %add3A_2077 = arith.addi %mul3A_2075, %add3A_2076 : i32
      %add3A_2078 = vector.broadcast %add3A_2077 : i32 to vector<16xi32>
      %add3A_2079 = arith.addi %iota3A, %add3A_2078 : vector<16xi32>
      %mul3A_2080 = arith.constant 20165 : i32
      %mul3A_2081 = vector.broadcast %mul3A_2080 : i32 to vector<16xi32>
      %mul3A_2082 = arith.muli %add3A_2079, %mul3A_2081 : vector<16xi32>
      %shift_right_logical3A_2083 = arith.constant 19 : i32
      %shift_right_logical3A_2084 = vector.broadcast %shift_right_logical3A_2083 : i32 to vector<16xi32>
      %shift_right_logical3A_2085 = arith.shrui %mul3A_2082, %shift_right_logical3A_2084 : vector<16xi32>
      %mul3A_2086 = arith.constant 26 : i32
      %mul3A_2087 = vector.broadcast %mul3A_2086 : i32 to vector<16xi32>
      %mul3A_2088 = arith.muli %shift_right_logical3A_2085, %mul3A_2087 : vector<16xi32>
      %sub3A_2089 = arith.subi %add3A_2079, %mul3A_2088 : vector<16xi32>
      %mul3A_2090 = arith.constant 16 : i32
      %mul3A_2091 = vector.broadcast %mul3A_2090 : i32 to vector<16xi32>
      %mul3A_2092 = arith.muli %sub3A_2089, %mul3A_2091 : vector<16xi32>
      %mul3A_2093 = arith.constant 16 : i32
      %mul3A_2094 = vector.broadcast %mul3A_2093 : i32 to vector<16xi32>
      %mul3A_2095 = arith.muli %and3A_2070, %mul3A_2094 : vector<16xi32>
      %add3A_2096 = arith.constant 0 : i32
      %add3A_2097 = vector.broadcast %add3A_2096 : i32 to vector<16xi32>
      %add3A_2098 = arith.addi %mul3A_2095, %add3A_2097 : vector<16xi32>
      %gather3A_2099 = arith.constant 1 : i32
      %gather3A_2100 = arith.constant 0 : i32
      %gather3A_2101 = arith.constant 0 : i32
      %gather3A_2102 = tpu.memref_slice %arg7[%gather3A_2099, %gather3A_2100, %gather3A_2101] : memref<2x128x128xf32, #tpu.memory_space<vmem>> -> memref<1x128x128xf32, #tpu.memory_space<vmem>>
      %gather3A_2103 = tpu.memref_squeeze %gather3A_2102 : memref<1x128x128xf32, #tpu.memory_space<vmem>> -> memref<128x128xf32, #tpu.memory_space<vmem>>
      %gather3A_2104 = tpu.vector_load_idx %gather3A_2103[%add3A_2073, %add3A_2098] : memref<128x128xf32, #tpu.memory_space<vmem>>[vector<16xi32>, vector<16xi32>], vector<16xf32>,
      %add3A_2105 = arith.constant 0 : i32
      %add3A_2106 = vector.broadcast %add3A_2105 : i32 to vector<16xi32>
      %add3A_2107 = arith.addi %mul3A_2092, %add3A_2106 : vector<16xi32>
      tpu.vector_store_idx %arg8[%shift_right_logical3A_2085, %add3A_2107], %gather3A_2104 : memref<128x512xf32, #tpu.memory_space<vmem>>[vector<16xi32>, vector<16xi32>], vector<16xf32>,
      %add3A_2108 = arith.constant 1 : i32
      %add3A_2109 = vector.broadcast %add3A_2108 : i32 to vector<16xi32>
      %add3A_2110 = arith.addi %mul3A_2095, %add3A_2109 : vector<16xi32>
      %gather3A_2111 = arith.constant 1 : i32
      %gather3A_2112 = arith.constant 0 : i32
      %gather3A_2113 = arith.constant 0 : i32
      %gather3A_2114 = tpu.memref_slice %arg7[%gather3A_2111, %gather3A_2112, %gather3A_2113] : memref<2x128x128xf32, #tpu.memory_space<vmem>> -> memref<1x128x128xf32, #tpu.memory_space<vmem>>
      %gather3A_2115 = tpu.memref_squeeze %gather3A_2114 : memref<1x128x128xf32, #tpu.memory_space<vmem>> -> memref<128x128xf32, #tpu.memory_space<vmem>>
      %gather3A_2116 = tpu.vector_load_idx %gather3A_2115[%add3A_2073, %add3A_2110] : memref<128x128xf32, #tpu.memory_space<vmem>>[vector<16xi32>, vector<16xi32>], vector<16xf32>,
      %add3A_2117 = arith.constant 1 : i32
      %add3A_2118 = vector.broadcast %add3A_2117 : i32 to vector<16xi32>
      %add3A_2119 = arith.addi %mul3A_2092, %add3A_2118 : vector<16xi32>
      tpu.vector_store_idx %arg8[%shift_right_logical3A_2085, %add3A_2119], %gather3A_2116 : memref<128x512xf32, #tpu.memory_space<vmem>>[vector<16xi32>, vector<16xi32>], vector<16xf32>,
      %add3A_2120 = arith.constant 2 : i32
      %add3A_2121 = vector.broadcast %add3A_2120 : i32 to vector<16xi32>
      %add3A_2122 = arith.addi %mul3A_2095, %add3A_2121 : vector<16xi32>
      %gather3A_2123 = arith.constant 1 : i32
      %gather3A_2124 = arith.constant 0 : i32
      %gather3A_2125 = arith.constant 0 : i32
      %gather3A_2126 = tpu.memref_slice %arg7[%gather3A_2123, %gather3A_2124, %gather3A_2125] : memref<2x128x128xf32, #tpu.memory_space<vmem>> -> memref<1x128x128xf32, #tpu.memory_space<vmem>>
      %gather3A_2127 = tpu.memref_squeeze %gather3A_2126 : memref<1x128x128xf32, #tpu.memory_space<vmem>> -> memref<128x128xf32, #tpu.memory_space<vmem>>
      %gather3A_2128 = tpu.vector_load_idx %gather3A_2127[%add3A_2073, %add3A_2122] : memref<128x128xf32, #tpu.memory_space<vmem>>[vector<16xi32>, vector<16xi32>], vector<16xf32>,
      %add3A_2129 = arith.constant 2 : i32
      %add3A_2130 = vector.broadcast %add3A_2129 : i32 to vector<16xi32>
      %add3A_2131 = arith.addi %mul3A_2092, %add3A_2130 : vector<16xi32>
      tpu.vector_store_idx %arg8[%shift_right_logical3A_2085, %add3A_2131], %gather3A_2128 : memref<128x512xf32, #tpu.memory_space<vmem>>[vector<16xi32>, vector<16xi32>], vector<16xf32>,
      %add3A_2132 = arith.constant 3 : i32
      %add3A_2133 = vector.broadcast %add3A_2132 : i32 to vector<16xi32>
      %add3A_2134 = arith.addi %mul3A_2095, %add3A_2133 : vector<16xi32>
      %gather3A_2135 = arith.constant 1 : i32
      %gather3A_2136 = arith.constant 0 : i32
      %gather3A_2137 = arith.constant 0 : i32
      %gather3A_2138 = tpu.memref_slice %arg7[%gather3A_2135, %gather3A_2136, %gather3A_2137] : memref<2x128x128xf32, #tpu.memory_space<vmem>> -> memref<1x128x128xf32, #tpu.memory_space<vmem>>
      %gather3A_2139 = tpu.memref_squeeze %gather3A_2138 : memref<1x128x128xf32, #tpu.memory_space<vmem>> -> memref<128x128xf32, #tpu.memory_space<vmem>>
      %gather3A_2140 = tpu.vector_load_idx %gather3A_2139[%add3A_2073, %add3A_2134] : memref<128x128xf32, #tpu.memory_space<vmem>>[vector<16xi32>, vector<16xi32>], vector<16xf32>,
      %add3A_2141 = arith.constant 3 : i32
      %add3A_2142 = vector.broadcast %add3A_2141 : i32 to vector<16xi32>
      %add3A_2143 = arith.addi %mul3A_2092, %add3A_2142 : vector<16xi32>
      tpu.vector_store_idx %arg8[%shift_right_logical3A_2085, %add3A_2143], %gather3A_2140 : memref<128x512xf32, #tpu.memory_space<vmem>>[vector<16xi32>, vector<16xi32>], vector<16xf32>,
      %add3A_2144 = arith.constant 4 : i32
      %add3A_2145 = vector.broadcast %add3A_2144 : i32 to vector<16xi32>
      %add3A_2146 = arith.addi %mul3A_2095, %add3A_2145 : vector<16xi32>
      %gather3A_2147 = arith.constant 1 : i32
      %gather3A_2148 = arith.constant 0 : i32
      %gather3A_2149 = arith.constant 0 : i32
      %gather3A_2150 = tpu.memref_slice %arg7[%gather3A_2147, %gather3A_2148, %gather3A_2149] : memref<2x128x128xf32, #tpu.memory_space<vmem>> -> memref<1x128x128xf32, #tpu.memory_space<vmem>>
      %gather3A_2151 = tpu.memref_squeeze %gather3A_2150 : memref<1x128x128xf32, #tpu.memory_space<vmem>> -> memref<128x128xf32, #tpu.memory_space<vmem>>
      %gather3A_2152 = tpu.vector_load_idx %gather3A_2151[%add3A_2073, %add3A_2146] : memref<128x128xf32, #tpu.memory_space<vmem>>[vector<16xi32>, vector<16xi32>], vector<16xf32>,
      %add3A_2153 = arith.constant 4 : i32
      %add3A_2154 = vector.broadcast %add3A_2153 : i32 to vector<16xi32>
      %add3A_2155 = arith.addi %mul3A_2092, %add3A_2154 : vector<16xi32>
      tpu.vector_store_idx %arg8[%shift_right_logical3A_2085, %add3A_2155], %gather3A_2152 : memref<128x512xf32, #tpu.memory_space<vmem>>[vector<16xi32>, vector<16xi32>], vector<16xf32>,
      %add3A_2156 = arith.constant 5 : i32
      %add3A_2157 = vector.broadcast %add3A_2156 : i32 to vector<16xi32>
      %add3A_2158 = arith.addi %mul3A_2095, %add3A_2157 : vector<16xi32>
      %gather3A_2159 = arith.constant 1 : i32
      %gather3A_2160 = arith.constant 0 : i32
      %gather3A_2161 = arith.constant 0 : i32
      %gather3A_2162 = tpu.memref_slice %arg7[%gather3A_2159, %gather3A_2160, %gather3A_2161] : memref<2x128x128xf32, #tpu.memory_space<vmem>> -> memref<1x128x128xf32, #tpu.memory_space<vmem>>
      %gather3A_2163 = tpu.memref_squeeze %gather3A_2162 : memref<1x128x128xf32, #tpu.memory_space<vmem>> -> memref<128x128xf32, #tpu.memory_space<vmem>>
      %gather3A_2164 = tpu.vector_load_idx %gather3A_2163[%add3A_2073, %add3A_2158] : memref<128x128xf32, #tpu.memory_space<vmem>>[vector<16xi32>, vector<16xi32>], vector<16xf32>,
      %add3A_2165 = arith.constant 5 : i32
      %add3A_2166 = vector.broadcast %add3A_2165 : i32 to vector<16xi32>
      %add3A_2167 = arith.addi %mul3A_2092, %add3A_2166 : vector<16xi32>
      tpu.vector_store_idx %arg8[%shift_right_logical3A_2085, %add3A_2167], %gather3A_2164 : memref<128x512xf32, #tpu.memory_space<vmem>>[vector<16xi32>, vector<16xi32>], vector<16xf32>,
      %add3A_2168 = arith.constant 6 : i32
      %add3A_2169 = vector.broadcast %add3A_2168 : i32 to vector<16xi32>
      %add3A_2170 = arith.addi %mul3A_2095, %add3A_2169 : vector<16xi32>
      %gather3A_2171 = arith.constant 1 : i32
      %gather3A_2172 = arith.constant 0 : i32
      %gather3A_2173 = arith.constant 0 : i32
      %gather3A_2174 = tpu.memref_slice %arg7[%gather3A_2171, %gather3A_2172, %gather3A_2173] : memref<2x128x128xf32, #tpu.memory_space<vmem>> -> memref<1x128x128xf32, #tpu.memory_space<vmem>>
      %gather3A_2175 = tpu.memref_squeeze %gather3A_2174 : memref<1x128x128xf32, #tpu.memory_space<vmem>> -> memref<128x128xf32, #tpu.memory_space<vmem>>
      %gather3A_2176 = tpu.vector_load_idx %gather3A_2175[%add3A_2073, %add3A_2170] : memref<128x128xf32, #tpu.memory_space<vmem>>[vector<16xi32>, vector<16xi32>], vector<16xf32>,
      %add3A_2177 = arith.constant 6 : i32
      %add3A_2178 = vector.broadcast %add3A_2177 : i32 to vector<16xi32>
      %add3A_2179 = arith.addi %mul3A_2092, %add3A_2178 : vector<16xi32>
      tpu.vector_store_idx %arg8[%shift_right_logical3A_2085, %add3A_2179], %gather3A_2176 : memref<128x512xf32, #tpu.memory_space<vmem>>[vector<16xi32>, vector<16xi32>], vector<16xf32>,
      %add3A_2180 = arith.constant 7 : i32
      %add3A_2181 = vector.broadcast %add3A_2180 : i32 to vector<16xi32>
      %add3A_2182 = arith.addi %mul3A_2095, %add3A_2181 : vector<16xi32>
      %gather3A_2183 = arith.constant 1 : i32
      %gather3A_2184 = arith.constant 0 : i32
      %gather3A_2185 = arith.constant 0 : i32
      %gather3A_2186 = tpu.memref_slice %arg7[%gather3A_2183, %gather3A_2184, %gather3A_2185] : memref<2x128x128xf32, #tpu.memory_space<vmem>> -> memref<1x128x128xf32, #tpu.memory_space<vmem>>
      %gather3A_2187 = tpu.memref_squeeze %gather3A_2186 : memref<1x128x128xf32, #tpu.memory_space<vmem>> -> memref<128x128xf32, #tpu.memory_space<vmem>>
      %gather3A_2188 = tpu.vector_load_idx %gather3A_2187[%add3A_2073, %add3A_2182] : memref<128x128xf32, #tpu.memory_space<vmem>>[vector<16xi32>, vector<16xi32>], vector<16xf32>,
      %add3A_2189 = arith.constant 7 : i32
      %add3A_2190 = vector.broadcast %add3A_2189 : i32 to vector<16xi32>
      %add3A_2191 = arith.addi %mul3A_2092, %add3A_2190 : vector<16xi32>
      tpu.vector_store_idx %arg8[%shift_right_logical3A_2085, %add3A_2191], %gather3A_2188 : memref<128x512xf32, #tpu.memory_space<vmem>>[vector<16xi32>, vector<16xi32>], vector<16xf32>,
      %add3A_2192 = arith.constant 8 : i32
      %add3A_2193 = vector.broadcast %add3A_2192 : i32 to vector<16xi32>
      %add3A_2194 = arith.addi %mul3A_2095, %add3A_2193 : vector<16xi32>
      %gather3A_2195 = arith.constant 1 : i32
      %gather3A_2196 = arith.constant 0 : i32
      %gather3A_2197 = arith.constant 0 : i32
      %gather3A_2198 = tpu.memref_slice %arg7[%gather3A_2195, %gather3A_2196, %gather3A_2197] : memref<2x128x128xf32, #tpu.memory_space<vmem>> -> memref<1x128x128xf32, #tpu.memory_space<vmem>>
      %gather3A_2199 = tpu.memref_squeeze %gather3A_2198 : memref<1x128x128xf32, #tpu.memory_space<vmem>> -> memref<128x128xf32, #tpu.memory_space<vmem>>
      %gather3A_2200 = tpu.vector_load_idx %gather3A_2199[%add3A_2073, %add3A_2194] : memref<128x128xf32, #tpu.memory_space<vmem>>[vector<16xi32>, vector<16xi32>], vector<16xf32>,
      %add3A_2201 = arith.constant 8 : i32
      %add3A_2202 = vector.broadcast %add3A_2201 : i32 to vector<16xi32>
      %add3A_2203 = arith.addi %mul3A_2092, %add3A_2202 : vector<16xi32>
      tpu.vector_store_idx %arg8[%shift_right_logical3A_2085, %add3A_2203], %gather3A_2200 : memref<128x512xf32, #tpu.memory_space<vmem>>[vector<16xi32>, vector<16xi32>], vector<16xf32>,
      %add3A_2204 = arith.constant 9 : i32
      %add3A_2205 = vector.broadcast %add3A_2204 : i32 to vector<16xi32>
      %add3A_2206 = arith.addi %mul3A_2095, %add3A_2205 : vector<16xi32>
      %gather3A_2207 = arith.constant 1 : i32
      %gather3A_2208 = arith.constant 0 : i32
      %gather3A_2209 = arith.constant 0 : i32
      %gather3A_2210 = tpu.memref_slice %arg7[%gather3A_2207, %gather3A_2208, %gather3A_2209] : memref<2x128x128xf32, #tpu.memory_space<vmem>> -> memref<1x128x128xf32, #tpu.memory_space<vmem>>
      %gather3A_2211 = tpu.memref_squeeze %gather3A_2210 : memref<1x128x128xf32, #tpu.memory_space<vmem>> -> memref<128x128xf32, #tpu.memory_space<vmem>>
      %gather3A_2212 = tpu.vector_load_idx %gather3A_2211[%add3A_2073, %add3A_2206] : memref<128x128xf32, #tpu.memory_space<vmem>>[vector<16xi32>, vector<16xi32>], vector<16xf32>,
      %add3A_2213 = arith.constant 9 : i32
      %add3A_2214 = vector.broadcast %add3A_2213 : i32 to vector<16xi32>
      %add3A_2215 = arith.addi %mul3A_2092, %add3A_2214 : vector<16xi32>
      tpu.vector_store_idx %arg8[%shift_right_logical3A_2085, %add3A_2215], %gather3A_2212 : memref<128x512xf32, #tpu.memory_space<vmem>>[vector<16xi32>, vector<16xi32>], vector<16xf32>,
      %add3A_2216 = arith.constant 10 : i32
      %add3A_2217 = vector.broadcast %add3A_2216 : i32 to vector<16xi32>
      %add3A_2218 = arith.addi %mul3A_2095, %add3A_2217 : vector<16xi32>
      %gather3A_2219 = arith.constant 1 : i32
      %gather3A_2220 = arith.constant 0 : i32
      %gather3A_2221 = arith.constant 0 : i32
      %gather3A_2222 = tpu.memref_slice %arg7[%gather3A_2219, %gather3A_2220, %gather3A_2221] : memref<2x128x128xf32, #tpu.memory_space<vmem>> -> memref<1x128x128xf32, #tpu.memory_space<vmem>>
      %gather3A_2223 = tpu.memref_squeeze %gather3A_2222 : memref<1x128x128xf32, #tpu.memory_space<vmem>> -> memref<128x128xf32, #tpu.memory_space<vmem>>
      %gather3A_2224 = tpu.vector_load_idx %gather3A_2223[%add3A_2073, %add3A_2218] : memref<128x128xf32, #tpu.memory_space<vmem>>[vector<16xi32>, vector<16xi32>], vector<16xf32>,
      %add3A_2225 = arith.constant 10 : i32
      %add3A_2226 = vector.broadcast %add3A_2225 : i32 to vector<16xi32>
      %add3A_2227 = arith.addi %mul3A_2092, %add3A_2226 : vector<16xi32>
      tpu.vector_store_idx %arg8[%shift_right_logical3A_2085, %add3A_2227], %gather3A_2224 : memref<128x512xf32, #tpu.memory_space<vmem>>[vector<16xi32>, vector<16xi32>], vector<16xf32>,
      %add3A_2228 = arith.constant 11 : i32
      %add3A_2229 = vector.broadcast %add3A_2228 : i32 to vector<16xi32>
      %add3A_2230 = arith.addi %mul3A_2095, %add3A_2229 : vector<16xi32>
      %gather3A_2231 = arith.constant 1 : i32
      %gather3A_2232 = arith.constant 0 : i32
      %gather3A_2233 = arith.constant 0 : i32
      %gather3A_2234 = tpu.memref_slice %arg7[%gather3A_2231, %gather3A_2232, %gather3A_2233] : memref<2x128x128xf32, #tpu.memory_space<vmem>> -> memref<1x128x128xf32, #tpu.memory_space<vmem>>
      %gather3A_2235 = tpu.memref_squeeze %gather3A_2234 : memref<1x128x128xf32, #tpu.memory_space<vmem>> -> memref<128x128xf32, #tpu.memory_space<vmem>>
      %gather3A_2236 = tpu.vector_load_idx %gather3A_2235[%add3A_2073, %add3A_2230] : memref<128x128xf32, #tpu.memory_space<vmem>>[vector<16xi32>, vector<16xi32>], vector<16xf32>,
      %add3A_2237 = arith.constant 11 : i32
      %add3A_2238 = vector.broadcast %add3A_2237 : i32 to vector<16xi32>
      %add3A_2239 = arith.addi %mul3A_2092, %add3A_2238 : vector<16xi32>
      tpu.vector_store_idx %arg8[%shift_right_logical3A_2085, %add3A_2239], %gather3A_2236 : memref<128x512xf32, #tpu.memory_space<vmem>>[vector<16xi32>, vector<16xi32>], vector<16xf32>,
      %add3A_2240 = arith.constant 12 : i32
      %add3A_2241 = vector.broadcast %add3A_2240 : i32 to vector<16xi32>
      %add3A_2242 = arith.addi %mul3A_2095, %add3A_2241 : vector<16xi32>
      %gather3A_2243 = arith.constant 1 : i32
      %gather3A_2244 = arith.constant 0 : i32
      %gather3A_2245 = arith.constant 0 : i32
      %gather3A_2246 = tpu.memref_slice %arg7[%gather3A_2243, %gather3A_2244, %gather3A_2245] : memref<2x128x128xf32, #tpu.memory_space<vmem>> -> memref<1x128x128xf32, #tpu.memory_space<vmem>>
      %gather3A_2247 = tpu.memref_squeeze %gather3A_2246 : memref<1x128x128xf32, #tpu.memory_space<vmem>> -> memref<128x128xf32, #tpu.memory_space<vmem>>
      %gather3A_2248 = tpu.vector_load_idx %gather3A_2247[%add3A_2073, %add3A_2242] : memref<128x128xf32, #tpu.memory_space<vmem>>[vector<16xi32>, vector<16xi32>], vector<16xf32>,
      %add3A_2249 = arith.constant 12 : i32
      %add3A_2250 = vector.broadcast %add3A_2249 : i32 to vector<16xi32>
      %add3A_2251 = arith.addi %mul3A_2092, %add3A_2250 : vector<16xi32>
      tpu.vector_store_idx %arg8[%shift_right_logical3A_2085, %add3A_2251], %gather3A_2248 : memref<128x512xf32, #tpu.memory_space<vmem>>[vector<16xi32>, vector<16xi32>], vector<16xf32>,
      %add3A_2252 = arith.constant 13 : i32
      %add3A_2253 = vector.broadcast %add3A_2252 : i32 to vector<16xi32>
      %add3A_2254 = arith.addi %mul3A_2095, %add3A_2253 : vector<16xi32>
      %gather3A_2255 = arith.constant 1 : i32
      %gather3A_2256 = arith.constant 0 : i32
      %gather3A_2257 = arith.constant 0 : i32
      %gather3A_2258 = tpu.memref_slice %arg7[%gather3A_2255, %gather3A_2256, %gather3A_2257] : memref<2x128x128xf32, #tpu.memory_space<vmem>> -> memref<1x128x128xf32, #tpu.memory_space<vmem>>
      %gather3A_2259 = tpu.memref_squeeze %gather3A_2258 : memref<1x128x128xf32, #tpu.memory_space<vmem>> -> memref<128x128xf32, #tpu.memory_space<vmem>>
      %gather3A_2260 = tpu.vector_load_idx %gather3A_2259[%add3A_2073, %add3A_2254] : memref<128x128xf32, #tpu.memory_space<vmem>>[vector<16xi32>, vector<16xi32>], vector<16xf32>,
      %add3A_2261 = arith.constant 13 : i32
      %add3A_2262 = vector.broadcast %add3A_2261 : i32 to vector<16xi32>
      %add3A_2263 = arith.addi %mul3A_2092, %add3A_2262 : vector<16xi32>
      tpu.vector_store_idx %arg8[%shift_right_logical3A_2085, %add3A_2263], %gather3A_2260 : memref<128x512xf32, #tpu.memory_space<vmem>>[vector<16xi32>, vector<16xi32>], vector<16xf32>,
      %add3A_2264 = arith.constant 14 : i32
      %add3A_2265 = vector.broadcast %add3A_2264 : i32 to vector<16xi32>
      %add3A_2266 = arith.addi %mul3A_2095, %add3A_2265 : vector<16xi32>
      %gather3A_2267 = arith.constant 1 : i32
      %gather3A_2268 = arith.constant 0 : i32
      %gather3A_2269 = arith.constant 0 : i32
      %gather3A_2270 = tpu.memref_slice %arg7[%gather3A_2267, %gather3A_2268, %gather3A_2269] : memref<2x128x128xf32, #tpu.memory_space<vmem>> -> memref<1x128x128xf32, #tpu.memory_space<vmem>>
      %gather3A_2271 = tpu.memref_squeeze %gather3A_2270 : memref<1x128x128xf32, #tpu.memory_space<vmem>> -> memref<128x128xf32, #tpu.memory_space<vmem>>
      %gather3A_2272 = tpu.vector_load_idx %gather3A_2271[%add3A_2073, %add3A_2266] : memref<128x128xf32, #tpu.memory_space<vmem>>[vector<16xi32>, vector<16xi32>], vector<16xf32>,
      %add3A_2273 = arith.constant 14 : i32
      %add3A_2274 = vector.broadcast %add3A_2273 : i32 to vector<16xi32>
      %add3A_2275 = arith.addi %mul3A_2092, %add3A_2274 : vector<16xi32>
      tpu.vector_store_idx %arg8[%shift_right_logical3A_2085, %add3A_2275], %gather3A_2272 : memref<128x512xf32, #tpu.memory_space<vmem>>[vector<16xi32>, vector<16xi32>], vector<16xf32>,
      %add3A_2276 = arith.constant 15 : i32
      %add3A_2277 = vector.broadcast %add3A_2276 : i32 to vector<16xi32>
      %add3A_2278 = arith.addi %mul3A_2095, %add3A_2277 : vector<16xi32>
      %gather3A_2279 = arith.constant 1 : i32
      %gather3A_2280 = arith.constant 0 : i32
      %gather3A_2281 = arith.constant 0 : i32
      %gather3A_2282 = tpu.memref_slice %arg7[%gather3A_2279, %gather3A_2280, %gather3A_2281] : memref<2x128x128xf32, #tpu.memory_space<vmem>> -> memref<1x128x128xf32, #tpu.memory_space<vmem>>
      %gather3A_2283 = tpu.memref_squeeze %gather3A_2282 : memref<1x128x128xf32, #tpu.memory_space<vmem>> -> memref<128x128xf32, #tpu.memory_space<vmem>>
      %gather3A_2284 = tpu.vector_load_idx %gather3A_2283[%add3A_2073, %add3A_2278] : memref<128x128xf32, #tpu.memory_space<vmem>>[vector<16xi32>, vector<16xi32>], vector<16xf32>,
      %add3A_2285 = arith.constant 15 : i32
      %add3A_2286 = vector.broadcast %add3A_2285 : i32 to vector<16xi32>
      %add3A_2287 = arith.addi %mul3A_2092, %add3A_2286 : vector<16xi32>
      tpu.vector_store_idx %arg8[%shift_right_logical3A_2085, %add3A_2287], %gather3A_2284 : memref<128x512xf32, #tpu.memory_space<vmem>>[vector<16xi32>, vector<16xi32>], vector<16xf32>,
      %get3A_2288 = arith.index_cast %add3A_1841 : i32 to index
      %get3A_2289 = arith.constant 32 : index
      %get3A_2290 = tpu.vector_load %arg5[%get3A_2288, %get3A_2289] {strides = array<i32>} : memref<32x128xi32, #tpu.memory_space<vmem>>, vector<16xi32>,
      %and3A_2291 = arith.constant 7 : i32
      %and3A_2292 = vector.broadcast %and3A_2291 : i32 to vector<16xi32>
      %and3A_2293 = arith.andi %get3A_2290, %and3A_2292 : vector<16xi32>
      %add3A_2294 = arith.constant 32 : i32
      %add3A_2295 = vector.broadcast %add3A_2294 : i32 to vector<16xi32>
      %add3A_2296 = arith.addi %iota3A, %add3A_2295 : vector<16xi32>
      %mul3A_2297 = arith.constant 128 : i32
      %mul3A_2298 = arith.muli %add3A_1841, %mul3A_2297 : i32
      %add3A_2299 = arith.constant 32 : i32
      %add3A_2300 = arith.addi %mul3A_2298, %add3A_2299 : i32
      %add3A_2301 = vector.broadcast %add3A_2300 : i32 to vector<16xi32>
      %add3A_2302 = arith.addi %iota3A, %add3A_2301 : vector<16xi32>
      %mul3A_2303 = arith.constant 20165 : i32
      %mul3A_2304 = vector.broadcast %mul3A_2303 : i32 to vector<16xi32>
      %mul3A_2305 = arith.muli %add3A_2302, %mul3A_2304 : vector<16xi32>
      %shift_right_logical3A_2306 = arith.constant 19 : i32
      %shift_right_logical3A_2307 = vector.broadcast %shift_right_logical3A_2306 : i32 to vector<16xi32>
      %shift_right_logical3A_2308 = arith.shrui %mul3A_2305, %shift_right_logical3A_2307 : vector<16xi32>
      %mul3A_2309 = arith.constant 26 : i32
      %mul3A_2310 = vector.broadcast %mul3A_2309 : i32 to vector<16xi32>
      %mul3A_2311 = arith.muli %shift_right_logical3A_2308, %mul3A_2310 : vector<16xi32>
      %sub3A_2312 = arith.subi %add3A_2302, %mul3A_2311 : vector<16xi32>
      %mul3A_2313 = arith.constant 16 : i32
      %mul3A_2314 = vector.broadcast %mul3A_2313 : i32 to vector<16xi32>
      %mul3A_2315 = arith.muli %sub3A_2312, %mul3A_2314 : vector<16xi32>
      %mul3A_2316 = arith.constant 16 : i32
      %mul3A_2317 = vector.broadcast %mul3A_2316 : i32 to vector<16xi32>
      %mul3A_2318 = arith.muli %and3A_2293, %mul3A_2317 : vector<16xi32>
      %add3A_2319 = arith.constant 0 : i32
      %add3A_2320 = vector.broadcast %add3A_2319 : i32 to vector<16xi32>
      %add3A_2321 = arith.addi %mul3A_2318, %add3A_2320 : vector<16xi32>
      %gather3A_2322 = arith.constant 1 : i32
      %gather3A_2323 = arith.constant 0 : i32
      %gather3A_2324 = arith.constant 0 : i32
      %gather3A_2325 = tpu.memref_slice %arg7[%gather3A_2322, %gather3A_2323, %gather3A_2324] : memref<2x128x128xf32, #tpu.memory_space<vmem>> -> memref<1x128x128xf32, #tpu.memory_space<vmem>>
      %gather3A_2326 = tpu.memref_squeeze %gather3A_2325 : memref<1x128x128xf32, #tpu.memory_space<vmem>> -> memref<128x128xf32, #tpu.memory_space<vmem>>
      %gather3A_2327 = tpu.vector_load_idx %gather3A_2326[%add3A_2296, %add3A_2321] : memref<128x128xf32, #tpu.memory_space<vmem>>[vector<16xi32>, vector<16xi32>], vector<16xf32>,
      %add3A_2328 = arith.constant 0 : i32
      %add3A_2329 = vector.broadcast %add3A_2328 : i32 to vector<16xi32>
      %add3A_2330 = arith.addi %mul3A_2315, %add3A_2329 : vector<16xi32>
      tpu.vector_store_idx %arg8[%shift_right_logical3A_2308, %add3A_2330], %gather3A_2327 : memref<128x512xf32, #tpu.memory_space<vmem>>[vector<16xi32>, vector<16xi32>], vector<16xf32>,
      %add3A_2331 = arith.constant 1 : i32
      %add3A_2332 = vector.broadcast %add3A_2331 : i32 to vector<16xi32>
      %add3A_2333 = arith.addi %mul3A_2318, %add3A_2332 : vector<16xi32>
      %gather3A_2334 = arith.constant 1 : i32
      %gather3A_2335 = arith.constant 0 : i32
      %gather3A_2336 = arith.constant 0 : i32
      %gather3A_2337 = tpu.memref_slice %arg7[%gather3A_2334, %gather3A_2335, %gather3A_2336] : memref<2x128x128xf32, #tpu.memory_space<vmem>> -> memref<1x128x128xf32, #tpu.memory_space<vmem>>
      %gather3A_2338 = tpu.memref_squeeze %gather3A_2337 : memref<1x128x128xf32, #tpu.memory_space<vmem>> -> memref<128x128xf32, #tpu.memory_space<vmem>>
      %gather3A_2339 = tpu.vector_load_idx %gather3A_2338[%add3A_2296, %add3A_2333] : memref<128x128xf32, #tpu.memory_space<vmem>>[vector<16xi32>, vector<16xi32>], vector<16xf32>,
      %add3A_2340 = arith.constant 1 : i32
      %add3A_2341 = vector.broadcast %add3A_2340 : i32 to vector<16xi32>
      %add3A_2342 = arith.addi %mul3A_2315, %add3A_2341 : vector<16xi32>
      tpu.vector_store_idx %arg8[%shift_right_logical3A_2308, %add3A_2342], %gather3A_2339 : memref<128x512xf32, #tpu.memory_space<vmem>>[vector<16xi32>, vector<16xi32>], vector<16xf32>,
      %add3A_2343 = arith.constant 2 : i32
      %add3A_2344 = vector.broadcast %add3A_2343 : i32 to vector<16xi32>
      %add3A_2345 = arith.addi %mul3A_2318, %add3A_2344 : vector<16xi32>
      %gather3A_2346 = arith.constant 1 : i32
      %gather3A_2347 = arith.constant 0 : i32
      %gather3A_2348 = arith.constant 0 : i32
      %gather3A_2349 = tpu.memref_slice %arg7[%gather3A_2346, %gather3A_2347, %gather3A_2348] : memref<2x128x128xf32, #tpu.memory_space<vmem>> -> memref<1x128x128xf32, #tpu.memory_space<vmem>>
      %gather3A_2350 = tpu.memref_squeeze %gather3A_2349 : memref<1x128x128xf32, #tpu.memory_space<vmem>> -> memref<128x128xf32, #tpu.memory_space<vmem>>
      %gather3A_2351 = tpu.vector_load_idx %gather3A_2350[%add3A_2296, %add3A_2345] : memref<128x128xf32, #tpu.memory_space<vmem>>[vector<16xi32>, vector<16xi32>], vector<16xf32>,
      %add3A_2352 = arith.constant 2 : i32
      %add3A_2353 = vector.broadcast %add3A_2352 : i32 to vector<16xi32>
      %add3A_2354 = arith.addi %mul3A_2315, %add3A_2353 : vector<16xi32>
      tpu.vector_store_idx %arg8[%shift_right_logical3A_2308, %add3A_2354], %gather3A_2351 : memref<128x512xf32, #tpu.memory_space<vmem>>[vector<16xi32>, vector<16xi32>], vector<16xf32>,
      %add3A_2355 = arith.constant 3 : i32
      %add3A_2356 = vector.broadcast %add3A_2355 : i32 to vector<16xi32>
      %add3A_2357 = arith.addi %mul3A_2318, %add3A_2356 : vector<16xi32>
      %gather3A_2358 = arith.constant 1 : i32
      %gather3A_2359 = arith.constant 0 : i32
      %gather3A_2360 = arith.constant 0 : i32
      %gather3A_2361 = tpu.memref_slice %arg7[%gather3A_2358, %gather3A_2359, %gather3A_2360] : memref<2x128x128xf32, #tpu.memory_space<vmem>> -> memref<1x128x128xf32, #tpu.memory_space<vmem>>
      %gather3A_2362 = tpu.memref_squeeze %gather3A_2361 : memref<1x128x128xf32, #tpu.memory_space<vmem>> -> memref<128x128xf32, #tpu.memory_space<vmem>>
      %gather3A_2363 = tpu.vector_load_idx %gather3A_2362[%add3A_2296, %add3A_2357] : memref<128x128xf32, #tpu.memory_space<vmem>>[vector<16xi32>, vector<16xi32>], vector<16xf32>,
      %add3A_2364 = arith.constant 3 : i32
      %add3A_2365 = vector.broadcast %add3A_2364 : i32 to vector<16xi32>
      %add3A_2366 = arith.addi %mul3A_2315, %add3A_2365 : vector<16xi32>
      tpu.vector_store_idx %arg8[%shift_right_logical3A_2308, %add3A_2366], %gather3A_2363 : memref<128x512xf32, #tpu.memory_space<vmem>>[vector<16xi32>, vector<16xi32>], vector<16xf32>,
      %add3A_2367 = arith.constant 4 : i32
      %add3A_2368 = vector.broadcast %add3A_2367 : i32 to vector<16xi32>
      %add3A_2369 = arith.addi %mul3A_2318, %add3A_2368 : vector<16xi32>
      %gather3A_2370 = arith.constant 1 : i32
      %gather3A_2371 = arith.constant 0 : i32
      %gather3A_2372 = arith.constant 0 : i32
      %gather3A_2373 = tpu.memref_slice %arg7[%gather3A_2370, %gather3A_2371, %gather3A_2372] : memref<2x128x128xf32, #tpu.memory_space<vmem>> -> memref<1x128x128xf32, #tpu.memory_space<vmem>>
      %gather3A_2374 = tpu.memref_squeeze %gather3A_2373 : memref<1x128x128xf32, #tpu.memory_space<vmem>> -> memref<128x128xf32, #tpu.memory_space<vmem>>
      %gather3A_2375 = tpu.vector_load_idx %gather3A_2374[%add3A_2296, %add3A_2369] : memref<128x128xf32, #tpu.memory_space<vmem>>[vector<16xi32>, vector<16xi32>], vector<16xf32>,
      %add3A_2376 = arith.constant 4 : i32
      %add3A_2377 = vector.broadcast %add3A_2376 : i32 to vector<16xi32>
      %add3A_2378 = arith.addi %mul3A_2315, %add3A_2377 : vector<16xi32>
      tpu.vector_store_idx %arg8[%shift_right_logical3A_2308, %add3A_2378], %gather3A_2375 : memref<128x512xf32, #tpu.memory_space<vmem>>[vector<16xi32>, vector<16xi32>], vector<16xf32>,
      %add3A_2379 = arith.constant 5 : i32
      %add3A_2380 = vector.broadcast %add3A_2379 : i32 to vector<16xi32>
      %add3A_2381 = arith.addi %mul3A_2318, %add3A_2380 : vector<16xi32>
      %gather3A_2382 = arith.constant 1 : i32
      %gather3A_2383 = arith.constant 0 : i32
      %gather3A_2384 = arith.constant 0 : i32
      %gather3A_2385 = tpu.memref_slice %arg7[%gather3A_2382, %gather3A_2383, %gather3A_2384] : memref<2x128x128xf32, #tpu.memory_space<vmem>> -> memref<1x128x128xf32, #tpu.memory_space<vmem>>
      %gather3A_2386 = tpu.memref_squeeze %gather3A_2385 : memref<1x128x128xf32, #tpu.memory_space<vmem>> -> memref<128x128xf32, #tpu.memory_space<vmem>>
      %gather3A_2387 = tpu.vector_load_idx %gather3A_2386[%add3A_2296, %add3A_2381] : memref<128x128xf32, #tpu.memory_space<vmem>>[vector<16xi32>, vector<16xi32>], vector<16xf32>,
      %add3A_2388 = arith.constant 5 : i32
      %add3A_2389 = vector.broadcast %add3A_2388 : i32 to vector<16xi32>
      %add3A_2390 = arith.addi %mul3A_2315, %add3A_2389 : vector<16xi32>
      tpu.vector_store_idx %arg8[%shift_right_logical3A_2308, %add3A_2390], %gather3A_2387 : memref<128x512xf32, #tpu.memory_space<vmem>>[vector<16xi32>, vector<16xi32>], vector<16xf32>,
      %add3A_2391 = arith.constant 6 : i32
      %add3A_2392 = vector.broadcast %add3A_2391 : i32 to vector<16xi32>
      %add3A_2393 = arith.addi %mul3A_2318, %add3A_2392 : vector<16xi32>
      %gather3A_2394 = arith.constant 1 : i32
      %gather3A_2395 = arith.constant 0 : i32
      %gather3A_2396 = arith.constant 0 : i32
      %gather3A_2397 = tpu.memref_slice %arg7[%gather3A_2394, %gather3A_2395, %gather3A_2396] : memref<2x128x128xf32, #tpu.memory_space<vmem>> -> memref<1x128x128xf32, #tpu.memory_space<vmem>>
      %gather3A_2398 = tpu.memref_squeeze %gather3A_2397 : memref<1x128x128xf32, #tpu.memory_space<vmem>> -> memref<128x128xf32, #tpu.memory_space<vmem>>
      %gather3A_2399 = tpu.vector_load_idx %gather3A_2398[%add3A_2296, %add3A_2393] : memref<128x128xf32, #tpu.memory_space<vmem>>[vector<16xi32>, vector<16xi32>], vector<16xf32>,
      %add3A_2400 = arith.constant 6 : i32
      %add3A_2401 = vector.broadcast %add3A_2400 : i32 to vector<16xi32>
      %add3A_2402 = arith.addi %mul3A_2315, %add3A_2401 : vector<16xi32>
      tpu.vector_store_idx %arg8[%shift_right_logical3A_2308, %add3A_2402], %gather3A_2399 : memref<128x512xf32, #tpu.memory_space<vmem>>[vector<16xi32>, vector<16xi32>], vector<16xf32>,
      %add3A_2403 = arith.constant 7 : i32
      %add3A_2404 = vector.broadcast %add3A_2403 : i32 to vector<16xi32>
      %add3A_2405 = arith.addi %mul3A_2318, %add3A_2404 : vector<16xi32>
      %gather3A_2406 = arith.constant 1 : i32
      %gather3A_2407 = arith.constant 0 : i32
      %gather3A_2408 = arith.constant 0 : i32
      %gather3A_2409 = tpu.memref_slice %arg7[%gather3A_2406, %gather3A_2407, %gather3A_2408] : memref<2x128x128xf32, #tpu.memory_space<vmem>> -> memref<1x128x128xf32, #tpu.memory_space<vmem>>
      %gather3A_2410 = tpu.memref_squeeze %gather3A_2409 : memref<1x128x128xf32, #tpu.memory_space<vmem>> -> memref<128x128xf32, #tpu.memory_space<vmem>>
      %gather3A_2411 = tpu.vector_load_idx %gather3A_2410[%add3A_2296, %add3A_2405] : memref<128x128xf32, #tpu.memory_space<vmem>>[vector<16xi32>, vector<16xi32>], vector<16xf32>,
      %add3A_2412 = arith.constant 7 : i32
      %add3A_2413 = vector.broadcast %add3A_2412 : i32 to vector<16xi32>
      %add3A_2414 = arith.addi %mul3A_2315, %add3A_2413 : vector<16xi32>
      tpu.vector_store_idx %arg8[%shift_right_logical3A_2308, %add3A_2414], %gather3A_2411 : memref<128x512xf32, #tpu.memory_space<vmem>>[vector<16xi32>, vector<16xi32>], vector<16xf32>,
      %add3A_2415 = arith.constant 8 : i32
      %add3A_2416 = vector.broadcast %add3A_2415 : i32 to vector<16xi32>
      %add3A_2417 = arith.addi %mul3A_2318, %add3A_2416 : vector<16xi32>
      %gather3A_2418 = arith.constant 1 : i32
      %gather3A_2419 = arith.constant 0 : i32
      %gather3A_2420 = arith.constant 0 : i32
      %gather3A_2421 = tpu.memref_slice %arg7[%gather3A_2418, %gather3A_2419, %gather3A_2420] : memref<2x128x128xf32, #tpu.memory_space<vmem>> -> memref<1x128x128xf32, #tpu.memory_space<vmem>>
      %gather3A_2422 = tpu.memref_squeeze %gather3A_2421 : memref<1x128x128xf32, #tpu.memory_space<vmem>> -> memref<128x128xf32, #tpu.memory_space<vmem>>
      %gather3A_2423 = tpu.vector_load_idx %gather3A_2422[%add3A_2296, %add3A_2417] : memref<128x128xf32, #tpu.memory_space<vmem>>[vector<16xi32>, vector<16xi32>], vector<16xf32>,
      %add3A_2424 = arith.constant 8 : i32
      %add3A_2425 = vector.broadcast %add3A_2424 : i32 to vector<16xi32>
      %add3A_2426 = arith.addi %mul3A_2315, %add3A_2425 : vector<16xi32>
      tpu.vector_store_idx %arg8[%shift_right_logical3A_2308, %add3A_2426], %gather3A_2423 : memref<128x512xf32, #tpu.memory_space<vmem>>[vector<16xi32>, vector<16xi32>], vector<16xf32>,
      %add3A_2427 = arith.constant 9 : i32
      %add3A_2428 = vector.broadcast %add3A_2427 : i32 to vector<16xi32>
      %add3A_2429 = arith.addi %mul3A_2318, %add3A_2428 : vector<16xi32>
      %gather3A_2430 = arith.constant 1 : i32
      %gather3A_2431 = arith.constant 0 : i32
      %gather3A_2432 = arith.constant 0 : i32
      %gather3A_2433 = tpu.memref_slice %arg7[%gather3A_2430, %gather3A_2431, %gather3A_2432] : memref<2x128x128xf32, #tpu.memory_space<vmem>> -> memref<1x128x128xf32, #tpu.memory_space<vmem>>
      %gather3A_2434 = tpu.memref_squeeze %gather3A_2433 : memref<1x128x128xf32, #tpu.memory_space<vmem>> -> memref<128x128xf32, #tpu.memory_space<vmem>>
      %gather3A_2435 = tpu.vector_load_idx %gather3A_2434[%add3A_2296, %add3A_2429] : memref<128x128xf32, #tpu.memory_space<vmem>>[vector<16xi32>, vector<16xi32>], vector<16xf32>,
      %add3A_2436 = arith.constant 9 : i32
      %add3A_2437 = vector.broadcast %add3A_2436 : i32 to vector<16xi32>
      %add3A_2438 = arith.addi %mul3A_2315, %add3A_2437 : vector<16xi32>
      tpu.vector_store_idx %arg8[%shift_right_logical3A_2308, %add3A_2438], %gather3A_2435 : memref<128x512xf32, #tpu.memory_space<vmem>>[vector<16xi32>, vector<16xi32>], vector<16xf32>,
      %add3A_2439 = arith.constant 10 : i32
      %add3A_2440 = vector.broadcast %add3A_2439 : i32 to vector<16xi32>
      %add3A_2441 = arith.addi %mul3A_2318, %add3A_2440 : vector<16xi32>
      %gather3A_2442 = arith.constant 1 : i32
      %gather3A_2443 = arith.constant 0 : i32
      %gather3A_2444 = arith.constant 0 : i32
      %gather3A_2445 = tpu.memref_slice %arg7[%gather3A_2442, %gather3A_2443, %gather3A_2444] : memref<2x128x128xf32, #tpu.memory_space<vmem>> -> memref<1x128x128xf32, #tpu.memory_space<vmem>>
      %gather3A_2446 = tpu.memref_squeeze %gather3A_2445 : memref<1x128x128xf32, #tpu.memory_space<vmem>> -> memref<128x128xf32, #tpu.memory_space<vmem>>
      %gather3A_2447 = tpu.vector_load_idx %gather3A_2446[%add3A_2296, %add3A_2441] : memref<128x128xf32, #tpu.memory_space<vmem>>[vector<16xi32>, vector<16xi32>], vector<16xf32>,
      %add3A_2448 = arith.constant 10 : i32
      %add3A_2449 = vector.broadcast %add3A_2448 : i32 to vector<16xi32>
      %add3A_2450 = arith.addi %mul3A_2315, %add3A_2449 : vector<16xi32>
      tpu.vector_store_idx %arg8[%shift_right_logical3A_2308, %add3A_2450], %gather3A_2447 : memref<128x512xf32, #tpu.memory_space<vmem>>[vector<16xi32>, vector<16xi32>], vector<16xf32>,
      %add3A_2451 = arith.constant 11 : i32
      %add3A_2452 = vector.broadcast %add3A_2451 : i32 to vector<16xi32>
      %add3A_2453 = arith.addi %mul3A_2318, %add3A_2452 : vector<16xi32>
      %gather3A_2454 = arith.constant 1 : i32
      %gather3A_2455 = arith.constant 0 : i32
      %gather3A_2456 = arith.constant 0 : i32
      %gather3A_2457 = tpu.memref_slice %arg7[%gather3A_2454, %gather3A_2455, %gather3A_2456] : memref<2x128x128xf32, #tpu.memory_space<vmem>> -> memref<1x128x128xf32, #tpu.memory_space<vmem>>
      %gather3A_2458 = tpu.memref_squeeze %gather3A_2457 : memref<1x128x128xf32, #tpu.memory_space<vmem>> -> memref<128x128xf32, #tpu.memory_space<vmem>>
      %gather3A_2459 = tpu.vector_load_idx %gather3A_2458[%add3A_2296, %add3A_2453] : memref<128x128xf32, #tpu.memory_space<vmem>>[vector<16xi32>, vector<16xi32>], vector<16xf32>,
      %add3A_2460 = arith.constant 11 : i32
      %add3A_2461 = vector.broadcast %add3A_2460 : i32 to vector<16xi32>
      %add3A_2462 = arith.addi %mul3A_2315, %add3A_2461 : vector<16xi32>
      tpu.vector_store_idx %arg8[%shift_right_logical3A_2308, %add3A_2462], %gather3A_2459 : memref<128x512xf32, #tpu.memory_space<vmem>>[vector<16xi32>, vector<16xi32>], vector<16xf32>,
      %add3A_2463 = arith.constant 12 : i32
      %add3A_2464 = vector.broadcast %add3A_2463 : i32 to vector<16xi32>
      %add3A_2465 = arith.addi %mul3A_2318, %add3A_2464 : vector<16xi32>
      %gather3A_2466 = arith.constant 1 : i32
      %gather3A_2467 = arith.constant 0 : i32
      %gather3A_2468 = arith.constant 0 : i32
      %gather3A_2469 = tpu.memref_slice %arg7[%gather3A_2466, %gather3A_2467, %gather3A_2468] : memref<2x128x128xf32, #tpu.memory_space<vmem>> -> memref<1x128x128xf32, #tpu.memory_space<vmem>>
      %gather3A_2470 = tpu.memref_squeeze %gather3A_2469 : memref<1x128x128xf32, #tpu.memory_space<vmem>> -> memref<128x128xf32, #tpu.memory_space<vmem>>
      %gather3A_2471 = tpu.vector_load_idx %gather3A_2470[%add3A_2296, %add3A_2465] : memref<128x128xf32, #tpu.memory_space<vmem>>[vector<16xi32>, vector<16xi32>], vector<16xf32>,
      %add3A_2472 = arith.constant 12 : i32
      %add3A_2473 = vector.broadcast %add3A_2472 : i32 to vector<16xi32>
      %add3A_2474 = arith.addi %mul3A_2315, %add3A_2473 : vector<16xi32>
      tpu.vector_store_idx %arg8[%shift_right_logical3A_2308, %add3A_2474], %gather3A_2471 : memref<128x512xf32, #tpu.memory_space<vmem>>[vector<16xi32>, vector<16xi32>], vector<16xf32>,
      %add3A_2475 = arith.constant 13 : i32
      %add3A_2476 = vector.broadcast %add3A_2475 : i32 to vector<16xi32>
      %add3A_2477 = arith.addi %mul3A_2318, %add3A_2476 : vector<16xi32>
      %gather3A_2478 = arith.constant 1 : i32
      %gather3A_2479 = arith.constant 0 : i32
      %gather3A_2480 = arith.constant 0 : i32
      %gather3A_2481 = tpu.memref_slice %arg7[%gather3A_2478, %gather3A_2479, %gather3A_2480] : memref<2x128x128xf32, #tpu.memory_space<vmem>> -> memref<1x128x128xf32, #tpu.memory_space<vmem>>
      %gather3A_2482 = tpu.memref_squeeze %gather3A_2481 : memref<1x128x128xf32, #tpu.memory_space<vmem>> -> memref<128x128xf32, #tpu.memory_space<vmem>>
      %gather3A_2483 = tpu.vector_load_idx %gather3A_2482[%add3A_2296, %add3A_2477] : memref<128x128xf32, #tpu.memory_space<vmem>>[vector<16xi32>, vector<16xi32>], vector<16xf32>,
      %add3A_2484 = arith.constant 13 : i32
      %add3A_2485 = vector.broadcast %add3A_2484 : i32 to vector<16xi32>
      %add3A_2486 = arith.addi %mul3A_2315, %add3A_2485 : vector<16xi32>
      tpu.vector_store_idx %arg8[%shift_right_logical3A_2308, %add3A_2486], %gather3A_2483 : memref<128x512xf32, #tpu.memory_space<vmem>>[vector<16xi32>, vector<16xi32>], vector<16xf32>,
      %add3A_2487 = arith.constant 14 : i32
      %add3A_2488 = vector.broadcast %add3A_2487 : i32 to vector<16xi32>
      %add3A_2489 = arith.addi %mul3A_2318, %add3A_2488 : vector<16xi32>
      %gather3A_2490 = arith.constant 1 : i32
      %gather3A_2491 = arith.constant 0 : i32
      %gather3A_2492 = arith.constant 0 : i32
      %gather3A_2493 = tpu.memref_slice %arg7[%gather3A_2490, %gather3A_2491, %gather3A_2492] : memref<2x128x128xf32, #tpu.memory_space<vmem>> -> memref<1x128x128xf32, #tpu.memory_space<vmem>>
      %gather3A_2494 = tpu.memref_squeeze %gather3A_2493 : memref<1x128x128xf32, #tpu.memory_space<vmem>> -> memref<128x128xf32, #tpu.memory_space<vmem>>
      %gather3A_2495 = tpu.vector_load_idx %gather3A_2494[%add3A_2296, %add3A_2489] : memref<128x128xf32, #tpu.memory_space<vmem>>[vector<16xi32>, vector<16xi32>], vector<16xf32>,
      %add3A_2496 = arith.constant 14 : i32
      %add3A_2497 = vector.broadcast %add3A_2496 : i32 to vector<16xi32>
      %add3A_2498 = arith.addi %mul3A_2315, %add3A_2497 : vector<16xi32>
      tpu.vector_store_idx %arg8[%shift_right_logical3A_2308, %add3A_2498], %gather3A_2495 : memref<128x512xf32, #tpu.memory_space<vmem>>[vector<16xi32>, vector<16xi32>], vector<16xf32>,
      %add3A_2499 = arith.constant 15 : i32
      %add3A_2500 = vector.broadcast %add3A_2499 : i32 to vector<16xi32>
      %add3A_2501 = arith.addi %mul3A_2318, %add3A_2500 : vector<16xi32>
      %gather3A_2502 = arith.constant 1 : i32
      %gather3A_2503 = arith.constant 0 : i32
      %gather3A_2504 = arith.constant 0 : i32
      %gather3A_2505 = tpu.memref_slice %arg7[%gather3A_2502, %gather3A_2503, %gather3A_2504] : memref<2x128x128xf32, #tpu.memory_space<vmem>> -> memref<1x128x128xf32, #tpu.memory_space<vmem>>
      %gather3A_2506 = tpu.memref_squeeze %gather3A_2505 : memref<1x128x128xf32, #tpu.memory_space<vmem>> -> memref<128x128xf32, #tpu.memory_space<vmem>>
      %gather3A_2507 = tpu.vector_load_idx %gather3A_2506[%add3A_2296, %add3A_2501] : memref<128x128xf32, #tpu.memory_space<vmem>>[vector<16xi32>, vector<16xi32>], vector<16xf32>,
      %add3A_2508 = arith.constant 15 : i32
      %add3A_2509 = vector.broadcast %add3A_2508 : i32 to vector<16xi32>
      %add3A_2510 = arith.addi %mul3A_2315, %add3A_2509 : vector<16xi32>
      tpu.vector_store_idx %arg8[%shift_right_logical3A_2308, %add3A_2510], %gather3A_2507 : memref<128x512xf32, #tpu.memory_space<vmem>>[vector<16xi32>, vector<16xi32>], vector<16xf32>,
      %get3A_2511 = arith.index_cast %add3A_1841 : i32 to index
      %get3A_2512 = arith.constant 48 : index
      %get3A_2513 = tpu.vector_load %arg5[%get3A_2511, %get3A_2512] {strides = array<i32>} : memref<32x128xi32, #tpu.memory_space<vmem>>, vector<16xi32>,
      %and3A_2514 = arith.constant 7 : i32
      %and3A_2515 = vector.broadcast %and3A_2514 : i32 to vector<16xi32>
      %and3A_2516 = arith.andi %get3A_2513, %and3A_2515 : vector<16xi32>
      %add3A_2517 = arith.constant 48 : i32
      %add3A_2518 = vector.broadcast %add3A_2517 : i32 to vector<16xi32>
      %add3A_2519 = arith.addi %iota3A, %add3A_2518 : vector<16xi32>
      %mul3A_2520 = arith.constant 128 : i32
      %mul3A_2521 = arith.muli %add3A_1841, %mul3A_2520 : i32
      %add3A_2522 = arith.constant 48 : i32
      %add3A_2523 = arith.addi %mul3A_2521, %add3A_2522 : i32
      %add3A_2524 = vector.broadcast %add3A_2523 : i32 to vector<16xi32>
      %add3A_2525 = arith.addi %iota3A, %add3A_2524 : vector<16xi32>
      %mul3A_2526 = arith.constant 20165 : i32
      %mul3A_2527 = vector.broadcast %mul3A_2526 : i32 to vector<16xi32>
      %mul3A_2528 = arith.muli %add3A_2525, %mul3A_2527 : vector<16xi32>
      %shift_right_logical3A_2529 = arith.constant 19 : i32
      %shift_right_logical3A_2530 = vector.broadcast %shift_right_logical3A_2529 : i32 to vector<16xi32>
      %shift_right_logical3A_2531 = arith.shrui %mul3A_2528, %shift_right_logical3A_2530 : vector<16xi32>
      %mul3A_2532 = arith.constant 26 : i32
      %mul3A_2533 = vector.broadcast %mul3A_2532 : i32 to vector<16xi32>
      %mul3A_2534 = arith.muli %shift_right_logical3A_2531, %mul3A_2533 : vector<16xi32>
      %sub3A_2535 = arith.subi %add3A_2525, %mul3A_2534 : vector<16xi32>
      %mul3A_2536 = arith.constant 16 : i32
      %mul3A_2537 = vector.broadcast %mul3A_2536 : i32 to vector<16xi32>
      %mul3A_2538 = arith.muli %sub3A_2535, %mul3A_2537 : vector<16xi32>
      %mul3A_2539 = arith.constant 16 : i32
      %mul3A_2540 = vector.broadcast %mul3A_2539 : i32 to vector<16xi32>
      %mul3A_2541 = arith.muli %and3A_2516, %mul3A_2540 : vector<16xi32>
      %add3A_2542 = arith.constant 0 : i32
      %add3A_2543 = vector.broadcast %add3A_2542 : i32 to vector<16xi32>
      %add3A_2544 = arith.addi %mul3A_2541, %add3A_2543 : vector<16xi32>
      %gather3A_2545 = arith.constant 1 : i32
      %gather3A_2546 = arith.constant 0 : i32
      %gather3A_2547 = arith.constant 0 : i32
      %gather3A_2548 = tpu.memref_slice %arg7[%gather3A_2545, %gather3A_2546, %gather3A_2547] : memref<2x128x128xf32, #tpu.memory_space<vmem>> -> memref<1x128x128xf32, #tpu.memory_space<vmem>>
      %gather3A_2549 = tpu.memref_squeeze %gather3A_2548 : memref<1x128x128xf32, #tpu.memory_space<vmem>> -> memref<128x128xf32, #tpu.memory_space<vmem>>
      %gather3A_2550 = tpu.vector_load_idx %gather3A_2549[%add3A_2519, %add3A_2544] : memref<128x128xf32, #tpu.memory_space<vmem>>[vector<16xi32>, vector<16xi32>], vector<16xf32>,
      %add3A_2551 = arith.constant 0 : i32
      %add3A_2552 = vector.broadcast %add3A_2551 : i32 to vector<16xi32>
      %add3A_2553 = arith.addi %mul3A_2538, %add3A_2552 : vector<16xi32>
      tpu.vector_store_idx %arg8[%shift_right_logical3A_2531, %add3A_2553], %gather3A_2550 : memref<128x512xf32, #tpu.memory_space<vmem>>[vector<16xi32>, vector<16xi32>], vector<16xf32>,
      %add3A_2554 = arith.constant 1 : i32
      %add3A_2555 = vector.broadcast %add3A_2554 : i32 to vector<16xi32>
      %add3A_2556 = arith.addi %mul3A_2541, %add3A_2555 : vector<16xi32>
      %gather3A_2557 = arith.constant 1 : i32
      %gather3A_2558 = arith.constant 0 : i32
      %gather3A_2559 = arith.constant 0 : i32
      %gather3A_2560 = tpu.memref_slice %arg7[%gather3A_2557, %gather3A_2558, %gather3A_2559] : memref<2x128x128xf32, #tpu.memory_space<vmem>> -> memref<1x128x128xf32, #tpu.memory_space<vmem>>
      %gather3A_2561 = tpu.memref_squeeze %gather3A_2560 : memref<1x128x128xf32, #tpu.memory_space<vmem>> -> memref<128x128xf32, #tpu.memory_space<vmem>>
      %gather3A_2562 = tpu.vector_load_idx %gather3A_2561[%add3A_2519, %add3A_2556] : memref<128x128xf32, #tpu.memory_space<vmem>>[vector<16xi32>, vector<16xi32>], vector<16xf32>,
      %add3A_2563 = arith.constant 1 : i32
      %add3A_2564 = vector.broadcast %add3A_2563 : i32 to vector<16xi32>
      %add3A_2565 = arith.addi %mul3A_2538, %add3A_2564 : vector<16xi32>
      tpu.vector_store_idx %arg8[%shift_right_logical3A_2531, %add3A_2565], %gather3A_2562 : memref<128x512xf32, #tpu.memory_space<vmem>>[vector<16xi32>, vector<16xi32>], vector<16xf32>,
      %add3A_2566 = arith.constant 2 : i32
      %add3A_2567 = vector.broadcast %add3A_2566 : i32 to vector<16xi32>
      %add3A_2568 = arith.addi %mul3A_2541, %add3A_2567 : vector<16xi32>
      %gather3A_2569 = arith.constant 1 : i32
      %gather3A_2570 = arith.constant 0 : i32
      %gather3A_2571 = arith.constant 0 : i32
      %gather3A_2572 = tpu.memref_slice %arg7[%gather3A_2569, %gather3A_2570, %gather3A_2571] : memref<2x128x128xf32, #tpu.memory_space<vmem>> -> memref<1x128x128xf32, #tpu.memory_space<vmem>>
      %gather3A_2573 = tpu.memref_squeeze %gather3A_2572 : memref<1x128x128xf32, #tpu.memory_space<vmem>> -> memref<128x128xf32, #tpu.memory_space<vmem>>
      %gather3A_2574 = tpu.vector_load_idx %gather3A_2573[%add3A_2519, %add3A_2568] : memref<128x128xf32, #tpu.memory_space<vmem>>[vector<16xi32>, vector<16xi32>], vector<16xf32>,
      %add3A_2575 = arith.constant 2 : i32
      %add3A_2576 = vector.broadcast %add3A_2575 : i32 to vector<16xi32>
      %add3A_2577 = arith.addi %mul3A_2538, %add3A_2576 : vector<16xi32>
      tpu.vector_store_idx %arg8[%shift_right_logical3A_2531, %add3A_2577], %gather3A_2574 : memref<128x512xf32, #tpu.memory_space<vmem>>[vector<16xi32>, vector<16xi32>], vector<16xf32>,
      %add3A_2578 = arith.constant 3 : i32
      %add3A_2579 = vector.broadcast %add3A_2578 : i32 to vector<16xi32>
      %add3A_2580 = arith.addi %mul3A_2541, %add3A_2579 : vector<16xi32>
      %gather3A_2581 = arith.constant 1 : i32
      %gather3A_2582 = arith.constant 0 : i32
      %gather3A_2583 = arith.constant 0 : i32
      %gather3A_2584 = tpu.memref_slice %arg7[%gather3A_2581, %gather3A_2582, %gather3A_2583] : memref<2x128x128xf32, #tpu.memory_space<vmem>> -> memref<1x128x128xf32, #tpu.memory_space<vmem>>
      %gather3A_2585 = tpu.memref_squeeze %gather3A_2584 : memref<1x128x128xf32, #tpu.memory_space<vmem>> -> memref<128x128xf32, #tpu.memory_space<vmem>>
      %gather3A_2586 = tpu.vector_load_idx %gather3A_2585[%add3A_2519, %add3A_2580] : memref<128x128xf32, #tpu.memory_space<vmem>>[vector<16xi32>, vector<16xi32>], vector<16xf32>,
      %add3A_2587 = arith.constant 3 : i32
      %add3A_2588 = vector.broadcast %add3A_2587 : i32 to vector<16xi32>
      %add3A_2589 = arith.addi %mul3A_2538, %add3A_2588 : vector<16xi32>
      tpu.vector_store_idx %arg8[%shift_right_logical3A_2531, %add3A_2589], %gather3A_2586 : memref<128x512xf32, #tpu.memory_space<vmem>>[vector<16xi32>, vector<16xi32>], vector<16xf32>,
      %add3A_2590 = arith.constant 4 : i32
      %add3A_2591 = vector.broadcast %add3A_2590 : i32 to vector<16xi32>
      %add3A_2592 = arith.addi %mul3A_2541, %add3A_2591 : vector<16xi32>
      %gather3A_2593 = arith.constant 1 : i32
      %gather3A_2594 = arith.constant 0 : i32
      %gather3A_2595 = arith.constant 0 : i32
      %gather3A_2596 = tpu.memref_slice %arg7[%gather3A_2593, %gather3A_2594, %gather3A_2595] : memref<2x128x128xf32, #tpu.memory_space<vmem>> -> memref<1x128x128xf32, #tpu.memory_space<vmem>>
      %gather3A_2597 = tpu.memref_squeeze %gather3A_2596 : memref<1x128x128xf32, #tpu.memory_space<vmem>> -> memref<128x128xf32, #tpu.memory_space<vmem>>
      %gather3A_2598 = tpu.vector_load_idx %gather3A_2597[%add3A_2519, %add3A_2592] : memref<128x128xf32, #tpu.memory_space<vmem>>[vector<16xi32>, vector<16xi32>], vector<16xf32>,
      %add3A_2599 = arith.constant 4 : i32
      %add3A_2600 = vector.broadcast %add3A_2599 : i32 to vector<16xi32>
      %add3A_2601 = arith.addi %mul3A_2538, %add3A_2600 : vector<16xi32>
      tpu.vector_store_idx %arg8[%shift_right_logical3A_2531, %add3A_2601], %gather3A_2598 : memref<128x512xf32, #tpu.memory_space<vmem>>[vector<16xi32>, vector<16xi32>], vector<16xf32>,
      %add3A_2602 = arith.constant 5 : i32
      %add3A_2603 = vector.broadcast %add3A_2602 : i32 to vector<16xi32>
      %add3A_2604 = arith.addi %mul3A_2541, %add3A_2603 : vector<16xi32>
      %gather3A_2605 = arith.constant 1 : i32
      %gather3A_2606 = arith.constant 0 : i32
      %gather3A_2607 = arith.constant 0 : i32
      %gather3A_2608 = tpu.memref_slice %arg7[%gather3A_2605, %gather3A_2606, %gather3A_2607] : memref<2x128x128xf32, #tpu.memory_space<vmem>> -> memref<1x128x128xf32, #tpu.memory_space<vmem>>
      %gather3A_2609 = tpu.memref_squeeze %gather3A_2608 : memref<1x128x128xf32, #tpu.memory_space<vmem>> -> memref<128x128xf32, #tpu.memory_space<vmem>>
      %gather3A_2610 = tpu.vector_load_idx %gather3A_2609[%add3A_2519, %add3A_2604] : memref<128x128xf32, #tpu.memory_space<vmem>>[vector<16xi32>, vector<16xi32>], vector<16xf32>,
      %add3A_2611 = arith.constant 5 : i32
      %add3A_2612 = vector.broadcast %add3A_2611 : i32 to vector<16xi32>
      %add3A_2613 = arith.addi %mul3A_2538, %add3A_2612 : vector<16xi32>
      tpu.vector_store_idx %arg8[%shift_right_logical3A_2531, %add3A_2613], %gather3A_2610 : memref<128x512xf32, #tpu.memory_space<vmem>>[vector<16xi32>, vector<16xi32>], vector<16xf32>,
      %add3A_2614 = arith.constant 6 : i32
      %add3A_2615 = vector.broadcast %add3A_2614 : i32 to vector<16xi32>
      %add3A_2616 = arith.addi %mul3A_2541, %add3A_2615 : vector<16xi32>
      %gather3A_2617 = arith.constant 1 : i32
      %gather3A_2618 = arith.constant 0 : i32
      %gather3A_2619 = arith.constant 0 : i32
      %gather3A_2620 = tpu.memref_slice %arg7[%gather3A_2617, %gather3A_2618, %gather3A_2619] : memref<2x128x128xf32, #tpu.memory_space<vmem>> -> memref<1x128x128xf32, #tpu.memory_space<vmem>>
      %gather3A_2621 = tpu.memref_squeeze %gather3A_2620 : memref<1x128x128xf32, #tpu.memory_space<vmem>> -> memref<128x128xf32, #tpu.memory_space<vmem>>
      %gather3A_2622 = tpu.vector_load_idx %gather3A_2621[%add3A_2519, %add3A_2616] : memref<128x128xf32, #tpu.memory_space<vmem>>[vector<16xi32>, vector<16xi32>], vector<16xf32>,
      %add3A_2623 = arith.constant 6 : i32
      %add3A_2624 = vector.broadcast %add3A_2623 : i32 to vector<16xi32>
      %add3A_2625 = arith.addi %mul3A_2538, %add3A_2624 : vector<16xi32>
      tpu.vector_store_idx %arg8[%shift_right_logical3A_2531, %add3A_2625], %gather3A_2622 : memref<128x512xf32, #tpu.memory_space<vmem>>[vector<16xi32>, vector<16xi32>], vector<16xf32>,
      %add3A_2626 = arith.constant 7 : i32
      %add3A_2627 = vector.broadcast %add3A_2626 : i32 to vector<16xi32>
      %add3A_2628 = arith.addi %mul3A_2541, %add3A_2627 : vector<16xi32>
      %gather3A_2629 = arith.constant 1 : i32
      %gather3A_2630 = arith.constant 0 : i32
      %gather3A_2631 = arith.constant 0 : i32
      %gather3A_2632 = tpu.memref_slice %arg7[%gather3A_2629, %gather3A_2630, %gather3A_2631] : memref<2x128x128xf32, #tpu.memory_space<vmem>> -> memref<1x128x128xf32, #tpu.memory_space<vmem>>
      %gather3A_2633 = tpu.memref_squeeze %gather3A_2632 : memref<1x128x128xf32, #tpu.memory_space<vmem>> -> memref<128x128xf32, #tpu.memory_space<vmem>>
      %gather3A_2634 = tpu.vector_load_idx %gather3A_2633[%add3A_2519, %add3A_2628] : memref<128x128xf32, #tpu.memory_space<vmem>>[vector<16xi32>, vector<16xi32>], vector<16xf32>,
      %add3A_2635 = arith.constant 7 : i32
      %add3A_2636 = vector.broadcast %add3A_2635 : i32 to vector<16xi32>
      %add3A_2637 = arith.addi %mul3A_2538, %add3A_2636 : vector<16xi32>
      tpu.vector_store_idx %arg8[%shift_right_logical3A_2531, %add3A_2637], %gather3A_2634 : memref<128x512xf32, #tpu.memory_space<vmem>>[vector<16xi32>, vector<16xi32>], vector<16xf32>,
      %add3A_2638 = arith.constant 8 : i32
      %add3A_2639 = vector.broadcast %add3A_2638 : i32 to vector<16xi32>
      %add3A_2640 = arith.addi %mul3A_2541, %add3A_2639 : vector<16xi32>
      %gather3A_2641 = arith.constant 1 : i32
      %gather3A_2642 = arith.constant 0 : i32
      %gather3A_2643 = arith.constant 0 : i32
      %gather3A_2644 = tpu.memref_slice %arg7[%gather3A_2641, %gather3A_2642, %gather3A_2643] : memref<2x128x128xf32, #tpu.memory_space<vmem>> -> memref<1x128x128xf32, #tpu.memory_space<vmem>>
      %gather3A_2645 = tpu.memref_squeeze %gather3A_2644 : memref<1x128x128xf32, #tpu.memory_space<vmem>> -> memref<128x128xf32, #tpu.memory_space<vmem>>
      %gather3A_2646 = tpu.vector_load_idx %gather3A_2645[%add3A_2519, %add3A_2640] : memref<128x128xf32, #tpu.memory_space<vmem>>[vector<16xi32>, vector<16xi32>], vector<16xf32>,
      %add3A_2647 = arith.constant 8 : i32
      %add3A_2648 = vector.broadcast %add3A_2647 : i32 to vector<16xi32>
      %add3A_2649 = arith.addi %mul3A_2538, %add3A_2648 : vector<16xi32>
      tpu.vector_store_idx %arg8[%shift_right_logical3A_2531, %add3A_2649], %gather3A_2646 : memref<128x512xf32, #tpu.memory_space<vmem>>[vector<16xi32>, vector<16xi32>], vector<16xf32>,
      %add3A_2650 = arith.constant 9 : i32
      %add3A_2651 = vector.broadcast %add3A_2650 : i32 to vector<16xi32>
      %add3A_2652 = arith.addi %mul3A_2541, %add3A_2651 : vector<16xi32>
      %gather3A_2653 = arith.constant 1 : i32
      %gather3A_2654 = arith.constant 0 : i32
      %gather3A_2655 = arith.constant 0 : i32
      %gather3A_2656 = tpu.memref_slice %arg7[%gather3A_2653, %gather3A_2654, %gather3A_2655] : memref<2x128x128xf32, #tpu.memory_space<vmem>> -> memref<1x128x128xf32, #tpu.memory_space<vmem>>
      %gather3A_2657 = tpu.memref_squeeze %gather3A_2656 : memref<1x128x128xf32, #tpu.memory_space<vmem>> -> memref<128x128xf32, #tpu.memory_space<vmem>>
      %gather3A_2658 = tpu.vector_load_idx %gather3A_2657[%add3A_2519, %add3A_2652] : memref<128x128xf32, #tpu.memory_space<vmem>>[vector<16xi32>, vector<16xi32>], vector<16xf32>,
      %add3A_2659 = arith.constant 9 : i32
      %add3A_2660 = vector.broadcast %add3A_2659 : i32 to vector<16xi32>
      %add3A_2661 = arith.addi %mul3A_2538, %add3A_2660 : vector<16xi32>
      tpu.vector_store_idx %arg8[%shift_right_logical3A_2531, %add3A_2661], %gather3A_2658 : memref<128x512xf32, #tpu.memory_space<vmem>>[vector<16xi32>, vector<16xi32>], vector<16xf32>,
      %add3A_2662 = arith.constant 10 : i32
      %add3A_2663 = vector.broadcast %add3A_2662 : i32 to vector<16xi32>
      %add3A_2664 = arith.addi %mul3A_2541, %add3A_2663 : vector<16xi32>
      %gather3A_2665 = arith.constant 1 : i32
      %gather3A_2666 = arith.constant 0 : i32
      %gather3A_2667 = arith.constant 0 : i32
      %gather3A_2668 = tpu.memref_slice %arg7[%gather3A_2665, %gather3A_2666, %gather3A_2667] : memref<2x128x128xf32, #tpu.memory_space<vmem>> -> memref<1x128x128xf32, #tpu.memory_space<vmem>>
      %gather3A_2669 = tpu.memref_squeeze %gather3A_2668 : memref<1x128x128xf32, #tpu.memory_space<vmem>> -> memref<128x128xf32, #tpu.memory_space<vmem>>
      %gather3A_2670 = tpu.vector_load_idx %gather3A_2669[%add3A_2519, %add3A_2664] : memref<128x128xf32, #tpu.memory_space<vmem>>[vector<16xi32>, vector<16xi32>], vector<16xf32>,
      %add3A_2671 = arith.constant 10 : i32
      %add3A_2672 = vector.broadcast %add3A_2671 : i32 to vector<16xi32>
      %add3A_2673 = arith.addi %mul3A_2538, %add3A_2672 : vector<16xi32>
      tpu.vector_store_idx %arg8[%shift_right_logical3A_2531, %add3A_2673], %gather3A_2670 : memref<128x512xf32, #tpu.memory_space<vmem>>[vector<16xi32>, vector<16xi32>], vector<16xf32>,
      %add3A_2674 = arith.constant 11 : i32
      %add3A_2675 = vector.broadcast %add3A_2674 : i32 to vector<16xi32>
      %add3A_2676 = arith.addi %mul3A_2541, %add3A_2675 : vector<16xi32>
      %gather3A_2677 = arith.constant 1 : i32
      %gather3A_2678 = arith.constant 0 : i32
      %gather3A_2679 = arith.constant 0 : i32
      %gather3A_2680 = tpu.memref_slice %arg7[%gather3A_2677, %gather3A_2678, %gather3A_2679] : memref<2x128x128xf32, #tpu.memory_space<vmem>> -> memref<1x128x128xf32, #tpu.memory_space<vmem>>
      %gather3A_2681 = tpu.memref_squeeze %gather3A_2680 : memref<1x128x128xf32, #tpu.memory_space<vmem>> -> memref<128x128xf32, #tpu.memory_space<vmem>>
      %gather3A_2682 = tpu.vector_load_idx %gather3A_2681[%add3A_2519, %add3A_2676] : memref<128x128xf32, #tpu.memory_space<vmem>>[vector<16xi32>, vector<16xi32>], vector<16xf32>,
      %add3A_2683 = arith.constant 11 : i32
      %add3A_2684 = vector.broadcast %add3A_2683 : i32 to vector<16xi32>
      %add3A_2685 = arith.addi %mul3A_2538, %add3A_2684 : vector<16xi32>
      tpu.vector_store_idx %arg8[%shift_right_logical3A_2531, %add3A_2685], %gather3A_2682 : memref<128x512xf32, #tpu.memory_space<vmem>>[vector<16xi32>, vector<16xi32>], vector<16xf32>,
      %add3A_2686 = arith.constant 12 : i32
      %add3A_2687 = vector.broadcast %add3A_2686 : i32 to vector<16xi32>
      %add3A_2688 = arith.addi %mul3A_2541, %add3A_2687 : vector<16xi32>
      %gather3A_2689 = arith.constant 1 : i32
      %gather3A_2690 = arith.constant 0 : i32
      %gather3A_2691 = arith.constant 0 : i32
      %gather3A_2692 = tpu.memref_slice %arg7[%gather3A_2689, %gather3A_2690, %gather3A_2691] : memref<2x128x128xf32, #tpu.memory_space<vmem>> -> memref<1x128x128xf32, #tpu.memory_space<vmem>>
      %gather3A_2693 = tpu.memref_squeeze %gather3A_2692 : memref<1x128x128xf32, #tpu.memory_space<vmem>> -> memref<128x128xf32, #tpu.memory_space<vmem>>
      %gather3A_2694 = tpu.vector_load_idx %gather3A_2693[%add3A_2519, %add3A_2688] : memref<128x128xf32, #tpu.memory_space<vmem>>[vector<16xi32>, vector<16xi32>], vector<16xf32>,
      %add3A_2695 = arith.constant 12 : i32
      %add3A_2696 = vector.broadcast %add3A_2695 : i32 to vector<16xi32>
      %add3A_2697 = arith.addi %mul3A_2538, %add3A_2696 : vector<16xi32>
      tpu.vector_store_idx %arg8[%shift_right_logical3A_2531, %add3A_2697], %gather3A_2694 : memref<128x512xf32, #tpu.memory_space<vmem>>[vector<16xi32>, vector<16xi32>], vector<16xf32>,
      %add3A_2698 = arith.constant 13 : i32
      %add3A_2699 = vector.broadcast %add3A_2698 : i32 to vector<16xi32>
      %add3A_2700 = arith.addi %mul3A_2541, %add3A_2699 : vector<16xi32>
      %gather3A_2701 = arith.constant 1 : i32
      %gather3A_2702 = arith.constant 0 : i32
      %gather3A_2703 = arith.constant 0 : i32
      %gather3A_2704 = tpu.memref_slice %arg7[%gather3A_2701, %gather3A_2702, %gather3A_2703] : memref<2x128x128xf32, #tpu.memory_space<vmem>> -> memref<1x128x128xf32, #tpu.memory_space<vmem>>
      %gather3A_2705 = tpu.memref_squeeze %gather3A_2704 : memref<1x128x128xf32, #tpu.memory_space<vmem>> -> memref<128x128xf32, #tpu.memory_space<vmem>>
      %gather3A_2706 = tpu.vector_load_idx %gather3A_2705[%add3A_2519, %add3A_2700] : memref<128x128xf32, #tpu.memory_space<vmem>>[vector<16xi32>, vector<16xi32>], vector<16xf32>,
      %add3A_2707 = arith.constant 13 : i32
      %add3A_2708 = vector.broadcast %add3A_2707 : i32 to vector<16xi32>
      %add3A_2709 = arith.addi %mul3A_2538, %add3A_2708 : vector<16xi32>
      tpu.vector_store_idx %arg8[%shift_right_logical3A_2531, %add3A_2709], %gather3A_2706 : memref<128x512xf32, #tpu.memory_space<vmem>>[vector<16xi32>, vector<16xi32>], vector<16xf32>,
      %add3A_2710 = arith.constant 14 : i32
      %add3A_2711 = vector.broadcast %add3A_2710 : i32 to vector<16xi32>
      %add3A_2712 = arith.addi %mul3A_2541, %add3A_2711 : vector<16xi32>
      %gather3A_2713 = arith.constant 1 : i32
      %gather3A_2714 = arith.constant 0 : i32
      %gather3A_2715 = arith.constant 0 : i32
      %gather3A_2716 = tpu.memref_slice %arg7[%gather3A_2713, %gather3A_2714, %gather3A_2715] : memref<2x128x128xf32, #tpu.memory_space<vmem>> -> memref<1x128x128xf32, #tpu.memory_space<vmem>>
      %gather3A_2717 = tpu.memref_squeeze %gather3A_2716 : memref<1x128x128xf32, #tpu.memory_space<vmem>> -> memref<128x128xf32, #tpu.memory_space<vmem>>
      %gather3A_2718 = tpu.vector_load_idx %gather3A_2717[%add3A_2519, %add3A_2712] : memref<128x128xf32, #tpu.memory_space<vmem>>[vector<16xi32>, vector<16xi32>], vector<16xf32>,
      %add3A_2719 = arith.constant 14 : i32
      %add3A_2720 = vector.broadcast %add3A_2719 : i32 to vector<16xi32>
      %add3A_2721 = arith.addi %mul3A_2538, %add3A_2720 : vector<16xi32>
      tpu.vector_store_idx %arg8[%shift_right_logical3A_2531, %add3A_2721], %gather3A_2718 : memref<128x512xf32, #tpu.memory_space<vmem>>[vector<16xi32>, vector<16xi32>], vector<16xf32>,
      %add3A_2722 = arith.constant 15 : i32
      %add3A_2723 = vector.broadcast %add3A_2722 : i32 to vector<16xi32>
      %add3A_2724 = arith.addi %mul3A_2541, %add3A_2723 : vector<16xi32>
      %gather3A_2725 = arith.constant 1 : i32
      %gather3A_2726 = arith.constant 0 : i32
      %gather3A_2727 = arith.constant 0 : i32
      %gather3A_2728 = tpu.memref_slice %arg7[%gather3A_2725, %gather3A_2726, %gather3A_2727] : memref<2x128x128xf32, #tpu.memory_space<vmem>> -> memref<1x128x128xf32, #tpu.memory_space<vmem>>
      %gather3A_2729 = tpu.memref_squeeze %gather3A_2728 : memref<1x128x128xf32, #tpu.memory_space<vmem>> -> memref<128x128xf32, #tpu.memory_space<vmem>>
      %gather3A_2730 = tpu.vector_load_idx %gather3A_2729[%add3A_2519, %add3A_2724] : memref<128x128xf32, #tpu.memory_space<vmem>>[vector<16xi32>, vector<16xi32>], vector<16xf32>,
      %add3A_2731 = arith.constant 15 : i32
      %add3A_2732 = vector.broadcast %add3A_2731 : i32 to vector<16xi32>
      %add3A_2733 = arith.addi %mul3A_2538, %add3A_2732 : vector<16xi32>
      tpu.vector_store_idx %arg8[%shift_right_logical3A_2531, %add3A_2733], %gather3A_2730 : memref<128x512xf32, #tpu.memory_space<vmem>>[vector<16xi32>, vector<16xi32>], vector<16xf32>,
      %get3A_2734 = arith.index_cast %add3A_1841 : i32 to index
      %get3A_2735 = arith.constant 64 : index
      %get3A_2736 = tpu.vector_load %arg5[%get3A_2734, %get3A_2735] {strides = array<i32>} : memref<32x128xi32, #tpu.memory_space<vmem>>, vector<16xi32>,
      %and3A_2737 = arith.constant 7 : i32
      %and3A_2738 = vector.broadcast %and3A_2737 : i32 to vector<16xi32>
      %and3A_2739 = arith.andi %get3A_2736, %and3A_2738 : vector<16xi32>
      %add3A_2740 = arith.constant 64 : i32
      %add3A_2741 = vector.broadcast %add3A_2740 : i32 to vector<16xi32>
      %add3A_2742 = arith.addi %iota3A, %add3A_2741 : vector<16xi32>
      %mul3A_2743 = arith.constant 128 : i32
      %mul3A_2744 = arith.muli %add3A_1841, %mul3A_2743 : i32
      %add3A_2745 = arith.constant 64 : i32
      %add3A_2746 = arith.addi %mul3A_2744, %add3A_2745 : i32
      %add3A_2747 = vector.broadcast %add3A_2746 : i32 to vector<16xi32>
      %add3A_2748 = arith.addi %iota3A, %add3A_2747 : vector<16xi32>
      %mul3A_2749 = arith.constant 20165 : i32
      %mul3A_2750 = vector.broadcast %mul3A_2749 : i32 to vector<16xi32>
      %mul3A_2751 = arith.muli %add3A_2748, %mul3A_2750 : vector<16xi32>
      %shift_right_logical3A_2752 = arith.constant 19 : i32
      %shift_right_logical3A_2753 = vector.broadcast %shift_right_logical3A_2752 : i32 to vector<16xi32>
      %shift_right_logical3A_2754 = arith.shrui %mul3A_2751, %shift_right_logical3A_2753 : vector<16xi32>
      %mul3A_2755 = arith.constant 26 : i32
      %mul3A_2756 = vector.broadcast %mul3A_2755 : i32 to vector<16xi32>
      %mul3A_2757 = arith.muli %shift_right_logical3A_2754, %mul3A_2756 : vector<16xi32>
      %sub3A_2758 = arith.subi %add3A_2748, %mul3A_2757 : vector<16xi32>
      %mul3A_2759 = arith.constant 16 : i32
      %mul3A_2760 = vector.broadcast %mul3A_2759 : i32 to vector<16xi32>
      %mul3A_2761 = arith.muli %sub3A_2758, %mul3A_2760 : vector<16xi32>
      %mul3A_2762 = arith.constant 16 : i32
      %mul3A_2763 = vector.broadcast %mul3A_2762 : i32 to vector<16xi32>
      %mul3A_2764 = arith.muli %and3A_2739, %mul3A_2763 : vector<16xi32>
      %add3A_2765 = arith.constant 0 : i32
      %add3A_2766 = vector.broadcast %add3A_2765 : i32 to vector<16xi32>
      %add3A_2767 = arith.addi %mul3A_2764, %add3A_2766 : vector<16xi32>
      %gather3A_2768 = arith.constant 1 : i32
      %gather3A_2769 = arith.constant 0 : i32
      %gather3A_2770 = arith.constant 0 : i32
      %gather3A_2771 = tpu.memref_slice %arg7[%gather3A_2768, %gather3A_2769, %gather3A_2770] : memref<2x128x128xf32, #tpu.memory_space<vmem>> -> memref<1x128x128xf32, #tpu.memory_space<vmem>>
      %gather3A_2772 = tpu.memref_squeeze %gather3A_2771 : memref<1x128x128xf32, #tpu.memory_space<vmem>> -> memref<128x128xf32, #tpu.memory_space<vmem>>
      %gather3A_2773 = tpu.vector_load_idx %gather3A_2772[%add3A_2742, %add3A_2767] : memref<128x128xf32, #tpu.memory_space<vmem>>[vector<16xi32>, vector<16xi32>], vector<16xf32>,
      %add3A_2774 = arith.constant 0 : i32
      %add3A_2775 = vector.broadcast %add3A_2774 : i32 to vector<16xi32>
      %add3A_2776 = arith.addi %mul3A_2761, %add3A_2775 : vector<16xi32>
      tpu.vector_store_idx %arg8[%shift_right_logical3A_2754, %add3A_2776], %gather3A_2773 : memref<128x512xf32, #tpu.memory_space<vmem>>[vector<16xi32>, vector<16xi32>], vector<16xf32>,
      %add3A_2777 = arith.constant 1 : i32
      %add3A_2778 = vector.broadcast %add3A_2777 : i32 to vector<16xi32>
      %add3A_2779 = arith.addi %mul3A_2764, %add3A_2778 : vector<16xi32>
      %gather3A_2780 = arith.constant 1 : i32
      %gather3A_2781 = arith.constant 0 : i32
      %gather3A_2782 = arith.constant 0 : i32
      %gather3A_2783 = tpu.memref_slice %arg7[%gather3A_2780, %gather3A_2781, %gather3A_2782] : memref<2x128x128xf32, #tpu.memory_space<vmem>> -> memref<1x128x128xf32, #tpu.memory_space<vmem>>
      %gather3A_2784 = tpu.memref_squeeze %gather3A_2783 : memref<1x128x128xf32, #tpu.memory_space<vmem>> -> memref<128x128xf32, #tpu.memory_space<vmem>>
      %gather3A_2785 = tpu.vector_load_idx %gather3A_2784[%add3A_2742, %add3A_2779] : memref<128x128xf32, #tpu.memory_space<vmem>>[vector<16xi32>, vector<16xi32>], vector<16xf32>,
      %add3A_2786 = arith.constant 1 : i32
      %add3A_2787 = vector.broadcast %add3A_2786 : i32 to vector<16xi32>
      %add3A_2788 = arith.addi %mul3A_2761, %add3A_2787 : vector<16xi32>
      tpu.vector_store_idx %arg8[%shift_right_logical3A_2754, %add3A_2788], %gather3A_2785 : memref<128x512xf32, #tpu.memory_space<vmem>>[vector<16xi32>, vector<16xi32>], vector<16xf32>,
      %add3A_2789 = arith.constant 2 : i32
      %add3A_2790 = vector.broadcast %add3A_2789 : i32 to vector<16xi32>
      %add3A_2791 = arith.addi %mul3A_2764, %add3A_2790 : vector<16xi32>
      %gather3A_2792 = arith.constant 1 : i32
      %gather3A_2793 = arith.constant 0 : i32
      %gather3A_2794 = arith.constant 0 : i32
      %gather3A_2795 = tpu.memref_slice %arg7[%gather3A_2792, %gather3A_2793, %gather3A_2794] : memref<2x128x128xf32, #tpu.memory_space<vmem>> -> memref<1x128x128xf32, #tpu.memory_space<vmem>>
      %gather3A_2796 = tpu.memref_squeeze %gather3A_2795 : memref<1x128x128xf32, #tpu.memory_space<vmem>> -> memref<128x128xf32, #tpu.memory_space<vmem>>
      %gather3A_2797 = tpu.vector_load_idx %gather3A_2796[%add3A_2742, %add3A_2791] : memref<128x128xf32, #tpu.memory_space<vmem>>[vector<16xi32>, vector<16xi32>], vector<16xf32>,
      %add3A_2798 = arith.constant 2 : i32
      %add3A_2799 = vector.broadcast %add3A_2798 : i32 to vector<16xi32>
      %add3A_2800 = arith.addi %mul3A_2761, %add3A_2799 : vector<16xi32>
      tpu.vector_store_idx %arg8[%shift_right_logical3A_2754, %add3A_2800], %gather3A_2797 : memref<128x512xf32, #tpu.memory_space<vmem>>[vector<16xi32>, vector<16xi32>], vector<16xf32>,
      %add3A_2801 = arith.constant 3 : i32
      %add3A_2802 = vector.broadcast %add3A_2801 : i32 to vector<16xi32>
      %add3A_2803 = arith.addi %mul3A_2764, %add3A_2802 : vector<16xi32>
      %gather3A_2804 = arith.constant 1 : i32
      %gather3A_2805 = arith.constant 0 : i32
      %gather3A_2806 = arith.constant 0 : i32
      %gather3A_2807 = tpu.memref_slice %arg7[%gather3A_2804, %gather3A_2805, %gather3A_2806] : memref<2x128x128xf32, #tpu.memory_space<vmem>> -> memref<1x128x128xf32, #tpu.memory_space<vmem>>
      %gather3A_2808 = tpu.memref_squeeze %gather3A_2807 : memref<1x128x128xf32, #tpu.memory_space<vmem>> -> memref<128x128xf32, #tpu.memory_space<vmem>>
      %gather3A_2809 = tpu.vector_load_idx %gather3A_2808[%add3A_2742, %add3A_2803] : memref<128x128xf32, #tpu.memory_space<vmem>>[vector<16xi32>, vector<16xi32>], vector<16xf32>,
      %add3A_2810 = arith.constant 3 : i32
      %add3A_2811 = vector.broadcast %add3A_2810 : i32 to vector<16xi32>
      %add3A_2812 = arith.addi %mul3A_2761, %add3A_2811 : vector<16xi32>
      tpu.vector_store_idx %arg8[%shift_right_logical3A_2754, %add3A_2812], %gather3A_2809 : memref<128x512xf32, #tpu.memory_space<vmem>>[vector<16xi32>, vector<16xi32>], vector<16xf32>,
      %add3A_2813 = arith.constant 4 : i32
      %add3A_2814 = vector.broadcast %add3A_2813 : i32 to vector<16xi32>
      %add3A_2815 = arith.addi %mul3A_2764, %add3A_2814 : vector<16xi32>
      %gather3A_2816 = arith.constant 1 : i32
      %gather3A_2817 = arith.constant 0 : i32
      %gather3A_2818 = arith.constant 0 : i32
      %gather3A_2819 = tpu.memref_slice %arg7[%gather3A_2816, %gather3A_2817, %gather3A_2818] : memref<2x128x128xf32, #tpu.memory_space<vmem>> -> memref<1x128x128xf32, #tpu.memory_space<vmem>>
      %gather3A_2820 = tpu.memref_squeeze %gather3A_2819 : memref<1x128x128xf32, #tpu.memory_space<vmem>> -> memref<128x128xf32, #tpu.memory_space<vmem>>
      %gather3A_2821 = tpu.vector_load_idx %gather3A_2820[%add3A_2742, %add3A_2815] : memref<128x128xf32, #tpu.memory_space<vmem>>[vector<16xi32>, vector<16xi32>], vector<16xf32>,
      %add3A_2822 = arith.constant 4 : i32
      %add3A_2823 = vector.broadcast %add3A_2822 : i32 to vector<16xi32>
      %add3A_2824 = arith.addi %mul3A_2761, %add3A_2823 : vector<16xi32>
      tpu.vector_store_idx %arg8[%shift_right_logical3A_2754, %add3A_2824], %gather3A_2821 : memref<128x512xf32, #tpu.memory_space<vmem>>[vector<16xi32>, vector<16xi32>], vector<16xf32>,
      %add3A_2825 = arith.constant 5 : i32
      %add3A_2826 = vector.broadcast %add3A_2825 : i32 to vector<16xi32>
      %add3A_2827 = arith.addi %mul3A_2764, %add3A_2826 : vector<16xi32>
      %gather3A_2828 = arith.constant 1 : i32
      %gather3A_2829 = arith.constant 0 : i32
      %gather3A_2830 = arith.constant 0 : i32
      %gather3A_2831 = tpu.memref_slice %arg7[%gather3A_2828, %gather3A_2829, %gather3A_2830] : memref<2x128x128xf32, #tpu.memory_space<vmem>> -> memref<1x128x128xf32, #tpu.memory_space<vmem>>
      %gather3A_2832 = tpu.memref_squeeze %gather3A_2831 : memref<1x128x128xf32, #tpu.memory_space<vmem>> -> memref<128x128xf32, #tpu.memory_space<vmem>>
      %gather3A_2833 = tpu.vector_load_idx %gather3A_2832[%add3A_2742, %add3A_2827] : memref<128x128xf32, #tpu.memory_space<vmem>>[vector<16xi32>, vector<16xi32>], vector<16xf32>,
      %add3A_2834 = arith.constant 5 : i32
      %add3A_2835 = vector.broadcast %add3A_2834 : i32 to vector<16xi32>
      %add3A_2836 = arith.addi %mul3A_2761, %add3A_2835 : vector<16xi32>
      tpu.vector_store_idx %arg8[%shift_right_logical3A_2754, %add3A_2836], %gather3A_2833 : memref<128x512xf32, #tpu.memory_space<vmem>>[vector<16xi32>, vector<16xi32>], vector<16xf32>,
      %add3A_2837 = arith.constant 6 : i32
      %add3A_2838 = vector.broadcast %add3A_2837 : i32 to vector<16xi32>
      %add3A_2839 = arith.addi %mul3A_2764, %add3A_2838 : vector<16xi32>
      %gather3A_2840 = arith.constant 1 : i32
      %gather3A_2841 = arith.constant 0 : i32
      %gather3A_2842 = arith.constant 0 : i32
      %gather3A_2843 = tpu.memref_slice %arg7[%gather3A_2840, %gather3A_2841, %gather3A_2842] : memref<2x128x128xf32, #tpu.memory_space<vmem>> -> memref<1x128x128xf32, #tpu.memory_space<vmem>>
      %gather3A_2844 = tpu.memref_squeeze %gather3A_2843 : memref<1x128x128xf32, #tpu.memory_space<vmem>> -> memref<128x128xf32, #tpu.memory_space<vmem>>
      %gather3A_2845 = tpu.vector_load_idx %gather3A_2844[%add3A_2742, %add3A_2839] : memref<128x128xf32, #tpu.memory_space<vmem>>[vector<16xi32>, vector<16xi32>], vector<16xf32>,
      %add3A_2846 = arith.constant 6 : i32
      %add3A_2847 = vector.broadcast %add3A_2846 : i32 to vector<16xi32>
      %add3A_2848 = arith.addi %mul3A_2761, %add3A_2847 : vector<16xi32>
      tpu.vector_store_idx %arg8[%shift_right_logical3A_2754, %add3A_2848], %gather3A_2845 : memref<128x512xf32, #tpu.memory_space<vmem>>[vector<16xi32>, vector<16xi32>], vector<16xf32>,
      %add3A_2849 = arith.constant 7 : i32
      %add3A_2850 = vector.broadcast %add3A_2849 : i32 to vector<16xi32>
      %add3A_2851 = arith.addi %mul3A_2764, %add3A_2850 : vector<16xi32>
      %gather3A_2852 = arith.constant 1 : i32
      %gather3A_2853 = arith.constant 0 : i32
      %gather3A_2854 = arith.constant 0 : i32
      %gather3A_2855 = tpu.memref_slice %arg7[%gather3A_2852, %gather3A_2853, %gather3A_2854] : memref<2x128x128xf32, #tpu.memory_space<vmem>> -> memref<1x128x128xf32, #tpu.memory_space<vmem>>
      %gather3A_2856 = tpu.memref_squeeze %gather3A_2855 : memref<1x128x128xf32, #tpu.memory_space<vmem>> -> memref<128x128xf32, #tpu.memory_space<vmem>>
      %gather3A_2857 = tpu.vector_load_idx %gather3A_2856[%add3A_2742, %add3A_2851] : memref<128x128xf32, #tpu.memory_space<vmem>>[vector<16xi32>, vector<16xi32>], vector<16xf32>,
      %add3A_2858 = arith.constant 7 : i32
      %add3A_2859 = vector.broadcast %add3A_2858 : i32 to vector<16xi32>
      %add3A_2860 = arith.addi %mul3A_2761, %add3A_2859 : vector<16xi32>
      tpu.vector_store_idx %arg8[%shift_right_logical3A_2754, %add3A_2860], %gather3A_2857 : memref<128x512xf32, #tpu.memory_space<vmem>>[vector<16xi32>, vector<16xi32>], vector<16xf32>,
      %add3A_2861 = arith.constant 8 : i32
      %add3A_2862 = vector.broadcast %add3A_2861 : i32 to vector<16xi32>
      %add3A_2863 = arith.addi %mul3A_2764, %add3A_2862 : vector<16xi32>
      %gather3A_2864 = arith.constant 1 : i32
      %gather3A_2865 = arith.constant 0 : i32
      %gather3A_2866 = arith.constant 0 : i32
      %gather3A_2867 = tpu.memref_slice %arg7[%gather3A_2864, %gather3A_2865, %gather3A_2866] : memref<2x128x128xf32, #tpu.memory_space<vmem>> -> memref<1x128x128xf32, #tpu.memory_space<vmem>>
      %gather3A_2868 = tpu.memref_squeeze %gather3A_2867 : memref<1x128x128xf32, #tpu.memory_space<vmem>> -> memref<128x128xf32, #tpu.memory_space<vmem>>
      %gather3A_2869 = tpu.vector_load_idx %gather3A_2868[%add3A_2742, %add3A_2863] : memref<128x128xf32, #tpu.memory_space<vmem>>[vector<16xi32>, vector<16xi32>], vector<16xf32>,
      %add3A_2870 = arith.constant 8 : i32
      %add3A_2871 = vector.broadcast %add3A_2870 : i32 to vector<16xi32>
      %add3A_2872 = arith.addi %mul3A_2761, %add3A_2871 : vector<16xi32>
      tpu.vector_store_idx %arg8[%shift_right_logical3A_2754, %add3A_2872], %gather3A_2869 : memref<128x512xf32, #tpu.memory_space<vmem>>[vector<16xi32>, vector<16xi32>], vector<16xf32>,
      %add3A_2873 = arith.constant 9 : i32
      %add3A_2874 = vector.broadcast %add3A_2873 : i32 to vector<16xi32>
      %add3A_2875 = arith.addi %mul3A_2764, %add3A_2874 : vector<16xi32>
      %gather3A_2876 = arith.constant 1 : i32
      %gather3A_2877 = arith.constant 0 : i32
      %gather3A_2878 = arith.constant 0 : i32
      %gather3A_2879 = tpu.memref_slice %arg7[%gather3A_2876, %gather3A_2877, %gather3A_2878] : memref<2x128x128xf32, #tpu.memory_space<vmem>> -> memref<1x128x128xf32, #tpu.memory_space<vmem>>
      %gather3A_2880 = tpu.memref_squeeze %gather3A_2879 : memref<1x128x128xf32, #tpu.memory_space<vmem>> -> memref<128x128xf32, #tpu.memory_space<vmem>>
      %gather3A_2881 = tpu.vector_load_idx %gather3A_2880[%add3A_2742, %add3A_2875] : memref<128x128xf32, #tpu.memory_space<vmem>>[vector<16xi32>, vector<16xi32>], vector<16xf32>,
      %add3A_2882 = arith.constant 9 : i32
      %add3A_2883 = vector.broadcast %add3A_2882 : i32 to vector<16xi32>
      %add3A_2884 = arith.addi %mul3A_2761, %add3A_2883 : vector<16xi32>
      tpu.vector_store_idx %arg8[%shift_right_logical3A_2754, %add3A_2884], %gather3A_2881 : memref<128x512xf32, #tpu.memory_space<vmem>>[vector<16xi32>, vector<16xi32>], vector<16xf32>,
      %add3A_2885 = arith.constant 10 : i32
      %add3A_2886 = vector.broadcast %add3A_2885 : i32 to vector<16xi32>
      %add3A_2887 = arith.addi %mul3A_2764, %add3A_2886 : vector<16xi32>
      %gather3A_2888 = arith.constant 1 : i32
      %gather3A_2889 = arith.constant 0 : i32
      %gather3A_2890 = arith.constant 0 : i32
      %gather3A_2891 = tpu.memref_slice %arg7[%gather3A_2888, %gather3A_2889, %gather3A_2890] : memref<2x128x128xf32, #tpu.memory_space<vmem>> -> memref<1x128x128xf32, #tpu.memory_space<vmem>>
      %gather3A_2892 = tpu.memref_squeeze %gather3A_2891 : memref<1x128x128xf32, #tpu.memory_space<vmem>> -> memref<128x128xf32, #tpu.memory_space<vmem>>
      %gather3A_2893 = tpu.vector_load_idx %gather3A_2892[%add3A_2742, %add3A_2887] : memref<128x128xf32, #tpu.memory_space<vmem>>[vector<16xi32>, vector<16xi32>], vector<16xf32>,
      %add3A_2894 = arith.constant 10 : i32
      %add3A_2895 = vector.broadcast %add3A_2894 : i32 to vector<16xi32>
      %add3A_2896 = arith.addi %mul3A_2761, %add3A_2895 : vector<16xi32>
      tpu.vector_store_idx %arg8[%shift_right_logical3A_2754, %add3A_2896], %gather3A_2893 : memref<128x512xf32, #tpu.memory_space<vmem>>[vector<16xi32>, vector<16xi32>], vector<16xf32>,
      %add3A_2897 = arith.constant 11 : i32
      %add3A_2898 = vector.broadcast %add3A_2897 : i32 to vector<16xi32>
      %add3A_2899 = arith.addi %mul3A_2764, %add3A_2898 : vector<16xi32>
      %gather3A_2900 = arith.constant 1 : i32
      %gather3A_2901 = arith.constant 0 : i32
      %gather3A_2902 = arith.constant 0 : i32
      %gather3A_2903 = tpu.memref_slice %arg7[%gather3A_2900, %gather3A_2901, %gather3A_2902] : memref<2x128x128xf32, #tpu.memory_space<vmem>> -> memref<1x128x128xf32, #tpu.memory_space<vmem>>
      %gather3A_2904 = tpu.memref_squeeze %gather3A_2903 : memref<1x128x128xf32, #tpu.memory_space<vmem>> -> memref<128x128xf32, #tpu.memory_space<vmem>>
      %gather3A_2905 = tpu.vector_load_idx %gather3A_2904[%add3A_2742, %add3A_2899] : memref<128x128xf32, #tpu.memory_space<vmem>>[vector<16xi32>, vector<16xi32>], vector<16xf32>,
      %add3A_2906 = arith.constant 11 : i32
      %add3A_2907 = vector.broadcast %add3A_2906 : i32 to vector<16xi32>
      %add3A_2908 = arith.addi %mul3A_2761, %add3A_2907 : vector<16xi32>
      tpu.vector_store_idx %arg8[%shift_right_logical3A_2754, %add3A_2908], %gather3A_2905 : memref<128x512xf32, #tpu.memory_space<vmem>>[vector<16xi32>, vector<16xi32>], vector<16xf32>,
      %add3A_2909 = arith.constant 12 : i32
      %add3A_2910 = vector.broadcast %add3A_2909 : i32 to vector<16xi32>
      %add3A_2911 = arith.addi %mul3A_2764, %add3A_2910 : vector<16xi32>
      %gather3A_2912 = arith.constant 1 : i32
      %gather3A_2913 = arith.constant 0 : i32
      %gather3A_2914 = arith.constant 0 : i32
      %gather3A_2915 = tpu.memref_slice %arg7[%gather3A_2912, %gather3A_2913, %gather3A_2914] : memref<2x128x128xf32, #tpu.memory_space<vmem>> -> memref<1x128x128xf32, #tpu.memory_space<vmem>>
      %gather3A_2916 = tpu.memref_squeeze %gather3A_2915 : memref<1x128x128xf32, #tpu.memory_space<vmem>> -> memref<128x128xf32, #tpu.memory_space<vmem>>
      %gather3A_2917 = tpu.vector_load_idx %gather3A_2916[%add3A_2742, %add3A_2911] : memref<128x128xf32, #tpu.memory_space<vmem>>[vector<16xi32>, vector<16xi32>], vector<16xf32>,
      %add3A_2918 = arith.constant 12 : i32
      %add3A_2919 = vector.broadcast %add3A_2918 : i32 to vector<16xi32>
      %add3A_2920 = arith.addi %mul3A_2761, %add3A_2919 : vector<16xi32>
      tpu.vector_store_idx %arg8[%shift_right_logical3A_2754, %add3A_2920], %gather3A_2917 : memref<128x512xf32, #tpu.memory_space<vmem>>[vector<16xi32>, vector<16xi32>], vector<16xf32>,
      %add3A_2921 = arith.constant 13 : i32
      %add3A_2922 = vector.broadcast %add3A_2921 : i32 to vector<16xi32>
      %add3A_2923 = arith.addi %mul3A_2764, %add3A_2922 : vector<16xi32>
      %gather3A_2924 = arith.constant 1 : i32
      %gather3A_2925 = arith.constant 0 : i32
      %gather3A_2926 = arith.constant 0 : i32
      %gather3A_2927 = tpu.memref_slice %arg7[%gather3A_2924, %gather3A_2925, %gather3A_2926] : memref<2x128x128xf32, #tpu.memory_space<vmem>> -> memref<1x128x128xf32, #tpu.memory_space<vmem>>
      %gather3A_2928 = tpu.memref_squeeze %gather3A_2927 : memref<1x128x128xf32, #tpu.memory_space<vmem>> -> memref<128x128xf32, #tpu.memory_space<vmem>>
      %gather3A_2929 = tpu.vector_load_idx %gather3A_2928[%add3A_2742, %add3A_2923] : memref<128x128xf32, #tpu.memory_space<vmem>>[vector<16xi32>, vector<16xi32>], vector<16xf32>,
      %add3A_2930 = arith.constant 13 : i32
      %add3A_2931 = vector.broadcast %add3A_2930 : i32 to vector<16xi32>
      %add3A_2932 = arith.addi %mul3A_2761, %add3A_2931 : vector<16xi32>
      tpu.vector_store_idx %arg8[%shift_right_logical3A_2754, %add3A_2932], %gather3A_2929 : memref<128x512xf32, #tpu.memory_space<vmem>>[vector<16xi32>, vector<16xi32>], vector<16xf32>,
      %add3A_2933 = arith.constant 14 : i32
      %add3A_2934 = vector.broadcast %add3A_2933 : i32 to vector<16xi32>
      %add3A_2935 = arith.addi %mul3A_2764, %add3A_2934 : vector<16xi32>
      %gather3A_2936 = arith.constant 1 : i32
      %gather3A_2937 = arith.constant 0 : i32
      %gather3A_2938 = arith.constant 0 : i32
      %gather3A_2939 = tpu.memref_slice %arg7[%gather3A_2936, %gather3A_2937, %gather3A_2938] : memref<2x128x128xf32, #tpu.memory_space<vmem>> -> memref<1x128x128xf32, #tpu.memory_space<vmem>>
      %gather3A_2940 = tpu.memref_squeeze %gather3A_2939 : memref<1x128x128xf32, #tpu.memory_space<vmem>> -> memref<128x128xf32, #tpu.memory_space<vmem>>
      %gather3A_2941 = tpu.vector_load_idx %gather3A_2940[%add3A_2742, %add3A_2935] : memref<128x128xf32, #tpu.memory_space<vmem>>[vector<16xi32>, vector<16xi32>], vector<16xf32>,
      %add3A_2942 = arith.constant 14 : i32
      %add3A_2943 = vector.broadcast %add3A_2942 : i32 to vector<16xi32>
      %add3A_2944 = arith.addi %mul3A_2761, %add3A_2943 : vector<16xi32>
      tpu.vector_store_idx %arg8[%shift_right_logical3A_2754, %add3A_2944], %gather3A_2941 : memref<128x512xf32, #tpu.memory_space<vmem>>[vector<16xi32>, vector<16xi32>], vector<16xf32>,
      %add3A_2945 = arith.constant 15 : i32
      %add3A_2946 = vector.broadcast %add3A_2945 : i32 to vector<16xi32>
      %add3A_2947 = arith.addi %mul3A_2764, %add3A_2946 : vector<16xi32>
      %gather3A_2948 = arith.constant 1 : i32
      %gather3A_2949 = arith.constant 0 : i32
      %gather3A_2950 = arith.constant 0 : i32
      %gather3A_2951 = tpu.memref_slice %arg7[%gather3A_2948, %gather3A_2949, %gather3A_2950] : memref<2x128x128xf32, #tpu.memory_space<vmem>> -> memref<1x128x128xf32, #tpu.memory_space<vmem>>
      %gather3A_2952 = tpu.memref_squeeze %gather3A_2951 : memref<1x128x128xf32, #tpu.memory_space<vmem>> -> memref<128x128xf32, #tpu.memory_space<vmem>>
      %gather3A_2953 = tpu.vector_load_idx %gather3A_2952[%add3A_2742, %add3A_2947] : memref<128x128xf32, #tpu.memory_space<vmem>>[vector<16xi32>, vector<16xi32>], vector<16xf32>,
      %add3A_2954 = arith.constant 15 : i32
      %add3A_2955 = vector.broadcast %add3A_2954 : i32 to vector<16xi32>
      %add3A_2956 = arith.addi %mul3A_2761, %add3A_2955 : vector<16xi32>
      tpu.vector_store_idx %arg8[%shift_right_logical3A_2754, %add3A_2956], %gather3A_2953 : memref<128x512xf32, #tpu.memory_space<vmem>>[vector<16xi32>, vector<16xi32>], vector<16xf32>,
      %get3A_2957 = arith.index_cast %add3A_1841 : i32 to index
      %get3A_2958 = arith.constant 80 : index
      %get3A_2959 = tpu.vector_load %arg5[%get3A_2957, %get3A_2958] {strides = array<i32>} : memref<32x128xi32, #tpu.memory_space<vmem>>, vector<16xi32>,
      %and3A_2960 = arith.constant 7 : i32
      %and3A_2961 = vector.broadcast %and3A_2960 : i32 to vector<16xi32>
      %and3A_2962 = arith.andi %get3A_2959, %and3A_2961 : vector<16xi32>
      %add3A_2963 = arith.constant 80 : i32
      %add3A_2964 = vector.broadcast %add3A_2963 : i32 to vector<16xi32>
      %add3A_2965 = arith.addi %iota3A, %add3A_2964 : vector<16xi32>
      %mul3A_2966 = arith.constant 128 : i32
      %mul3A_2967 = arith.muli %add3A_1841, %mul3A_2966 : i32
      %add3A_2968 = arith.constant 80 : i32
      %add3A_2969 = arith.addi %mul3A_2967, %add3A_2968 : i32
      %add3A_2970 = vector.broadcast %add3A_2969 : i32 to vector<16xi32>
      %add3A_2971 = arith.addi %iota3A, %add3A_2970 : vector<16xi32>
      %mul3A_2972 = arith.constant 20165 : i32
      %mul3A_2973 = vector.broadcast %mul3A_2972 : i32 to vector<16xi32>
      %mul3A_2974 = arith.muli %add3A_2971, %mul3A_2973 : vector<16xi32>
      %shift_right_logical3A_2975 = arith.constant 19 : i32
      %shift_right_logical3A_2976 = vector.broadcast %shift_right_logical3A_2975 : i32 to vector<16xi32>
      %shift_right_logical3A_2977 = arith.shrui %mul3A_2974, %shift_right_logical3A_2976 : vector<16xi32>
      %mul3A_2978 = arith.constant 26 : i32
      %mul3A_2979 = vector.broadcast %mul3A_2978 : i32 to vector<16xi32>
      %mul3A_2980 = arith.muli %shift_right_logical3A_2977, %mul3A_2979 : vector<16xi32>
      %sub3A_2981 = arith.subi %add3A_2971, %mul3A_2980 : vector<16xi32>
      %mul3A_2982 = arith.constant 16 : i32
      %mul3A_2983 = vector.broadcast %mul3A_2982 : i32 to vector<16xi32>
      %mul3A_2984 = arith.muli %sub3A_2981, %mul3A_2983 : vector<16xi32>
      %mul3A_2985 = arith.constant 16 : i32
      %mul3A_2986 = vector.broadcast %mul3A_2985 : i32 to vector<16xi32>
      %mul3A_2987 = arith.muli %and3A_2962, %mul3A_2986 : vector<16xi32>
      %add3A_2988 = arith.constant 0 : i32
      %add3A_2989 = vector.broadcast %add3A_2988 : i32 to vector<16xi32>
      %add3A_2990 = arith.addi %mul3A_2987, %add3A_2989 : vector<16xi32>
      %gather3A_2991 = arith.constant 1 : i32
      %gather3A_2992 = arith.constant 0 : i32
      %gather3A_2993 = arith.constant 0 : i32
      %gather3A_2994 = tpu.memref_slice %arg7[%gather3A_2991, %gather3A_2992, %gather3A_2993] : memref<2x128x128xf32, #tpu.memory_space<vmem>> -> memref<1x128x128xf32, #tpu.memory_space<vmem>>
      %gather3A_2995 = tpu.memref_squeeze %gather3A_2994 : memref<1x128x128xf32, #tpu.memory_space<vmem>> -> memref<128x128xf32, #tpu.memory_space<vmem>>
      %gather3A_2996 = tpu.vector_load_idx %gather3A_2995[%add3A_2965, %add3A_2990] : memref<128x128xf32, #tpu.memory_space<vmem>>[vector<16xi32>, vector<16xi32>], vector<16xf32>,
      %add3A_2997 = arith.constant 0 : i32
      %add3A_2998 = vector.broadcast %add3A_2997 : i32 to vector<16xi32>
      %add3A_2999 = arith.addi %mul3A_2984, %add3A_2998 : vector<16xi32>
      tpu.vector_store_idx %arg8[%shift_right_logical3A_2977, %add3A_2999], %gather3A_2996 : memref<128x512xf32, #tpu.memory_space<vmem>>[vector<16xi32>, vector<16xi32>], vector<16xf32>,
      %add3A_3000 = arith.constant 1 : i32
      %add3A_3001 = vector.broadcast %add3A_3000 : i32 to vector<16xi32>
      %add3A_3002 = arith.addi %mul3A_2987, %add3A_3001 : vector<16xi32>
      %gather3A_3003 = arith.constant 1 : i32
      %gather3A_3004 = arith.constant 0 : i32
      %gather3A_3005 = arith.constant 0 : i32
      %gather3A_3006 = tpu.memref_slice %arg7[%gather3A_3003, %gather3A_3004, %gather3A_3005] : memref<2x128x128xf32, #tpu.memory_space<vmem>> -> memref<1x128x128xf32, #tpu.memory_space<vmem>>
      %gather3A_3007 = tpu.memref_squeeze %gather3A_3006 : memref<1x128x128xf32, #tpu.memory_space<vmem>> -> memref<128x128xf32, #tpu.memory_space<vmem>>
      %gather3A_3008 = tpu.vector_load_idx %gather3A_3007[%add3A_2965, %add3A_3002] : memref<128x128xf32, #tpu.memory_space<vmem>>[vector<16xi32>, vector<16xi32>], vector<16xf32>,
      %add3A_3009 = arith.constant 1 : i32
      %add3A_3010 = vector.broadcast %add3A_3009 : i32 to vector<16xi32>
      %add3A_3011 = arith.addi %mul3A_2984, %add3A_3010 : vector<16xi32>
      tpu.vector_store_idx %arg8[%shift_right_logical3A_2977, %add3A_3011], %gather3A_3008 : memref<128x512xf32, #tpu.memory_space<vmem>>[vector<16xi32>, vector<16xi32>], vector<16xf32>,
      %add3A_3012 = arith.constant 2 : i32
      %add3A_3013 = vector.broadcast %add3A_3012 : i32 to vector<16xi32>
      %add3A_3014 = arith.addi %mul3A_2987, %add3A_3013 : vector<16xi32>
      %gather3A_3015 = arith.constant 1 : i32
      %gather3A_3016 = arith.constant 0 : i32
      %gather3A_3017 = arith.constant 0 : i32
      %gather3A_3018 = tpu.memref_slice %arg7[%gather3A_3015, %gather3A_3016, %gather3A_3017] : memref<2x128x128xf32, #tpu.memory_space<vmem>> -> memref<1x128x128xf32, #tpu.memory_space<vmem>>
      %gather3A_3019 = tpu.memref_squeeze %gather3A_3018 : memref<1x128x128xf32, #tpu.memory_space<vmem>> -> memref<128x128xf32, #tpu.memory_space<vmem>>
      %gather3A_3020 = tpu.vector_load_idx %gather3A_3019[%add3A_2965, %add3A_3014] : memref<128x128xf32, #tpu.memory_space<vmem>>[vector<16xi32>, vector<16xi32>], vector<16xf32>,
      %add3A_3021 = arith.constant 2 : i32
      %add3A_3022 = vector.broadcast %add3A_3021 : i32 to vector<16xi32>
      %add3A_3023 = arith.addi %mul3A_2984, %add3A_3022 : vector<16xi32>
      tpu.vector_store_idx %arg8[%shift_right_logical3A_2977, %add3A_3023], %gather3A_3020 : memref<128x512xf32, #tpu.memory_space<vmem>>[vector<16xi32>, vector<16xi32>], vector<16xf32>,
      %add3A_3024 = arith.constant 3 : i32
      %add3A_3025 = vector.broadcast %add3A_3024 : i32 to vector<16xi32>
      %add3A_3026 = arith.addi %mul3A_2987, %add3A_3025 : vector<16xi32>
      %gather3A_3027 = arith.constant 1 : i32
      %gather3A_3028 = arith.constant 0 : i32
      %gather3A_3029 = arith.constant 0 : i32
      %gather3A_3030 = tpu.memref_slice %arg7[%gather3A_3027, %gather3A_3028, %gather3A_3029] : memref<2x128x128xf32, #tpu.memory_space<vmem>> -> memref<1x128x128xf32, #tpu.memory_space<vmem>>
      %gather3A_3031 = tpu.memref_squeeze %gather3A_3030 : memref<1x128x128xf32, #tpu.memory_space<vmem>> -> memref<128x128xf32, #tpu.memory_space<vmem>>
      %gather3A_3032 = tpu.vector_load_idx %gather3A_3031[%add3A_2965, %add3A_3026] : memref<128x128xf32, #tpu.memory_space<vmem>>[vector<16xi32>, vector<16xi32>], vector<16xf32>,
      %add3A_3033 = arith.constant 3 : i32
      %add3A_3034 = vector.broadcast %add3A_3033 : i32 to vector<16xi32>
      %add3A_3035 = arith.addi %mul3A_2984, %add3A_3034 : vector<16xi32>
      tpu.vector_store_idx %arg8[%shift_right_logical3A_2977, %add3A_3035], %gather3A_3032 : memref<128x512xf32, #tpu.memory_space<vmem>>[vector<16xi32>, vector<16xi32>], vector<16xf32>,
      %add3A_3036 = arith.constant 4 : i32
      %add3A_3037 = vector.broadcast %add3A_3036 : i32 to vector<16xi32>
      %add3A_3038 = arith.addi %mul3A_2987, %add3A_3037 : vector<16xi32>
      %gather3A_3039 = arith.constant 1 : i32
      %gather3A_3040 = arith.constant 0 : i32
      %gather3A_3041 = arith.constant 0 : i32
      %gather3A_3042 = tpu.memref_slice %arg7[%gather3A_3039, %gather3A_3040, %gather3A_3041] : memref<2x128x128xf32, #tpu.memory_space<vmem>> -> memref<1x128x128xf32, #tpu.memory_space<vmem>>
      %gather3A_3043 = tpu.memref_squeeze %gather3A_3042 : memref<1x128x128xf32, #tpu.memory_space<vmem>> -> memref<128x128xf32, #tpu.memory_space<vmem>>
      %gather3A_3044 = tpu.vector_load_idx %gather3A_3043[%add3A_2965, %add3A_3038] : memref<128x128xf32, #tpu.memory_space<vmem>>[vector<16xi32>, vector<16xi32>], vector<16xf32>,
      %add3A_3045 = arith.constant 4 : i32
      %add3A_3046 = vector.broadcast %add3A_3045 : i32 to vector<16xi32>
      %add3A_3047 = arith.addi %mul3A_2984, %add3A_3046 : vector<16xi32>
      tpu.vector_store_idx %arg8[%shift_right_logical3A_2977, %add3A_3047], %gather3A_3044 : memref<128x512xf32, #tpu.memory_space<vmem>>[vector<16xi32>, vector<16xi32>], vector<16xf32>,
      %add3A_3048 = arith.constant 5 : i32
      %add3A_3049 = vector.broadcast %add3A_3048 : i32 to vector<16xi32>
      %add3A_3050 = arith.addi %mul3A_2987, %add3A_3049 : vector<16xi32>
      %gather3A_3051 = arith.constant 1 : i32
      %gather3A_3052 = arith.constant 0 : i32
      %gather3A_3053 = arith.constant 0 : i32
      %gather3A_3054 = tpu.memref_slice %arg7[%gather3A_3051, %gather3A_3052, %gather3A_3053] : memref<2x128x128xf32, #tpu.memory_space<vmem>> -> memref<1x128x128xf32, #tpu.memory_space<vmem>>
      %gather3A_3055 = tpu.memref_squeeze %gather3A_3054 : memref<1x128x128xf32, #tpu.memory_space<vmem>> -> memref<128x128xf32, #tpu.memory_space<vmem>>
      %gather3A_3056 = tpu.vector_load_idx %gather3A_3055[%add3A_2965, %add3A_3050] : memref<128x128xf32, #tpu.memory_space<vmem>>[vector<16xi32>, vector<16xi32>], vector<16xf32>,
      %add3A_3057 = arith.constant 5 : i32
      %add3A_3058 = vector.broadcast %add3A_3057 : i32 to vector<16xi32>
      %add3A_3059 = arith.addi %mul3A_2984, %add3A_3058 : vector<16xi32>
      tpu.vector_store_idx %arg8[%shift_right_logical3A_2977, %add3A_3059], %gather3A_3056 : memref<128x512xf32, #tpu.memory_space<vmem>>[vector<16xi32>, vector<16xi32>], vector<16xf32>,
      %add3A_3060 = arith.constant 6 : i32
      %add3A_3061 = vector.broadcast %add3A_3060 : i32 to vector<16xi32>
      %add3A_3062 = arith.addi %mul3A_2987, %add3A_3061 : vector<16xi32>
      %gather3A_3063 = arith.constant 1 : i32
      %gather3A_3064 = arith.constant 0 : i32
      %gather3A_3065 = arith.constant 0 : i32
      %gather3A_3066 = tpu.memref_slice %arg7[%gather3A_3063, %gather3A_3064, %gather3A_3065] : memref<2x128x128xf32, #tpu.memory_space<vmem>> -> memref<1x128x128xf32, #tpu.memory_space<vmem>>
      %gather3A_3067 = tpu.memref_squeeze %gather3A_3066 : memref<1x128x128xf32, #tpu.memory_space<vmem>> -> memref<128x128xf32, #tpu.memory_space<vmem>>
      %gather3A_3068 = tpu.vector_load_idx %gather3A_3067[%add3A_2965, %add3A_3062] : memref<128x128xf32, #tpu.memory_space<vmem>>[vector<16xi32>, vector<16xi32>], vector<16xf32>,
      %add3A_3069 = arith.constant 6 : i32
      %add3A_3070 = vector.broadcast %add3A_3069 : i32 to vector<16xi32>
      %add3A_3071 = arith.addi %mul3A_2984, %add3A_3070 : vector<16xi32>
      tpu.vector_store_idx %arg8[%shift_right_logical3A_2977, %add3A_3071], %gather3A_3068 : memref<128x512xf32, #tpu.memory_space<vmem>>[vector<16xi32>, vector<16xi32>], vector<16xf32>,
      %add3A_3072 = arith.constant 7 : i32
      %add3A_3073 = vector.broadcast %add3A_3072 : i32 to vector<16xi32>
      %add3A_3074 = arith.addi %mul3A_2987, %add3A_3073 : vector<16xi32>
      %gather3A_3075 = arith.constant 1 : i32
      %gather3A_3076 = arith.constant 0 : i32
      %gather3A_3077 = arith.constant 0 : i32
      %gather3A_3078 = tpu.memref_slice %arg7[%gather3A_3075, %gather3A_3076, %gather3A_3077] : memref<2x128x128xf32, #tpu.memory_space<vmem>> -> memref<1x128x128xf32, #tpu.memory_space<vmem>>
      %gather3A_3079 = tpu.memref_squeeze %gather3A_3078 : memref<1x128x128xf32, #tpu.memory_space<vmem>> -> memref<128x128xf32, #tpu.memory_space<vmem>>
      %gather3A_3080 = tpu.vector_load_idx %gather3A_3079[%add3A_2965, %add3A_3074] : memref<128x128xf32, #tpu.memory_space<vmem>>[vector<16xi32>, vector<16xi32>], vector<16xf32>,
      %add3A_3081 = arith.constant 7 : i32
      %add3A_3082 = vector.broadcast %add3A_3081 : i32 to vector<16xi32>
      %add3A_3083 = arith.addi %mul3A_2984, %add3A_3082 : vector<16xi32>
      tpu.vector_store_idx %arg8[%shift_right_logical3A_2977, %add3A_3083], %gather3A_3080 : memref<128x512xf32, #tpu.memory_space<vmem>>[vector<16xi32>, vector<16xi32>], vector<16xf32>,
      %add3A_3084 = arith.constant 8 : i32
      %add3A_3085 = vector.broadcast %add3A_3084 : i32 to vector<16xi32>
      %add3A_3086 = arith.addi %mul3A_2987, %add3A_3085 : vector<16xi32>
      %gather3A_3087 = arith.constant 1 : i32
      %gather3A_3088 = arith.constant 0 : i32
      %gather3A_3089 = arith.constant 0 : i32
      %gather3A_3090 = tpu.memref_slice %arg7[%gather3A_3087, %gather3A_3088, %gather3A_3089] : memref<2x128x128xf32, #tpu.memory_space<vmem>> -> memref<1x128x128xf32, #tpu.memory_space<vmem>>
      %gather3A_3091 = tpu.memref_squeeze %gather3A_3090 : memref<1x128x128xf32, #tpu.memory_space<vmem>> -> memref<128x128xf32, #tpu.memory_space<vmem>>
      %gather3A_3092 = tpu.vector_load_idx %gather3A_3091[%add3A_2965, %add3A_3086] : memref<128x128xf32, #tpu.memory_space<vmem>>[vector<16xi32>, vector<16xi32>], vector<16xf32>,
      %add3A_3093 = arith.constant 8 : i32
      %add3A_3094 = vector.broadcast %add3A_3093 : i32 to vector<16xi32>
      %add3A_3095 = arith.addi %mul3A_2984, %add3A_3094 : vector<16xi32>
      tpu.vector_store_idx %arg8[%shift_right_logical3A_2977, %add3A_3095], %gather3A_3092 : memref<128x512xf32, #tpu.memory_space<vmem>>[vector<16xi32>, vector<16xi32>], vector<16xf32>,
      %add3A_3096 = arith.constant 9 : i32
      %add3A_3097 = vector.broadcast %add3A_3096 : i32 to vector<16xi32>
      %add3A_3098 = arith.addi %mul3A_2987, %add3A_3097 : vector<16xi32>
      %gather3A_3099 = arith.constant 1 : i32
      %gather3A_3100 = arith.constant 0 : i32
      %gather3A_3101 = arith.constant 0 : i32
      %gather3A_3102 = tpu.memref_slice %arg7[%gather3A_3099, %gather3A_3100, %gather3A_3101] : memref<2x128x128xf32, #tpu.memory_space<vmem>> -> memref<1x128x128xf32, #tpu.memory_space<vmem>>
      %gather3A_3103 = tpu.memref_squeeze %gather3A_3102 : memref<1x128x128xf32, #tpu.memory_space<vmem>> -> memref<128x128xf32, #tpu.memory_space<vmem>>
      %gather3A_3104 = tpu.vector_load_idx %gather3A_3103[%add3A_2965, %add3A_3098] : memref<128x128xf32, #tpu.memory_space<vmem>>[vector<16xi32>, vector<16xi32>], vector<16xf32>,
      %add3A_3105 = arith.constant 9 : i32
      %add3A_3106 = vector.broadcast %add3A_3105 : i32 to vector<16xi32>
      %add3A_3107 = arith.addi %mul3A_2984, %add3A_3106 : vector<16xi32>
      tpu.vector_store_idx %arg8[%shift_right_logical3A_2977, %add3A_3107], %gather3A_3104 : memref<128x512xf32, #tpu.memory_space<vmem>>[vector<16xi32>, vector<16xi32>], vector<16xf32>,
      %add3A_3108 = arith.constant 10 : i32
      %add3A_3109 = vector.broadcast %add3A_3108 : i32 to vector<16xi32>
      %add3A_3110 = arith.addi %mul3A_2987, %add3A_3109 : vector<16xi32>
      %gather3A_3111 = arith.constant 1 : i32
      %gather3A_3112 = arith.constant 0 : i32
      %gather3A_3113 = arith.constant 0 : i32
      %gather3A_3114 = tpu.memref_slice %arg7[%gather3A_3111, %gather3A_3112, %gather3A_3113] : memref<2x128x128xf32, #tpu.memory_space<vmem>> -> memref<1x128x128xf32, #tpu.memory_space<vmem>>
      %gather3A_3115 = tpu.memref_squeeze %gather3A_3114 : memref<1x128x128xf32, #tpu.memory_space<vmem>> -> memref<128x128xf32, #tpu.memory_space<vmem>>
      %gather3A_3116 = tpu.vector_load_idx %gather3A_3115[%add3A_2965, %add3A_3110] : memref<128x128xf32, #tpu.memory_space<vmem>>[vector<16xi32>, vector<16xi32>], vector<16xf32>,
      %add3A_3117 = arith.constant 10 : i32
      %add3A_3118 = vector.broadcast %add3A_3117 : i32 to vector<16xi32>
      %add3A_3119 = arith.addi %mul3A_2984, %add3A_3118 : vector<16xi32>
      tpu.vector_store_idx %arg8[%shift_right_logical3A_2977, %add3A_3119], %gather3A_3116 : memref<128x512xf32, #tpu.memory_space<vmem>>[vector<16xi32>, vector<16xi32>], vector<16xf32>,
      %add3A_3120 = arith.constant 11 : i32
      %add3A_3121 = vector.broadcast %add3A_3120 : i32 to vector<16xi32>
      %add3A_3122 = arith.addi %mul3A_2987, %add3A_3121 : vector<16xi32>
      %gather3A_3123 = arith.constant 1 : i32
      %gather3A_3124 = arith.constant 0 : i32
      %gather3A_3125 = arith.constant 0 : i32
      %gather3A_3126 = tpu.memref_slice %arg7[%gather3A_3123, %gather3A_3124, %gather3A_3125] : memref<2x128x128xf32, #tpu.memory_space<vmem>> -> memref<1x128x128xf32, #tpu.memory_space<vmem>>
      %gather3A_3127 = tpu.memref_squeeze %gather3A_3126 : memref<1x128x128xf32, #tpu.memory_space<vmem>> -> memref<128x128xf32, #tpu.memory_space<vmem>>
      %gather3A_3128 = tpu.vector_load_idx %gather3A_3127[%add3A_2965, %add3A_3122] : memref<128x128xf32, #tpu.memory_space<vmem>>[vector<16xi32>, vector<16xi32>], vector<16xf32>,
      %add3A_3129 = arith.constant 11 : i32
      %add3A_3130 = vector.broadcast %add3A_3129 : i32 to vector<16xi32>
      %add3A_3131 = arith.addi %mul3A_2984, %add3A_3130 : vector<16xi32>
      tpu.vector_store_idx %arg8[%shift_right_logical3A_2977, %add3A_3131], %gather3A_3128 : memref<128x512xf32, #tpu.memory_space<vmem>>[vector<16xi32>, vector<16xi32>], vector<16xf32>,
      %add3A_3132 = arith.constant 12 : i32
      %add3A_3133 = vector.broadcast %add3A_3132 : i32 to vector<16xi32>
      %add3A_3134 = arith.addi %mul3A_2987, %add3A_3133 : vector<16xi32>
      %gather3A_3135 = arith.constant 1 : i32
      %gather3A_3136 = arith.constant 0 : i32
      %gather3A_3137 = arith.constant 0 : i32
      %gather3A_3138 = tpu.memref_slice %arg7[%gather3A_3135, %gather3A_3136, %gather3A_3137] : memref<2x128x128xf32, #tpu.memory_space<vmem>> -> memref<1x128x128xf32, #tpu.memory_space<vmem>>
      %gather3A_3139 = tpu.memref_squeeze %gather3A_3138 : memref<1x128x128xf32, #tpu.memory_space<vmem>> -> memref<128x128xf32, #tpu.memory_space<vmem>>
      %gather3A_3140 = tpu.vector_load_idx %gather3A_3139[%add3A_2965, %add3A_3134] : memref<128x128xf32, #tpu.memory_space<vmem>>[vector<16xi32>, vector<16xi32>], vector<16xf32>,
      %add3A_3141 = arith.constant 12 : i32
      %add3A_3142 = vector.broadcast %add3A_3141 : i32 to vector<16xi32>
      %add3A_3143 = arith.addi %mul3A_2984, %add3A_3142 : vector<16xi32>
      tpu.vector_store_idx %arg8[%shift_right_logical3A_2977, %add3A_3143], %gather3A_3140 : memref<128x512xf32, #tpu.memory_space<vmem>>[vector<16xi32>, vector<16xi32>], vector<16xf32>,
      %add3A_3144 = arith.constant 13 : i32
      %add3A_3145 = vector.broadcast %add3A_3144 : i32 to vector<16xi32>
      %add3A_3146 = arith.addi %mul3A_2987, %add3A_3145 : vector<16xi32>
      %gather3A_3147 = arith.constant 1 : i32
      %gather3A_3148 = arith.constant 0 : i32
      %gather3A_3149 = arith.constant 0 : i32
      %gather3A_3150 = tpu.memref_slice %arg7[%gather3A_3147, %gather3A_3148, %gather3A_3149] : memref<2x128x128xf32, #tpu.memory_space<vmem>> -> memref<1x128x128xf32, #tpu.memory_space<vmem>>
      %gather3A_3151 = tpu.memref_squeeze %gather3A_3150 : memref<1x128x128xf32, #tpu.memory_space<vmem>> -> memref<128x128xf32, #tpu.memory_space<vmem>>
      %gather3A_3152 = tpu.vector_load_idx %gather3A_3151[%add3A_2965, %add3A_3146] : memref<128x128xf32, #tpu.memory_space<vmem>>[vector<16xi32>, vector<16xi32>], vector<16xf32>,
      %add3A_3153 = arith.constant 13 : i32
      %add3A_3154 = vector.broadcast %add3A_3153 : i32 to vector<16xi32>
      %add3A_3155 = arith.addi %mul3A_2984, %add3A_3154 : vector<16xi32>
      tpu.vector_store_idx %arg8[%shift_right_logical3A_2977, %add3A_3155], %gather3A_3152 : memref<128x512xf32, #tpu.memory_space<vmem>>[vector<16xi32>, vector<16xi32>], vector<16xf32>,
      %add3A_3156 = arith.constant 14 : i32
      %add3A_3157 = vector.broadcast %add3A_3156 : i32 to vector<16xi32>
      %add3A_3158 = arith.addi %mul3A_2987, %add3A_3157 : vector<16xi32>
      %gather3A_3159 = arith.constant 1 : i32
      %gather3A_3160 = arith.constant 0 : i32
      %gather3A_3161 = arith.constant 0 : i32
      %gather3A_3162 = tpu.memref_slice %arg7[%gather3A_3159, %gather3A_3160, %gather3A_3161] : memref<2x128x128xf32, #tpu.memory_space<vmem>> -> memref<1x128x128xf32, #tpu.memory_space<vmem>>
      %gather3A_3163 = tpu.memref_squeeze %gather3A_3162 : memref<1x128x128xf32, #tpu.memory_space<vmem>> -> memref<128x128xf32, #tpu.memory_space<vmem>>
      %gather3A_3164 = tpu.vector_load_idx %gather3A_3163[%add3A_2965, %add3A_3158] : memref<128x128xf32, #tpu.memory_space<vmem>>[vector<16xi32>, vector<16xi32>], vector<16xf32>,
      %add3A_3165 = arith.constant 14 : i32
      %add3A_3166 = vector.broadcast %add3A_3165 : i32 to vector<16xi32>
      %add3A_3167 = arith.addi %mul3A_2984, %add3A_3166 : vector<16xi32>
      tpu.vector_store_idx %arg8[%shift_right_logical3A_2977, %add3A_3167], %gather3A_3164 : memref<128x512xf32, #tpu.memory_space<vmem>>[vector<16xi32>, vector<16xi32>], vector<16xf32>,
      %add3A_3168 = arith.constant 15 : i32
      %add3A_3169 = vector.broadcast %add3A_3168 : i32 to vector<16xi32>
      %add3A_3170 = arith.addi %mul3A_2987, %add3A_3169 : vector<16xi32>
      %gather3A_3171 = arith.constant 1 : i32
      %gather3A_3172 = arith.constant 0 : i32
      %gather3A_3173 = arith.constant 0 : i32
      %gather3A_3174 = tpu.memref_slice %arg7[%gather3A_3171, %gather3A_3172, %gather3A_3173] : memref<2x128x128xf32, #tpu.memory_space<vmem>> -> memref<1x128x128xf32, #tpu.memory_space<vmem>>
      %gather3A_3175 = tpu.memref_squeeze %gather3A_3174 : memref<1x128x128xf32, #tpu.memory_space<vmem>> -> memref<128x128xf32, #tpu.memory_space<vmem>>
      %gather3A_3176 = tpu.vector_load_idx %gather3A_3175[%add3A_2965, %add3A_3170] : memref<128x128xf32, #tpu.memory_space<vmem>>[vector<16xi32>, vector<16xi32>], vector<16xf32>,
      %add3A_3177 = arith.constant 15 : i32
      %add3A_3178 = vector.broadcast %add3A_3177 : i32 to vector<16xi32>
      %add3A_3179 = arith.addi %mul3A_2984, %add3A_3178 : vector<16xi32>
      tpu.vector_store_idx %arg8[%shift_right_logical3A_2977, %add3A_3179], %gather3A_3176 : memref<128x512xf32, #tpu.memory_space<vmem>>[vector<16xi32>, vector<16xi32>], vector<16xf32>,
      %get3A_3180 = arith.index_cast %add3A_1841 : i32 to index
      %get3A_3181 = arith.constant 96 : index
      %get3A_3182 = tpu.vector_load %arg5[%get3A_3180, %get3A_3181] {strides = array<i32>} : memref<32x128xi32, #tpu.memory_space<vmem>>, vector<16xi32>,
      %and3A_3183 = arith.constant 7 : i32
      %and3A_3184 = vector.broadcast %and3A_3183 : i32 to vector<16xi32>
      %and3A_3185 = arith.andi %get3A_3182, %and3A_3184 : vector<16xi32>
      %add3A_3186 = arith.constant 96 : i32
      %add3A_3187 = vector.broadcast %add3A_3186 : i32 to vector<16xi32>
      %add3A_3188 = arith.addi %iota3A, %add3A_3187 : vector<16xi32>
      %mul3A_3189 = arith.constant 128 : i32
      %mul3A_3190 = arith.muli %add3A_1841, %mul3A_3189 : i32
      %add3A_3191 = arith.constant 96 : i32
      %add3A_3192 = arith.addi %mul3A_3190, %add3A_3191 : i32
      %add3A_3193 = vector.broadcast %add3A_3192 : i32 to vector<16xi32>
      %add3A_3194 = arith.addi %iota3A, %add3A_3193 : vector<16xi32>
      %mul3A_3195 = arith.constant 20165 : i32
      %mul3A_3196 = vector.broadcast %mul3A_3195 : i32 to vector<16xi32>
      %mul3A_3197 = arith.muli %add3A_3194, %mul3A_3196 : vector<16xi32>
      %shift_right_logical3A_3198 = arith.constant 19 : i32
      %shift_right_logical3A_3199 = vector.broadcast %shift_right_logical3A_3198 : i32 to vector<16xi32>
      %shift_right_logical3A_3200 = arith.shrui %mul3A_3197, %shift_right_logical3A_3199 : vector<16xi32>
      %mul3A_3201 = arith.constant 26 : i32
      %mul3A_3202 = vector.broadcast %mul3A_3201 : i32 to vector<16xi32>
      %mul3A_3203 = arith.muli %shift_right_logical3A_3200, %mul3A_3202 : vector<16xi32>
      %sub3A_3204 = arith.subi %add3A_3194, %mul3A_3203 : vector<16xi32>
      %mul3A_3205 = arith.constant 16 : i32
      %mul3A_3206 = vector.broadcast %mul3A_3205 : i32 to vector<16xi32>
      %mul3A_3207 = arith.muli %sub3A_3204, %mul3A_3206 : vector<16xi32>
      %mul3A_3208 = arith.constant 16 : i32
      %mul3A_3209 = vector.broadcast %mul3A_3208 : i32 to vector<16xi32>
      %mul3A_3210 = arith.muli %and3A_3185, %mul3A_3209 : vector<16xi32>
      %add3A_3211 = arith.constant 0 : i32
      %add3A_3212 = vector.broadcast %add3A_3211 : i32 to vector<16xi32>
      %add3A_3213 = arith.addi %mul3A_3210, %add3A_3212 : vector<16xi32>
      %gather3A_3214 = arith.constant 1 : i32
      %gather3A_3215 = arith.constant 0 : i32
      %gather3A_3216 = arith.constant 0 : i32
      %gather3A_3217 = tpu.memref_slice %arg7[%gather3A_3214, %gather3A_3215, %gather3A_3216] : memref<2x128x128xf32, #tpu.memory_space<vmem>> -> memref<1x128x128xf32, #tpu.memory_space<vmem>>
      %gather3A_3218 = tpu.memref_squeeze %gather3A_3217 : memref<1x128x128xf32, #tpu.memory_space<vmem>> -> memref<128x128xf32, #tpu.memory_space<vmem>>
      %gather3A_3219 = tpu.vector_load_idx %gather3A_3218[%add3A_3188, %add3A_3213] : memref<128x128xf32, #tpu.memory_space<vmem>>[vector<16xi32>, vector<16xi32>], vector<16xf32>,
      %add3A_3220 = arith.constant 0 : i32
      %add3A_3221 = vector.broadcast %add3A_3220 : i32 to vector<16xi32>
      %add3A_3222 = arith.addi %mul3A_3207, %add3A_3221 : vector<16xi32>
      tpu.vector_store_idx %arg8[%shift_right_logical3A_3200, %add3A_3222], %gather3A_3219 : memref<128x512xf32, #tpu.memory_space<vmem>>[vector<16xi32>, vector<16xi32>], vector<16xf32>,
      %add3A_3223 = arith.constant 1 : i32
      %add3A_3224 = vector.broadcast %add3A_3223 : i32 to vector<16xi32>
      %add3A_3225 = arith.addi %mul3A_3210, %add3A_3224 : vector<16xi32>
      %gather3A_3226 = arith.constant 1 : i32
      %gather3A_3227 = arith.constant 0 : i32
      %gather3A_3228 = arith.constant 0 : i32
      %gather3A_3229 = tpu.memref_slice %arg7[%gather3A_3226, %gather3A_3227, %gather3A_3228] : memref<2x128x128xf32, #tpu.memory_space<vmem>> -> memref<1x128x128xf32, #tpu.memory_space<vmem>>
      %gather3A_3230 = tpu.memref_squeeze %gather3A_3229 : memref<1x128x128xf32, #tpu.memory_space<vmem>> -> memref<128x128xf32, #tpu.memory_space<vmem>>
      %gather3A_3231 = tpu.vector_load_idx %gather3A_3230[%add3A_3188, %add3A_3225] : memref<128x128xf32, #tpu.memory_space<vmem>>[vector<16xi32>, vector<16xi32>], vector<16xf32>,
      %add3A_3232 = arith.constant 1 : i32
      %add3A_3233 = vector.broadcast %add3A_3232 : i32 to vector<16xi32>
      %add3A_3234 = arith.addi %mul3A_3207, %add3A_3233 : vector<16xi32>
      tpu.vector_store_idx %arg8[%shift_right_logical3A_3200, %add3A_3234], %gather3A_3231 : memref<128x512xf32, #tpu.memory_space<vmem>>[vector<16xi32>, vector<16xi32>], vector<16xf32>,
      %add3A_3235 = arith.constant 2 : i32
      %add3A_3236 = vector.broadcast %add3A_3235 : i32 to vector<16xi32>
      %add3A_3237 = arith.addi %mul3A_3210, %add3A_3236 : vector<16xi32>
      %gather3A_3238 = arith.constant 1 : i32
      %gather3A_3239 = arith.constant 0 : i32
      %gather3A_3240 = arith.constant 0 : i32
      %gather3A_3241 = tpu.memref_slice %arg7[%gather3A_3238, %gather3A_3239, %gather3A_3240] : memref<2x128x128xf32, #tpu.memory_space<vmem>> -> memref<1x128x128xf32, #tpu.memory_space<vmem>>
      %gather3A_3242 = tpu.memref_squeeze %gather3A_3241 : memref<1x128x128xf32, #tpu.memory_space<vmem>> -> memref<128x128xf32, #tpu.memory_space<vmem>>
      %gather3A_3243 = tpu.vector_load_idx %gather3A_3242[%add3A_3188, %add3A_3237] : memref<128x128xf32, #tpu.memory_space<vmem>>[vector<16xi32>, vector<16xi32>], vector<16xf32>,
      %add3A_3244 = arith.constant 2 : i32
      %add3A_3245 = vector.broadcast %add3A_3244 : i32 to vector<16xi32>
      %add3A_3246 = arith.addi %mul3A_3207, %add3A_3245 : vector<16xi32>
      tpu.vector_store_idx %arg8[%shift_right_logical3A_3200, %add3A_3246], %gather3A_3243 : memref<128x512xf32, #tpu.memory_space<vmem>>[vector<16xi32>, vector<16xi32>], vector<16xf32>,
      %add3A_3247 = arith.constant 3 : i32
      %add3A_3248 = vector.broadcast %add3A_3247 : i32 to vector<16xi32>
      %add3A_3249 = arith.addi %mul3A_3210, %add3A_3248 : vector<16xi32>
      %gather3A_3250 = arith.constant 1 : i32
      %gather3A_3251 = arith.constant 0 : i32
      %gather3A_3252 = arith.constant 0 : i32
      %gather3A_3253 = tpu.memref_slice %arg7[%gather3A_3250, %gather3A_3251, %gather3A_3252] : memref<2x128x128xf32, #tpu.memory_space<vmem>> -> memref<1x128x128xf32, #tpu.memory_space<vmem>>
      %gather3A_3254 = tpu.memref_squeeze %gather3A_3253 : memref<1x128x128xf32, #tpu.memory_space<vmem>> -> memref<128x128xf32, #tpu.memory_space<vmem>>
      %gather3A_3255 = tpu.vector_load_idx %gather3A_3254[%add3A_3188, %add3A_3249] : memref<128x128xf32, #tpu.memory_space<vmem>>[vector<16xi32>, vector<16xi32>], vector<16xf32>,
      %add3A_3256 = arith.constant 3 : i32
      %add3A_3257 = vector.broadcast %add3A_3256 : i32 to vector<16xi32>
      %add3A_3258 = arith.addi %mul3A_3207, %add3A_3257 : vector<16xi32>
      tpu.vector_store_idx %arg8[%shift_right_logical3A_3200, %add3A_3258], %gather3A_3255 : memref<128x512xf32, #tpu.memory_space<vmem>>[vector<16xi32>, vector<16xi32>], vector<16xf32>,
      %add3A_3259 = arith.constant 4 : i32
      %add3A_3260 = vector.broadcast %add3A_3259 : i32 to vector<16xi32>
      %add3A_3261 = arith.addi %mul3A_3210, %add3A_3260 : vector<16xi32>
      %gather3A_3262 = arith.constant 1 : i32
      %gather3A_3263 = arith.constant 0 : i32
      %gather3A_3264 = arith.constant 0 : i32
      %gather3A_3265 = tpu.memref_slice %arg7[%gather3A_3262, %gather3A_3263, %gather3A_3264] : memref<2x128x128xf32, #tpu.memory_space<vmem>> -> memref<1x128x128xf32, #tpu.memory_space<vmem>>
      %gather3A_3266 = tpu.memref_squeeze %gather3A_3265 : memref<1x128x128xf32, #tpu.memory_space<vmem>> -> memref<128x128xf32, #tpu.memory_space<vmem>>
      %gather3A_3267 = tpu.vector_load_idx %gather3A_3266[%add3A_3188, %add3A_3261] : memref<128x128xf32, #tpu.memory_space<vmem>>[vector<16xi32>, vector<16xi32>], vector<16xf32>,
      %add3A_3268 = arith.constant 4 : i32
      %add3A_3269 = vector.broadcast %add3A_3268 : i32 to vector<16xi32>
      %add3A_3270 = arith.addi %mul3A_3207, %add3A_3269 : vector<16xi32>
      tpu.vector_store_idx %arg8[%shift_right_logical3A_3200, %add3A_3270], %gather3A_3267 : memref<128x512xf32, #tpu.memory_space<vmem>>[vector<16xi32>, vector<16xi32>], vector<16xf32>,
      %add3A_3271 = arith.constant 5 : i32
      %add3A_3272 = vector.broadcast %add3A_3271 : i32 to vector<16xi32>
      %add3A_3273 = arith.addi %mul3A_3210, %add3A_3272 : vector<16xi32>
      %gather3A_3274 = arith.constant 1 : i32
      %gather3A_3275 = arith.constant 0 : i32
      %gather3A_3276 = arith.constant 0 : i32
      %gather3A_3277 = tpu.memref_slice %arg7[%gather3A_3274, %gather3A_3275, %gather3A_3276] : memref<2x128x128xf32, #tpu.memory_space<vmem>> -> memref<1x128x128xf32, #tpu.memory_space<vmem>>
      %gather3A_3278 = tpu.memref_squeeze %gather3A_3277 : memref<1x128x128xf32, #tpu.memory_space<vmem>> -> memref<128x128xf32, #tpu.memory_space<vmem>>
      %gather3A_3279 = tpu.vector_load_idx %gather3A_3278[%add3A_3188, %add3A_3273] : memref<128x128xf32, #tpu.memory_space<vmem>>[vector<16xi32>, vector<16xi32>], vector<16xf32>,
      %add3A_3280 = arith.constant 5 : i32
      %add3A_3281 = vector.broadcast %add3A_3280 : i32 to vector<16xi32>
      %add3A_3282 = arith.addi %mul3A_3207, %add3A_3281 : vector<16xi32>
      tpu.vector_store_idx %arg8[%shift_right_logical3A_3200, %add3A_3282], %gather3A_3279 : memref<128x512xf32, #tpu.memory_space<vmem>>[vector<16xi32>, vector<16xi32>], vector<16xf32>,
      %add3A_3283 = arith.constant 6 : i32
      %add3A_3284 = vector.broadcast %add3A_3283 : i32 to vector<16xi32>
      %add3A_3285 = arith.addi %mul3A_3210, %add3A_3284 : vector<16xi32>
      %gather3A_3286 = arith.constant 1 : i32
      %gather3A_3287 = arith.constant 0 : i32
      %gather3A_3288 = arith.constant 0 : i32
      %gather3A_3289 = tpu.memref_slice %arg7[%gather3A_3286, %gather3A_3287, %gather3A_3288] : memref<2x128x128xf32, #tpu.memory_space<vmem>> -> memref<1x128x128xf32, #tpu.memory_space<vmem>>
      %gather3A_3290 = tpu.memref_squeeze %gather3A_3289 : memref<1x128x128xf32, #tpu.memory_space<vmem>> -> memref<128x128xf32, #tpu.memory_space<vmem>>
      %gather3A_3291 = tpu.vector_load_idx %gather3A_3290[%add3A_3188, %add3A_3285] : memref<128x128xf32, #tpu.memory_space<vmem>>[vector<16xi32>, vector<16xi32>], vector<16xf32>,
      %add3A_3292 = arith.constant 6 : i32
      %add3A_3293 = vector.broadcast %add3A_3292 : i32 to vector<16xi32>
      %add3A_3294 = arith.addi %mul3A_3207, %add3A_3293 : vector<16xi32>
      tpu.vector_store_idx %arg8[%shift_right_logical3A_3200, %add3A_3294], %gather3A_3291 : memref<128x512xf32, #tpu.memory_space<vmem>>[vector<16xi32>, vector<16xi32>], vector<16xf32>,
      %add3A_3295 = arith.constant 7 : i32
      %add3A_3296 = vector.broadcast %add3A_3295 : i32 to vector<16xi32>
      %add3A_3297 = arith.addi %mul3A_3210, %add3A_3296 : vector<16xi32>
      %gather3A_3298 = arith.constant 1 : i32
      %gather3A_3299 = arith.constant 0 : i32
      %gather3A_3300 = arith.constant 0 : i32
      %gather3A_3301 = tpu.memref_slice %arg7[%gather3A_3298, %gather3A_3299, %gather3A_3300] : memref<2x128x128xf32, #tpu.memory_space<vmem>> -> memref<1x128x128xf32, #tpu.memory_space<vmem>>
      %gather3A_3302 = tpu.memref_squeeze %gather3A_3301 : memref<1x128x128xf32, #tpu.memory_space<vmem>> -> memref<128x128xf32, #tpu.memory_space<vmem>>
      %gather3A_3303 = tpu.vector_load_idx %gather3A_3302[%add3A_3188, %add3A_3297] : memref<128x128xf32, #tpu.memory_space<vmem>>[vector<16xi32>, vector<16xi32>], vector<16xf32>,
      %add3A_3304 = arith.constant 7 : i32
      %add3A_3305 = vector.broadcast %add3A_3304 : i32 to vector<16xi32>
      %add3A_3306 = arith.addi %mul3A_3207, %add3A_3305 : vector<16xi32>
      tpu.vector_store_idx %arg8[%shift_right_logical3A_3200, %add3A_3306], %gather3A_3303 : memref<128x512xf32, #tpu.memory_space<vmem>>[vector<16xi32>, vector<16xi32>], vector<16xf32>,
      %add3A_3307 = arith.constant 8 : i32
      %add3A_3308 = vector.broadcast %add3A_3307 : i32 to vector<16xi32>
      %add3A_3309 = arith.addi %mul3A_3210, %add3A_3308 : vector<16xi32>
      %gather3A_3310 = arith.constant 1 : i32
      %gather3A_3311 = arith.constant 0 : i32
      %gather3A_3312 = arith.constant 0 : i32
      %gather3A_3313 = tpu.memref_slice %arg7[%gather3A_3310, %gather3A_3311, %gather3A_3312] : memref<2x128x128xf32, #tpu.memory_space<vmem>> -> memref<1x128x128xf32, #tpu.memory_space<vmem>>
      %gather3A_3314 = tpu.memref_squeeze %gather3A_3313 : memref<1x128x128xf32, #tpu.memory_space<vmem>> -> memref<128x128xf32, #tpu.memory_space<vmem>>
      %gather3A_3315 = tpu.vector_load_idx %gather3A_3314[%add3A_3188, %add3A_3309] : memref<128x128xf32, #tpu.memory_space<vmem>>[vector<16xi32>, vector<16xi32>], vector<16xf32>,
      %add3A_3316 = arith.constant 8 : i32
      %add3A_3317 = vector.broadcast %add3A_3316 : i32 to vector<16xi32>
      %add3A_3318 = arith.addi %mul3A_3207, %add3A_3317 : vector<16xi32>
      tpu.vector_store_idx %arg8[%shift_right_logical3A_3200, %add3A_3318], %gather3A_3315 : memref<128x512xf32, #tpu.memory_space<vmem>>[vector<16xi32>, vector<16xi32>], vector<16xf32>,
      %add3A_3319 = arith.constant 9 : i32
      %add3A_3320 = vector.broadcast %add3A_3319 : i32 to vector<16xi32>
      %add3A_3321 = arith.addi %mul3A_3210, %add3A_3320 : vector<16xi32>
      %gather3A_3322 = arith.constant 1 : i32
      %gather3A_3323 = arith.constant 0 : i32
      %gather3A_3324 = arith.constant 0 : i32
      %gather3A_3325 = tpu.memref_slice %arg7[%gather3A_3322, %gather3A_3323, %gather3A_3324] : memref<2x128x128xf32, #tpu.memory_space<vmem>> -> memref<1x128x128xf32, #tpu.memory_space<vmem>>
      %gather3A_3326 = tpu.memref_squeeze %gather3A_3325 : memref<1x128x128xf32, #tpu.memory_space<vmem>> -> memref<128x128xf32, #tpu.memory_space<vmem>>
      %gather3A_3327 = tpu.vector_load_idx %gather3A_3326[%add3A_3188, %add3A_3321] : memref<128x128xf32, #tpu.memory_space<vmem>>[vector<16xi32>, vector<16xi32>], vector<16xf32>,
      %add3A_3328 = arith.constant 9 : i32
      %add3A_3329 = vector.broadcast %add3A_3328 : i32 to vector<16xi32>
      %add3A_3330 = arith.addi %mul3A_3207, %add3A_3329 : vector<16xi32>
      tpu.vector_store_idx %arg8[%shift_right_logical3A_3200, %add3A_3330], %gather3A_3327 : memref<128x512xf32, #tpu.memory_space<vmem>>[vector<16xi32>, vector<16xi32>], vector<16xf32>,
      %add3A_3331 = arith.constant 10 : i32
      %add3A_3332 = vector.broadcast %add3A_3331 : i32 to vector<16xi32>
      %add3A_3333 = arith.addi %mul3A_3210, %add3A_3332 : vector<16xi32>
      %gather3A_3334 = arith.constant 1 : i32
      %gather3A_3335 = arith.constant 0 : i32
      %gather3A_3336 = arith.constant 0 : i32
      %gather3A_3337 = tpu.memref_slice %arg7[%gather3A_3334, %gather3A_3335, %gather3A_3336] : memref<2x128x128xf32, #tpu.memory_space<vmem>> -> memref<1x128x128xf32, #tpu.memory_space<vmem>>
      %gather3A_3338 = tpu.memref_squeeze %gather3A_3337 : memref<1x128x128xf32, #tpu.memory_space<vmem>> -> memref<128x128xf32, #tpu.memory_space<vmem>>
      %gather3A_3339 = tpu.vector_load_idx %gather3A_3338[%add3A_3188, %add3A_3333] : memref<128x128xf32, #tpu.memory_space<vmem>>[vector<16xi32>, vector<16xi32>], vector<16xf32>,
      %add3A_3340 = arith.constant 10 : i32
      %add3A_3341 = vector.broadcast %add3A_3340 : i32 to vector<16xi32>
      %add3A_3342 = arith.addi %mul3A_3207, %add3A_3341 : vector<16xi32>
      tpu.vector_store_idx %arg8[%shift_right_logical3A_3200, %add3A_3342], %gather3A_3339 : memref<128x512xf32, #tpu.memory_space<vmem>>[vector<16xi32>, vector<16xi32>], vector<16xf32>,
      %add3A_3343 = arith.constant 11 : i32
      %add3A_3344 = vector.broadcast %add3A_3343 : i32 to vector<16xi32>
      %add3A_3345 = arith.addi %mul3A_3210, %add3A_3344 : vector<16xi32>
      %gather3A_3346 = arith.constant 1 : i32
      %gather3A_3347 = arith.constant 0 : i32
      %gather3A_3348 = arith.constant 0 : i32
      %gather3A_3349 = tpu.memref_slice %arg7[%gather3A_3346, %gather3A_3347, %gather3A_3348] : memref<2x128x128xf32, #tpu.memory_space<vmem>> -> memref<1x128x128xf32, #tpu.memory_space<vmem>>
      %gather3A_3350 = tpu.memref_squeeze %gather3A_3349 : memref<1x128x128xf32, #tpu.memory_space<vmem>> -> memref<128x128xf32, #tpu.memory_space<vmem>>
      %gather3A_3351 = tpu.vector_load_idx %gather3A_3350[%add3A_3188, %add3A_3345] : memref<128x128xf32, #tpu.memory_space<vmem>>[vector<16xi32>, vector<16xi32>], vector<16xf32>,
      %add3A_3352 = arith.constant 11 : i32
      %add3A_3353 = vector.broadcast %add3A_3352 : i32 to vector<16xi32>
      %add3A_3354 = arith.addi %mul3A_3207, %add3A_3353 : vector<16xi32>
      tpu.vector_store_idx %arg8[%shift_right_logical3A_3200, %add3A_3354], %gather3A_3351 : memref<128x512xf32, #tpu.memory_space<vmem>>[vector<16xi32>, vector<16xi32>], vector<16xf32>,
      %add3A_3355 = arith.constant 12 : i32
      %add3A_3356 = vector.broadcast %add3A_3355 : i32 to vector<16xi32>
      %add3A_3357 = arith.addi %mul3A_3210, %add3A_3356 : vector<16xi32>
      %gather3A_3358 = arith.constant 1 : i32
      %gather3A_3359 = arith.constant 0 : i32
      %gather3A_3360 = arith.constant 0 : i32
      %gather3A_3361 = tpu.memref_slice %arg7[%gather3A_3358, %gather3A_3359, %gather3A_3360] : memref<2x128x128xf32, #tpu.memory_space<vmem>> -> memref<1x128x128xf32, #tpu.memory_space<vmem>>
      %gather3A_3362 = tpu.memref_squeeze %gather3A_3361 : memref<1x128x128xf32, #tpu.memory_space<vmem>> -> memref<128x128xf32, #tpu.memory_space<vmem>>
      %gather3A_3363 = tpu.vector_load_idx %gather3A_3362[%add3A_3188, %add3A_3357] : memref<128x128xf32, #tpu.memory_space<vmem>>[vector<16xi32>, vector<16xi32>], vector<16xf32>,
      %add3A_3364 = arith.constant 12 : i32
      %add3A_3365 = vector.broadcast %add3A_3364 : i32 to vector<16xi32>
      %add3A_3366 = arith.addi %mul3A_3207, %add3A_3365 : vector<16xi32>
      tpu.vector_store_idx %arg8[%shift_right_logical3A_3200, %add3A_3366], %gather3A_3363 : memref<128x512xf32, #tpu.memory_space<vmem>>[vector<16xi32>, vector<16xi32>], vector<16xf32>,
      %add3A_3367 = arith.constant 13 : i32
      %add3A_3368 = vector.broadcast %add3A_3367 : i32 to vector<16xi32>
      %add3A_3369 = arith.addi %mul3A_3210, %add3A_3368 : vector<16xi32>
      %gather3A_3370 = arith.constant 1 : i32
      %gather3A_3371 = arith.constant 0 : i32
      %gather3A_3372 = arith.constant 0 : i32
      %gather3A_3373 = tpu.memref_slice %arg7[%gather3A_3370, %gather3A_3371, %gather3A_3372] : memref<2x128x128xf32, #tpu.memory_space<vmem>> -> memref<1x128x128xf32, #tpu.memory_space<vmem>>
      %gather3A_3374 = tpu.memref_squeeze %gather3A_3373 : memref<1x128x128xf32, #tpu.memory_space<vmem>> -> memref<128x128xf32, #tpu.memory_space<vmem>>
      %gather3A_3375 = tpu.vector_load_idx %gather3A_3374[%add3A_3188, %add3A_3369] : memref<128x128xf32, #tpu.memory_space<vmem>>[vector<16xi32>, vector<16xi32>], vector<16xf32>,
      %add3A_3376 = arith.constant 13 : i32
      %add3A_3377 = vector.broadcast %add3A_3376 : i32 to vector<16xi32>
      %add3A_3378 = arith.addi %mul3A_3207, %add3A_3377 : vector<16xi32>
      tpu.vector_store_idx %arg8[%shift_right_logical3A_3200, %add3A_3378], %gather3A_3375 : memref<128x512xf32, #tpu.memory_space<vmem>>[vector<16xi32>, vector<16xi32>], vector<16xf32>,
      %add3A_3379 = arith.constant 14 : i32
      %add3A_3380 = vector.broadcast %add3A_3379 : i32 to vector<16xi32>
      %add3A_3381 = arith.addi %mul3A_3210, %add3A_3380 : vector<16xi32>
      %gather3A_3382 = arith.constant 1 : i32
      %gather3A_3383 = arith.constant 0 : i32
      %gather3A_3384 = arith.constant 0 : i32
      %gather3A_3385 = tpu.memref_slice %arg7[%gather3A_3382, %gather3A_3383, %gather3A_3384] : memref<2x128x128xf32, #tpu.memory_space<vmem>> -> memref<1x128x128xf32, #tpu.memory_space<vmem>>
      %gather3A_3386 = tpu.memref_squeeze %gather3A_3385 : memref<1x128x128xf32, #tpu.memory_space<vmem>> -> memref<128x128xf32, #tpu.memory_space<vmem>>
      %gather3A_3387 = tpu.vector_load_idx %gather3A_3386[%add3A_3188, %add3A_3381] : memref<128x128xf32, #tpu.memory_space<vmem>>[vector<16xi32>, vector<16xi32>], vector<16xf32>,
      %add3A_3388 = arith.constant 14 : i32
      %add3A_3389 = vector.broadcast %add3A_3388 : i32 to vector<16xi32>
      %add3A_3390 = arith.addi %mul3A_3207, %add3A_3389 : vector<16xi32>
      tpu.vector_store_idx %arg8[%shift_right_logical3A_3200, %add3A_3390], %gather3A_3387 : memref<128x512xf32, #tpu.memory_space<vmem>>[vector<16xi32>, vector<16xi32>], vector<16xf32>,
      %add3A_3391 = arith.constant 15 : i32
      %add3A_3392 = vector.broadcast %add3A_3391 : i32 to vector<16xi32>
      %add3A_3393 = arith.addi %mul3A_3210, %add3A_3392 : vector<16xi32>
      %gather3A_3394 = arith.constant 1 : i32
      %gather3A_3395 = arith.constant 0 : i32
      %gather3A_3396 = arith.constant 0 : i32
      %gather3A_3397 = tpu.memref_slice %arg7[%gather3A_3394, %gather3A_3395, %gather3A_3396] : memref<2x128x128xf32, #tpu.memory_space<vmem>> -> memref<1x128x128xf32, #tpu.memory_space<vmem>>
      %gather3A_3398 = tpu.memref_squeeze %gather3A_3397 : memref<1x128x128xf32, #tpu.memory_space<vmem>> -> memref<128x128xf32, #tpu.memory_space<vmem>>
      %gather3A_3399 = tpu.vector_load_idx %gather3A_3398[%add3A_3188, %add3A_3393] : memref<128x128xf32, #tpu.memory_space<vmem>>[vector<16xi32>, vector<16xi32>], vector<16xf32>,
      %add3A_3400 = arith.constant 15 : i32
      %add3A_3401 = vector.broadcast %add3A_3400 : i32 to vector<16xi32>
      %add3A_3402 = arith.addi %mul3A_3207, %add3A_3401 : vector<16xi32>
      tpu.vector_store_idx %arg8[%shift_right_logical3A_3200, %add3A_3402], %gather3A_3399 : memref<128x512xf32, #tpu.memory_space<vmem>>[vector<16xi32>, vector<16xi32>], vector<16xf32>,
      %get3A_3403 = arith.index_cast %add3A_1841 : i32 to index
      %get3A_3404 = arith.constant 112 : index
      %get3A_3405 = tpu.vector_load %arg5[%get3A_3403, %get3A_3404] {strides = array<i32>} : memref<32x128xi32, #tpu.memory_space<vmem>>, vector<16xi32>,
      %and3A_3406 = arith.constant 7 : i32
      %and3A_3407 = vector.broadcast %and3A_3406 : i32 to vector<16xi32>
      %and3A_3408 = arith.andi %get3A_3405, %and3A_3407 : vector<16xi32>
      %add3A_3409 = arith.constant 112 : i32
      %add3A_3410 = vector.broadcast %add3A_3409 : i32 to vector<16xi32>
      %add3A_3411 = arith.addi %iota3A, %add3A_3410 : vector<16xi32>
      %mul3A_3412 = arith.constant 128 : i32
      %mul3A_3413 = arith.muli %add3A_1841, %mul3A_3412 : i32
      %add3A_3414 = arith.constant 112 : i32
      %add3A_3415 = arith.addi %mul3A_3413, %add3A_3414 : i32
      %add3A_3416 = vector.broadcast %add3A_3415 : i32 to vector<16xi32>
      %add3A_3417 = arith.addi %iota3A, %add3A_3416 : vector<16xi32>
      %mul3A_3418 = arith.constant 20165 : i32
      %mul3A_3419 = vector.broadcast %mul3A_3418 : i32 to vector<16xi32>
      %mul3A_3420 = arith.muli %add3A_3417, %mul3A_3419 : vector<16xi32>
      %shift_right_logical3A_3421 = arith.constant 19 : i32
      %shift_right_logical3A_3422 = vector.broadcast %shift_right_logical3A_3421 : i32 to vector<16xi32>
      %shift_right_logical3A_3423 = arith.shrui %mul3A_3420, %shift_right_logical3A_3422 : vector<16xi32>
      %mul3A_3424 = arith.constant 26 : i32
      %mul3A_3425 = vector.broadcast %mul3A_3424 : i32 to vector<16xi32>
      %mul3A_3426 = arith.muli %shift_right_logical3A_3423, %mul3A_3425 : vector<16xi32>
      %sub3A_3427 = arith.subi %add3A_3417, %mul3A_3426 : vector<16xi32>
      %mul3A_3428 = arith.constant 16 : i32
      %mul3A_3429 = vector.broadcast %mul3A_3428 : i32 to vector<16xi32>
      %mul3A_3430 = arith.muli %sub3A_3427, %mul3A_3429 : vector<16xi32>
      %mul3A_3431 = arith.constant 16 : i32
      %mul3A_3432 = vector.broadcast %mul3A_3431 : i32 to vector<16xi32>
      %mul3A_3433 = arith.muli %and3A_3408, %mul3A_3432 : vector<16xi32>
      %add3A_3434 = arith.constant 0 : i32
      %add3A_3435 = vector.broadcast %add3A_3434 : i32 to vector<16xi32>
      %add3A_3436 = arith.addi %mul3A_3433, %add3A_3435 : vector<16xi32>
      %gather3A_3437 = arith.constant 1 : i32
      %gather3A_3438 = arith.constant 0 : i32
      %gather3A_3439 = arith.constant 0 : i32
      %gather3A_3440 = tpu.memref_slice %arg7[%gather3A_3437, %gather3A_3438, %gather3A_3439] : memref<2x128x128xf32, #tpu.memory_space<vmem>> -> memref<1x128x128xf32, #tpu.memory_space<vmem>>
      %gather3A_3441 = tpu.memref_squeeze %gather3A_3440 : memref<1x128x128xf32, #tpu.memory_space<vmem>> -> memref<128x128xf32, #tpu.memory_space<vmem>>
      %gather3A_3442 = tpu.vector_load_idx %gather3A_3441[%add3A_3411, %add3A_3436] : memref<128x128xf32, #tpu.memory_space<vmem>>[vector<16xi32>, vector<16xi32>], vector<16xf32>,
      %add3A_3443 = arith.constant 0 : i32
      %add3A_3444 = vector.broadcast %add3A_3443 : i32 to vector<16xi32>
      %add3A_3445 = arith.addi %mul3A_3430, %add3A_3444 : vector<16xi32>
      tpu.vector_store_idx %arg8[%shift_right_logical3A_3423, %add3A_3445], %gather3A_3442 : memref<128x512xf32, #tpu.memory_space<vmem>>[vector<16xi32>, vector<16xi32>], vector<16xf32>,
      %add3A_3446 = arith.constant 1 : i32
      %add3A_3447 = vector.broadcast %add3A_3446 : i32 to vector<16xi32>
      %add3A_3448 = arith.addi %mul3A_3433, %add3A_3447 : vector<16xi32>
      %gather3A_3449 = arith.constant 1 : i32
      %gather3A_3450 = arith.constant 0 : i32
      %gather3A_3451 = arith.constant 0 : i32
      %gather3A_3452 = tpu.memref_slice %arg7[%gather3A_3449, %gather3A_3450, %gather3A_3451] : memref<2x128x128xf32, #tpu.memory_space<vmem>> -> memref<1x128x128xf32, #tpu.memory_space<vmem>>
      %gather3A_3453 = tpu.memref_squeeze %gather3A_3452 : memref<1x128x128xf32, #tpu.memory_space<vmem>> -> memref<128x128xf32, #tpu.memory_space<vmem>>
      %gather3A_3454 = tpu.vector_load_idx %gather3A_3453[%add3A_3411, %add3A_3448] : memref<128x128xf32, #tpu.memory_space<vmem>>[vector<16xi32>, vector<16xi32>], vector<16xf32>,
      %add3A_3455 = arith.constant 1 : i32
      %add3A_3456 = vector.broadcast %add3A_3455 : i32 to vector<16xi32>
      %add3A_3457 = arith.addi %mul3A_3430, %add3A_3456 : vector<16xi32>
      tpu.vector_store_idx %arg8[%shift_right_logical3A_3423, %add3A_3457], %gather3A_3454 : memref<128x512xf32, #tpu.memory_space<vmem>>[vector<16xi32>, vector<16xi32>], vector<16xf32>,
      %add3A_3458 = arith.constant 2 : i32
      %add3A_3459 = vector.broadcast %add3A_3458 : i32 to vector<16xi32>
      %add3A_3460 = arith.addi %mul3A_3433, %add3A_3459 : vector<16xi32>
      %gather3A_3461 = arith.constant 1 : i32
      %gather3A_3462 = arith.constant 0 : i32
      %gather3A_3463 = arith.constant 0 : i32
      %gather3A_3464 = tpu.memref_slice %arg7[%gather3A_3461, %gather3A_3462, %gather3A_3463] : memref<2x128x128xf32, #tpu.memory_space<vmem>> -> memref<1x128x128xf32, #tpu.memory_space<vmem>>
      %gather3A_3465 = tpu.memref_squeeze %gather3A_3464 : memref<1x128x128xf32, #tpu.memory_space<vmem>> -> memref<128x128xf32, #tpu.memory_space<vmem>>
      %gather3A_3466 = tpu.vector_load_idx %gather3A_3465[%add3A_3411, %add3A_3460] : memref<128x128xf32, #tpu.memory_space<vmem>>[vector<16xi32>, vector<16xi32>], vector<16xf32>,
      %add3A_3467 = arith.constant 2 : i32
      %add3A_3468 = vector.broadcast %add3A_3467 : i32 to vector<16xi32>
      %add3A_3469 = arith.addi %mul3A_3430, %add3A_3468 : vector<16xi32>
      tpu.vector_store_idx %arg8[%shift_right_logical3A_3423, %add3A_3469], %gather3A_3466 : memref<128x512xf32, #tpu.memory_space<vmem>>[vector<16xi32>, vector<16xi32>], vector<16xf32>,
      %add3A_3470 = arith.constant 3 : i32
      %add3A_3471 = vector.broadcast %add3A_3470 : i32 to vector<16xi32>
      %add3A_3472 = arith.addi %mul3A_3433, %add3A_3471 : vector<16xi32>
      %gather3A_3473 = arith.constant 1 : i32
      %gather3A_3474 = arith.constant 0 : i32
      %gather3A_3475 = arith.constant 0 : i32
      %gather3A_3476 = tpu.memref_slice %arg7[%gather3A_3473, %gather3A_3474, %gather3A_3475] : memref<2x128x128xf32, #tpu.memory_space<vmem>> -> memref<1x128x128xf32, #tpu.memory_space<vmem>>
      %gather3A_3477 = tpu.memref_squeeze %gather3A_3476 : memref<1x128x128xf32, #tpu.memory_space<vmem>> -> memref<128x128xf32, #tpu.memory_space<vmem>>
      %gather3A_3478 = tpu.vector_load_idx %gather3A_3477[%add3A_3411, %add3A_3472] : memref<128x128xf32, #tpu.memory_space<vmem>>[vector<16xi32>, vector<16xi32>], vector<16xf32>,
      %add3A_3479 = arith.constant 3 : i32
      %add3A_3480 = vector.broadcast %add3A_3479 : i32 to vector<16xi32>
      %add3A_3481 = arith.addi %mul3A_3430, %add3A_3480 : vector<16xi32>
      tpu.vector_store_idx %arg8[%shift_right_logical3A_3423, %add3A_3481], %gather3A_3478 : memref<128x512xf32, #tpu.memory_space<vmem>>[vector<16xi32>, vector<16xi32>], vector<16xf32>,
      %add3A_3482 = arith.constant 4 : i32
      %add3A_3483 = vector.broadcast %add3A_3482 : i32 to vector<16xi32>
      %add3A_3484 = arith.addi %mul3A_3433, %add3A_3483 : vector<16xi32>
      %gather3A_3485 = arith.constant 1 : i32
      %gather3A_3486 = arith.constant 0 : i32
      %gather3A_3487 = arith.constant 0 : i32
      %gather3A_3488 = tpu.memref_slice %arg7[%gather3A_3485, %gather3A_3486, %gather3A_3487] : memref<2x128x128xf32, #tpu.memory_space<vmem>> -> memref<1x128x128xf32, #tpu.memory_space<vmem>>
      %gather3A_3489 = tpu.memref_squeeze %gather3A_3488 : memref<1x128x128xf32, #tpu.memory_space<vmem>> -> memref<128x128xf32, #tpu.memory_space<vmem>>
      %gather3A_3490 = tpu.vector_load_idx %gather3A_3489[%add3A_3411, %add3A_3484] : memref<128x128xf32, #tpu.memory_space<vmem>>[vector<16xi32>, vector<16xi32>], vector<16xf32>,
      %add3A_3491 = arith.constant 4 : i32
      %add3A_3492 = vector.broadcast %add3A_3491 : i32 to vector<16xi32>
      %add3A_3493 = arith.addi %mul3A_3430, %add3A_3492 : vector<16xi32>
      tpu.vector_store_idx %arg8[%shift_right_logical3A_3423, %add3A_3493], %gather3A_3490 : memref<128x512xf32, #tpu.memory_space<vmem>>[vector<16xi32>, vector<16xi32>], vector<16xf32>,
      %add3A_3494 = arith.constant 5 : i32
      %add3A_3495 = vector.broadcast %add3A_3494 : i32 to vector<16xi32>
      %add3A_3496 = arith.addi %mul3A_3433, %add3A_3495 : vector<16xi32>
      %gather3A_3497 = arith.constant 1 : i32
      %gather3A_3498 = arith.constant 0 : i32
      %gather3A_3499 = arith.constant 0 : i32
      %gather3A_3500 = tpu.memref_slice %arg7[%gather3A_3497, %gather3A_3498, %gather3A_3499] : memref<2x128x128xf32, #tpu.memory_space<vmem>> -> memref<1x128x128xf32, #tpu.memory_space<vmem>>
      %gather3A_3501 = tpu.memref_squeeze %gather3A_3500 : memref<1x128x128xf32, #tpu.memory_space<vmem>> -> memref<128x128xf32, #tpu.memory_space<vmem>>
      %gather3A_3502 = tpu.vector_load_idx %gather3A_3501[%add3A_3411, %add3A_3496] : memref<128x128xf32, #tpu.memory_space<vmem>>[vector<16xi32>, vector<16xi32>], vector<16xf32>,
      %add3A_3503 = arith.constant 5 : i32
      %add3A_3504 = vector.broadcast %add3A_3503 : i32 to vector<16xi32>
      %add3A_3505 = arith.addi %mul3A_3430, %add3A_3504 : vector<16xi32>
      tpu.vector_store_idx %arg8[%shift_right_logical3A_3423, %add3A_3505], %gather3A_3502 : memref<128x512xf32, #tpu.memory_space<vmem>>[vector<16xi32>, vector<16xi32>], vector<16xf32>,
      %add3A_3506 = arith.constant 6 : i32
      %add3A_3507 = vector.broadcast %add3A_3506 : i32 to vector<16xi32>
      %add3A_3508 = arith.addi %mul3A_3433, %add3A_3507 : vector<16xi32>
      %gather3A_3509 = arith.constant 1 : i32
      %gather3A_3510 = arith.constant 0 : i32
      %gather3A_3511 = arith.constant 0 : i32
      %gather3A_3512 = tpu.memref_slice %arg7[%gather3A_3509, %gather3A_3510, %gather3A_3511] : memref<2x128x128xf32, #tpu.memory_space<vmem>> -> memref<1x128x128xf32, #tpu.memory_space<vmem>>
      %gather3A_3513 = tpu.memref_squeeze %gather3A_3512 : memref<1x128x128xf32, #tpu.memory_space<vmem>> -> memref<128x128xf32, #tpu.memory_space<vmem>>
      %gather3A_3514 = tpu.vector_load_idx %gather3A_3513[%add3A_3411, %add3A_3508] : memref<128x128xf32, #tpu.memory_space<vmem>>[vector<16xi32>, vector<16xi32>], vector<16xf32>,
      %add3A_3515 = arith.constant 6 : i32
      %add3A_3516 = vector.broadcast %add3A_3515 : i32 to vector<16xi32>
      %add3A_3517 = arith.addi %mul3A_3430, %add3A_3516 : vector<16xi32>
      tpu.vector_store_idx %arg8[%shift_right_logical3A_3423, %add3A_3517], %gather3A_3514 : memref<128x512xf32, #tpu.memory_space<vmem>>[vector<16xi32>, vector<16xi32>], vector<16xf32>,
      %add3A_3518 = arith.constant 7 : i32
      %add3A_3519 = vector.broadcast %add3A_3518 : i32 to vector<16xi32>
      %add3A_3520 = arith.addi %mul3A_3433, %add3A_3519 : vector<16xi32>
      %gather3A_3521 = arith.constant 1 : i32
      %gather3A_3522 = arith.constant 0 : i32
      %gather3A_3523 = arith.constant 0 : i32
      %gather3A_3524 = tpu.memref_slice %arg7[%gather3A_3521, %gather3A_3522, %gather3A_3523] : memref<2x128x128xf32, #tpu.memory_space<vmem>> -> memref<1x128x128xf32, #tpu.memory_space<vmem>>
      %gather3A_3525 = tpu.memref_squeeze %gather3A_3524 : memref<1x128x128xf32, #tpu.memory_space<vmem>> -> memref<128x128xf32, #tpu.memory_space<vmem>>
      %gather3A_3526 = tpu.vector_load_idx %gather3A_3525[%add3A_3411, %add3A_3520] : memref<128x128xf32, #tpu.memory_space<vmem>>[vector<16xi32>, vector<16xi32>], vector<16xf32>,
      %add3A_3527 = arith.constant 7 : i32
      %add3A_3528 = vector.broadcast %add3A_3527 : i32 to vector<16xi32>
      %add3A_3529 = arith.addi %mul3A_3430, %add3A_3528 : vector<16xi32>
      tpu.vector_store_idx %arg8[%shift_right_logical3A_3423, %add3A_3529], %gather3A_3526 : memref<128x512xf32, #tpu.memory_space<vmem>>[vector<16xi32>, vector<16xi32>], vector<16xf32>,
      %add3A_3530 = arith.constant 8 : i32
      %add3A_3531 = vector.broadcast %add3A_3530 : i32 to vector<16xi32>
      %add3A_3532 = arith.addi %mul3A_3433, %add3A_3531 : vector<16xi32>
      %gather3A_3533 = arith.constant 1 : i32
      %gather3A_3534 = arith.constant 0 : i32
      %gather3A_3535 = arith.constant 0 : i32
      %gather3A_3536 = tpu.memref_slice %arg7[%gather3A_3533, %gather3A_3534, %gather3A_3535] : memref<2x128x128xf32, #tpu.memory_space<vmem>> -> memref<1x128x128xf32, #tpu.memory_space<vmem>>
      %gather3A_3537 = tpu.memref_squeeze %gather3A_3536 : memref<1x128x128xf32, #tpu.memory_space<vmem>> -> memref<128x128xf32, #tpu.memory_space<vmem>>
      %gather3A_3538 = tpu.vector_load_idx %gather3A_3537[%add3A_3411, %add3A_3532] : memref<128x128xf32, #tpu.memory_space<vmem>>[vector<16xi32>, vector<16xi32>], vector<16xf32>,
      %add3A_3539 = arith.constant 8 : i32
      %add3A_3540 = vector.broadcast %add3A_3539 : i32 to vector<16xi32>
      %add3A_3541 = arith.addi %mul3A_3430, %add3A_3540 : vector<16xi32>
      tpu.vector_store_idx %arg8[%shift_right_logical3A_3423, %add3A_3541], %gather3A_3538 : memref<128x512xf32, #tpu.memory_space<vmem>>[vector<16xi32>, vector<16xi32>], vector<16xf32>,
      %add3A_3542 = arith.constant 9 : i32
      %add3A_3543 = vector.broadcast %add3A_3542 : i32 to vector<16xi32>
      %add3A_3544 = arith.addi %mul3A_3433, %add3A_3543 : vector<16xi32>
      %gather3A_3545 = arith.constant 1 : i32
      %gather3A_3546 = arith.constant 0 : i32
      %gather3A_3547 = arith.constant 0 : i32
      %gather3A_3548 = tpu.memref_slice %arg7[%gather3A_3545, %gather3A_3546, %gather3A_3547] : memref<2x128x128xf32, #tpu.memory_space<vmem>> -> memref<1x128x128xf32, #tpu.memory_space<vmem>>
      %gather3A_3549 = tpu.memref_squeeze %gather3A_3548 : memref<1x128x128xf32, #tpu.memory_space<vmem>> -> memref<128x128xf32, #tpu.memory_space<vmem>>
      %gather3A_3550 = tpu.vector_load_idx %gather3A_3549[%add3A_3411, %add3A_3544] : memref<128x128xf32, #tpu.memory_space<vmem>>[vector<16xi32>, vector<16xi32>], vector<16xf32>,
      %add3A_3551 = arith.constant 9 : i32
      %add3A_3552 = vector.broadcast %add3A_3551 : i32 to vector<16xi32>
      %add3A_3553 = arith.addi %mul3A_3430, %add3A_3552 : vector<16xi32>
      tpu.vector_store_idx %arg8[%shift_right_logical3A_3423, %add3A_3553], %gather3A_3550 : memref<128x512xf32, #tpu.memory_space<vmem>>[vector<16xi32>, vector<16xi32>], vector<16xf32>,
      %add3A_3554 = arith.constant 10 : i32
      %add3A_3555 = vector.broadcast %add3A_3554 : i32 to vector<16xi32>
      %add3A_3556 = arith.addi %mul3A_3433, %add3A_3555 : vector<16xi32>
      %gather3A_3557 = arith.constant 1 : i32
      %gather3A_3558 = arith.constant 0 : i32
      %gather3A_3559 = arith.constant 0 : i32
      %gather3A_3560 = tpu.memref_slice %arg7[%gather3A_3557, %gather3A_3558, %gather3A_3559] : memref<2x128x128xf32, #tpu.memory_space<vmem>> -> memref<1x128x128xf32, #tpu.memory_space<vmem>>
      %gather3A_3561 = tpu.memref_squeeze %gather3A_3560 : memref<1x128x128xf32, #tpu.memory_space<vmem>> -> memref<128x128xf32, #tpu.memory_space<vmem>>
      %gather3A_3562 = tpu.vector_load_idx %gather3A_3561[%add3A_3411, %add3A_3556] : memref<128x128xf32, #tpu.memory_space<vmem>>[vector<16xi32>, vector<16xi32>], vector<16xf32>,
      %add3A_3563 = arith.constant 10 : i32
      %add3A_3564 = vector.broadcast %add3A_3563 : i32 to vector<16xi32>
      %add3A_3565 = arith.addi %mul3A_3430, %add3A_3564 : vector<16xi32>
      tpu.vector_store_idx %arg8[%shift_right_logical3A_3423, %add3A_3565], %gather3A_3562 : memref<128x512xf32, #tpu.memory_space<vmem>>[vector<16xi32>, vector<16xi32>], vector<16xf32>,
      %add3A_3566 = arith.constant 11 : i32
      %add3A_3567 = vector.broadcast %add3A_3566 : i32 to vector<16xi32>
      %add3A_3568 = arith.addi %mul3A_3433, %add3A_3567 : vector<16xi32>
      %gather3A_3569 = arith.constant 1 : i32
      %gather3A_3570 = arith.constant 0 : i32
      %gather3A_3571 = arith.constant 0 : i32
      %gather3A_3572 = tpu.memref_slice %arg7[%gather3A_3569, %gather3A_3570, %gather3A_3571] : memref<2x128x128xf32, #tpu.memory_space<vmem>> -> memref<1x128x128xf32, #tpu.memory_space<vmem>>
      %gather3A_3573 = tpu.memref_squeeze %gather3A_3572 : memref<1x128x128xf32, #tpu.memory_space<vmem>> -> memref<128x128xf32, #tpu.memory_space<vmem>>
      %gather3A_3574 = tpu.vector_load_idx %gather3A_3573[%add3A_3411, %add3A_3568] : memref<128x128xf32, #tpu.memory_space<vmem>>[vector<16xi32>, vector<16xi32>], vector<16xf32>,
      %add3A_3575 = arith.constant 11 : i32
      %add3A_3576 = vector.broadcast %add3A_3575 : i32 to vector<16xi32>
      %add3A_3577 = arith.addi %mul3A_3430, %add3A_3576 : vector<16xi32>
      tpu.vector_store_idx %arg8[%shift_right_logical3A_3423, %add3A_3577], %gather3A_3574 : memref<128x512xf32, #tpu.memory_space<vmem>>[vector<16xi32>, vector<16xi32>], vector<16xf32>,
      %add3A_3578 = arith.constant 12 : i32
      %add3A_3579 = vector.broadcast %add3A_3578 : i32 to vector<16xi32>
      %add3A_3580 = arith.addi %mul3A_3433, %add3A_3579 : vector<16xi32>
      %gather3A_3581 = arith.constant 1 : i32
      %gather3A_3582 = arith.constant 0 : i32
      %gather3A_3583 = arith.constant 0 : i32
      %gather3A_3584 = tpu.memref_slice %arg7[%gather3A_3581, %gather3A_3582, %gather3A_3583] : memref<2x128x128xf32, #tpu.memory_space<vmem>> -> memref<1x128x128xf32, #tpu.memory_space<vmem>>
      %gather3A_3585 = tpu.memref_squeeze %gather3A_3584 : memref<1x128x128xf32, #tpu.memory_space<vmem>> -> memref<128x128xf32, #tpu.memory_space<vmem>>
      %gather3A_3586 = tpu.vector_load_idx %gather3A_3585[%add3A_3411, %add3A_3580] : memref<128x128xf32, #tpu.memory_space<vmem>>[vector<16xi32>, vector<16xi32>], vector<16xf32>,
      %add3A_3587 = arith.constant 12 : i32
      %add3A_3588 = vector.broadcast %add3A_3587 : i32 to vector<16xi32>
      %add3A_3589 = arith.addi %mul3A_3430, %add3A_3588 : vector<16xi32>
      tpu.vector_store_idx %arg8[%shift_right_logical3A_3423, %add3A_3589], %gather3A_3586 : memref<128x512xf32, #tpu.memory_space<vmem>>[vector<16xi32>, vector<16xi32>], vector<16xf32>,
      %add3A_3590 = arith.constant 13 : i32
      %add3A_3591 = vector.broadcast %add3A_3590 : i32 to vector<16xi32>
      %add3A_3592 = arith.addi %mul3A_3433, %add3A_3591 : vector<16xi32>
      %gather3A_3593 = arith.constant 1 : i32
      %gather3A_3594 = arith.constant 0 : i32
      %gather3A_3595 = arith.constant 0 : i32
      %gather3A_3596 = tpu.memref_slice %arg7[%gather3A_3593, %gather3A_3594, %gather3A_3595] : memref<2x128x128xf32, #tpu.memory_space<vmem>> -> memref<1x128x128xf32, #tpu.memory_space<vmem>>
      %gather3A_3597 = tpu.memref_squeeze %gather3A_3596 : memref<1x128x128xf32, #tpu.memory_space<vmem>> -> memref<128x128xf32, #tpu.memory_space<vmem>>
      %gather3A_3598 = tpu.vector_load_idx %gather3A_3597[%add3A_3411, %add3A_3592] : memref<128x128xf32, #tpu.memory_space<vmem>>[vector<16xi32>, vector<16xi32>], vector<16xf32>,
      %add3A_3599 = arith.constant 13 : i32
      %add3A_3600 = vector.broadcast %add3A_3599 : i32 to vector<16xi32>
      %add3A_3601 = arith.addi %mul3A_3430, %add3A_3600 : vector<16xi32>
      tpu.vector_store_idx %arg8[%shift_right_logical3A_3423, %add3A_3601], %gather3A_3598 : memref<128x512xf32, #tpu.memory_space<vmem>>[vector<16xi32>, vector<16xi32>], vector<16xf32>,
      %add3A_3602 = arith.constant 14 : i32
      %add3A_3603 = vector.broadcast %add3A_3602 : i32 to vector<16xi32>
      %add3A_3604 = arith.addi %mul3A_3433, %add3A_3603 : vector<16xi32>
      %gather3A_3605 = arith.constant 1 : i32
      %gather3A_3606 = arith.constant 0 : i32
      %gather3A_3607 = arith.constant 0 : i32
      %gather3A_3608 = tpu.memref_slice %arg7[%gather3A_3605, %gather3A_3606, %gather3A_3607] : memref<2x128x128xf32, #tpu.memory_space<vmem>> -> memref<1x128x128xf32, #tpu.memory_space<vmem>>
      %gather3A_3609 = tpu.memref_squeeze %gather3A_3608 : memref<1x128x128xf32, #tpu.memory_space<vmem>> -> memref<128x128xf32, #tpu.memory_space<vmem>>
      %gather3A_3610 = tpu.vector_load_idx %gather3A_3609[%add3A_3411, %add3A_3604] : memref<128x128xf32, #tpu.memory_space<vmem>>[vector<16xi32>, vector<16xi32>], vector<16xf32>,
      %add3A_3611 = arith.constant 14 : i32
      %add3A_3612 = vector.broadcast %add3A_3611 : i32 to vector<16xi32>
      %add3A_3613 = arith.addi %mul3A_3430, %add3A_3612 : vector<16xi32>
      tpu.vector_store_idx %arg8[%shift_right_logical3A_3423, %add3A_3613], %gather3A_3610 : memref<128x512xf32, #tpu.memory_space<vmem>>[vector<16xi32>, vector<16xi32>], vector<16xf32>,
      %add3A_3614 = arith.constant 15 : i32
      %add3A_3615 = vector.broadcast %add3A_3614 : i32 to vector<16xi32>
      %add3A_3616 = arith.addi %mul3A_3433, %add3A_3615 : vector<16xi32>
      %gather3A_3617 = arith.constant 1 : i32
      %gather3A_3618 = arith.constant 0 : i32
      %gather3A_3619 = arith.constant 0 : i32
      %gather3A_3620 = tpu.memref_slice %arg7[%gather3A_3617, %gather3A_3618, %gather3A_3619] : memref<2x128x128xf32, #tpu.memory_space<vmem>> -> memref<1x128x128xf32, #tpu.memory_space<vmem>>
      %gather3A_3621 = tpu.memref_squeeze %gather3A_3620 : memref<1x128x128xf32, #tpu.memory_space<vmem>> -> memref<128x128xf32, #tpu.memory_space<vmem>>
      %gather3A_3622 = tpu.vector_load_idx %gather3A_3621[%add3A_3411, %add3A_3616] : memref<128x128xf32, #tpu.memory_space<vmem>>[vector<16xi32>, vector<16xi32>], vector<16xf32>,
      %add3A_3623 = arith.constant 15 : i32
      %add3A_3624 = vector.broadcast %add3A_3623 : i32 to vector<16xi32>
      %add3A_3625 = arith.addi %mul3A_3430, %add3A_3624 : vector<16xi32>
      tpu.vector_store_idx %arg8[%shift_right_logical3A_3423, %add3A_3625], %gather3A_3622 : memref<128x512xf32, #tpu.memory_space<vmem>>[vector<16xi32>, vector<16xi32>], vector<16xf32>,
    }
    %scan3A_11 = arith.constant 13 : i32
    %mul3A_12 = arith.constant 128 : i32
    %mul3A_13 = arith.muli %add3A, %mul3A_12 : i32
    "tpu.region"() ({
      %run_scoped3A = tpu.sem_alloc : memref<!tpu.dma_semaphore, #tpu.memory_space<semaphore_mem>>
      %dma_start3A = arith.constant 0 : i32
      %dma_start3A_14 = tpu.memref_slice %arg4[%mul3A_13, %dma_start3A] : memref<4096x512xf32, #tpu.memory_space<hbm>> -> memref<128x512xf32, #tpu.memory_space<hbm>>
      %dma_start3A_15 = arith.constant 0 : i32
      %dma_start3A_16 = tpu.memref_slice %arg4[%mul3A_13, %dma_start3A_15] : memref<4096x512xf32, #tpu.memory_space<hbm>> -> memref<128x512xf32, #tpu.memory_space<hbm>>
      tpu.enqueue_dma source(%arg8 : memref<128x512xf32, #tpu.memory_space<vmem>>) target(%dma_start3A_16 : memref<128x512xf32, #tpu.memory_space<hbm>>) target_semaphore(%run_scoped3A : memref<!tpu.dma_semaphore, #tpu.memory_space<semaphore_mem>>)
      %dma_wait3A = arith.constant 0 : i32
      %dma_wait3A_17 = tpu.memref_slice %arg4[%mul3A_13, %dma_wait3A] : memref<4096x512xf32, #tpu.memory_space<hbm>> -> memref<128x512xf32, #tpu.memory_space<hbm>>
      %dma_wait3A_18 = arith.constant 0 : i32
      %dma_wait3A_19 = tpu.memref_slice %arg4[%mul3A_13, %dma_wait3A_18] : memref<4096x512xf32, #tpu.memory_space<hbm>> -> memref<128x512xf32, #tpu.memory_space<hbm>>
      tpu.wait_dma2 semaphore(%run_scoped3A : memref<!tpu.dma_semaphore, #tpu.memory_space<semaphore_mem>>) src(%arg8 : memref<128x512xf32, #tpu.memory_space<vmem>>) dst(%dma_wait3A_19 : memref<128x512xf32, #tpu.memory_space<hbm>>)
      tpu.yield
    }) : () -> ()
    return
  }
}

module attributes {stable_mosaic.version = 14 : i64} {
  func.func @_mlp_body(%arg0: memref<4096x512xf32, #tpu.memory_space<vmem>>, %arg1: memref<1x416xf32, #tpu.memory_space<vmem>>, %arg2: memref<1x416xf32, #tpu.memory_space<vmem>>, %arg3: memref<416x256xf32, #tpu.memory_space<vmem>>, %arg4: memref<1x256xf32, #tpu.memory_space<vmem>>, %arg5: memref<1x256xf32, #tpu.memory_space<vmem>>, %arg6: memref<1x256xf32, #tpu.memory_space<vmem>>, %arg7: memref<256x128xf32, #tpu.memory_space<vmem>>, %arg8: memref<1x128xf32, #tpu.memory_space<vmem>>, %arg9: memref<1x128xf32, #tpu.memory_space<vmem>>, %arg10: memref<1x128xf32, #tpu.memory_space<vmem>>, %arg11: memref<1x128xf32, #tpu.memory_space<vmem>>, %arg12: memref<1x1xf32, #tpu.memory_space<vmem>>, %arg13: memref<4096x1xf32, #tpu.memory_space<vmem>>) attributes {dimension_semantics = [], scalar_prefetch = 0 : i64, scratch_operands = 0 : i64, tpu.core_type = #tpu.core_type<tc>} {
    %get3A = arith.constant 0 : index
    %get3A_0 = arith.constant 0 : index
    %get3A_1 = vector.load %arg0[%get3A, %get3A_0] : memref<4096x512xf32, #tpu.memory_space<vmem>>, vector<4096x512xf32>
    %slice3A = vector.extract_strided_slice %get3A_1 {offsets = [0, 0], sizes = [4096, 416], strides = [1, 1]} : vector<4096x512xf32> to vector<4096x416xf32>
    %reduce_sum3A = arith.constant dense<0.000000e+00> : vector<416xf32>
    %reduce_sum3A_2 = vector.multi_reduction <add>, %slice3A, %reduce_sum3A [0] : vector<4096x416xf32> to vector<416xf32>
    %broadcast_in_dim3A = vector.shape_cast %reduce_sum3A_2 : vector<416xf32> to vector<1x416xf32>
    %div3A = arith.constant 4.096000e+03 : f32
    %div3A_3 = vector.broadcast %div3A : f32 to vector<1x416xf32>
    %div3A_4 = arith.divf %broadcast_in_dim3A, %div3A_3 : vector<1x416xf32>
    %sub3A = vector.broadcast %div3A_4 : vector<1x416xf32> to vector<4096x416xf32>
    %sub3A_5 = arith.subf %slice3A, %sub3A : vector<4096x416xf32>
    %sub3A_6 = vector.broadcast %div3A_4 : vector<1x416xf32> to vector<4096x416xf32>
    %sub3A_7 = arith.subf %slice3A, %sub3A_6 : vector<4096x416xf32>
    %mul3A = arith.mulf %sub3A_5, %sub3A_7 : vector<4096x416xf32>
    %reduce_sum3A_8 = arith.constant dense<0.000000e+00> : vector<416xf32>
    %reduce_sum3A_9 = vector.multi_reduction <add>, %mul3A, %reduce_sum3A_8 [0] : vector<4096x416xf32> to vector<416xf32>
    %broadcast_in_dim3A_10 = vector.shape_cast %reduce_sum3A_9 : vector<416xf32> to vector<1x416xf32>
    %div3A_11 = arith.constant 4.096000e+03 : f32
    %div3A_12 = vector.broadcast %div3A_11 : f32 to vector<1x416xf32>
    %div3A_13 = arith.divf %broadcast_in_dim3A_10, %div3A_12 : vector<1x416xf32>
    %sub3A_14 = vector.broadcast %div3A_4 : vector<1x416xf32> to vector<4096x416xf32>
    %sub3A_15 = arith.subf %slice3A, %sub3A_14 : vector<4096x416xf32>
    %add3A = arith.constant 9.99999974E-6 : f32
    %add3A_16 = vector.broadcast %add3A : f32 to vector<1x416xf32>
    %add3A_17 = arith.addf %div3A_13, %add3A_16 : vector<1x416xf32>
    %rsqrt3A = math.rsqrt %add3A_17 : vector<1x416xf32>
    %mul3A_18 = vector.broadcast %rsqrt3A : vector<1x416xf32> to vector<4096x416xf32>
    %mul3A_19 = arith.mulf %sub3A_15, %mul3A_18 : vector<4096x416xf32>
    %get3A_20 = arith.constant 0 : index
    %get3A_21 = arith.constant 0 : index
    %get3A_22 = vector.load %arg1[%get3A_20, %get3A_21] : memref<1x416xf32, #tpu.memory_space<vmem>>, vector<1x416xf32>
    %mul3A_23 = vector.broadcast %get3A_22 : vector<1x416xf32> to vector<4096x416xf32>
    %mul3A_24 = arith.mulf %mul3A_19, %mul3A_23 : vector<4096x416xf32>
    %get3A_25 = arith.constant 0 : index
    %get3A_26 = arith.constant 0 : index
    %get3A_27 = vector.load %arg2[%get3A_25, %get3A_26] : memref<1x416xf32, #tpu.memory_space<vmem>>, vector<1x416xf32>
    %add3A_28 = vector.broadcast %get3A_27 : vector<1x416xf32> to vector<4096x416xf32>
    %add3A_29 = arith.addf %mul3A_24, %add3A_28 : vector<4096x416xf32>
    %get3A_30 = arith.constant 0 : index
    %get3A_31 = arith.constant 0 : index
    %get3A_32 = vector.load %arg3[%get3A_30, %get3A_31] : memref<416x256xf32, #tpu.memory_space<vmem>>, vector<416x256xf32>
    %dot_general3A = arith.constant dense<0.000000e+00> : vector<4096x256xf32>
    %dot_general3A_33 = tpu.matmul %add3A_29, %get3A_32, %dot_general3A {dimension_numbers = #tpu.dot_dimension_numbers<[1], [0], [0], [1], [0, 0, 1, 1], [], []>, transpose_lhs_hint = false} : vector<4096x416xf32>, vector<416x256xf32>, vector<4096x256xf32> -> vector<4096x256xf32>
    %get3A_34 = arith.constant 0 : index
    %get3A_35 = arith.constant 0 : index
    %get3A_36 = vector.load %arg4[%get3A_34, %get3A_35] : memref<1x256xf32, #tpu.memory_space<vmem>>, vector<1x256xf32>
    %add3A_37 = vector.broadcast %get3A_36 : vector<1x256xf32> to vector<4096x256xf32>
    %add3A_38 = arith.addf %dot_general3A_33, %add3A_37 : vector<4096x256xf32>
    %max3A = arith.constant 0.000000e+00 : f32
    %max3A_39 = vector.broadcast %max3A : f32 to vector<4096x256xf32>
    %max3A_40 = arith.maximumf %add3A_38, %max3A_39 : vector<4096x256xf32>
    %reduce_sum3A_41 = arith.constant dense<0.000000e+00> : vector<256xf32>
    %reduce_sum3A_42 = vector.multi_reduction <add>, %max3A_40, %reduce_sum3A_41 [0] : vector<4096x256xf32> to vector<256xf32>
    %broadcast_in_dim3A_43 = vector.shape_cast %reduce_sum3A_42 : vector<256xf32> to vector<1x256xf32>
    %div3A_44 = arith.constant 4.096000e+03 : f32
    %div3A_45 = vector.broadcast %div3A_44 : f32 to vector<1x256xf32>
    %div3A_46 = arith.divf %broadcast_in_dim3A_43, %div3A_45 : vector<1x256xf32>
    %sub3A_47 = vector.broadcast %div3A_46 : vector<1x256xf32> to vector<4096x256xf32>
    %sub3A_48 = arith.subf %max3A_40, %sub3A_47 : vector<4096x256xf32>
    %sub3A_49 = vector.broadcast %div3A_46 : vector<1x256xf32> to vector<4096x256xf32>
    %sub3A_50 = arith.subf %max3A_40, %sub3A_49 : vector<4096x256xf32>
    %mul3A_51 = arith.mulf %sub3A_48, %sub3A_50 : vector<4096x256xf32>
    %reduce_sum3A_52 = arith.constant dense<0.000000e+00> : vector<256xf32>
    %reduce_sum3A_53 = vector.multi_reduction <add>, %mul3A_51, %reduce_sum3A_52 [0] : vector<4096x256xf32> to vector<256xf32>
    %broadcast_in_dim3A_54 = vector.shape_cast %reduce_sum3A_53 : vector<256xf32> to vector<1x256xf32>
    %div3A_55 = arith.constant 4.096000e+03 : f32
    %div3A_56 = vector.broadcast %div3A_55 : f32 to vector<1x256xf32>
    %div3A_57 = arith.divf %broadcast_in_dim3A_54, %div3A_56 : vector<1x256xf32>
    %sub3A_58 = vector.broadcast %div3A_46 : vector<1x256xf32> to vector<4096x256xf32>
    %sub3A_59 = arith.subf %max3A_40, %sub3A_58 : vector<4096x256xf32>
    %add3A_60 = arith.constant 9.99999974E-6 : f32
    %add3A_61 = vector.broadcast %add3A_60 : f32 to vector<1x256xf32>
    %add3A_62 = arith.addf %div3A_57, %add3A_61 : vector<1x256xf32>
    %rsqrt3A_63 = math.rsqrt %add3A_62 : vector<1x256xf32>
    %mul3A_64 = vector.broadcast %rsqrt3A_63 : vector<1x256xf32> to vector<4096x256xf32>
    %mul3A_65 = arith.mulf %sub3A_59, %mul3A_64 : vector<4096x256xf32>
    %get3A_66 = arith.constant 0 : index
    %get3A_67 = arith.constant 0 : index
    %get3A_68 = vector.load %arg5[%get3A_66, %get3A_67] : memref<1x256xf32, #tpu.memory_space<vmem>>, vector<1x256xf32>
    %mul3A_69 = vector.broadcast %get3A_68 : vector<1x256xf32> to vector<4096x256xf32>
    %mul3A_70 = arith.mulf %mul3A_65, %mul3A_69 : vector<4096x256xf32>
    %get3A_71 = arith.constant 0 : index
    %get3A_72 = arith.constant 0 : index
    %get3A_73 = vector.load %arg6[%get3A_71, %get3A_72] : memref<1x256xf32, #tpu.memory_space<vmem>>, vector<1x256xf32>
    %add3A_74 = vector.broadcast %get3A_73 : vector<1x256xf32> to vector<4096x256xf32>
    %add3A_75 = arith.addf %mul3A_70, %add3A_74 : vector<4096x256xf32>
    %get3A_76 = arith.constant 0 : index
    %get3A_77 = arith.constant 0 : index
    %get3A_78 = vector.load %arg7[%get3A_76, %get3A_77] : memref<256x128xf32, #tpu.memory_space<vmem>>, vector<256x128xf32>
    %dot_general3A_79 = arith.constant dense<0.000000e+00> : vector<4096x128xf32>
    %dot_general3A_80 = tpu.matmul %add3A_75, %get3A_78, %dot_general3A_79 {dimension_numbers = #tpu.dot_dimension_numbers<[1], [0], [0], [1], [0, 0, 1, 1], [], []>, transpose_lhs_hint = false} : vector<4096x256xf32>, vector<256x128xf32>, vector<4096x128xf32> -> vector<4096x128xf32>
    %get3A_81 = arith.constant 0 : index
    %get3A_82 = arith.constant 0 : index
    %get3A_83 = vector.load %arg8[%get3A_81, %get3A_82] : memref<1x128xf32, #tpu.memory_space<vmem>>, vector<1x128xf32>
    %add3A_84 = vector.broadcast %get3A_83 : vector<1x128xf32> to vector<4096x128xf32>
    %add3A_85 = arith.addf %dot_general3A_80, %add3A_84 : vector<4096x128xf32>
    %max3A_86 = arith.constant 0.000000e+00 : f32
    %max3A_87 = vector.broadcast %max3A_86 : f32 to vector<4096x128xf32>
    %max3A_88 = arith.maximumf %add3A_85, %max3A_87 : vector<4096x128xf32>
    %reduce_sum3A_89 = arith.constant dense<0.000000e+00> : vector<128xf32>
    %reduce_sum3A_90 = vector.multi_reduction <add>, %max3A_88, %reduce_sum3A_89 [0] : vector<4096x128xf32> to vector<128xf32>
    %broadcast_in_dim3A_91 = vector.shape_cast %reduce_sum3A_90 : vector<128xf32> to vector<1x128xf32>
    %div3A_92 = arith.constant 4.096000e+03 : f32
    %div3A_93 = vector.broadcast %div3A_92 : f32 to vector<1x128xf32>
    %div3A_94 = arith.divf %broadcast_in_dim3A_91, %div3A_93 : vector<1x128xf32>
    %sub3A_95 = vector.broadcast %div3A_94 : vector<1x128xf32> to vector<4096x128xf32>
    %sub3A_96 = arith.subf %max3A_88, %sub3A_95 : vector<4096x128xf32>
    %sub3A_97 = vector.broadcast %div3A_94 : vector<1x128xf32> to vector<4096x128xf32>
    %sub3A_98 = arith.subf %max3A_88, %sub3A_97 : vector<4096x128xf32>
    %mul3A_99 = arith.mulf %sub3A_96, %sub3A_98 : vector<4096x128xf32>
    %reduce_sum3A_100 = arith.constant dense<0.000000e+00> : vector<128xf32>
    %reduce_sum3A_101 = vector.multi_reduction <add>, %mul3A_99, %reduce_sum3A_100 [0] : vector<4096x128xf32> to vector<128xf32>
    %broadcast_in_dim3A_102 = vector.shape_cast %reduce_sum3A_101 : vector<128xf32> to vector<1x128xf32>
    %div3A_103 = arith.constant 4.096000e+03 : f32
    %div3A_104 = vector.broadcast %div3A_103 : f32 to vector<1x128xf32>
    %div3A_105 = arith.divf %broadcast_in_dim3A_102, %div3A_104 : vector<1x128xf32>
    %sub3A_106 = vector.broadcast %div3A_94 : vector<1x128xf32> to vector<4096x128xf32>
    %sub3A_107 = arith.subf %max3A_88, %sub3A_106 : vector<4096x128xf32>
    %add3A_108 = arith.constant 9.99999974E-6 : f32
    %add3A_109 = vector.broadcast %add3A_108 : f32 to vector<1x128xf32>
    %add3A_110 = arith.addf %div3A_105, %add3A_109 : vector<1x128xf32>
    %rsqrt3A_111 = math.rsqrt %add3A_110 : vector<1x128xf32>
    %mul3A_112 = vector.broadcast %rsqrt3A_111 : vector<1x128xf32> to vector<4096x128xf32>
    %mul3A_113 = arith.mulf %sub3A_107, %mul3A_112 : vector<4096x128xf32>
    %get3A_114 = arith.constant 0 : index
    %get3A_115 = arith.constant 0 : index
    %get3A_116 = vector.load %arg9[%get3A_114, %get3A_115] : memref<1x128xf32, #tpu.memory_space<vmem>>, vector<1x128xf32>
    %mul3A_117 = vector.broadcast %get3A_116 : vector<1x128xf32> to vector<4096x128xf32>
    %mul3A_118 = arith.mulf %mul3A_113, %mul3A_117 : vector<4096x128xf32>
    %get3A_119 = arith.constant 0 : index
    %get3A_120 = arith.constant 0 : index
    %get3A_121 = vector.load %arg10[%get3A_119, %get3A_120] : memref<1x128xf32, #tpu.memory_space<vmem>>, vector<1x128xf32>
    %add3A_122 = vector.broadcast %get3A_121 : vector<1x128xf32> to vector<4096x128xf32>
    %add3A_123 = arith.addf %mul3A_118, %add3A_122 : vector<4096x128xf32>
    %get3A_124 = arith.constant 0 : index
    %get3A_125 = arith.constant 0 : index
    %get3A_126 = vector.load %arg11[%get3A_124, %get3A_125] : memref<1x128xf32, #tpu.memory_space<vmem>>, vector<1x128xf32>
    %mul3A_127 = vector.broadcast %get3A_126 : vector<1x128xf32> to vector<4096x128xf32>
    %mul3A_128 = arith.mulf %add3A_123, %mul3A_127 : vector<4096x128xf32>
    %reduce_sum3A_129 = arith.constant dense<0.000000e+00> : vector<4096xf32>
    %reduce_sum3A_130 = vector.multi_reduction <add>, %mul3A_128, %reduce_sum3A_129 [1] : vector<4096x128xf32> to vector<4096xf32>
    %broadcast_in_dim3A_131 = vector.shape_cast %reduce_sum3A_130 : vector<4096xf32> to vector<4096x1xf32>
    %get3A_132 = arith.constant 0 : index
    %get3A_133 = arith.constant 0 : index
    %get3A_134 = vector.load %arg12[%get3A_132, %get3A_133] : memref<1x1xf32, #tpu.memory_space<vmem>>, vector<1x1xf32>
    %get3A_135 = vector.extract %get3A_134[0, 0] : f32 from vector<1x1xf32>
    %add3A_136 = vector.broadcast %get3A_135 : f32 to vector<4096x1xf32>
    %add3A_137 = arith.addf %broadcast_in_dim3A_131, %add3A_136 : vector<4096x1xf32>
    %neg3A = arith.constant 0.000000e+00 : f32
    %neg3A_138 = vector.broadcast %neg3A : f32 to vector<4096x1xf32>
    %neg3A_139 = arith.subf %neg3A_138, %add3A_137 : vector<4096x1xf32>
    %exp3A = math.exp %neg3A_139 : vector<4096x1xf32>
    %add3A_140 = arith.constant 1.000000e+00 : f32
    %add3A_141 = vector.broadcast %add3A_140 : f32 to vector<4096x1xf32>
    %add3A_142 = arith.addf %add3A_141, %exp3A : vector<4096x1xf32>
    %div3A_143 = arith.constant 1.000000e+00 : f32
    %div3A_144 = vector.broadcast %div3A_143 : f32 to vector<4096x1xf32>
    %div3A_145 = arith.divf %div3A_144, %add3A_142 : vector<4096x1xf32>
    %swap3A = arith.constant 0 : index
    %swap3A_146 = arith.constant 0 : index
    %swap3A_147 = vector.load %arg13[%swap3A, %swap3A_146] : memref<4096x1xf32, #tpu.memory_space<vmem>>, vector<4096x1xf32>
    tpu.vector_store %arg13[%swap3A, %swap3A_146], %div3A_145 {strides = array<i32>} : memref<4096x1xf32, #tpu.memory_space<vmem>>, vector<4096x1xf32>,
    return
  }
}

</mosaic_0001>

<sc_bundles>
// kernel: kernel.4.cloned.1.call-start
scs
__scs_entry_jumppad:
0x0: {  	(pc) =	sbr.rel $0x88, $3  }
0x1: {  	(tag) =	ssettag $0x0;
	lr =	simm.s32 $0x1  }
0x2: {  	[smem:$0x3F93] =	sst lr;
	_ =	strace $0xD0000000  }
0x3: {  	_ = 	snop  }
0x4: {  	_ = 	snop  }
0x5: {  	_ = 	snop  }
0x6: {  	_ = 	snop  }
0x7: {  	_ = 	snop  }
__scs_overlays_trampoline_lowered:
0x8: {  	[smem:$0x3FA2] =	sst s0  }
0x9: {  	[smem:$0x3FA3] =	sst s1  }
0xa: {  	[smem:$0x3FA4] =	sst s2  }
0xb: {  	[smem:$0x3FA5] =	sst s3  }
0xc: {  	[smem:$0x3FA6] =	sst s4  }
0xd: {  	[smem:$0x3FA7] =	sst s5  }
0xe: {  	[smem:$0x3FA8] =	sst s6  }
0xf: {  	[smem:$0x3FA9] =	sst s7  }
0x10: {  	[smem:$0x3FAA] =	sst s8  }
0x11: {  	[smem:$0x3FAB] =	sst s9;
	s0 =	simm.s32 @!p0 $0x0  }
0x12: {  	s1 =	sld [smem:$0x3F91];
	s0 =	simm.s32 @p0 $0x1  }
0x13: {  	[smem:$0x3FAC] =	sst s0;
	s0 =	simm.s32 @!p1 $0x0  }
0x14: {  	s2 =	sld [smem:$0x3F90];
	s0 =	simm.s32 @p1 $0x1  }
0x15: {  	[smem:$0x3FAD] =	sst s0;
	s0 =	simm.s32 @!p2 $0x0  }
0x16: {  	s3 =	sld [smem:$0x3FDB];
	s0 =	simm.s32 @p2 $0x1  }
0x17: {  	s4 =	simm.s32 $0x1BF5;
	[smem:$0x3FAF] =	sst s0  }
0x18: {  	s0 =	sld [smem:$0x3F92];
	_ =	swait.ge [sflag:s4], $0x0  }
0x19: {  	s7 =	sld [smem:$0x3F93]  }
0x1a: {  	s8 =	sadd.s32 $0xFFFFE003, lr  }
0x1b: {  	s9 =	sadd.s32 $0xFFFFFEF7, lr;
	s5 =	simm.s32 $0xFFFFFFFF;
	p2 =	slt.u32 s8, $0xFFFFF086  }
0x1c: {  	p1 =	slt.u32 s9, $0xF7A;
	s5 =	simm.s32 @!p2 $0x0  }
0x1d: {  	s5 =	simm.s32 @p1 $0x1;
	p0 =	seq.s32 s7, s2  }
0x1e: {  	s7 =	smul.u32 @!p0 $0xF7A, s2;
	p2 =	seq.s32 @!p0 s5, $0x0  }
0x1f: {  	s9 =	smul.u32 $0xF7A, s1;
	s8 =	simm.s32 @!p0 $0x1BF5;
	p2 =	por !p2, p0  }
0x20: {  	[sflag:s8] =	ssyncset.s32 @!p0 $0xFFFFF086;
	s6 =	sadd.s32 @!p0 s3, s7;
	s7 =	simm.s32 @!p0 $0x108  }
0x21: {  	s3 =	sadd.s32 s3, s9;
	s6 =	sadd.s32 @!p0 $0x88, s6;
	s7 =	simm.s32 @p2 $0x1082  }
0x22: {  	[simem:s7], [sflag:s8] =	dma.local @!p0 [hbm:s6], $0xF7A  }
0x23: {  	s9 =	sor.u32 $0xD0000000, s2;
	s6 =	simm.s32 $0x108;
	_ =	swait.ge @!p0 [sflag:s8], $0x0  }
0x24: {  	s3 =	sadd.s32 $0x88, s3;
	s6 =	simm.s32 @!p1 $0x1082;
	[sflag:s4] =	ssyncset.s32 $0xFFFFF086  }
0x25: {  	[simem:s6], [sflag:s4] =	dma.local [hbm:s3], $0xF7A  }
0x26: {  	[smem:$0x3F93] =	sst s1;
	(tag) =	ssettag s2;
	_ =	strace s9  }
0x27: {  	s1 =	sld [smem:$0x3FA3]  }
0x28: {  	s2 =	sld [smem:$0x3FA4]  }
0x29: {  	s4 =	sld [smem:$0x3FA6]  }
0x2a: {  	p0 =	seq.s32 s5, $0x0;
	s5 =	sld [smem:$0x3FA7]  }
0x2b: {  	s6 =	sld [smem:$0x3FA8]  }
0x2c: {  	s7 =	sld [smem:$0x3FA9]  }
0x2d: {  	s3 =	simm.s32 $0x108;
	s8 =	sld [smem:$0x3FAA]  }
0x2e: {  	s3 =	simm.s32 @!p0 $0x1082;
	s9 =	sld [smem:$0x3FAB]  }
0x2f: {  	lr =	sadd.s32 s0, s3;
	s0 =	sld [smem:$0x3FA2]  }
0x30: {  	s3 =	sld [smem:$0x3FA5]  }
0x31: {  	[smem:$0x3FAE] =	sst s10  }
0x32: {  	s10 =	sld [smem:$0x3FAC];
	_ =	sdelay $0x3  }
0x33: {  	p0 =	seq.s32 s10, $0x1;
	s10 =	sld [smem:$0x3FAE];
	_ =	sdelay $0x3  }
0x34: {  	[smem:$0x3FAE] =	sst s10  }
0x35: {  	s10 =	sld [smem:$0x3FAD];
	_ =	sdelay $0x3  }
0x36: {  	p1 =	seq.s32 s10, $0x1;
	s10 =	sld [smem:$0x3FAE];
	_ =	sdelay $0x3  }
0x37: {  	[smem:$0x3FAE] =	sst s10  }
0x38: {  	s10 =	sld [smem:$0x3FAF]  }
0x39: {  	_ = 	snop;
	(pc) =	sbr.ind lr, $3  }
0x3a: {  	_ = 	snop  }
0x3b: {  	_ = 	snop  }
0x3c: {  	p2 =	seq.s32 s10, $0x1;
	s10 =	sld [smem:$0x3FAE]  }
0x3d: {  	_ =	shalt  }
0x3e: {  	_ =	shalt  }
0x3f: {  	_ =	shalt  }
0x40: {  	_ =	shalt  }
0x41: {  	_ =	shalt  }
0x42: {  	_ =	shalt  }
0x43: {  	_ =	shalt  }
0x44: {  	_ =	shalt  }
0x45: {  	_ =	shalt  }
0x46: {  	_ =	shalt  }
0x47: {  	_ =	shalt  }
0x48: {  	_ =	shalt  }
0x49: {  	_ =	shalt  }
0x4a: {  	_ =	shalt  }
0x4b: {  	_ =	shalt  }
0x4c: {  	_ =	shalt  }
0x4d: {  	_ =	shalt  }
0x4e: {  	_ =	shalt  }
0x4f: {  	_ =	shalt  }
0x50: {  	_ =	shalt  }
0x51: {  	_ =	shalt  }
0x52: {  	_ =	shalt  }
0x53: {  	_ =	shalt  }
0x54: {  	_ =	shalt  }
0x55: {  	_ =	shalt  }
0x56: {  	_ =	shalt  }
0x57: {  	_ =	shalt  }
0x58: {  	_ =	shalt  }
0x59: {  	_ =	shalt  }
0x5a: {  	_ =	shalt  }
0x5b: {  	_ =	shalt  }
0x5c: {  	_ =	shalt  }
0x5d: {  	_ =	shalt  }
0x5e: {  	_ =	shalt  }
0x5f: {  	_ =	shalt  }
0x60: {  	_ =	shalt  }
0x61: {  	_ =	shalt  }
0x62: {  	_ =	shalt  }
0x63: {  	_ =	shalt  }
0x64: {  	_ =	shalt  }
0x65: {  	_ =	shalt  }
0x66: {  	_ =	shalt  }
0x67: {  	_ =	shalt  }
0x68: {  	_ =	shalt  }
0x69: {  	_ =	shalt  }
0x6a: {  	_ =	shalt  }
0x6b: {  	_ =	shalt  }
0x6c: {  	_ =	shalt  }
0x6d: {  	_ =	shalt  }
0x6e: {  	_ =	shalt  }
0x6f: {  	_ =	shalt  }
0x70: {  	_ =	shalt  }
0x71: {  	_ =	shalt  }
0x72: {  	_ =	shalt  }
0x73: {  	_ =	shalt  }
0x74: {  	_ =	shalt  }
0x75: {  	_ =	shalt  }
0x76: {  	_ =	shalt  }
0x77: {  	_ =	shalt  }
0x78: {  	_ =	shalt  }
0x79: {  	_ =	shalt  }
0x7a: {  	_ =	shalt  }
0x7b: {  	_ =	shalt  }
0x7c: {  	_ =	shalt  }
0x7d: {  	_ =	shalt  }
0x7e: {  	_ =	shalt  }
0x7f: {  	_ =	shalt  }
0x80: {  	_ =	shalt  }
0x81: {  	_ =	shalt  }
0x82: {  	_ =	shalt  }
0x83: {  	_ =	shalt  }
0x84: {  	_ =	shalt  }
0x85: {  	_ =	shalt  }
0x86: {  	_ =	shalt  }
0x87: {  	_ =	shalt  }
.Lfunc_end0:
.L_simem_size_0:
called_computation_lowered:
.L_overlay_start_0:
0x88: {  	s2 =	sld [smem:$0x3FD9]  }
0x89: {  	s3 =	sld [smem:$0x3FFE];
	_ =	sdelay $0x1  }
0x8a: {  	s1 =	srdreg.scid  }
0x8b: {  	s0 =	sand.u32 $0x1, s1  }
0x8c: {  	s16 =	sshll.u32 s0, $0xA;
	s2 =	sadd.s32 s3, s2  }
0x8d: {  	s2 =	sadd.s32 s2, s16  }
0x8e: {  	[smem:$0x3FBA] =	sst s2  }
0x8f: {  	_ = 	snop  }
0x90: {  	(tm) =	ssettm $0x1  }
0x91: {  	s17 =	sld [smem:$0x3FFB];
	_ =	sdelay $0x3  }
0x92: {  	_ =	strace s17  }
0x93: {  	s2 =	sld [smem:$0x3FFC];
	_ =	sdelay $0x3  }
0x94: {  	_ =	strace s2  }
0x95: {  	s2 =	sld [smem:$0x3FFD];
	_ =	sdelay $0x3  }
0x96: {  	_ =	strace s2  }
0x97: {  	_ =	strace $0x8FFFFFFF  }
0x98: {  	s18 =	sld [smem:$0x3FDB];
	_ =	sdelay $0x1  }
0x99: {  	s19 =	simm.s32 $_scs_section_size  }
0x9a: {  	s4 =	simm.s32 $_size__tile_overlayer_lowered;
	s5 =	simm.s32 $_tile_overlayer_lowered  }
0x9b: {  	s22 =	simm.s32 $0x1BFF;
	s21 =	sshll.u32 s5, $0x1;
	s2 =	sadd.s32 s19, s18  }
0x9c: {  	s6 =	simm.s32 $0x0;
	s20 =	sshll.u32 s4, $0x1;
	s4 =	sadd.s32 s21, s2  }
0x9d: {  	[timem:s6], [sflag:s22] =	dma.local [hbm:s4], s20  }
0x9e: {  	_ =	swait.ge [sflag:s22], s20  }
0x9f: {  	s3 =	ssub.s32 $0x0, s20;
	[sflag:s22] =	ssyncset.done $0x0  }
0xa0: {  	[sflag:s22] =	ssyncadd.s32 s3;
	_ =	sdelay $0x1  }
0xa1: {  	s23 =	simm.s32 $0x1B8B  }
0xa2: {  	_ =	swait.ge [sflag:s23], $0x1  }
0xa3: {  	[sflag:s23] =	ssyncset.done $0x0  }
0xa4: {  	s25 =	simm.s32 $0x1B8E;
	s24 =	sld [smem:$0x3FFE];
	[sflag:s23] =	ssyncadd.s32 $0xFFFFFFFF  }
0xa5: {  	s26 =	simm.s32 $execute0_lowered;
	[smem:$0x3FD2] =	sst s25  }
0xa6: {  	s4 =	sshll.u32 s26, $0x1;
	_ =	strace $0x80000046;
	[dreg:$0x1] =	wrdreg $0xFFFFFFFF  }
0xa7: {  	s28 =	simm.s32 $_size_execute0_lowered;
	s2 =	sadd.s32 s2, s4;
	[dreg:$0x0] =	wrdreg $0x0  }
0xa8: {  	s4 =	sshll.u32 s28, $0x1;
	[dreg:$0x2] =	wrdreg s2  }
0xa9: {  	[dreg:$0x3] =	wrdreg s4  }
0xaa: {  	[dreg:$0x4] =	wrdreg $0xC0  }
0xab: {  	_ =	task [dreg:s6], $0x5FFFF  }
0xac: {  	[dreg:$0x1] =	wrdreg $0xFFFFFFFF  }
0xad: {  	[dreg:$0x0] =	wrdreg $0x60  }
0xae: {  	[dreg:$0x2] =	wrdreg s24  }
0xaf: {  	[dreg:$0x3] =	wrdreg $0x9  }
0xb0: {  	_ =	task.clear_ibuf [dreg:s6], $0x4FFFF;
	_ =	strace $0x90000046  }
0xb1: {  	s29 =	simm.s32 $0x9;
	_ =	strace $0x80000048  }
0xb2: {  	_ =	swait.ge [sflag:s29], $0x1  }
0xb3: {  	[sflag:s29] =	ssyncadd.s32 $0xFFFFFFFF  }
0xb4: {  	_ =	strace $0x90000048  }
0xb5: {  	_ =	sfence  }
0xb6: {  	s30 =	sld [smem:$0x0];
	_ =	sdelay $0x2  }
0xb7: {  	s31 =	sshll.u32 s1, $0xD;
	s1 =	sshrl.u32 s1, $0x2  }
0xb8: {  	s3 =	sand.u32 $0x4000, s31;
	s1 =	sadd.s32 s1, s30  }
0xb9: {  	s0 =	sor.u32 s3, s0;
	s1 =	sshll.u32 s1, $0x11  }
0xba: {  	s0 =	sor.u32 s1, s0  }
0xbb: {  	s0 =	sadd.s32 $0x8F2B, s0  }
0xbc: {  	[sflag:s0] =	ssyncadd.remote.s32 $0x1  }
0xbd: {  	_ =	sfence.sel $0xFFFF  }
0xbe: {  	[dreg:$0x0] =	wrdreg $0xFFFFFFFF;
	(pc) =	sbr.abs _section_cstart, $3  }
0xbf: {  	[dreg:$0x1] =	wrdreg $0xFFFFFFFF  }
0xc0: {  	_ =	task.clear_ibuf [dreg:s6], $0x2FFFF;
	_ =	strace $0x9FFFFFFF  }
0xc1: {  	(tm) =	ssettm $0x7FFFFFFF  }
tec
execute0_lowered:
.L_overlay_start_1:
0x0: {  	(tag) =	ssettag $0x1  }
0x1: {  	v63 =	vlaneseq.u32  }
0x2: {  	v1 =	vmul.u32 $0x80, v63  }
0x3: {  	s4 =	rddreg [dreg:$0x0];
	s2 =	simm.s32 $0x0  }
0x4: {  	[smem:$0x7FF] =	sst s2;
	v2 =	vor.u32 $0x1807, v1  }
0x5: {  	s0 =	rddreg [dreg:$0x1];
	_ =	strace $0x80000047;
	v0 =	vor.u32 $0x1, v1;
	[tilespmem:$0x1FCD0] =	vst v2  }
0x6: {  	v10 =	vor.u32 $0x2, v1;
	[tilespmem:$0x1FD50] =	vst v0  }
0x7: {  	v11 =	vor.u32 $0x3, v1;
	[tilespmem:$0x1FD60] =	vst v10  }
0x8: {  	v12 =	vor.u32 $0x4, v1;
	[tilespmem:$0x1FD70] =	vst v11  }
0x9: {  	v13 =	vor.u32 $0x5, v1;
	[tilespmem:$0x1FD80] =	vst v12  }
0xa: {  	v14 =	vor.u32 $0x6, v1;
	[tilespmem:$0x1FD90] =	vst v13  }
0xb: {  	v15 =	vor.u32 $0x7, v1;
	[tilespmem:$0x1FDA0] =	vst v14  }
0xc: {  	v16 =	vor.u32 $0x8, v1;
	[tilespmem:$0x1FDB0] =	vst v15  }
0xd: {  	v17 =	vor.u32 $0x9, v1;
	[tilespmem:$0x1FDC0] =	vst v16  }
0xe: {  	v19 =	vor.u32 $0xB, v1;
	[tilespmem:$0x1FDD0] =	vst v17  }
0xf: {  	v20 =	vor.u32 $0xC, v1;
	[tilespmem:$0x1FDE0] =	vst v19  }
0x10: {  	v21 =	vor.u32 $0xD, v1;
	[tilespmem:$0x1FDF0] =	vst v20  }
0x11: {  	v22 =	vor.u32 $0xE, v1;
	[tilespmem:$0x1FE00] =	vst v21  }
0x12: {  	v23 =	vor.u32 $0xF, v1;
	[tilespmem:$0x1FE10] =	vst v22  }
0x13: {  	v24 =	vor.u32 $0x800, v1;
	[tilespmem:$0x1FE20] =	vst v23  }
0x14: {  	v25 =	vor.u32 $0x801, v1;
	[tilespmem:$0x1FE30] =	vst v24  }
0x15: {  	v26 =	vor.u32 $0x802, v1;
	[tilespmem:$0x1FE40] =	vst v25  }
0x16: {  	v27 =	vor.u32 $0x803, v1;
	[tilespmem:$0x1FE50] =	vst v26  }
0x17: {  	v28 =	vor.u32 $0x804, v1;
	[tilespmem:$0x1FE60] =	vst v27  }
0x18: {  	v29 =	vor.u32 $0x805, v1;
	[tilespmem:$0x1FE70] =	vst v28  }
0x19: {  	v30 =	vor.u32 $0x806, v1;
	[tilespmem:$0x1FE80] =	vst v29  }
0x1a: {  	v31 =	vor.u32 $0x807, v1;
	[tilespmem:$0x1FE90] =	vst v30  }
0x1b: {  	v32 =	vor.u32 $0x808, v1;
	[tilespmem:$0x1FEA0] =	vst v31  }
0x1c: {  	v33 =	vor.u32 $0x809, v1;
	[tilespmem:$0x1FEB0] =	vst v32  }
0x1d: {  	v34 =	vor.u32 $0x80A, v1;
	[tilespmem:$0x1FEC0] =	vst v33  }
0x1e: {  	v35 =	vor.u32 $0x80B, v1;
	[tilespmem:$0x1FED0] =	vst v34  }
0x1f: {  	v36 =	vor.u32 $0x80C, v1;
	[tilespmem:$0x1FEE0] =	vst v35  }
0x20: {  	v37 =	vor.u32 $0x80D, v1;
	[tilespmem:$0x1FEF0] =	vst v36  }
0x21: {  	v38 =	vor.u32 $0x80E, v1;
	[tilespmem:$0x1FF00] =	vst v37  }
0x22: {  	v39 =	vor.u32 $0x80F, v1;
	[tilespmem:$0x1FF10] =	vst v38  }
0x23: {  	v40 =	vor.u32 $0x1000, v1;
	[tilespmem:$0x1FF20] =	vst v39  }
0x24: {  	v41 =	vor.u32 $0x1001, v1;
	[tilespmem:$0x1FF30] =	vst v40  }
0x25: {  	v42 =	vor.u32 $0x1002, v1;
	[tilespmem:$0x1FF40] =	vst v41  }
0x26: {  	v43 =	vor.u32 $0x1003, v1;
	[tilespmem:$0x1FF50] =	vst v42  }
0x27: {  	v44 =	vor.u32 $0x1004, v1;
	[tilespmem:$0x1FF60] =	vst v43  }
0x28: {  	v45 =	vor.u32 $0x1005, v1;
	[tilespmem:$0x1FF70] =	vst v44  }
0x29: {  	v46 =	vor.u32 $0x1006, v1;
	[tilespmem:$0x1FF80] =	vst v45  }
0x2a: {  	v47 =	vor.u32 $0x1007, v1;
	[tilespmem:$0x1FF90] =	vst v46  }
0x2b: {  	v48 =	vor.u32 $0x1008, v1;
	[tilespmem:$0x1FFA0] =	vst v47  }
0x2c: {  	v49 =	vor.u32 $0x1009, v1;
	[tilespmem:$0x1FFB0] =	vst v48  }
0x2d: {  	v50 =	vor.u32 $0x100A, v1;
	[tilespmem:$0x1FFC0] =	vst v49  }
0x2e: {  	v51 =	vor.u32 $0x100B, v1;
	[tilespmem:$0x1FFD0] =	vst v50  }
0x2f: {  	v53 =	vor.u32 $0x100D, v1;
	[tilespmem:$0x1FFE0] =	vst v51  }
0x30: {  	s3 =	srdreg.scid;
	s1 =	stileid.u32;
	s8 =	simm.s32 $0x80;
	v2 =	vor.u32 $0x1808, v1;
	[tilespmem:$0x1FFF0] =	vst v53  }
0x31: {  	s9 =	simm.s32 $0x2000;
	s10 =	simm.s32 $0x6000;
	s11 =	simm.s32 $0x1;
	[tilespmem:$0x1FCE0] =	vst v2;
	v2 =	vor.u32 $0x1809, v1  }
0x32: {  	s12 =	simm.s32 $0xA000;
	s3 =	sand.u32 $0x1, s3;
	s5 =	sshll.u32 s1, $0x1;
	[tilespmem:$0x1FCF0] =	vst v2;
	v2 =	vor.u32 $0x180A, v1  }
0x33: {  	s13 =	simm.s32 $0x2;
	s14 =	simm.s32 $0x0;
	s5 =	sor.u32 s3, s5;
	v18 =	vor.u32 $0xA, v1;
	v52 =	vor.u32 $0x100C, v1;
	[tilespmem:$0x1FD00] =	vst v2;
	v2 =	vor.u32 $0x180B, v1  }
0x34: {  	s7 =	ssub.s32 $0x2, s3;
	s3 =	sadd.s32 $0x27AE000, s4;
	s6 =	sshll.u32 s5, $0x9;
	v54 =	vor.u32 $0x100E, v1;
	v55 =	vor.u32 $0x100F, v1;
	[tilespmem:$0x1FD10] =	vst v2;
	v2 =	vor.u32 $0x180C, v1  }
0x35: {  	s5 =	sshll.u32 s5, $0xD;
	s31 =	sshrl.u32 s7, $0x1;
	v56 =	vor.u32 $0x1800, v1;
	v57 =	vor.u32 $0x1801, v1;
	s6 =	sadd.s32 s6, s4;
	[tilespmem:$0x1FD20] =	vst v2;
	v2 =	vor.u32 $0x180D, v1  }
0x36: {  	v58 =	vor.u32 $0x1802, v1;
	v59 =	vor.u32 $0x1803, v1;
	s5 =	sadd.s32 s5, s4;
	s7 =	ssub.s32 s7, s31;
	s4 =	sadd.s32 $0x1C00, s6;
	[tilespmem:$0x1FD30] =	vst v2;
	v2 =	vor.u32 $0x180E, v1  }
0x37: {  	v60 =	vor.u32 $0x1804, v1;
	v61 =	vor.u32 $0x1805, v1;
	v62 =	vor.u32 $0x1806, v1;
	s5 =	sadd.s32 $0x5C00, s5;
	s6 =	smax.u32 s7, $0x1;
	s7 =	simm.s32 $0x3;
	[tilespmem:$0x1FD40] =	vst v2  }
.LBB2_1:
0x38: {  	[tilespmem:s2], [sflag:$0x3] =	stream.linear.gather [hbm4b:s4+s2], $0x1000, $0x38;
	[tilespmem:$0x1A000] =	vst v63  }
0x39: {  	_ =	swait.ge [sflag:s7], $0x1000  }
0x3a: {  	[sflag:s7] =	ssyncset.done $0x0  }
0x3b: {  	s16 =	simm.s32 $0x0;
	[sflag:s7] =	ssyncadd.s32 $0xFFFFF000  }
0x3c: {  	v3 =	vld [tilespmem:s16+$0x70]  }
0x3d: {  	v6 =	vld [tilespmem:s16+$0x0]  }
0x3e: {  	v7 =	vld [tilespmem:s16+$0x10]  }
0x3f: {  	v5 =	vld [tilespmem:s16+$0x20]  }
0x40: {  	v4 =	vld [tilespmem:s16+$0x30]  }
0x41: {  	v2 =	vld [tilespmem:s16+$0x40];
	v8 =	vshrl.u32 v3, $0x3  }
0x42: {  	v3 =	vld [tilespmem:s16+$0x50];
	v6 =	vshrl.u32 v6, $0x3;
	[tilespmem:s16+$0x1070] =	vst v8  }
0x43: {  	s15 =	simm.s32 $0x80;
	s17 =	simm.s32 $0x400;
	v7 =	vshrl.u32 v7, $0x3;
	[tilespmem:s16+$0x1000] =	vst v6;
	v6 =	vld [tilespmem:s16+$0x60]  }
.LBB2_2:
0x44: {  	p0 =	sne.s32 s17, $0x3200;
	v8 =	vld [tilespmem:s15+$0x70];
	[tilespmem:s16+$0x1010] =	vst v7;
	v5 =	vshrl.u32 v5, $0x3  }
0x45: {  	v7 =	vld [tilespmem:s15+$0x0];
	[tilespmem:s16+$0x1020] =	vst v5;
	v4 =	vshrl.u32 v4, $0x3  }
0x46: {  	v9 =	vld [tilespmem:s15+$0x10];
	[tilespmem:s16+$0x1030] =	vst v4;
	v2 =	vshrl.u32 v2, $0x3  }
.Ltmp0:
0x47: {  	v5 =	vld [tilespmem:s15+$0x20];
	[tilespmem:s16+$0x1040] =	vst v2;
	v2 =	vshrl.u32 v3, $0x3;
	(pc) =	sbr.rel @p0 .LBB2_2-.Ltmp0, $4  }
0x48: {  	v4 =	vld [tilespmem:s15+$0x30];
	[tilespmem:s16+$0x1050] =	vst v2;
	v3 =	vshrl.u32 v6, $0x3  }
0x49: {  	v2 =	vld [tilespmem:s15+$0x40];
	v6 =	vshrl.u32 v8, $0x3;
	[tilespmem:s16+$0x1060] =	vst v3;
	s16 =	smov.u32 s15  }
0x4a: {  	v7 =	vshrl.u32 v7, $0x3;
	v3 =	vld [tilespmem:s16+$0x50];
	[tilespmem:s16+$0x1070] =	vst v6  }
0x4b: {  	s15 =	sshra.s32 s17, $0x2;
	s17 =	sadd.s32 $0x200, s17;
	[tilespmem:s16+$0x1000] =	vst v7;
	v7 =	vshrl.u32 v9, $0x3;
	v6 =	vld [tilespmem:s16+$0x60]  }
0x4c: {  	v8 =	vld [tilespmem:s15+$0x70];
	[tilespmem:s16+$0x1010] =	vst v7;
	v5 =	vshrl.u32 v5, $0x3  }
0x4d: {  	v7 =	vld [tilespmem:s15+$0x0];
	[tilespmem:s16+$0x1020] =	vst v5;
	v4 =	vshrl.u32 v4, $0x3  }
0x4e: {  	v5 =	vld [tilespmem:s15+$0x10];
	[tilespmem:s16+$0x1030] =	vst v4;
	v2 =	vshrl.u32 v2, $0x3  }
0x4f: {  	v4 =	vld [tilespmem:s15+$0x20];
	[tilespmem:s16+$0x1040] =	vst v2;
	v2 =	vshrl.u32 v3, $0x3  }
0x50: {  	v3 =	vld [tilespmem:s15+$0x30];
	[tilespmem:s16+$0x1050] =	vst v2;
	v2 =	vshrl.u32 v6, $0x3  }
0x51: {  	v6 =	vld [tilespmem:s15+$0x40];
	[tilespmem:s16+$0x1060] =	vst v2;
	v2 =	vshrl.u32 v8, $0x3  }
0x52: {  	v8 =	vld [tilespmem:s15+$0x50];
	v7 =	vshrl.u32 v7, $0x3;
	[tilespmem:s15+$0x1070] =	vst v2  }
0x53: {  	[tilespmem:s15+$0x1000] =	vst v7;
	v2 =	vshrl.u32 v5, $0x3;
	v5 =	vld [tilespmem:s15+$0x60]  }
0x54: {  	[tilespmem:s15+$0x1010] =	vst v2;
	v2 =	vshrl.u32 v4, $0x3  }
0x55: {  	[tilespmem:s15+$0x1020] =	vst v2;
	v2 =	vshrl.u32 v3, $0x3  }
0x56: {  	[tilespmem:s15+$0x1030] =	vst v2;
	v2 =	vshrl.u32 v6, $0x3  }
0x57: {  	[tilespmem:s15+$0x1040] =	vst v2;
	v2 =	vshrl.u32 v8, $0x3  }
0x58: {  	[tilespmem:s15+$0x1050] =	vst v2;
	v2 =	vshrl.u32 v5, $0x3  }
0x59: {  	s17 =	simm.s32 $0x80;
	s16 =	simm.s32 $0x1000;
	[tilespmem:s15+$0x1060] =	vst v2;
	s15 =	simm.s32 $0x0  }
.LBB2_4:
0x5a: {  	[tilespmem:s9], [sflag:$0x1] =	stream.indirect.gather [hbm4b:s3+s8], $0x80, s16, s8, $0xb8;
	[tilespmem:$0x1A000] =	vst v63  }
0x5b: {  	s18 =	sadd.s32 $0x80, s16  }
0x5c: {  	[tilespmem:s10], [sflag:$0x2] =	stream.indirect.gather [hbm4b:s3+s8], $0x80, s18, s8, $0xb8;
	[tilespmem:$0x1A000] =	vst v63  }
0x5d: {  	_ =	swait.ge [sflag:s11], $0x4000  }
0x5e: {  	[sflag:s11] =	ssyncset.done $0x0  }
0x5f: {  	[sflag:s11] =	ssyncadd.s32 $0xFFFFC000  }
0x60: {  	v2 =	vld [tilespmem:s17+$0xFFFFFF80];
	_ =	sdelay $0x1  }
0x61: {  	v3 =	vor.u32 s15, v63  }
0x62: {  	v4 =	vmul.u32 $0x4EC5, v3;
	_ =	sdelay $0x1  }
0x63: {  	v5 =	vshrl.u32 v4, $0x13;
	v2 =	vshll.u32 v2, $0x4  }
0x64: {  	v5 =	vmul.u32 $0xFFFFFE6, v5;
	v2 =	vand.u32 $0x70, v2  }
0x65: {  	v6 =	vor.u32 v1, v2  }
0x66: {  	v7 =	vshrl.u32 v4, $0xA;
	v4 =	vshrl.u32 v4, $0xC;
	v3 =	vadd.s32 v3, v5  }
0x67: {  	v7 =	vand.u32 $0x1FF000, v7;
	v5 =	vshll.u32 v3, $0x4;
	v3 =	vshll.u32 v3, $0x7  }
0x68: {  	v4 =	vand.u32 $0x380, v4;
	v5 =	vand.u32 $0x70, v5;
	v3 =	vand.u32 $0xFFFFFC00, v3  }
0x69: {  	v3 =	vadd.s32 v7, v3;
	v4 =	vor.u32 v4, v5  }
0x6a: {  	v3 =	vor.u32 v3, v4;
	v5 =	vld.idx.msk [tilespmem:v6+s9+$0x0], $0xffff  }
0x6b: {  	v4 =	vor.u32 v0, v2;
	_ =	sdelay $0x3  }
0x6c: {  	[tilespmem:v3+s12+$0x0] =	vst.idx.msk $0xffff, v5  }
0x6d: {  	v5 =	vor.u32 $0x1, v3;
	v4 =	vld.idx.msk [tilespmem:v4+s9+$0x0], $0xffff  }
0x6e: {  	v6 =	vor.u32 v10, v2;
	_ =	sdelay $0x3  }
0x6f: {  	[tilespmem:v5+s12+$0x0] =	vst.idx.msk $0xffff, v4  }
0x70: {  	v5 =	vor.u32 $0x2, v3;
	v4 =	vld.idx.msk [tilespmem:v6+s9+$0x0], $0xffff  }
0x71: {  	v6 =	vor.u32 v11, v2;
	_ =	sdelay $0x3  }
0x72: {  	[tilespmem:v5+s12+$0x0] =	vst.idx.msk $0xffff, v4  }
0x73: {  	v5 =	vor.u32 $0x3, v3;
	v4 =	vld.idx.msk [tilespmem:v6+s9+$0x0], $0xffff  }
0x74: {  	v6 =	vor.u32 v12, v2;
	_ =	sdelay $0x3  }
0x75: {  	[tilespmem:v5+s12+$0x0] =	vst.idx.msk $0xffff, v4  }
0x76: {  	v5 =	vor.u32 $0x4, v3;
	v4 =	vld.idx.msk [tilespmem:v6+s9+$0x0], $0xffff  }
0x77: {  	v6 =	vor.u32 v13, v2;
	_ =	sdelay $0x3  }
0x78: {  	[tilespmem:v5+s12+$0x0] =	vst.idx.msk $0xffff, v4  }
0x79: {  	v5 =	vor.u32 $0x5, v3;
	v4 =	vld.idx.msk [tilespmem:v6+s9+$0x0], $0xffff  }
0x7a: {  	v6 =	vor.u32 v14, v2;
	_ =	sdelay $0x3  }
0x7b: {  	[tilespmem:v5+s12+$0x0] =	vst.idx.msk $0xffff, v4  }
0x7c: {  	v5 =	vor.u32 $0x6, v3;
	v4 =	vld.idx.msk [tilespmem:v6+s9+$0x0], $0xffff  }
0x7d: {  	v6 =	vor.u32 v15, v2;
	_ =	sdelay $0x3  }
0x7e: {  	[tilespmem:v5+s12+$0x0] =	vst.idx.msk $0xffff, v4  }
0x7f: {  	v5 =	vor.u32 $0x7, v3;
	v4 =	vld.idx.msk [tilespmem:v6+s9+$0x0], $0xffff  }
0x80: {  	v6 =	vor.u32 v16, v2;
	_ =	sdelay $0x3  }
0x81: {  	[tilespmem:v5+s12+$0x0] =	vst.idx.msk $0xffff, v4  }
0x82: {  	v5 =	vor.u32 $0x8, v3;
	v4 =	vld.idx.msk [tilespmem:v6+s9+$0x0], $0xffff  }
0x83: {  	v6 =	vor.u32 v17, v2;
	_ =	sdelay $0x3  }
0x84: {  	[tilespmem:v5+s12+$0x0] =	vst.idx.msk $0xffff, v4  }
0x85: {  	v5 =	vor.u32 $0x9, v3;
	v4 =	vld.idx.msk [tilespmem:v6+s9+$0x0], $0xffff  }
0x86: {  	v6 =	vor.u32 v18, v2;
	_ =	sdelay $0x3  }
0x87: {  	[tilespmem:v5+s12+$0x0] =	vst.idx.msk $0xffff, v4  }
0x88: {  	v5 =	vor.u32 $0xA, v3;
	v4 =	vld.idx.msk [tilespmem:v6+s9+$0x0], $0xffff  }
0x89: {  	v6 =	vor.u32 v19, v2;
	_ =	sdelay $0x3  }
0x8a: {  	[tilespmem:v5+s12+$0x0] =	vst.idx.msk $0xffff, v4  }
0x8b: {  	v5 =	vor.u32 $0xB, v3;
	v4 =	vld.idx.msk [tilespmem:v6+s9+$0x0], $0xffff  }
0x8c: {  	v6 =	vor.u32 v20, v2;
	_ =	sdelay $0x3  }
0x8d: {  	[tilespmem:v5+s12+$0x0] =	vst.idx.msk $0xffff, v4  }
0x8e: {  	v5 =	vor.u32 $0xC, v3;
	v4 =	vld.idx.msk [tilespmem:v6+s9+$0x0], $0xffff  }
0x8f: {  	v6 =	vor.u32 v21, v2;
	_ =	sdelay $0x3  }
0x90: {  	[tilespmem:v5+s12+$0x0] =	vst.idx.msk $0xffff, v4  }
0x91: {  	v5 =	vor.u32 $0xD, v3;
	v4 =	vld.idx.msk [tilespmem:v6+s9+$0x0], $0xffff  }
0x92: {  	v6 =	vor.u32 v22, v2;
	_ =	sdelay $0x3  }
0x93: {  	[tilespmem:v5+s12+$0x0] =	vst.idx.msk $0xffff, v4  }
0x94: {  	v5 =	vor.u32 $0xE, v3;
	v4 =	vld.idx.msk [tilespmem:v6+s9+$0x0], $0xffff  }
0x95: {  	v2 =	vor.u32 v23, v2;
	_ =	sdelay $0x3  }
0x96: {  	[tilespmem:v5+s12+$0x0] =	vst.idx.msk $0xffff, v4  }
0x97: {  	v3 =	vor.u32 $0xF, v3;
	v2 =	vld.idx.msk [tilespmem:v2+s9+$0x0], $0xffff;
	_ =	sdelay $0x4  }
0x98: {  	[tilespmem:v3+s12+$0x0] =	vst.idx.msk $0xffff, v2  }
0x99: {  	v2 =	vld [tilespmem:s17+$0xFFFFFF90]  }
0x9a: {  	s29 =	sadd.s32 $0x10, s15  }
0x9b: {  	v3 =	vor.u32 s29, v63  }
0x9c: {  	v4 =	vmul.u32 $0x4EC5, v3;
	_ =	sdelay $0x1  }
0x9d: {  	v5 =	vshrl.u32 v4, $0x13;
	v2 =	vshll.u32 v2, $0x4  }
0x9e: {  	v5 =	vmul.u32 $0xFFFFFE6, v5;
	v2 =	vand.u32 $0x70, v2  }
0x9f: {  	v6 =	vor.u32 v24, v2  }
0xa0: {  	v7 =	vshrl.u32 v4, $0xA;
	v4 =	vshrl.u32 v4, $0xC;
	v3 =	vadd.s32 v3, v5  }
0xa1: {  	v7 =	vand.u32 $0x1FF000, v7;
	v5 =	vshll.u32 v3, $0x4;
	v3 =	vshll.u32 v3, $0x7  }
0xa2: {  	v4 =	vand.u32 $0x380, v4;
	v5 =	vand.u32 $0x70, v5;
	v3 =	vand.u32 $0xFFFFFC00, v3  }
0xa3: {  	v3 =	vadd.s32 v7, v3;
	v4 =	vor.u32 v4, v5  }
0xa4: {  	v3 =	vor.u32 v3, v4;
	v5 =	vld.idx.msk [tilespmem:v6+s9+$0x0], $0xffff  }
0xa5: {  	v4 =	vor.u32 v25, v2;
	_ =	sdelay $0x3  }
0xa6: {  	[tilespmem:v3+s12+$0x0] =	vst.idx.msk $0xffff, v5  }
0xa7: {  	v5 =	vor.u32 $0x1, v3;
	v4 =	vld.idx.msk [tilespmem:v4+s9+$0x0], $0xffff  }
0xa8: {  	v6 =	vor.u32 v26, v2;
	_ =	sdelay $0x3  }
0xa9: {  	[tilespmem:v5+s12+$0x0] =	vst.idx.msk $0xffff, v4  }
0xaa: {  	v5 =	vor.u32 $0x2, v3;
	v4 =	vld.idx.msk [tilespmem:v6+s9+$0x0], $0xffff  }
0xab: {  	v6 =	vor.u32 v27, v2;
	_ =	sdelay $0x3  }
0xac: {  	[tilespmem:v5+s12+$0x0] =	vst.idx.msk $0xffff, v4  }
0xad: {  	v5 =	vor.u32 $0x3, v3;
	v4 =	vld.idx.msk [tilespmem:v6+s9+$0x0], $0xffff  }
0xae: {  	v6 =	vor.u32 v28, v2;
	_ =	sdelay $0x3  }
0xaf: {  	[tilespmem:v5+s12+$0x0] =	vst.idx.msk $0xffff, v4  }
0xb0: {  	v5 =	vor.u32 $0x4, v3;
	v4 =	vld.idx.msk [tilespmem:v6+s9+$0x0], $0xffff  }
0xb1: {  	v6 =	vor.u32 v29, v2;
	_ =	sdelay $0x3  }
0xb2: {  	[tilespmem:v5+s12+$0x0] =	vst.idx.msk $0xffff, v4  }
0xb3: {  	v5 =	vor.u32 $0x5, v3;
	v4 =	vld.idx.msk [tilespmem:v6+s9+$0x0], $0xffff  }
0xb4: {  	v6 =	vor.u32 v30, v2;
	_ =	sdelay $0x3  }
0xb5: {  	[tilespmem:v5+s12+$0x0] =	vst.idx.msk $0xffff, v4  }
0xb6: {  	v5 =	vor.u32 $0x6, v3;
	v4 =	vld.idx.msk [tilespmem:v6+s9+$0x0], $0xffff  }
0xb7: {  	v6 =	vor.u32 v31, v2;
	_ =	sdelay $0x3  }
0xb8: {  	[tilespmem:v5+s12+$0x0] =	vst.idx.msk $0xffff, v4  }
0xb9: {  	v5 =	vor.u32 $0x7, v3;
	v4 =	vld.idx.msk [tilespmem:v6+s9+$0x0], $0xffff  }
0xba: {  	v32 =	vor.u32 v32, v2;
	_ =	sdelay $0x3  }
0xbb: {  	[tilespmem:v5+s12+$0x0] =	vst.idx.msk $0xffff, v4  }
0xbc: {  	v5 =	vor.u32 $0x8, v3;
	v4 =	vld.idx.msk [tilespmem:v32+s9+$0x0], $0xffff  }
0xbd: {  	v32 =	vor.u32 v33, v2;
	_ =	sdelay $0x3  }
0xbe: {  	[tilespmem:v5+s12+$0x0] =	vst.idx.msk $0xffff, v4  }
0xbf: {  	v33 =	vor.u32 $0x9, v3;
	v4 =	vld.idx.msk [tilespmem:v32+s9+$0x0], $0xffff  }
0xc0: {  	v34 =	vor.u32 v34, v2;
	_ =	sdelay $0x3  }
0xc1: {  	[tilespmem:v33+s12+$0x0] =	vst.idx.msk $0xffff, v4  }
0xc2: {  	v32 =	vor.u32 $0xA, v3;
	v4 =	vld.idx.msk [tilespmem:v34+s9+$0x0], $0xffff  }
0xc3: {  	v33 =	vor.u32 v35, v2;
	_ =	sdelay $0x3  }
0xc4: {  	[tilespmem:v32+s12+$0x0] =	vst.idx.msk $0xffff, v4  }
0xc5: {  	v34 =	vor.u32 $0xB, v3;
	v4 =	vld.idx.msk [tilespmem:v33+s9+$0x0], $0xffff  }
0xc6: {  	v35 =	vor.u32 v36, v2;
	_ =	sdelay $0x3  }
0xc7: {  	[tilespmem:v34+s12+$0x0] =	vst.idx.msk $0xffff, v4  }
0xc8: {  	v36 =	vor.u32 $0xC, v3;
	v4 =	vld.idx.msk [tilespmem:v35+s9+$0x0], $0xffff  }
0xc9: {  	v32 =	vor.u32 v37, v2;
	_ =	sdelay $0x3  }
0xca: {  	[tilespmem:v36+s12+$0x0] =	vst.idx.msk $0xffff, v4  }
0xcb: {  	v33 =	vor.u32 $0xD, v3;
	v4 =	vld.idx.msk [tilespmem:v32+s9+$0x0], $0xffff  }
0xcc: {  	v34 =	vor.u32 v38, v2;
	_ =	sdelay $0x3  }
0xcd: {  	[tilespmem:v33+s12+$0x0] =	vst.idx.msk $0xffff, v4  }
0xce: {  	v35 =	vor.u32 $0xE, v3;
	v4 =	vld.idx.msk [tilespmem:v34+s9+$0x0], $0xffff  }
0xcf: {  	v2 =	vor.u32 v39, v2;
	_ =	sdelay $0x3  }
0xd0: {  	[tilespmem:v35+s12+$0x0] =	vst.idx.msk $0xffff, v4  }
0xd1: {  	v3 =	vor.u32 $0xF, v3;
	v2 =	vld.idx.msk [tilespmem:v2+s9+$0x0], $0xffff;
	_ =	sdelay $0x4  }
0xd2: {  	[tilespmem:v3+s12+$0x0] =	vst.idx.msk $0xffff, v2  }
0xd3: {  	v2 =	vld [tilespmem:s17+$0xFFFFFFA0]  }
0xd4: {  	s30 =	sadd.s32 $0x20, s15  }
0xd5: {  	v3 =	vor.u32 s30, v63  }
0xd6: {  	v36 =	vmul.u32 $0x4EC5, v3;
	_ =	sdelay $0x1  }
0xd7: {  	v37 =	vshrl.u32 v36, $0x13;
	v2 =	vshll.u32 v2, $0x4  }
0xd8: {  	v5 =	vmul.u32 $0xFFFFFE6, v37;
	v2 =	vand.u32 $0x70, v2  }
0xd9: {  	v38 =	vor.u32 v40, v2  }
0xda: {  	v39 =	vshrl.u32 v36, $0xA;
	v4 =	vshrl.u32 v36, $0xC;
	v3 =	vadd.s32 v3, v5  }
0xdb: {  	v7 =	vand.u32 $0x1FF000, v39;
	v5 =	vshll.u32 v3, $0x4;
	v3 =	vshll.u32 v3, $0x7  }
0xdc: {  	v4 =	vand.u32 $0x380, v4;
	v5 =	vand.u32 $0x70, v5;
	v3 =	vand.u32 $0xFFFFFC00, v3  }
0xdd: {  	v3 =	vadd.s32 v7, v3;
	v4 =	vor.u32 v4, v5  }
0xde: {  	v3 =	vor.u32 v3, v4;
	v40 =	vld.idx.msk [tilespmem:v38+s9+$0x0], $0xffff  }
0xdf: {  	v32 =	vor.u32 v41, v2;
	_ =	sdelay $0x3  }
0xe0: {  	[tilespmem:v3+s12+$0x0] =	vst.idx.msk $0xffff, v40  }
0xe1: {  	v33 =	vor.u32 $0x1, v3;
	v4 =	vld.idx.msk [tilespmem:v32+s9+$0x0], $0xffff  }
0xe2: {  	v34 =	vor.u32 v42, v2;
	_ =	sdelay $0x3  }
0xe3: {  	[tilespmem:v33+s12+$0x0] =	vst.idx.msk $0xffff, v4  }
0xe4: {  	v35 =	vor.u32 $0x2, v3;
	v4 =	vld.idx.msk [tilespmem:v34+s9+$0x0], $0xffff  }
0xe5: {  	v36 =	vor.u32 v43, v2;
	_ =	sdelay $0x3  }
0xe6: {  	[tilespmem:v35+s12+$0x0] =	vst.idx.msk $0xffff, v4  }
0xe7: {  	v37 =	vor.u32 $0x3, v3;
	v4 =	vld.idx.msk [tilespmem:v36+s9+$0x0], $0xffff  }
0xe8: {  	v38 =	vor.u32 v44, v2;
	_ =	sdelay $0x3  }
0xe9: {  	[tilespmem:v37+s12+$0x0] =	vst.idx.msk $0xffff, v4  }
0xea: {  	v39 =	vor.u32 $0x4, v3;
	v4 =	vld.idx.msk [tilespmem:v38+s9+$0x0], $0xffff  }
0xeb: {  	v40 =	vor.u32 v45, v2;
	_ =	sdelay $0x3  }
0xec: {  	[tilespmem:v39+s12+$0x0] =	vst.idx.msk $0xffff, v4  }
0xed: {  	v41 =	vor.u32 $0x5, v3;
	v4 =	vld.idx.msk [tilespmem:v40+s9+$0x0], $0xffff  }
0xee: {  	v42 =	vor.u32 v46, v2;
	_ =	sdelay $0x3  }
0xef: {  	[tilespmem:v41+s12+$0x0] =	vst.idx.msk $0xffff, v4  }
0xf0: {  	v43 =	vor.u32 $0x6, v3;
	v4 =	vld.idx.msk [tilespmem:v42+s9+$0x0], $0xffff  }
0xf1: {  	v44 =	vor.u32 v47, v2;
	_ =	sdelay $0x3  }
0xf2: {  	[tilespmem:v43+s12+$0x0] =	vst.idx.msk $0xffff, v4  }
0xf3: {  	v45 =	vor.u32 $0x7, v3;
	v4 =	vld.idx.msk [tilespmem:v44+s9+$0x0], $0xffff  }
0xf4: {  	v46 =	vor.u32 v48, v2;
	_ =	sdelay $0x3  }
0xf5: {  	[tilespmem:v45+s12+$0x0] =	vst.idx.msk $0xffff, v4  }
0xf6: {  	v47 =	vor.u32 $0x8, v3;
	v4 =	vld.idx.msk [tilespmem:v46+s9+$0x0], $0xffff  }
0xf7: {  	v48 =	vor.u32 v49, v2;
	_ =	sdelay $0x3  }
0xf8: {  	[tilespmem:v47+s12+$0x0] =	vst.idx.msk $0xffff, v4  }
0xf9: {  	v49 =	vor.u32 $0x9, v3;
	v4 =	vld.idx.msk [tilespmem:v48+s9+$0x0], $0xffff  }
0xfa: {  	v32 =	vor.u32 v50, v2;
	_ =	sdelay $0x3  }
0xfb: {  	[tilespmem:v49+s12+$0x0] =	vst.idx.msk $0xffff, v4  }
0xfc: {  	v33 =	vor.u32 $0xA, v3;
	v4 =	vld.idx.msk [tilespmem:v32+s9+$0x0], $0xffff  }
0xfd: {  	v34 =	vor.u32 v51, v2;
	_ =	sdelay $0x3  }
0xfe: {  	[tilespmem:v33+s12+$0x0] =	vst.idx.msk $0xffff, v4  }
0xff: {  	v35 =	vor.u32 $0xB, v3;
	v4 =	vld.idx.msk [tilespmem:v34+s9+$0x0], $0xffff  }
0x100: {  	v36 =	vor.u32 v52, v2;
	_ =	sdelay $0x3  }
0x101: {  	[tilespmem:v35+s12+$0x0] =	vst.idx.msk $0xffff, v4  }
0x102: {  	v37 =	vor.u32 $0xC, v3;
	v4 =	vld.idx.msk [tilespmem:v36+s9+$0x0], $0xffff  }
0x103: {  	v38 =	vor.u32 v53, v2;
	_ =	sdelay $0x3  }
0x104: {  	[tilespmem:v37+s12+$0x0] =	vst.idx.msk $0xffff, v4  }
0x105: {  	v39 =	vor.u32 $0xD, v3;
	v4 =	vld.idx.msk [tilespmem:v38+s9+$0x0], $0xffff  }
0x106: {  	v40 =	vor.u32 v54, v2;
	_ =	sdelay $0x3  }
0x107: {  	[tilespmem:v39+s12+$0x0] =	vst.idx.msk $0xffff, v4  }
0x108: {  	v41 =	vor.u32 $0xE, v3;
	v4 =	vld.idx.msk [tilespmem:v40+s9+$0x0], $0xffff  }
0x109: {  	v2 =	vor.u32 v55, v2;
	_ =	sdelay $0x3  }
0x10a: {  	[tilespmem:v41+s12+$0x0] =	vst.idx.msk $0xffff, v4  }
0x10b: {  	v3 =	vor.u32 $0xF, v3;
	v2 =	vld.idx.msk [tilespmem:v2+s9+$0x0], $0xffff;
	_ =	sdelay $0x4  }
0x10c: {  	[tilespmem:v3+s12+$0x0] =	vst.idx.msk $0xffff, v2  }
0x10d: {  	v2 =	vld [tilespmem:s17+$0xFFFFFFB0]  }
0x10e: {  	s31 =	sadd.s32 $0x30, s15  }
0x10f: {  	v3 =	vor.u32 s31, v63  }
0x110: {  	v42 =	vmul.u32 $0x4EC5, v3;
	_ =	sdelay $0x1  }
0x111: {  	v43 =	vshrl.u32 v42, $0x13;
	v2 =	vshll.u32 v2, $0x4  }
0x112: {  	v5 =	vmul.u32 $0xFFFFFE6, v43;
	v2 =	vand.u32 $0x70, v2  }
0x113: {  	v44 =	vor.u32 v56, v2  }
0x114: {  	v45 =	vshrl.u32 v42, $0xA;
	v4 =	vshrl.u32 v42, $0xC;
	v3 =	vadd.s32 v3, v5  }
0x115: {  	v7 =	vand.u32 $0x1FF000, v45;
	v5 =	vshll.u32 v3, $0x4;
	v3 =	vshll.u32 v3, $0x7  }
0x116: {  	v4 =	vand.u32 $0x380, v4;
	v5 =	vand.u32 $0x70, v5;
	v3 =	vand.u32 $0xFFFFFC00, v3  }
0x117: {  	v3 =	vadd.s32 v7, v3;
	v4 =	vor.u32 v4, v5  }
0x118: {  	v3 =	vor.u32 v3, v4;
	v46 =	vld.idx.msk [tilespmem:v44+s9+$0x0], $0xffff  }
0x119: {  	v47 =	vor.u32 v57, v2;
	_ =	sdelay $0x3  }
0x11a: {  	[tilespmem:v3+s12+$0x0] =	vst.idx.msk $0xffff, v46  }
0x11b: {  	v48 =	vor.u32 $0x1, v3;
	v4 =	vld.idx.msk [tilespmem:v47+s9+$0x0], $0xffff  }
0x11c: {  	v49 =	vor.u32 v58, v2;
	_ =	sdelay $0x3  }
0x11d: {  	[tilespmem:v48+s12+$0x0] =	vst.idx.msk $0xffff, v4  }
0x11e: {  	v50 =	vor.u32 $0x2, v3;
	v4 =	vld.idx.msk [tilespmem:v49+s9+$0x0], $0xffff  }
0x11f: {  	v51 =	vor.u32 v59, v2;
	_ =	sdelay $0x3  }
0x120: {  	[tilespmem:v50+s12+$0x0] =	vst.idx.msk $0xffff, v4  }
0x121: {  	v53 =	vor.u32 $0x3, v3;
	v4 =	vld.idx.msk [tilespmem:v51+s9+$0x0], $0xffff  }
0x122: {  	v32 =	vor.u32 v60, v2;
	_ =	sdelay $0x3  }
0x123: {  	[tilespmem:v53+s12+$0x0] =	vst.idx.msk $0xffff, v4  }
0x124: {  	v33 =	vor.u32 $0x4, v3;
	v4 =	vld.idx.msk [tilespmem:v32+s9+$0x0], $0xffff  }
0x125: {  	v34 =	vor.u32 v61, v2;
	_ =	sdelay $0x3  }
0x126: {  	[tilespmem:v33+s12+$0x0] =	vst.idx.msk $0xffff, v4  }
0x127: {  	v35 =	vor.u32 $0x5, v3;
	v4 =	vld.idx.msk [tilespmem:v34+s9+$0x0], $0xffff  }
0x128: {  	v36 =	vor.u32 v62, v2  }
0x129: {  	v0 =	vld [tilespmem:$0x1FCD0];
	_ =	sdelay $0x2  }
0x12a: {  	[tilespmem:v35+s12+$0x0] =	vst.idx.msk $0xffff, v4  }
0x12b: {  	v37 =	vor.u32 $0x6, v3;
	v4 =	vld.idx.msk [tilespmem:v36+s9+$0x0], $0xffff  }
0x12c: {  	v38 =	vor.u32 v0, v2  }
0x12d: {  	v0 =	vld [tilespmem:$0x1FCE0];
	_ =	sdelay $0x2  }
0x12e: {  	[tilespmem:v37+s12+$0x0] =	vst.idx.msk $0xffff, v4  }
0x12f: {  	v39 =	vor.u32 $0x7, v3;
	v4 =	vld.idx.msk [tilespmem:v38+s9+$0x0], $0xffff  }
0x130: {  	v40 =	vor.u32 v0, v2  }
0x131: {  	v0 =	vld [tilespmem:$0x1FCF0];
	_ =	sdelay $0x2  }
0x132: {  	[tilespmem:v39+s12+$0x0] =	vst.idx.msk $0xffff, v4  }
0x133: {  	v41 =	vor.u32 $0x8, v3;
	v4 =	vld.idx.msk [tilespmem:v40+s9+$0x0], $0xffff  }
0x134: {  	v42 =	vor.u32 v0, v2  }
0x135: {  	v0 =	vld [tilespmem:$0x1FD00];
	_ =	sdelay $0x2  }
0x136: {  	[tilespmem:v41+s12+$0x0] =	vst.idx.msk $0xffff, v4  }
0x137: {  	v43 =	vor.u32 $0x9, v3;
	v4 =	vld.idx.msk [tilespmem:v42+s9+$0x0], $0xffff  }
0x138: {  	v44 =	vor.u32 v0, v2  }
0x139: {  	v0 =	vld [tilespmem:$0x1FD10];
	_ =	sdelay $0x2  }
0x13a: {  	[tilespmem:v43+s12+$0x0] =	vst.idx.msk $0xffff, v4  }
0x13b: {  	v45 =	vor.u32 $0xA, v3;
	v4 =	vld.idx.msk [tilespmem:v44+s9+$0x0], $0xffff  }
0x13c: {  	v46 =	vor.u32 v0, v2  }
0x13d: {  	v0 =	vld [tilespmem:$0x1FD20];
	_ =	sdelay $0x2  }
0x13e: {  	[tilespmem:v45+s12+$0x0] =	vst.idx.msk $0xffff, v4  }
0x13f: {  	v47 =	vor.u32 $0xB, v3;
	v4 =	vld.idx.msk [tilespmem:v46+s9+$0x0], $0xffff  }
0x140: {  	v48 =	vor.u32 v0, v2  }
0x141: {  	v0 =	vld [tilespmem:$0x1FD30];
	_ =	sdelay $0x2  }
0x142: {  	[tilespmem:v47+s12+$0x0] =	vst.idx.msk $0xffff, v4  }
0x143: {  	v49 =	vor.u32 $0xC, v3;
	v4 =	vld.idx.msk [tilespmem:v48+s9+$0x0], $0xffff  }
0x144: {  	v50 =	vor.u32 v0, v2  }
0x145: {  	v0 =	vld [tilespmem:$0x1FD40];
	_ =	sdelay $0x2  }
0x146: {  	[tilespmem:v49+s12+$0x0] =	vst.idx.msk $0xffff, v4  }
0x147: {  	v51 =	vor.u32 $0xD, v3;
	v4 =	vld.idx.msk [tilespmem:v50+s9+$0x0], $0xffff  }
0x148: {  	v53 =	vor.u32 v0, v2;
	_ =	sdelay $0x3  }
0x149: {  	[tilespmem:v51+s12+$0x0] =	vst.idx.msk $0xffff, v4  }
0x14a: {  	v32 =	vor.u32 $0xE, v3;
	v0 =	vor.u32 $0x180F, v1;
	v4 =	vld.idx.msk [tilespmem:v53+s9+$0x0], $0xffff  }
0x14b: {  	v2 =	vor.u32 v0, v2;
	_ =	sdelay $0x3  }
0x14c: {  	[tilespmem:v32+s12+$0x0] =	vst.idx.msk $0xffff, v4  }
0x14d: {  	v3 =	vor.u32 $0xF, v3;
	v2 =	vld.idx.msk [tilespmem:v2+s9+$0x0], $0xffff;
	_ =	sdelay $0x4  }
0x14e: {  	[tilespmem:v3+s12+$0x0] =	vst.idx.msk $0xffff, v2  }
0x14f: {  	v2 =	vld [tilespmem:s17+$0xFFFFFFC0]  }
0x150: {  	s19 =	sadd.s32 $0x40, s15  }
0x151: {  	v3 =	vor.u32 s19, v63  }
0x152: {  	v33 =	vmul.u32 $0x4EC5, v3;
	_ =	sdelay $0x1  }
0x153: {  	v34 =	vshrl.u32 v33, $0x13;
	v2 =	vshll.u32 v2, $0x4  }
0x154: {  	[tilespmem:$0x1FB90] =	vst v0;
	v0 =	vor.u32 $0x2000, v1;
	v5 =	vmul.u32 $0xFFFFFE6, v34;
	v2 =	vand.u32 $0x70, v2  }
0x155: {  	v35 =	vor.u32 v0, v2  }
0x156: {  	v36 =	vshrl.u32 v33, $0xA;
	v4 =	vshrl.u32 v33, $0xC;
	v3 =	vadd.s32 v3, v5  }
0x157: {  	v7 =	vand.u32 $0x1FF000, v36;
	v5 =	vshll.u32 v3, $0x4;
	v3 =	vshll.u32 v3, $0x7  }
0x158: {  	v4 =	vand.u32 $0x380, v4;
	v5 =	vand.u32 $0x70, v5;
	v3 =	vand.u32 $0xFFFFFC00, v3  }
0x159: {  	v3 =	vadd.s32 v7, v3;
	v4 =	vor.u32 v4, v5  }
0x15a: {  	[tilespmem:$0x1FBA0] =	vst v0;
	v0 =	vor.u32 $0x2001, v1;
	v3 =	vor.u32 v3, v4;
	v37 =	vld.idx.msk [tilespmem:v35+s9+$0x0], $0xffff  }
0x15b: {  	v38 =	vor.u32 v0, v2;
	_ =	sdelay $0x3  }
0x15c: {  	[tilespmem:v3+s12+$0x0] =	vst.idx.msk $0xffff, v37  }
0x15d: {  	[tilespmem:$0x1FBB0] =	vst v0;
	v0 =	vor.u32 $0x2002, v1;
	v39 =	vor.u32 $0x1, v3;
	v4 =	vld.idx.msk [tilespmem:v38+s9+$0x0], $0xffff  }
0x15e: {  	v40 =	vor.u32 v0, v2;
	_ =	sdelay $0x3  }
0x15f: {  	[tilespmem:v39+s12+$0x0] =	vst.idx.msk $0xffff, v4  }
0x160: {  	[tilespmem:$0x1FBC0] =	vst v0;
	v0 =	vor.u32 $0x2003, v1;
	v41 =	vor.u32 $0x2, v3;
	v4 =	vld.idx.msk [tilespmem:v40+s9+$0x0], $0xffff  }
0x161: {  	v8 =	vor.u32 v0, v2;
	_ =	sdelay $0x3  }
0x162: {  	[tilespmem:v41+s12+$0x0] =	vst.idx.msk $0xffff, v4  }
0x163: {  	[tilespmem:$0x1FBD0] =	vst v0;
	v0 =	vor.u32 $0x2004, v1;
	v4 =	vld.idx.msk [tilespmem:v8+s9+$0x0], $0xffff;
	v8 =	vor.u32 $0x3, v3  }
0x164: {  	v9 =	vor.u32 v0, v2;
	_ =	sdelay $0x3  }
0x165: {  	[tilespmem:v8+s12+$0x0] =	vst.idx.msk $0xffff, v4  }
0x166: {  	[tilespmem:$0x1FBE0] =	vst v0;
	v0 =	vor.u32 $0x2005, v1;
	v4 =	vld.idx.msk [tilespmem:v9+s9+$0x0], $0xffff;
	v9 =	vor.u32 $0x4, v3  }
0x167: {  	v10 =	vor.u32 v0, v2;
	_ =	sdelay $0x3  }
0x168: {  	[tilespmem:v9+s12+$0x0] =	vst.idx.msk $0xffff, v4  }
0x169: {  	[tilespmem:$0x1FBF0] =	vst v0;
	v0 =	vor.u32 $0x2006, v1;
	v4 =	vld.idx.msk [tilespmem:v10+s9+$0x0], $0xffff;
	v10 =	vor.u32 $0x5, v3  }
0x16a: {  	v11 =	vor.u32 v0, v2;
	_ =	sdelay $0x3  }
0x16b: {  	[tilespmem:v10+s12+$0x0] =	vst.idx.msk $0xffff, v4  }
0x16c: {  	[tilespmem:$0x1FC00] =	vst v0;
	v0 =	vor.u32 $0x2007, v1;
	v4 =	vld.idx.msk [tilespmem:v11+s9+$0x0], $0xffff;
	v11 =	vor.u32 $0x6, v3  }
0x16d: {  	v12 =	vor.u32 v0, v2;
	_ =	sdelay $0x3  }
0x16e: {  	[tilespmem:v11+s12+$0x0] =	vst.idx.msk $0xffff, v4  }
0x16f: {  	v11 =	vor.u32 $0x2008, v1;
	v4 =	vld.idx.msk [tilespmem:v12+s9+$0x0], $0xffff;
	v12 =	vor.u32 $0x7, v3  }
0x170: {  	v13 =	vor.u32 v11, v2;
	_ =	sdelay $0x3  }
0x171: {  	[tilespmem:v12+s12+$0x0] =	vst.idx.msk $0xffff, v4  }
0x172: {  	v12 =	vor.u32 $0x2009, v1;
	v4 =	vld.idx.msk [tilespmem:v13+s9+$0x0], $0xffff;
	v13 =	vor.u32 $0x8, v3  }
0x173: {  	v14 =	vor.u32 v12, v2;
	_ =	sdelay $0x3  }
0x174: {  	[tilespmem:v13+s12+$0x0] =	vst.idx.msk $0xffff, v4  }
0x175: {  	v13 =	vor.u32 $0x200A, v1;
	v4 =	vld.idx.msk [tilespmem:v14+s9+$0x0], $0xffff;
	v14 =	vor.u32 $0x9, v3  }
0x176: {  	v15 =	vor.u32 v13, v2;
	_ =	sdelay $0x3  }
0x177: {  	[tilespmem:v14+s12+$0x0] =	vst.idx.msk $0xffff, v4  }
0x178: {  	[tilespmem:$0x1FC10] =	vst v0;
	v0 =	vor.u32 $0x200B, v1;
	v4 =	vld.idx.msk [tilespmem:v15+s9+$0x0], $0xffff;
	v15 =	vor.u32 $0xA, v3  }
0x179: {  	v16 =	vor.u32 v0, v2;
	_ =	sdelay $0x2  }
0x17a: {  	[tilespmem:$0x1FC20] =	vst v0  }
0x17b: {  	[tilespmem:v15+s12+$0x0] =	vst.idx.msk $0xffff, v4  }
0x17c: {  	v15 =	vor.u32 $0x200C, v1;
	v4 =	vld.idx.msk [tilespmem:v16+s9+$0x0], $0xffff;
	v16 =	vor.u32 $0xB, v3  }
0x17d: {  	v17 =	vor.u32 v15, v2;
	_ =	sdelay $0x3  }
0x17e: {  	[tilespmem:v16+s12+$0x0] =	vst.idx.msk $0xffff, v4  }
0x17f: {  	v16 =	vor.u32 $0x200D, v1;
	v4 =	vld.idx.msk [tilespmem:v17+s9+$0x0], $0xffff;
	v17 =	vor.u32 $0xC, v3  }
0x180: {  	v14 =	vmov v18;
	v18 =	vor.u32 v16, v2;
	_ =	sdelay $0x3  }
0x181: {  	[tilespmem:v17+s12+$0x0] =	vst.idx.msk $0xffff, v4  }
0x182: {  	v17 =	vor.u32 $0x200E, v1;
	v4 =	vld.idx.msk [tilespmem:v18+s9+$0x0], $0xffff;
	v18 =	vor.u32 $0xD, v3  }
0x183: {  	v19 =	vor.u32 v17, v2;
	_ =	sdelay $0x3  }
0x184: {  	[tilespmem:v18+s12+$0x0] =	vst.idx.msk $0xffff, v4  }
0x185: {  	v18 =	vor.u32 $0x200F, v1;
	v4 =	vld.idx.msk [tilespmem:v19+s9+$0x0], $0xffff;
	v19 =	vor.u32 $0xE, v3  }
0x186: {  	v2 =	vor.u32 v18, v2;
	_ =	sdelay $0x3  }
0x187: {  	[tilespmem:v19+s12+$0x0] =	vst.idx.msk $0xffff, v4  }
0x188: {  	v3 =	vor.u32 $0xF, v3;
	v2 =	vld.idx.msk [tilespmem:v2+s9+$0x0], $0xffff;
	_ =	sdelay $0x4  }
0x189: {  	s20 =	sadd.s32 $0x50, s15;
	[tilespmem:v3+s12+$0x0] =	vst.idx.msk $0xffff, v2  }
0x18a: {  	v3 =	vor.u32 s20, v63;
	v2 =	vld [tilespmem:s17+$0xFFFFFFD0]  }
0x18b: {  	v42 =	vmul.u32 $0x4EC5, v3;
	_ =	sdelay $0x1  }
0x18c: {  	v19 =	vshrl.u32 v42, $0x13  }
0x18d: {  	v19 =	vmul.u32 $0xFFFFFE6, v19  }
0x18e: {  	v2 =	vshll.u32 v2, $0x4  }
0x18f: {  	v3 =	vadd.s32 v3, v19;
	v19 =	vor.u32 $0x2800, v1;
	v2 =	vand.u32 $0x70, v2  }
0x190: {  	v21 =	vor.u32 v19, v2  }
0x191: {  	v22 =	vshrl.u32 v42, $0xA;
	v4 =	vshrl.u32 v42, $0xC  }
0x192: {  	v22 =	vand.u32 $0x1FF000, v22;
	v20 =	vshll.u32 v3, $0x4;
	v3 =	vshll.u32 v3, $0x7  }
0x193: {  	v4 =	vand.u32 $0x380, v4;
	v20 =	vand.u32 $0x70, v20;
	v3 =	vand.u32 $0xFFFFFC00, v3  }
0x194: {  	v3 =	vadd.s32 v22, v3;
	v4 =	vor.u32 v4, v20  }
0x195: {  	v20 =	vor.u32 $0x2801, v1;
	v3 =	vor.u32 v3, v4;
	v21 =	vld.idx.msk [tilespmem:v21+s9+$0x0], $0xffff  }
0x196: {  	v43 =	vor.u32 v20, v2;
	_ =	sdelay $0x3  }
0x197: {  	[tilespmem:v3+s12+$0x0] =	vst.idx.msk $0xffff, v21  }
0x198: {  	v22 =	vor.u32 $0x1, v3;
	v21 =	vor.u32 $0x2802, v1;
	v4 =	vld.idx.msk [tilespmem:v43+s9+$0x0], $0xffff  }
0x199: {  	v23 =	vor.u32 v21, v2;
	_ =	sdelay $0x3  }
0x19a: {  	[tilespmem:v22+s12+$0x0] =	vst.idx.msk $0xffff, v4  }
0x19b: {  	v22 =	vor.u32 $0x2803, v1;
	v4 =	vld.idx.msk [tilespmem:v23+s9+$0x0], $0xffff;
	v23 =	vor.u32 $0x2, v3  }
0x19c: {  	v24 =	vor.u32 v22, v2;
	_ =	sdelay $0x3  }
0x19d: {  	[tilespmem:v23+s12+$0x0] =	vst.idx.msk $0xffff, v4  }
0x19e: {  	v23 =	vor.u32 $0x2804, v1;
	v4 =	vld.idx.msk [tilespmem:v24+s9+$0x0], $0xffff;
	v24 =	vor.u32 $0x3, v3  }
0x19f: {  	v25 =	vor.u32 v23, v2;
	_ =	sdelay $0x3  }
0x1a0: {  	[tilespmem:v24+s12+$0x0] =	vst.idx.msk $0xffff, v4  }
0x1a1: {  	v24 =	vor.u32 $0x2805, v1;
	v4 =	vld.idx.msk [tilespmem:v25+s9+$0x0], $0xffff;
	v25 =	vor.u32 $0x4, v3  }
0x1a2: {  	v26 =	vor.u32 v24, v2;
	_ =	sdelay $0x3  }
0x1a3: {  	[tilespmem:v25+s12+$0x0] =	vst.idx.msk $0xffff, v4  }
0x1a4: {  	v25 =	vor.u32 $0x2806, v1;
	v4 =	vld.idx.msk [tilespmem:v26+s9+$0x0], $0xffff;
	v26 =	vor.u32 $0x5, v3  }
0x1a5: {  	v27 =	vor.u32 v25, v2;
	_ =	sdelay $0x3  }
0x1a6: {  	[tilespmem:v26+s12+$0x0] =	vst.idx.msk $0xffff, v4  }
0x1a7: {  	v26 =	vor.u32 $0x2807, v1;
	v4 =	vld.idx.msk [tilespmem:v27+s9+$0x0], $0xffff;
	v27 =	vor.u32 $0x6, v3  }
0x1a8: {  	v28 =	vor.u32 v26, v2;
	_ =	sdelay $0x3  }
0x1a9: {  	[tilespmem:v27+s12+$0x0] =	vst.idx.msk $0xffff, v4  }
0x1aa: {  	v27 =	vor.u32 $0x2808, v1;
	v4 =	vld.idx.msk [tilespmem:v28+s9+$0x0], $0xffff;
	v28 =	vor.u32 $0x7, v3  }
0x1ab: {  	v29 =	vor.u32 v27, v2;
	_ =	sdelay $0x3  }
0x1ac: {  	[tilespmem:v28+s12+$0x0] =	vst.idx.msk $0xffff, v4  }
0x1ad: {  	v28 =	vor.u32 $0x2809, v1;
	v4 =	vld.idx.msk [tilespmem:v29+s9+$0x0], $0xffff;
	v29 =	vor.u32 $0x8, v3  }
0x1ae: {  	v30 =	vor.u32 v28, v2;
	_ =	sdelay $0x3  }
0x1af: {  	[tilespmem:v29+s12+$0x0] =	vst.idx.msk $0xffff, v4  }
0x1b0: {  	v29 =	vor.u32 $0x280A, v1;
	v4 =	vld.idx.msk [tilespmem:v30+s9+$0x0], $0xffff;
	v30 =	vor.u32 $0x9, v3  }
0x1b1: {  	v31 =	vor.u32 v29, v2;
	_ =	sdelay $0x3  }
0x1b2: {  	[tilespmem:v30+s12+$0x0] =	vst.idx.msk $0xffff, v4  }
0x1b3: {  	v30 =	vor.u32 $0x280B, v1;
	v4 =	vld.idx.msk [tilespmem:v31+s9+$0x0], $0xffff;
	v31 =	vor.u32 $0xA, v3  }
0x1b4: {  	v44 =	vor.u32 v30, v2;
	_ =	sdelay $0x3  }
0x1b5: {  	[tilespmem:v31+s12+$0x0] =	vst.idx.msk $0xffff, v4  }
0x1b6: {  	v45 =	vor.u32 $0xB, v3;
	v31 =	vor.u32 $0x280C, v1;
	v4 =	vld.idx.msk [tilespmem:v44+s9+$0x0], $0xffff  }
0x1b7: {  	v46 =	vor.u32 v31, v2;
	_ =	sdelay $0x3  }
0x1b8: {  	[tilespmem:v45+s12+$0x0] =	vst.idx.msk $0xffff, v4  }
0x1b9: {  	v32 =	vor.u32 $0x280D, v1;
	v47 =	vor.u32 $0xC, v3;
	v4 =	vld.idx.msk [tilespmem:v46+s9+$0x0], $0xffff  }
0x1ba: {  	v48 =	vor.u32 v32, v2;
	_ =	sdelay $0x3  }
0x1bb: {  	[tilespmem:v47+s12+$0x0] =	vst.idx.msk $0xffff, v4  }
0x1bc: {  	v33 =	vor.u32 $0x280E, v1;
	v49 =	vor.u32 $0xD, v3;
	v4 =	vld.idx.msk [tilespmem:v48+s9+$0x0], $0xffff  }
0x1bd: {  	v50 =	vor.u32 v33, v2;
	_ =	sdelay $0x3  }
0x1be: {  	[tilespmem:v49+s12+$0x0] =	vst.idx.msk $0xffff, v4  }
0x1bf: {  	v34 =	vor.u32 $0x280F, v1;
	v51 =	vor.u32 $0xE, v3;
	v4 =	vld.idx.msk [tilespmem:v50+s9+$0x0], $0xffff  }
0x1c0: {  	v2 =	vor.u32 v34, v2;
	_ =	sdelay $0x3  }
0x1c1: {  	[tilespmem:v51+s12+$0x0] =	vst.idx.msk $0xffff, v4  }
0x1c2: {  	v3 =	vor.u32 $0xF, v3;
	v2 =	vld.idx.msk [tilespmem:v2+s9+$0x0], $0xffff;
	_ =	sdelay $0x4  }
0x1c3: {  	s21 =	sadd.s32 $0x60, s15;
	[tilespmem:v3+s12+$0x0] =	vst.idx.msk $0xffff, v2  }
0x1c4: {  	v3 =	vor.u32 s21, v63;
	v2 =	vld [tilespmem:s17+$0xFFFFFFE0]  }
0x1c5: {  	v53 =	vmul.u32 $0x4EC5, v3;
	_ =	sdelay $0x1  }
0x1c6: {  	v6 =	vshrl.u32 v53, $0x13  }
0x1c7: {  	v35 =	vmul.u32 $0xFFFFFE6, v6  }
0x1c8: {  	v2 =	vshll.u32 v2, $0x4  }
0x1c9: {  	v3 =	vadd.s32 v3, v35;
	v35 =	vor.u32 $0x3000, v1;
	v2 =	vand.u32 $0x70, v2  }
0x1ca: {  	v40 =	vor.u32 v35, v2  }
0x1cb: {  	v41 =	vshrl.u32 v53, $0xA;
	v4 =	vshrl.u32 v53, $0xC  }
0x1cc: {  	v38 =	vand.u32 $0x1FF000, v41;
	v7 =	vshll.u32 v3, $0x4;
	v3 =	vshll.u32 v3, $0x7  }
0x1cd: {  	v4 =	vand.u32 $0x380, v4;
	v36 =	vand.u32 $0x70, v7;
	v3 =	vand.u32 $0xFFFFFC00, v3  }
0x1ce: {  	v3 =	vadd.s32 v38, v3;
	v4 =	vor.u32 v4, v36  }
0x1cf: {  	v36 =	vor.u32 $0x3001, v1;
	v3 =	vor.u32 v3, v4;
	v37 =	vld.idx.msk [tilespmem:v40+s9+$0x0], $0xffff  }
0x1d0: {  	v42 =	vor.u32 v36, v2;
	_ =	sdelay $0x3  }
0x1d1: {  	[tilespmem:v3+s12+$0x0] =	vst.idx.msk $0xffff, v37  }
0x1d2: {  	v43 =	vor.u32 $0x1, v3;
	v37 =	vor.u32 $0x3002, v1;
	v4 =	vld.idx.msk [tilespmem:v42+s9+$0x0], $0xffff  }
0x1d3: {  	v44 =	vor.u32 v37, v2;
	_ =	sdelay $0x3  }
0x1d4: {  	[tilespmem:v43+s12+$0x0] =	vst.idx.msk $0xffff, v4  }
0x1d5: {  	v38 =	vor.u32 $0x3003, v1;
	v45 =	vor.u32 $0x2, v3;
	v4 =	vld.idx.msk [tilespmem:v44+s9+$0x0], $0xffff  }
0x1d6: {  	v46 =	vor.u32 v38, v2;
	_ =	sdelay $0x3  }
0x1d7: {  	[tilespmem:v45+s12+$0x0] =	vst.idx.msk $0xffff, v4  }
0x1d8: {  	v39 =	vor.u32 $0x3004, v1;
	v47 =	vor.u32 $0x3, v3;
	v4 =	vld.idx.msk [tilespmem:v46+s9+$0x0], $0xffff  }
0x1d9: {  	v48 =	vor.u32 v39, v2;
	_ =	sdelay $0x3  }
0x1da: {  	[tilespmem:v47+s12+$0x0] =	vst.idx.msk $0xffff, v4  }
0x1db: {  	v49 =	vor.u32 $0x4, v3;
	v40 =	vor.u32 $0x3005, v1;
	v4 =	vld.idx.msk [tilespmem:v48+s9+$0x0], $0xffff  }
0x1dc: {  	v50 =	vor.u32 v40, v2;
	_ =	sdelay $0x3  }
0x1dd: {  	[tilespmem:v49+s12+$0x0] =	vst.idx.msk $0xffff, v4  }
0x1de: {  	v41 =	vor.u32 $0x3006, v1;
	v51 =	vor.u32 $0x5, v3;
	v4 =	vld.idx.msk [tilespmem:v50+s9+$0x0], $0xffff  }
0x1df: {  	v53 =	vor.u32 v41, v2;
	_ =	sdelay $0x3  }
0x1e0: {  	[tilespmem:v51+s12+$0x0] =	vst.idx.msk $0xffff, v4  }
0x1e1: {  	v5 =	vor.u32 $0x6, v3;
	v42 =	vor.u32 $0x3007, v1;
	v4 =	vld.idx.msk [tilespmem:v53+s9+$0x0], $0xffff  }
0x1e2: {  	v6 =	vor.u32 v42, v2;
	_ =	sdelay $0x3  }
0x1e3: {  	[tilespmem:v5+s12+$0x0] =	vst.idx.msk $0xffff, v4  }
0x1e4: {  	v7 =	vor.u32 $0x7, v3;
	v43 =	vor.u32 $0x3008, v1;
	v4 =	vld.idx.msk [tilespmem:v6+s9+$0x0], $0xffff  }
0x1e5: {  	v48 =	vor.u32 v43, v2;
	_ =	sdelay $0x3  }
0x1e6: {  	[tilespmem:v7+s12+$0x0] =	vst.idx.msk $0xffff, v4  }
0x1e7: {  	v44 =	vor.u32 $0x3009, v1;
	v49 =	vor.u32 $0x8, v3;
	v4 =	vld.idx.msk [tilespmem:v48+s9+$0x0], $0xffff  }
0x1e8: {  	v50 =	vor.u32 v44, v2;
	_ =	sdelay $0x3  }
0x1e9: {  	[tilespmem:v49+s12+$0x0] =	vst.idx.msk $0xffff, v4  }
0x1ea: {  	v45 =	vor.u32 $0x300A, v1;
	v51 =	vor.u32 $0x9, v3;
	v4 =	vld.idx.msk [tilespmem:v50+s9+$0x0], $0xffff  }
0x1eb: {  	v53 =	vor.u32 v45, v2;
	_ =	sdelay $0x3  }
0x1ec: {  	[tilespmem:v51+s12+$0x0] =	vst.idx.msk $0xffff, v4  }
0x1ed: {  	v46 =	vor.u32 $0x300B, v1;
	v5 =	vor.u32 $0xA, v3;
	v4 =	vld.idx.msk [tilespmem:v53+s9+$0x0], $0xffff  }
0x1ee: {  	v6 =	vor.u32 v46, v2;
	_ =	sdelay $0x3  }
0x1ef: {  	[tilespmem:v5+s12+$0x0] =	vst.idx.msk $0xffff, v4  }
0x1f0: {  	v47 =	vor.u32 $0x300C, v1;
	v7 =	vor.u32 $0xB, v3;
	v4 =	vld.idx.msk [tilespmem:v6+s9+$0x0], $0xffff  }
0x1f1: {  	v53 =	vor.u32 v47, v2;
	_ =	sdelay $0x3  }
0x1f2: {  	[tilespmem:v7+s12+$0x0] =	vst.idx.msk $0xffff, v4  }
0x1f3: {  	v48 =	vor.u32 $0x300D, v1;
	v5 =	vor.u32 $0xC, v3;
	v4 =	vld.idx.msk [tilespmem:v53+s9+$0x0], $0xffff  }
0x1f4: {  	v6 =	vor.u32 v48, v2;
	_ =	sdelay $0x3  }
0x1f5: {  	[tilespmem:v5+s12+$0x0] =	vst.idx.msk $0xffff, v4  }
0x1f6: {  	v49 =	vor.u32 $0x300E, v1;
	v7 =	vor.u32 $0xD, v3;
	v4 =	vld.idx.msk [tilespmem:v6+s9+$0x0], $0xffff  }
0x1f7: {  	v5 =	vor.u32 v49, v2;
	_ =	sdelay $0x3  }
0x1f8: {  	[tilespmem:v7+s12+$0x0] =	vst.idx.msk $0xffff, v4  }
0x1f9: {  	v50 =	vor.u32 $0x300F, v1;
	v6 =	vor.u32 $0xE, v3;
	v4 =	vld.idx.msk [tilespmem:v5+s9+$0x0], $0xffff  }
0x1fa: {  	v2 =	vor.u32 v50, v2;
	_ =	sdelay $0x3  }
0x1fb: {  	[tilespmem:v6+s12+$0x0] =	vst.idx.msk $0xffff, v4  }
0x1fc: {  	v3 =	vor.u32 $0xF, v3;
	v2 =	vld.idx.msk [tilespmem:v2+s9+$0x0], $0xffff;
	_ =	sdelay $0x4  }
0x1fd: {  	s22 =	sadd.s32 $0x70, s15;
	[tilespmem:v3+s12+$0x0] =	vst.idx.msk $0xffff, v2  }
0x1fe: {  	v3 =	vor.u32 s22, v63;
	v2 =	vld [tilespmem:s17+$0xFFFFFFF0]  }
0x1ff: {  	v4 =	vmul.u32 $0x4EC5, v3;
	_ =	sdelay $0x1  }
0x200: {  	v7 =	vshrl.u32 v4, $0x13  }
0x201: {  	v51 =	vmul.u32 $0xFFFFFE6, v7  }
0x202: {  	v2 =	vshll.u32 v2, $0x4  }
0x203: {  	v3 =	vadd.s32 v3, v51;
	v51 =	vor.u32 $0x3800, v1;
	v0 =	vand.u32 $0x70, v2  }
0x204: {  	v5 =	vor.u32 v51, v0  }
0x205: {  	v53 =	vshrl.u32 v4, $0xA;
	v4 =	vshrl.u32 v4, $0xC  }
0x206: {  	v53 =	vand.u32 $0x1FF000, v53;
	v2 =	vshll.u32 v3, $0x4;
	v3 =	vshll.u32 v3, $0x7  }
0x207: {  	v4 =	vand.u32 $0x380, v4;
	v2 =	vand.u32 $0x70, v2;
	v3 =	vand.u32 $0xFFFFFC00, v3  }
0x208: {  	v3 =	vadd.s32 v53, v3;
	v2 =	vor.u32 v4, v2  }
0x209: {  	v10 =	vor.u32 $0x3801, v1;
	v6 =	vmov v52;
	v52 =	vor.u32 v3, v2;
	v4 =	vld.idx.msk [tilespmem:v5+s9+$0x0], $0xffff  }
0x20a: {  	v2 =	vor.u32 v10, v0;
	_ =	sdelay $0x3  }
0x20b: {  	[tilespmem:v52+s12+$0x0] =	vst.idx.msk $0xffff, v4  }
0x20c: {  	v53 =	vor.u32 $0x3802, v1;
	v3 =	vor.u32 $0x1, v52;
	v2 =	vld.idx.msk [tilespmem:v2+s9+$0x0], $0xffff  }
0x20d: {  	v4 =	vor.u32 v53, v0;
	_ =	sdelay $0x3  }
0x20e: {  	[tilespmem:v3+s12+$0x0] =	vst.idx.msk $0xffff, v2  }
0x20f: {  	v9 =	vor.u32 $0x3803, v1;
	v3 =	vor.u32 $0x2, v52;
	v2 =	vld.idx.msk [tilespmem:v4+s9+$0x0], $0xffff  }
0x210: {  	[tilespmem:$0x1FC30] =	vst v53;
	v53 =	vor.u32 v9, v0;
	_ =	sdelay $0x3  }
0x211: {  	[tilespmem:v3+s12+$0x0] =	vst.idx.msk $0xffff, v2  }
0x212: {  	v8 =	vor.u32 $0x3804, v1;
	v3 =	vor.u32 $0x3, v52;
	v2 =	vld.idx.msk [tilespmem:v53+s9+$0x0], $0xffff  }
0x213: {  	v53 =	vor.u32 v8, v0;
	_ =	sdelay $0x3  }
0x214: {  	[tilespmem:v3+s12+$0x0] =	vst.idx.msk $0xffff, v2  }
0x215: {  	v7 =	vor.u32 $0x3805, v1;
	v3 =	vor.u32 $0x4, v52;
	v2 =	vld.idx.msk [tilespmem:v53+s9+$0x0], $0xffff  }
0x216: {  	v53 =	vor.u32 v7, v0;
	_ =	sdelay $0x3  }
0x217: {  	[tilespmem:v3+s12+$0x0] =	vst.idx.msk $0xffff, v2  }
0x218: {  	v3 =	vor.u32 $0x5, v52;
	v2 =	vld.idx.msk [tilespmem:v53+s9+$0x0], $0xffff;
	v53 =	vor.u32 $0x3806, v1  }
0x219: {  	v4 =	vor.u32 v53, v0;
	_ =	sdelay $0x3  }
0x21a: {  	[tilespmem:v3+s12+$0x0] =	vst.idx.msk $0xffff, v2  }
0x21b: {  	[tilespmem:$0x1FC40] =	vst v53;
	v53 =	vor.u32 $0x3807, v1;
	v3 =	vor.u32 $0x6, v52;
	v2 =	vld.idx.msk [tilespmem:v4+s9+$0x0], $0xffff  }
0x21c: {  	v4 =	vor.u32 v53, v0;
	_ =	sdelay $0x3  }
0x21d: {  	[tilespmem:v3+s12+$0x0] =	vst.idx.msk $0xffff, v2  }
0x21e: {  	v3 =	vor.u32 $0x7, v52;
	v2 =	vld.idx.msk [tilespmem:v4+s9+$0x0], $0xffff;
	v4 =	vor.u32 $0x3808, v1  }
0x21f: {  	[tilespmem:$0x1FC50] =	vst v4;
	v4 =	vor.u32 v4, v0;
	_ =	sdelay $0x3  }
0x220: {  	[tilespmem:v3+s12+$0x0] =	vst.idx.msk $0xffff, v2  }
0x221: {  	v3 =	vor.u32 $0x8, v52;
	v2 =	vld.idx.msk [tilespmem:v4+s9+$0x0], $0xffff;
	v4 =	vor.u32 $0x3809, v1  }
0x222: {  	[tilespmem:$0x1FC60] =	vst v4;
	v4 =	vor.u32 v4, v0;
	_ =	sdelay $0x3  }
0x223: {  	[tilespmem:v3+s12+$0x0] =	vst.idx.msk $0xffff, v2  }
0x224: {  	v3 =	vor.u32 $0x9, v52;
	v2 =	vld.idx.msk [tilespmem:v4+s9+$0x0], $0xffff;
	v4 =	vor.u32 $0x380A, v1  }
0x225: {  	[tilespmem:$0x1FC70] =	vst v4;
	v4 =	vor.u32 v4, v0;
	_ =	sdelay $0x3  }
0x226: {  	[tilespmem:v3+s12+$0x0] =	vst.idx.msk $0xffff, v2  }
0x227: {  	v3 =	vor.u32 $0xA, v52;
	v2 =	vld.idx.msk [tilespmem:v4+s9+$0x0], $0xffff;
	v4 =	vor.u32 $0x380B, v1  }
0x228: {  	[tilespmem:$0x1FC80] =	vst v4;
	v4 =	vor.u32 v4, v0;
	_ =	sdelay $0x3  }
0x229: {  	[tilespmem:v3+s12+$0x0] =	vst.idx.msk $0xffff, v2  }
0x22a: {  	v3 =	vor.u32 $0xB, v52;
	v2 =	vld.idx.msk [tilespmem:v4+s9+$0x0], $0xffff;
	v4 =	vor.u32 $0x380C, v1  }
0x22b: {  	[tilespmem:$0x1FC90] =	vst v4;
	v4 =	vor.u32 v4, v0;
	_ =	sdelay $0x3  }
0x22c: {  	[tilespmem:v3+s12+$0x0] =	vst.idx.msk $0xffff, v2  }
0x22d: {  	v3 =	vor.u32 $0xC, v52;
	v2 =	vld.idx.msk [tilespmem:v4+s9+$0x0], $0xffff;
	v4 =	vor.u32 $0x380D, v1  }
0x22e: {  	[tilespmem:$0x1FCA0] =	vst v4;
	v4 =	vor.u32 v4, v0;
	_ =	sdelay $0x3  }
0x22f: {  	[tilespmem:v3+s12+$0x0] =	vst.idx.msk $0xffff, v2  }
0x230: {  	v5 =	vmov v54;
	v54 =	vor.u32 $0xD, v52;
	v3 =	vor.u32 $0x380E, v1;
	v2 =	vld.idx.msk [tilespmem:v4+s9+$0x0], $0xffff  }
0x231: {  	v4 =	vmov v55;
	v55 =	vor.u32 v3, v0;
	_ =	sdelay $0x3  }
0x232: {  	[tilespmem:v54+s12+$0x0] =	vst.idx.msk $0xffff, v2  }
0x233: {  	v2 =	vor.u32 $0x380F, v1;
	v54 =	vld.idx.msk [tilespmem:v55+s9+$0x0], $0xffff;
	v55 =	vor.u32 $0xE, v52  }
0x234: {  	v0 =	vor.u32 v2, v0;
	_ =	sdelay $0x3  }
0x235: {  	[tilespmem:v55+s12+$0x0] =	vst.idx.msk $0xffff, v54  }
0x236: {  	v52 =	vor.u32 $0xF, v52;
	v0 =	vld.idx.msk [tilespmem:v0+s9+$0x0], $0xffff;
	_ =	sdelay $0x2  }
0x237: {  	[tilespmem:$0x1FCB0] =	vst v3  }
0x238: {  	[tilespmem:$0x1FCC0] =	vst v2  }
0x239: {  	[tilespmem:v52+s12+$0x0] =	vst.idx.msk $0xffff, v0  }
0x23a: {  	s23 =	sadd.s32 $0x80, s15;
	_ =	swait.ge [sflag:s13], $0x4000  }
0x23b: {  	v52 =	vor.u32 s23, v63;
	[sflag:s13] =	ssyncset.done $0x0  }
0x23c: {  	v54 =	vmul.u32 $0x4EC5, v52;
	[sflag:s13] =	ssyncadd.s32 $0xFFFFC000  }
0x23d: {  	v0 =	vld [tilespmem:s17+$0x0]  }
0x23e: {  	v63 =	vshrl.u32 v54, $0x13  }
0x23f: {  	v55 =	vmul.u32 $0xFFFFFE6, v63;
	_ =	sdelay $0x1  }
0x240: {  	v52 =	vadd.s32 v52, v55  }
0x241: {  	v63 =	vmovc v62;
	v62 =	vmovc v58;
	v58 =	vmov v57;
	v57 =	vshrl.u32 v54, $0xA;
	v0 =	vshll.u32 v0, $0x4  }
0x242: {  	v55 =	vshll.u32 v52, $0x4;
	v52 =	vshll.u32 v52, $0x7;
	v0 =	vand.u32 $0x70, v0  }
0x243: {  	v2 =	vmovc v56;
	v57 =	vand.u32 $0x1FF000, v57;
	v52 =	vand.u32 $0xFFFFFC00, v52;
	v56 =	vor.u32 v1, v0  }
0x244: {  	v52 =	vadd.s32 v57, v52;
	v57 =	vld [tilespmem:$0x1FD50]  }
0x245: {  	v54 =	vshrl.u32 v54, $0xC  }
0x246: {  	v54 =	vand.u32 $0x380, v54;
	v55 =	vand.u32 $0x70, v55  }
0x247: {  	v54 =	vor.u32 v54, v55  }
0x248: {  	v52 =	vor.u32 v52, v54;
	v54 =	vld.idx.msk [tilespmem:v56+s10+$0x0], $0xffff  }
0x249: {  	v55 =	vor.u32 v57, v0  }
0x24a: {  	v56 =	vld [tilespmem:$0x1FD60];
	_ =	sdelay $0x2  }
0x24b: {  	[tilespmem:v52+s12+$0x0] =	vst.idx.msk $0xffff, v54  }
0x24c: {  	v54 =	vld.idx.msk [tilespmem:v55+s10+$0x0], $0xffff;
	v55 =	vor.u32 $0x1, v52  }
0x24d: {  	v56 =	vor.u32 v56, v0;
	_ =	sdelay $0x3  }
0x24e: {  	[tilespmem:v55+s12+$0x0] =	vst.idx.msk $0xffff, v54  }
0x24f: {  	v54 =	vld.idx.msk [tilespmem:v56+s10+$0x0], $0xffff  }
0x250: {  	v56 =	vld [tilespmem:$0x1FD70];
	_ =	sdelay $0x3  }
0x251: {  	v55 =	vor.u32 $0x2, v52  }
0x252: {  	v56 =	vor.u32 v56, v0;
	_ =	sdelay $0x3  }
0x253: {  	[tilespmem:v55+s12+$0x0] =	vst.idx.msk $0xffff, v54  }
0x254: {  	v54 =	vld.idx.msk [tilespmem:v56+s10+$0x0], $0xffff  }
0x255: {  	v56 =	vld [tilespmem:$0x1FD80];
	_ =	sdelay $0x3  }
0x256: {  	v55 =	vor.u32 $0x3, v52  }
0x257: {  	v56 =	vor.u32 v56, v0;
	_ =	sdelay $0x3  }
0x258: {  	[tilespmem:v55+s12+$0x0] =	vst.idx.msk $0xffff, v54  }
0x259: {  	v54 =	vld.idx.msk [tilespmem:v56+s10+$0x0], $0xffff  }
0x25a: {  	v56 =	vld [tilespmem:$0x1FD90];
	_ =	sdelay $0x3  }
0x25b: {  	v55 =	vor.u32 $0x4, v52  }
0x25c: {  	v56 =	vor.u32 v56, v0;
	_ =	sdelay $0x3  }
0x25d: {  	[tilespmem:v55+s12+$0x0] =	vst.idx.msk $0xffff, v54  }
0x25e: {  	v54 =	vld.idx.msk [tilespmem:v56+s10+$0x0], $0xffff  }
0x25f: {  	v56 =	vld [tilespmem:$0x1FDA0];
	_ =	sdelay $0x3  }
0x260: {  	v55 =	vor.u32 $0x5, v52  }
0x261: {  	v56 =	vor.u32 v56, v0;
	_ =	sdelay $0x3  }
0x262: {  	[tilespmem:v55+s12+$0x0] =	vst.idx.msk $0xffff, v54  }
0x263: {  	v54 =	vld.idx.msk [tilespmem:v56+s10+$0x0], $0xffff  }
0x264: {  	v56 =	vld [tilespmem:$0x1FDB0];
	_ =	sdelay $0x3  }
0x265: {  	v55 =	vor.u32 $0x6, v52  }
0x266: {  	v56 =	vor.u32 v56, v0;
	_ =	sdelay $0x3  }
0x267: {  	[tilespmem:v55+s12+$0x0] =	vst.idx.msk $0xffff, v54  }
0x268: {  	v54 =	vld.idx.msk [tilespmem:v56+s10+$0x0], $0xffff  }
0x269: {  	v56 =	vld [tilespmem:$0x1FDC0];
	_ =	sdelay $0x3  }
0x26a: {  	v55 =	vor.u32 $0x7, v52  }
0x26b: {  	v56 =	vor.u32 v56, v0;
	_ =	sdelay $0x3  }
0x26c: {  	[tilespmem:v55+s12+$0x0] =	vst.idx.msk $0xffff, v54  }
0x26d: {  	v54 =	vld.idx.msk [tilespmem:v56+s10+$0x0], $0xffff  }
0x26e: {  	v56 =	vld [tilespmem:$0x1FDD0];
	_ =	sdelay $0x3  }
0x26f: {  	v55 =	vor.u32 $0x8, v52  }
0x270: {  	v56 =	vor.u32 v56, v0;
	_ =	sdelay $0x3  }
0x271: {  	[tilespmem:v55+s12+$0x0] =	vst.idx.msk $0xffff, v54  }
0x272: {  	v55 =	vor.u32 $0x9, v52;
	v54 =	vld.idx.msk [tilespmem:v56+s10+$0x0], $0xffff  }
0x273: {  	v56 =	vor.u32 v14, v0;
	_ =	sdelay $0x3  }
0x274: {  	[tilespmem:v55+s12+$0x0] =	vst.idx.msk $0xffff, v54  }
0x275: {  	v54 =	vld.idx.msk [tilespmem:v56+s10+$0x0], $0xffff  }
0x276: {  	v56 =	vld [tilespmem:$0x1FDE0];
	_ =	sdelay $0x3  }
0x277: {  	v55 =	vor.u32 $0xA, v52  }
0x278: {  	v56 =	vor.u32 v56, v0;
	_ =	sdelay $0x3  }
0x279: {  	[tilespmem:v55+s12+$0x0] =	vst.idx.msk $0xffff, v54  }
0x27a: {  	v54 =	vld.idx.msk [tilespmem:v56+s10+$0x0], $0xffff  }
0x27b: {  	v56 =	vld [tilespmem:$0x1FDF0];
	_ =	sdelay $0x3  }
0x27c: {  	v55 =	vor.u32 $0xB, v52  }
0x27d: {  	v56 =	vor.u32 v56, v0;
	_ =	sdelay $0x3  }
0x27e: {  	[tilespmem:v55+s12+$0x0] =	vst.idx.msk $0xffff, v54  }
0x27f: {  	v54 =	vld.idx.msk [tilespmem:v56+s10+$0x0], $0xffff  }
0x280: {  	v56 =	vld [tilespmem:$0x1FE00];
	_ =	sdelay $0x3  }
0x281: {  	v55 =	vor.u32 $0xC, v52  }
0x282: {  	v56 =	vor.u32 v56, v0;
	_ =	sdelay $0x3  }
0x283: {  	[tilespmem:v55+s12+$0x0] =	vst.idx.msk $0xffff, v54  }
0x284: {  	v54 =	vld.idx.msk [tilespmem:v56+s10+$0x0], $0xffff  }
0x285: {  	v56 =	vld [tilespmem:$0x1FE10];
	_ =	sdelay $0x3  }
0x286: {  	v55 =	vor.u32 $0xD, v52  }
0x287: {  	v56 =	vor.u32 v56, v0;
	_ =	sdelay $0x3  }
0x288: {  	[tilespmem:v55+s12+$0x0] =	vst.idx.msk $0xffff, v54  }
0x289: {  	v54 =	vld.idx.msk [tilespmem:v56+s10+$0x0], $0xffff  }
0x28a: {  	v56 =	vld [tilespmem:$0x1FE20];
	_ =	sdelay $0x3  }
0x28b: {  	v55 =	vor.u32 $0xE, v52  }
0x28c: {  	v0 =	vor.u32 v56, v0;
	_ =	sdelay $0x3  }
0x28d: {  	[tilespmem:v55+s12+$0x0] =	vst.idx.msk $0xffff, v54  }
0x28e: {  	v52 =	vor.u32 $0xF, v52;
	v0 =	vld.idx.msk [tilespmem:v0+s10+$0x0], $0xffff;
	_ =	sdelay $0x3  }
0x28f: {  	s24 =	sadd.s32 $0x90, s15;
	v3 =	vlaneseq.u32  }
0x290: {  	[tilespmem:v52+s12+$0x0] =	vst.idx.msk $0xffff, v0;
	v52 =	vor.u32 s24, v3  }
0x291: {  	v0 =	vld [tilespmem:s17+$0x10];
	v54 =	vmul.u32 $0x4EC5, v52;
	_ =	sdelay $0x1  }
0x292: {  	v56 =	vld [tilespmem:$0x1FE30];
	v57 =	vshrl.u32 v54, $0x13  }
0x293: {  	v55 =	vmul.u32 $0xFFFFFE6, v57;
	_ =	sdelay $0x1  }
0x294: {  	v57 =	vshrl.u32 v54, $0xA;
	v0 =	vshll.u32 v0, $0x4;
	v52 =	vadd.s32 v52, v55  }
0x295: {  	v0 =	vand.u32 $0x70, v0;
	v55 =	vshll.u32 v52, $0x4;
	v52 =	vshll.u32 v52, $0x7  }
0x296: {  	v57 =	vand.u32 $0x1FF000, v57;
	v56 =	vor.u32 v56, v0;
	v52 =	vand.u32 $0xFFFFFC00, v52  }
0x297: {  	v52 =	vadd.s32 v57, v52;
	v57 =	vld [tilespmem:$0x1FE40]  }
0x298: {  	v54 =	vshrl.u32 v54, $0xC  }
0x299: {  	v54 =	vand.u32 $0x380, v54;
	v55 =	vand.u32 $0x70, v55  }
0x29a: {  	v54 =	vor.u32 v54, v55  }
0x29b: {  	v52 =	vor.u32 v52, v54;
	v54 =	vld.idx.msk [tilespmem:v56+s10+$0x0], $0xffff  }
0x29c: {  	v55 =	vor.u32 v57, v0  }
0x29d: {  	v56 =	vld [tilespmem:$0x1FE50];
	_ =	sdelay $0x2  }
0x29e: {  	[tilespmem:v52+s12+$0x0] =	vst.idx.msk $0xffff, v54  }
0x29f: {  	v54 =	vld.idx.msk [tilespmem:v55+s10+$0x0], $0xffff;
	v55 =	vor.u32 $0x1, v52  }
0x2a0: {  	v56 =	vor.u32 v56, v0;
	_ =	sdelay $0x3  }
0x2a1: {  	[tilespmem:v55+s12+$0x0] =	vst.idx.msk $0xffff, v54  }
0x2a2: {  	v54 =	vld.idx.msk [tilespmem:v56+s10+$0x0], $0xffff  }
0x2a3: {  	v56 =	vld [tilespmem:$0x1FE60];
	_ =	sdelay $0x3  }
0x2a4: {  	v55 =	vor.u32 $0x2, v52  }
0x2a5: {  	v56 =	vor.u32 v56, v0;
	_ =	sdelay $0x3  }
0x2a6: {  	[tilespmem:v55+s12+$0x0] =	vst.idx.msk $0xffff, v54  }
0x2a7: {  	v54 =	vld.idx.msk [tilespmem:v56+s10+$0x0], $0xffff  }
0x2a8: {  	v56 =	vld [tilespmem:$0x1FE70];
	_ =	sdelay $0x3  }
0x2a9: {  	v55 =	vor.u32 $0x3, v52  }
0x2aa: {  	v56 =	vor.u32 v56, v0;
	_ =	sdelay $0x3  }
0x2ab: {  	[tilespmem:v55+s12+$0x0] =	vst.idx.msk $0xffff, v54  }
0x2ac: {  	v54 =	vld.idx.msk [tilespmem:v56+s10+$0x0], $0xffff  }
0x2ad: {  	v56 =	vld [tilespmem:$0x1FE80];
	_ =	sdelay $0x3  }
0x2ae: {  	v55 =	vor.u32 $0x4, v52  }
0x2af: {  	v56 =	vor.u32 v56, v0;
	_ =	sdelay $0x3  }
0x2b0: {  	[tilespmem:v55+s12+$0x0] =	vst.idx.msk $0xffff, v54  }
0x2b1: {  	v54 =	vld.idx.msk [tilespmem:v56+s10+$0x0], $0xffff  }
0x2b2: {  	v56 =	vld [tilespmem:$0x1FE90];
	_ =	sdelay $0x3  }
0x2b3: {  	v55 =	vor.u32 $0x5, v52  }
0x2b4: {  	v56 =	vor.u32 v56, v0;
	_ =	sdelay $0x3  }
0x2b5: {  	[tilespmem:v55+s12+$0x0] =	vst.idx.msk $0xffff, v54  }
0x2b6: {  	v54 =	vld.idx.msk [tilespmem:v56+s10+$0x0], $0xffff  }
0x2b7: {  	v56 =	vld [tilespmem:$0x1FEA0];
	_ =	sdelay $0x3  }
0x2b8: {  	v55 =	vor.u32 $0x6, v52  }
0x2b9: {  	v56 =	vor.u32 v56, v0;
	_ =	sdelay $0x3  }
0x2ba: {  	[tilespmem:v55+s12+$0x0] =	vst.idx.msk $0xffff, v54  }
0x2bb: {  	v54 =	vld.idx.msk [tilespmem:v56+s10+$0x0], $0xffff  }
0x2bc: {  	v56 =	vld [tilespmem:$0x1FEB0];
	_ =	sdelay $0x3  }
0x2bd: {  	v55 =	vor.u32 $0x7, v52  }
0x2be: {  	v56 =	vor.u32 v56, v0;
	_ =	sdelay $0x3  }
0x2bf: {  	[tilespmem:v55+s12+$0x0] =	vst.idx.msk $0xffff, v54  }
0x2c0: {  	v54 =	vld.idx.msk [tilespmem:v56+s10+$0x0], $0xffff  }
0x2c1: {  	v56 =	vld [tilespmem:$0x1FEC0];
	_ =	sdelay $0x3  }
0x2c2: {  	v55 =	vor.u32 $0x8, v52  }
0x2c3: {  	v56 =	vor.u32 v56, v0;
	_ =	sdelay $0x3  }
0x2c4: {  	[tilespmem:v55+s12+$0x0] =	vst.idx.msk $0xffff, v54  }
0x2c5: {  	v54 =	vld.idx.msk [tilespmem:v56+s10+$0x0], $0xffff  }
0x2c6: {  	v56 =	vld [tilespmem:$0x1FED0];
	_ =	sdelay $0x3  }
0x2c7: {  	v55 =	vor.u32 $0x9, v52  }
0x2c8: {  	v56 =	vor.u32 v56, v0;
	_ =	sdelay $0x3  }
0x2c9: {  	[tilespmem:v55+s12+$0x0] =	vst.idx.msk $0xffff, v54  }
0x2ca: {  	v54 =	vld.idx.msk [tilespmem:v56+s10+$0x0], $0xffff  }
0x2cb: {  	v56 =	vld [tilespmem:$0x1FEE0];
	_ =	sdelay $0x3  }
0x2cc: {  	v55 =	vor.u32 $0xA, v52  }
0x2cd: {  	v56 =	vor.u32 v56, v0;
	_ =	sdelay $0x3  }
0x2ce: {  	[tilespmem:v55+s12+$0x0] =	vst.idx.msk $0xffff, v54  }
0x2cf: {  	v54 =	vld.idx.msk [tilespmem:v56+s10+$0x0], $0xffff  }
0x2d0: {  	v56 =	vld [tilespmem:$0x1FEF0];
	_ =	sdelay $0x3  }
0x2d1: {  	v55 =	vor.u32 $0xB, v52  }
0x2d2: {  	v56 =	vor.u32 v56, v0;
	_ =	sdelay $0x3  }
0x2d3: {  	[tilespmem:v55+s12+$0x0] =	vst.idx.msk $0xffff, v54  }
0x2d4: {  	v54 =	vld.idx.msk [tilespmem:v56+s10+$0x0], $0xffff  }
0x2d5: {  	v56 =	vld [tilespmem:$0x1FF00];
	_ =	sdelay $0x3  }
0x2d6: {  	v55 =	vor.u32 $0xC, v52  }
0x2d7: {  	v56 =	vor.u32 v56, v0;
	_ =	sdelay $0x3  }
0x2d8: {  	[tilespmem:v55+s12+$0x0] =	vst.idx.msk $0xffff, v54  }
0x2d9: {  	v54 =	vld.idx.msk [tilespmem:v56+s10+$0x0], $0xffff  }
0x2da: {  	v56 =	vld [tilespmem:$0x1FF10];
	_ =	sdelay $0x3  }
0x2db: {  	v55 =	vor.u32 $0xD, v52  }
0x2dc: {  	v56 =	vor.u32 v56, v0;
	_ =	sdelay $0x3  }
0x2dd: {  	[tilespmem:v55+s12+$0x0] =	vst.idx.msk $0xffff, v54  }
0x2de: {  	v54 =	vld.idx.msk [tilespmem:v56+s10+$0x0], $0xffff  }
0x2df: {  	v56 =	vld [tilespmem:$0x1FF20];
	_ =	sdelay $0x3  }
0x2e0: {  	v55 =	vor.u32 $0xE, v52  }
0x2e1: {  	v0 =	vor.u32 v56, v0;
	_ =	sdelay $0x3  }
0x2e2: {  	[tilespmem:v55+s12+$0x0] =	vst.idx.msk $0xffff, v54  }
0x2e3: {  	v52 =	vor.u32 $0xF, v52;
	v0 =	vld.idx.msk [tilespmem:v0+s10+$0x0], $0xffff;
	_ =	sdelay $0x3  }
0x2e4: {  	s25 =	sadd.s32 $0xA0, s15  }
0x2e5: {  	[tilespmem:v52+s12+$0x0] =	vst.idx.msk $0xffff, v0;
	v52 =	vor.u32 s25, v3  }
0x2e6: {  	v0 =	vld [tilespmem:s17+$0x20];
	v54 =	vmul.u32 $0x4EC5, v52;
	_ =	sdelay $0x1  }
0x2e7: {  	v56 =	vld [tilespmem:$0x1FF30];
	v57 =	vshrl.u32 v54, $0x13  }
0x2e8: {  	v55 =	vmul.u32 $0xFFFFFE6, v57;
	_ =	sdelay $0x1  }
0x2e9: {  	v57 =	vshrl.u32 v54, $0xA;
	v0 =	vshll.u32 v0, $0x4;
	v52 =	vadd.s32 v52, v55  }
0x2ea: {  	v0 =	vand.u32 $0x70, v0;
	v55 =	vshll.u32 v52, $0x4;
	v52 =	vshll.u32 v52, $0x7  }
0x2eb: {  	v57 =	vand.u32 $0x1FF000, v57;
	v56 =	vor.u32 v56, v0;
	v52 =	vand.u32 $0xFFFFFC00, v52  }
0x2ec: {  	v52 =	vadd.s32 v57, v52;
	v57 =	vld [tilespmem:$0x1FF40]  }
0x2ed: {  	v54 =	vshrl.u32 v54, $0xC  }
0x2ee: {  	v54 =	vand.u32 $0x380, v54;
	v55 =	vand.u32 $0x70, v55  }
0x2ef: {  	v54 =	vor.u32 v54, v55  }
0x2f0: {  	v52 =	vor.u32 v52, v54;
	v54 =	vld.idx.msk [tilespmem:v56+s10+$0x0], $0xffff  }
0x2f1: {  	v55 =	vor.u32 v57, v0  }
0x2f2: {  	v56 =	vld [tilespmem:$0x1FF50];
	_ =	sdelay $0x2  }
0x2f3: {  	[tilespmem:v52+s12+$0x0] =	vst.idx.msk $0xffff, v54  }
0x2f4: {  	v54 =	vld.idx.msk [tilespmem:v55+s10+$0x0], $0xffff;
	v55 =	vor.u32 $0x1, v52  }
0x2f5: {  	v56 =	vor.u32 v56, v0;
	_ =	sdelay $0x3  }
0x2f6: {  	[tilespmem:v55+s12+$0x0] =	vst.idx.msk $0xffff, v54  }
0x2f7: {  	v54 =	vld.idx.msk [tilespmem:v56+s10+$0x0], $0xffff  }
0x2f8: {  	v56 =	vld [tilespmem:$0x1FF60];
	_ =	sdelay $0x3  }
0x2f9: {  	v55 =	vor.u32 $0x2, v52  }
0x2fa: {  	v56 =	vor.u32 v56, v0;
	_ =	sdelay $0x3  }
0x2fb: {  	[tilespmem:v55+s12+$0x0] =	vst.idx.msk $0xffff, v54  }
0x2fc: {  	v54 =	vld.idx.msk [tilespmem:v56+s10+$0x0], $0xffff  }
0x2fd: {  	v56 =	vld [tilespmem:$0x1FF70];
	_ =	sdelay $0x3  }
0x2fe: {  	v55 =	vor.u32 $0x3, v52  }
0x2ff: {  	v56 =	vor.u32 v56, v0;
	_ =	sdelay $0x3  }
0x300: {  	[tilespmem:v55+s12+$0x0] =	vst.idx.msk $0xffff, v54  }
0x301: {  	v54 =	vld.idx.msk [tilespmem:v56+s10+$0x0], $0xffff  }
0x302: {  	v56 =	vld [tilespmem:$0x1FF80];
	_ =	sdelay $0x3  }
0x303: {  	v55 =	vor.u32 $0x4, v52  }
0x304: {  	v56 =	vor.u32 v56, v0;
	_ =	sdelay $0x3  }
0x305: {  	[tilespmem:v55+s12+$0x0] =	vst.idx.msk $0xffff, v54  }
0x306: {  	v54 =	vld.idx.msk [tilespmem:v56+s10+$0x0], $0xffff  }
0x307: {  	v56 =	vld [tilespmem:$0x1FF90];
	_ =	sdelay $0x3  }
0x308: {  	v55 =	vor.u32 $0x5, v52  }
0x309: {  	v56 =	vor.u32 v56, v0;
	_ =	sdelay $0x3  }
0x30a: {  	[tilespmem:v55+s12+$0x0] =	vst.idx.msk $0xffff, v54  }
0x30b: {  	v54 =	vld.idx.msk [tilespmem:v56+s10+$0x0], $0xffff  }
0x30c: {  	v56 =	vld [tilespmem:$0x1FFA0];
	_ =	sdelay $0x3  }
0x30d: {  	v55 =	vor.u32 $0x6, v52  }
0x30e: {  	v56 =	vor.u32 v56, v0;
	_ =	sdelay $0x3  }
0x30f: {  	[tilespmem:v55+s12+$0x0] =	vst.idx.msk $0xffff, v54  }
0x310: {  	v54 =	vld.idx.msk [tilespmem:v56+s10+$0x0], $0xffff  }
0x311: {  	v56 =	vld [tilespmem:$0x1FFB0];
	_ =	sdelay $0x3  }
0x312: {  	v55 =	vor.u32 $0x7, v52  }
0x313: {  	v56 =	vor.u32 v56, v0;
	_ =	sdelay $0x3  }
0x314: {  	[tilespmem:v55+s12+$0x0] =	vst.idx.msk $0xffff, v54  }
0x315: {  	v54 =	vld.idx.msk [tilespmem:v56+s10+$0x0], $0xffff  }
0x316: {  	v56 =	vld [tilespmem:$0x1FFC0];
	_ =	sdelay $0x3  }
0x317: {  	v55 =	vor.u32 $0x8, v52  }
0x318: {  	v56 =	vor.u32 v56, v0;
	_ =	sdelay $0x3  }
0x319: {  	[tilespmem:v55+s12+$0x0] =	vst.idx.msk $0xffff, v54  }
0x31a: {  	v54 =	vld.idx.msk [tilespmem:v56+s10+$0x0], $0xffff  }
0x31b: {  	v56 =	vld [tilespmem:$0x1FFD0];
	_ =	sdelay $0x3  }
0x31c: {  	v55 =	vor.u32 $0x9, v52  }
0x31d: {  	v56 =	vor.u32 v56, v0;
	_ =	sdelay $0x3  }
0x31e: {  	[tilespmem:v55+s12+$0x0] =	vst.idx.msk $0xffff, v54  }
0x31f: {  	v54 =	vld.idx.msk [tilespmem:v56+s10+$0x0], $0xffff  }
0x320: {  	v56 =	vld [tilespmem:$0x1FFE0];
	_ =	sdelay $0x3  }
0x321: {  	v55 =	vor.u32 $0xA, v52  }
0x322: {  	v56 =	vor.u32 v56, v0;
	_ =	sdelay $0x3  }
0x323: {  	[tilespmem:v55+s12+$0x0] =	vst.idx.msk $0xffff, v54  }
0x324: {  	v55 =	vor.u32 $0xB, v52;
	v54 =	vld.idx.msk [tilespmem:v56+s10+$0x0], $0xffff  }
0x325: {  	v56 =	vor.u32 v6, v0;
	_ =	sdelay $0x3  }
0x326: {  	[tilespmem:v55+s12+$0x0] =	vst.idx.msk $0xffff, v54  }
0x327: {  	v54 =	vld.idx.msk [tilespmem:v56+s10+$0x0], $0xffff  }
0x328: {  	v56 =	vld [tilespmem:$0x1FFF0];
	_ =	sdelay $0x3  }
0x329: {  	v55 =	vor.u32 $0xC, v52  }
0x32a: {  	v56 =	vor.u32 v56, v0;
	_ =	sdelay $0x3  }
0x32b: {  	[tilespmem:v55+s12+$0x0] =	vst.idx.msk $0xffff, v54  }
0x32c: {  	v55 =	vor.u32 $0xD, v52;
	v54 =	vld.idx.msk [tilespmem:v56+s10+$0x0], $0xffff  }
0x32d: {  	v56 =	vor.u32 v5, v0;
	_ =	sdelay $0x3  }
0x32e: {  	[tilespmem:v55+s12+$0x0] =	vst.idx.msk $0xffff, v54  }
0x32f: {  	v57 =	vor.u32 $0xE, v52;
	v54 =	vld.idx.msk [tilespmem:v56+s10+$0x0], $0xffff  }
0x330: {  	v0 =	vor.u32 v4, v0;
	_ =	sdelay $0x3  }
0x331: {  	[tilespmem:v57+s12+$0x0] =	vst.idx.msk $0xffff, v54  }
0x332: {  	v52 =	vor.u32 $0xF, v52;
	v0 =	vld.idx.msk [tilespmem:v0+s10+$0x0], $0xffff;
	_ =	sdelay $0x4  }
0x333: {  	[tilespmem:v52+s12+$0x0] =	vst.idx.msk $0xffff, v0  }
0x334: {  	v0 =	vld [tilespmem:s17+$0x30]  }
0x335: {  	s26 =	sadd.s32 $0xB0, s15  }
0x336: {  	v52 =	vor.u32 s26, v3  }
0x337: {  	v54 =	vmul.u32 $0x4EC5, v52;
	_ =	sdelay $0x1  }
0x338: {  	v57 =	vshrl.u32 v54, $0x13;
	v0 =	vshll.u32 v0, $0x4  }
0x339: {  	v55 =	vmul.u32 $0xFFFFFE6, v57;
	v0 =	vand.u32 $0x70, v0  }
0x33a: {  	v56 =	vor.u32 v2, v0  }
0x33b: {  	v57 =	vshrl.u32 v54, $0xA;
	v54 =	vshrl.u32 v54, $0xC;
	v52 =	vadd.s32 v52, v55  }
0x33c: {  	v57 =	vand.u32 $0x1FF000, v57;
	v55 =	vshll.u32 v52, $0x4;
	v52 =	vshll.u32 v52, $0x7  }
0x33d: {  	v54 =	vand.u32 $0x380, v54;
	v55 =	vand.u32 $0x70, v55;
	v52 =	vand.u32 $0xFFFFFC00, v52  }
0x33e: {  	v52 =	vadd.s32 v57, v52;
	v54 =	vor.u32 v54, v55  }
0x33f: {  	v52 =	vor.u32 v52, v54;
	v54 =	vld.idx.msk [tilespmem:v56+s10+$0x0], $0xffff  }
0x340: {  	v57 =	vor.u32 v58, v0;
	_ =	sdelay $0x3  }
0x341: {  	[tilespmem:v52+s12+$0x0] =	vst.idx.msk $0xffff, v54  }
0x342: {  	v55 =	vor.u32 $0x1, v52;
	v54 =	vld.idx.msk [tilespmem:v57+s10+$0x0], $0xffff  }
0x343: {  	v56 =	vor.u32 v62, v0;
	_ =	sdelay $0x3  }
0x344: {  	[tilespmem:v55+s12+$0x0] =	vst.idx.msk $0xffff, v54  }
0x345: {  	v55 =	vor.u32 $0x2, v52;
	v54 =	vld.idx.msk [tilespmem:v56+s10+$0x0], $0xffff  }
0x346: {  	v56 =	vor.u32 v59, v0;
	_ =	sdelay $0x3  }
0x347: {  	[tilespmem:v55+s12+$0x0] =	vst.idx.msk $0xffff, v54  }
0x348: {  	v55 =	vor.u32 $0x3, v52;
	v54 =	vld.idx.msk [tilespmem:v56+s10+$0x0], $0xffff  }
0x349: {  	v56 =	vor.u32 v60, v0;
	_ =	sdelay $0x3  }
0x34a: {  	[tilespmem:v55+s12+$0x0] =	vst.idx.msk $0xffff, v54  }
0x34b: {  	v55 =	vor.u32 $0x4, v52;
	v54 =	vld.idx.msk [tilespmem:v56+s10+$0x0], $0xffff  }
0x34c: {  	v56 =	vor.u32 v61, v0;
	_ =	sdelay $0x3  }
0x34d: {  	[tilespmem:v55+s12+$0x0] =	vst.idx.msk $0xffff, v54  }
0x34e: {  	v55 =	vor.u32 $0x5, v52;
	v54 =	vld.idx.msk [tilespmem:v56+s10+$0x0], $0xffff  }
0x34f: {  	v56 =	vor.u32 v63, v0;
	_ =	sdelay $0x3  }
0x350: {  	[tilespmem:v55+s12+$0x0] =	vst.idx.msk $0xffff, v54  }
0x351: {  	v54 =	vld.idx.msk [tilespmem:v56+s10+$0x0], $0xffff  }
0x352: {  	v56 =	vld [tilespmem:$0x1FCD0];
	_ =	sdelay $0x3  }
0x353: {  	v55 =	vor.u32 $0x6, v52  }
0x354: {  	v56 =	vor.u32 v56, v0;
	_ =	sdelay $0x3  }
0x355: {  	[tilespmem:v55+s12+$0x0] =	vst.idx.msk $0xffff, v54  }
0x356: {  	v54 =	vld.idx.msk [tilespmem:v56+s10+$0x0], $0xffff  }
0x357: {  	v56 =	vld [tilespmem:$0x1FCE0];
	_ =	sdelay $0x3  }
0x358: {  	v55 =	vor.u32 $0x7, v52  }
0x359: {  	v56 =	vor.u32 v56, v0;
	_ =	sdelay $0x3  }
0x35a: {  	[tilespmem:v55+s12+$0x0] =	vst.idx.msk $0xffff, v54  }
0x35b: {  	v54 =	vld.idx.msk [tilespmem:v56+s10+$0x0], $0xffff  }
0x35c: {  	v56 =	vld [tilespmem:$0x1FCF0];
	_ =	sdelay $0x3  }
0x35d: {  	v55 =	vor.u32 $0x8, v52  }
0x35e: {  	v56 =	vor.u32 v56, v0;
	_ =	sdelay $0x3  }
0x35f: {  	[tilespmem:v55+s12+$0x0] =	vst.idx.msk $0xffff, v54  }
0x360: {  	v54 =	vld.idx.msk [tilespmem:v56+s10+$0x0], $0xffff  }
0x361: {  	v56 =	vld [tilespmem:$0x1FD00];
	_ =	sdelay $0x3  }
0x362: {  	v55 =	vor.u32 $0x9, v52  }
0x363: {  	v56 =	vor.u32 v56, v0;
	_ =	sdelay $0x3  }
0x364: {  	[tilespmem:v55+s12+$0x0] =	vst.idx.msk $0xffff, v54  }
0x365: {  	v54 =	vld.idx.msk [tilespmem:v56+s10+$0x0], $0xffff  }
0x366: {  	v56 =	vld [tilespmem:$0x1FD10];
	_ =	sdelay $0x3  }
0x367: {  	v55 =	vor.u32 $0xA, v52  }
0x368: {  	v56 =	vor.u32 v56, v0;
	_ =	sdelay $0x3  }
0x369: {  	[tilespmem:v55+s12+$0x0] =	vst.idx.msk $0xffff, v54  }
0x36a: {  	v54 =	vld.idx.msk [tilespmem:v56+s10+$0x0], $0xffff  }
0x36b: {  	v56 =	vld [tilespmem:$0x1FD20];
	_ =	sdelay $0x3  }
0x36c: {  	v55 =	vor.u32 $0xB, v52  }
0x36d: {  	v56 =	vor.u32 v56, v0;
	_ =	sdelay $0x3  }
0x36e: {  	[tilespmem:v55+s12+$0x0] =	vst.idx.msk $0xffff, v54  }
0x36f: {  	v54 =	vld.idx.msk [tilespmem:v56+s10+$0x0], $0xffff  }
0x370: {  	v56 =	vld [tilespmem:$0x1FD30];
	_ =	sdelay $0x3  }
0x371: {  	v55 =	vor.u32 $0xC, v52  }
0x372: {  	v56 =	vor.u32 v56, v0;
	_ =	sdelay $0x3  }
0x373: {  	[tilespmem:v55+s12+$0x0] =	vst.idx.msk $0xffff, v54  }
0x374: {  	v54 =	vld.idx.msk [tilespmem:v56+s10+$0x0], $0xffff  }
0x375: {  	v56 =	vld [tilespmem:$0x1FD40];
	_ =	sdelay $0x3  }
0x376: {  	v55 =	vor.u32 $0xD, v52  }
0x377: {  	v56 =	vor.u32 v56, v0;
	_ =	sdelay $0x3  }
0x378: {  	[tilespmem:v55+s12+$0x0] =	vst.idx.msk $0xffff, v54  }
0x379: {  	v54 =	vld.idx.msk [tilespmem:v56+s10+$0x0], $0xffff  }
0x37a: {  	v56 =	vld [tilespmem:$0x1FB90];
	_ =	sdelay $0x3  }
0x37b: {  	v55 =	vor.u32 $0xE, v52  }
0x37c: {  	v0 =	vor.u32 v56, v0;
	_ =	sdelay $0x3  }
0x37d: {  	[tilespmem:v55+s12+$0x0] =	vst.idx.msk $0xffff, v54  }
0x37e: {  	v52 =	vor.u32 $0xF, v52;
	v0 =	vld.idx.msk [tilespmem:v0+s10+$0x0], $0xffff;
	_ =	sdelay $0x4  }
0x37f: {  	[tilespmem:v52+s12+$0x0] =	vst.idx.msk $0xffff, v0  }
0x380: {  	s28 =	sadd.s32 $0xC0, s15;
	v0 =	vld [tilespmem:s17+$0x40]  }
0x381: {  	v52 =	vor.u32 s28, v3  }
0x382: {  	v3 =	vld [tilespmem:$0x1FBA0];
	v54 =	vmul.u32 $0x4EC5, v52;
	_ =	sdelay $0x1  }
0x383: {  	v57 =	vshrl.u32 v54, $0x13  }
0x384: {  	v55 =	vmul.u32 $0xFFFFFE6, v57;
	v0 =	vshll.u32 v0, $0x4  }
0x385: {  	v0 =	vand.u32 $0x70, v0  }
0x386: {  	v52 =	vadd.s32 v52, v55;
	v55 =	vor.u32 v3, v0  }
0x387: {  	v57 =	vshrl.u32 v54, $0xA;
	v54 =	vshrl.u32 v54, $0xC;
	v3 =	vld [tilespmem:$0x1FBB0]  }
0x388: {  	v57 =	vand.u32 $0x1FF000, v57;
	v56 =	vshll.u32 v52, $0x4;
	v52 =	vshll.u32 v52, $0x7  }
0x389: {  	v54 =	vand.u32 $0x380, v54;
	v56 =	vand.u32 $0x70, v56;
	v52 =	vand.u32 $0xFFFFFC00, v52  }
0x38a: {  	v52 =	vadd.s32 v57, v52;
	v54 =	vor.u32 v54, v56  }
0x38b: {  	v52 =	vor.u32 v52, v54;
	v54 =	vld.idx.msk [tilespmem:v55+s10+$0x0], $0xffff  }
0x38c: {  	v55 =	vor.u32 v3, v0  }
0x38d: {  	v3 =	vld [tilespmem:$0x1FBC0];
	_ =	sdelay $0x2  }
0x38e: {  	[tilespmem:v52+s12+$0x0] =	vst.idx.msk $0xffff, v54  }
0x38f: {  	v54 =	vld.idx.msk [tilespmem:v55+s10+$0x0], $0xffff;
	v55 =	vor.u32 $0x1, v52  }
0x390: {  	v56 =	vor.u32 v3, v0  }
0x391: {  	v3 =	vld [tilespmem:$0x1FBD0];
	_ =	sdelay $0x2  }
0x392: {  	[tilespmem:v55+s12+$0x0] =	vst.idx.msk $0xffff, v54  }
0x393: {  	v55 =	vor.u32 $0x2, v52;
	v54 =	vld.idx.msk [tilespmem:v56+s10+$0x0], $0xffff  }
0x394: {  	v56 =	vor.u32 v3, v0  }
0x395: {  	v3 =	vld [tilespmem:$0x1FBE0];
	_ =	sdelay $0x2  }
0x396: {  	[tilespmem:v55+s12+$0x0] =	vst.idx.msk $0xffff, v54  }
0x397: {  	v55 =	vor.u32 $0x3, v52;
	v54 =	vld.idx.msk [tilespmem:v56+s10+$0x0], $0xffff  }
0x398: {  	v56 =	vor.u32 v3, v0  }
0x399: {  	v3 =	vld [tilespmem:$0x1FBF0];
	_ =	sdelay $0x2  }
0x39a: {  	[tilespmem:v55+s12+$0x0] =	vst.idx.msk $0xffff, v54  }
0x39b: {  	v55 =	vor.u32 $0x4, v52;
	v54 =	vld.idx.msk [tilespmem:v56+s10+$0x0], $0xffff  }
0x39c: {  	v56 =	vor.u32 v3, v0  }
0x39d: {  	v3 =	vld [tilespmem:$0x1FC00];
	_ =	sdelay $0x2  }
0x39e: {  	[tilespmem:v55+s12+$0x0] =	vst.idx.msk $0xffff, v54  }
0x39f: {  	v55 =	vor.u32 $0x5, v52;
	v54 =	vld.idx.msk [tilespmem:v56+s10+$0x0], $0xffff  }
0x3a0: {  	v56 =	vor.u32 v3, v0  }
0x3a1: {  	v3 =	vld [tilespmem:$0x1FC10];
	_ =	sdelay $0x2  }
0x3a2: {  	[tilespmem:v55+s12+$0x0] =	vst.idx.msk $0xffff, v54  }
0x3a3: {  	v55 =	vor.u32 $0x6, v52;
	v54 =	vld.idx.msk [tilespmem:v56+s10+$0x0], $0xffff  }
0x3a4: {  	v56 =	vor.u32 v3, v0;
	_ =	sdelay $0x3  }
0x3a5: {  	[tilespmem:v55+s12+$0x0] =	vst.idx.msk $0xffff, v54  }
0x3a6: {  	v55 =	vor.u32 $0x7, v52;
	v54 =	vld.idx.msk [tilespmem:v56+s10+$0x0], $0xffff  }
0x3a7: {  	v11 =	vor.u32 v11, v0;
	_ =	sdelay $0x3  }
0x3a8: {  	[tilespmem:v55+s12+$0x0] =	vst.idx.msk $0xffff, v54  }
0x3a9: {  	v55 =	vmov v4;
	v4 =	vor.u32 $0x8, v52;
	v11 =	vld.idx.msk [tilespmem:v11+s10+$0x0], $0xffff  }
0x3aa: {  	v12 =	vor.u32 v12, v0;
	_ =	sdelay $0x3  }
0x3ab: {  	[tilespmem:v4+s12+$0x0] =	vst.idx.msk $0xffff, v11  }
0x3ac: {  	v11 =	vld.idx.msk [tilespmem:v12+s10+$0x0], $0xffff;
	v12 =	vor.u32 $0x9, v52  }
0x3ad: {  	v13 =	vor.u32 v13, v0  }
0x3ae: {  	v56 =	vmov v2;
	v2 =	vld [tilespmem:$0x1FC20];
	_ =	sdelay $0x2  }
0x3af: {  	[tilespmem:v12+s12+$0x0] =	vst.idx.msk $0xffff, v11  }
0x3b0: {  	v12 =	vor.u32 $0xA, v52;
	v11 =	vld.idx.msk [tilespmem:v13+s10+$0x0], $0xffff  }
0x3b1: {  	v13 =	vor.u32 v2, v0;
	_ =	sdelay $0x3  }
0x3b2: {  	[tilespmem:v12+s12+$0x0] =	vst.idx.msk $0xffff, v11  }
0x3b3: {  	v12 =	vor.u32 $0xB, v52;
	v11 =	vld.idx.msk [tilespmem:v13+s10+$0x0], $0xffff  }
0x3b4: {  	v13 =	vor.u32 v15, v0;
	_ =	sdelay $0x3  }
0x3b5: {  	[tilespmem:v12+s12+$0x0] =	vst.idx.msk $0xffff, v11  }
0x3b6: {  	v12 =	vor.u32 $0xC, v52;
	v11 =	vld.idx.msk [tilespmem:v13+s10+$0x0], $0xffff  }
0x3b7: {  	v13 =	vor.u32 v16, v0;
	_ =	sdelay $0x3  }
0x3b8: {  	[tilespmem:v12+s12+$0x0] =	vst.idx.msk $0xffff, v11  }
0x3b9: {  	v12 =	vor.u32 $0xD, v52;
	v11 =	vld.idx.msk [tilespmem:v13+s10+$0x0], $0xffff  }
0x3ba: {  	v13 =	vor.u32 v17, v0;
	_ =	sdelay $0x3  }
0x3bb: {  	[tilespmem:v12+s12+$0x0] =	vst.idx.msk $0xffff, v11  }
0x3bc: {  	v12 =	vor.u32 $0xE, v52;
	v11 =	vld.idx.msk [tilespmem:v13+s10+$0x0], $0xffff  }
0x3bd: {  	v0 =	vor.u32 v18, v0;
	_ =	sdelay $0x3  }
0x3be: {  	[tilespmem:v12+s12+$0x0] =	vst.idx.msk $0xffff, v11  }
0x3bf: {  	v11 =	vor.u32 $0xF, v52;
	v0 =	vld.idx.msk [tilespmem:v0+s10+$0x0], $0xffff;
	_ =	sdelay $0x4  }
0x3c0: {  	[tilespmem:v11+s12+$0x0] =	vst.idx.msk $0xffff, v0  }
0x3c1: {  	v0 =	vld [tilespmem:s17+$0x50]  }
0x3c2: {  	s29 =	sadd.s32 $0xD0, s15;
	v57 =	vmovc v58;
	v58 =	vmov v62;
	v62 =	vmov v63;
	v63 =	vlaneseq.u32  }
0x3c3: {  	v11 =	vor.u32 s29, v63  }
0x3c4: {  	v12 =	vmul.u32 $0x4EC5, v11;
	_ =	sdelay $0x1  }
0x3c5: {  	v13 =	vshrl.u32 v12, $0x13;
	v0 =	vshll.u32 v0, $0x4  }
0x3c6: {  	v13 =	vmul.u32 $0xFFFFFE6, v13;
	v0 =	vand.u32 $0x70, v0  }
0x3c7: {  	v18 =	vmov v14;
	v14 =	vor.u32 v19, v0  }
0x3c8: {  	v15 =	vshrl.u32 v12, $0xA;
	v12 =	vshrl.u32 v12, $0xC;
	v11 =	vadd.s32 v11, v13  }
0x3c9: {  	v15 =	vand.u32 $0x1FF000, v15;
	v13 =	vshll.u32 v11, $0x4;
	v11 =	vshll.u32 v11, $0x7  }
0x3ca: {  	v12 =	vand.u32 $0x380, v12;
	v13 =	vand.u32 $0x70, v13;
	v11 =	vand.u32 $0xFFFFFC00, v11  }
0x3cb: {  	v11 =	vadd.s32 v15, v11;
	v12 =	vor.u32 v12, v13  }
0x3cc: {  	v11 =	vor.u32 v11, v12;
	v12 =	vld.idx.msk [tilespmem:v14+s10+$0x0], $0xffff  }
0x3cd: {  	v13 =	vor.u32 v20, v0;
	_ =	sdelay $0x3  }
0x3ce: {  	[tilespmem:v11+s12+$0x0] =	vst.idx.msk $0xffff, v12  }
0x3cf: {  	v12 =	vld.idx.msk [tilespmem:v13+s10+$0x0], $0xffff;
	v13 =	vor.u32 $0x1, v11  }
0x3d0: {  	v14 =	vor.u32 v21, v0;
	_ =	sdelay $0x3  }
0x3d1: {  	[tilespmem:v13+s12+$0x0] =	vst.idx.msk $0xffff, v12  }
0x3d2: {  	v13 =	vor.u32 $0x2, v11;
	v12 =	vld.idx.msk [tilespmem:v14+s10+$0x0], $0xffff  }
0x3d3: {  	v14 =	vor.u32 v22, v0;
	_ =	sdelay $0x3  }
0x3d4: {  	[tilespmem:v13+s12+$0x0] =	vst.idx.msk $0xffff, v12  }
0x3d5: {  	v13 =	vor.u32 $0x3, v11;
	v12 =	vld.idx.msk [tilespmem:v14+s10+$0x0], $0xffff  }
0x3d6: {  	v14 =	vor.u32 v23, v0;
	_ =	sdelay $0x3  }
0x3d7: {  	[tilespmem:v13+s12+$0x0] =	vst.idx.msk $0xffff, v12  }
0x3d8: {  	v13 =	vor.u32 $0x4, v11;
	v12 =	vld.idx.msk [tilespmem:v14+s10+$0x0], $0xffff  }
0x3d9: {  	v14 =	vor.u32 v24, v0;
	_ =	sdelay $0x3  }
0x3da: {  	[tilespmem:v13+s12+$0x0] =	vst.idx.msk $0xffff, v12  }
0x3db: {  	v13 =	vor.u32 $0x5, v11;
	v12 =	vld.idx.msk [tilespmem:v14+s10+$0x0], $0xffff  }
0x3dc: {  	v14 =	vor.u32 v25, v0;
	_ =	sdelay $0x3  }
0x3dd: {  	[tilespmem:v13+s12+$0x0] =	vst.idx.msk $0xffff, v12  }
0x3de: {  	v13 =	vor.u32 $0x6, v11;
	v12 =	vld.idx.msk [tilespmem:v14+s10+$0x0], $0xffff  }
0x3df: {  	v14 =	vor.u32 v26, v0;
	_ =	sdelay $0x3  }
0x3e0: {  	[tilespmem:v13+s12+$0x0] =	vst.idx.msk $0xffff, v12  }
0x3e1: {  	v13 =	vor.u32 $0x7, v11;
	v12 =	vld.idx.msk [tilespmem:v14+s10+$0x0], $0xffff  }
0x3e2: {  	v14 =	vor.u32 v27, v0;
	_ =	sdelay $0x3  }
0x3e3: {  	[tilespmem:v13+s12+$0x0] =	vst.idx.msk $0xffff, v12  }
0x3e4: {  	v13 =	vor.u32 $0x8, v11;
	v12 =	vld.idx.msk [tilespmem:v14+s10+$0x0], $0xffff  }
0x3e5: {  	v14 =	vor.u32 v28, v0;
	_ =	sdelay $0x3  }
0x3e6: {  	[tilespmem:v13+s12+$0x0] =	vst.idx.msk $0xffff, v12  }
0x3e7: {  	v13 =	vor.u32 $0x9, v11;
	v12 =	vld.idx.msk [tilespmem:v14+s10+$0x0], $0xffff  }
0x3e8: {  	v14 =	vor.u32 v29, v0;
	_ =	sdelay $0x3  }
0x3e9: {  	[tilespmem:v13+s12+$0x0] =	vst.idx.msk $0xffff, v12  }
0x3ea: {  	v13 =	vor.u32 $0xA, v11;
	v12 =	vld.idx.msk [tilespmem:v14+s10+$0x0], $0xffff  }
0x3eb: {  	v14 =	vor.u32 v30, v0;
	_ =	sdelay $0x3  }
0x3ec: {  	[tilespmem:v13+s12+$0x0] =	vst.idx.msk $0xffff, v12  }
0x3ed: {  	v13 =	vor.u32 $0xB, v11;
	v12 =	vld.idx.msk [tilespmem:v14+s10+$0x0], $0xffff  }
0x3ee: {  	v14 =	vor.u32 v31, v0;
	_ =	sdelay $0x3  }
0x3ef: {  	[tilespmem:v13+s12+$0x0] =	vst.idx.msk $0xffff, v12  }
0x3f0: {  	v13 =	vor.u32 $0xC, v11;
	v12 =	vld.idx.msk [tilespmem:v14+s10+$0x0], $0xffff  }
0x3f1: {  	v14 =	vor.u32 v32, v0;
	_ =	sdelay $0x3  }
0x3f2: {  	[tilespmem:v13+s12+$0x0] =	vst.idx.msk $0xffff, v12  }
0x3f3: {  	v13 =	vor.u32 $0xD, v11;
	v12 =	vld.idx.msk [tilespmem:v14+s10+$0x0], $0xffff  }
0x3f4: {  	v14 =	vor.u32 v33, v0;
	_ =	sdelay $0x3  }
0x3f5: {  	[tilespmem:v13+s12+$0x0] =	vst.idx.msk $0xffff, v12  }
0x3f6: {  	v13 =	vor.u32 $0xE, v11;
	v12 =	vld.idx.msk [tilespmem:v14+s10+$0x0], $0xffff  }
0x3f7: {  	v0 =	vor.u32 v34, v0;
	_ =	sdelay $0x3  }
0x3f8: {  	[tilespmem:v13+s12+$0x0] =	vst.idx.msk $0xffff, v12  }
0x3f9: {  	v11 =	vor.u32 $0xF, v11;
	v0 =	vld.idx.msk [tilespmem:v0+s10+$0x0], $0xffff;
	_ =	sdelay $0x4  }
0x3fa: {  	[tilespmem:v11+s12+$0x0] =	vst.idx.msk $0xffff, v0  }
0x3fb: {  	v0 =	vld [tilespmem:s17+$0x60]  }
0x3fc: {  	s30 =	sadd.s32 $0xE0, s15  }
0x3fd: {  	v11 =	vor.u32 s30, v63  }
0x3fe: {  	v12 =	vmul.u32 $0x4EC5, v11;
	_ =	sdelay $0x1  }
0x3ff: {  	v13 =	vshrl.u32 v12, $0x13;
	v0 =	vshll.u32 v0, $0x4  }
0x400: {  	v13 =	vmul.u32 $0xFFFFFE6, v13;
	v0 =	vand.u32 $0x70, v0  }
0x401: {  	v14 =	vor.u32 v35, v0  }
0x402: {  	v15 =	vshrl.u32 v12, $0xA;
	v12 =	vshrl.u32 v12, $0xC;
	v11 =	vadd.s32 v11, v13  }
0x403: {  	v15 =	vand.u32 $0x1FF000, v15;
	v13 =	vshll.u32 v11, $0x4;
	v11 =	vshll.u32 v11, $0x7  }
0x404: {  	v12 =	vand.u32 $0x380, v12;
	v13 =	vand.u32 $0x70, v13;
	v11 =	vand.u32 $0xFFFFFC00, v11  }
0x405: {  	v11 =	vadd.s32 v15, v11;
	v12 =	vor.u32 v12, v13  }
0x406: {  	v11 =	vor.u32 v11, v12;
	v12 =	vld.idx.msk [tilespmem:v14+s10+$0x0], $0xffff  }
0x407: {  	v13 =	vor.u32 v36, v0;
	_ =	sdelay $0x3  }
0x408: {  	[tilespmem:v11+s12+$0x0] =	vst.idx.msk $0xffff, v12  }
0x409: {  	v12 =	vld.idx.msk [tilespmem:v13+s10+$0x0], $0xffff;
	v13 =	vor.u32 $0x1, v11  }
0x40a: {  	v14 =	vor.u32 v37, v0;
	_ =	sdelay $0x3  }
0x40b: {  	[tilespmem:v13+s12+$0x0] =	vst.idx.msk $0xffff, v12  }
0x40c: {  	v13 =	vor.u32 $0x2, v11;
	v12 =	vld.idx.msk [tilespmem:v14+s10+$0x0], $0xffff  }
0x40d: {  	v14 =	vor.u32 v38, v0;
	_ =	sdelay $0x3  }
0x40e: {  	[tilespmem:v13+s12+$0x0] =	vst.idx.msk $0xffff, v12  }
0x40f: {  	v13 =	vor.u32 $0x3, v11;
	v12 =	vld.idx.msk [tilespmem:v14+s10+$0x0], $0xffff  }
0x410: {  	v14 =	vor.u32 v39, v0;
	_ =	sdelay $0x3  }
0x411: {  	[tilespmem:v13+s12+$0x0] =	vst.idx.msk $0xffff, v12  }
0x412: {  	v13 =	vor.u32 $0x4, v11;
	v12 =	vld.idx.msk [tilespmem:v14+s10+$0x0], $0xffff  }
0x413: {  	v14 =	vor.u32 v40, v0;
	_ =	sdelay $0x3  }
0x414: {  	[tilespmem:v13+s12+$0x0] =	vst.idx.msk $0xffff, v12  }
0x415: {  	v13 =	vor.u32 $0x5, v11;
	v12 =	vld.idx.msk [tilespmem:v14+s10+$0x0], $0xffff  }
0x416: {  	v14 =	vor.u32 v41, v0;
	_ =	sdelay $0x3  }
0x417: {  	[tilespmem:v13+s12+$0x0] =	vst.idx.msk $0xffff, v12  }
0x418: {  	v13 =	vor.u32 $0x6, v11;
	v12 =	vld.idx.msk [tilespmem:v14+s10+$0x0], $0xffff  }
0x419: {  	v14 =	vor.u32 v42, v0;
	_ =	sdelay $0x3  }
0x41a: {  	[tilespmem:v13+s12+$0x0] =	vst.idx.msk $0xffff, v12  }
0x41b: {  	v13 =	vor.u32 $0x7, v11;
	v12 =	vld.idx.msk [tilespmem:v14+s10+$0x0], $0xffff  }
0x41c: {  	v14 =	vor.u32 v43, v0;
	_ =	sdelay $0x3  }
0x41d: {  	[tilespmem:v13+s12+$0x0] =	vst.idx.msk $0xffff, v12  }
0x41e: {  	v13 =	vor.u32 $0x8, v11;
	v12 =	vld.idx.msk [tilespmem:v14+s10+$0x0], $0xffff  }
0x41f: {  	v14 =	vor.u32 v44, v0;
	_ =	sdelay $0x3  }
0x420: {  	[tilespmem:v13+s12+$0x0] =	vst.idx.msk $0xffff, v12  }
0x421: {  	v13 =	vor.u32 $0x9, v11;
	v12 =	vld.idx.msk [tilespmem:v14+s10+$0x0], $0xffff  }
0x422: {  	v14 =	vor.u32 v45, v0;
	_ =	sdelay $0x3  }
0x423: {  	[tilespmem:v13+s12+$0x0] =	vst.idx.msk $0xffff, v12  }
0x424: {  	v13 =	vor.u32 $0xA, v11;
	v12 =	vld.idx.msk [tilespmem:v14+s10+$0x0], $0xffff  }
0x425: {  	v14 =	vor.u32 v46, v0;
	_ =	sdelay $0x3  }
0x426: {  	[tilespmem:v13+s12+$0x0] =	vst.idx.msk $0xffff, v12  }
0x427: {  	v13 =	vor.u32 $0xB, v11;
	v12 =	vld.idx.msk [tilespmem:v14+s10+$0x0], $0xffff  }
0x428: {  	v14 =	vor.u32 v47, v0;
	_ =	sdelay $0x3  }
0x429: {  	[tilespmem:v13+s12+$0x0] =	vst.idx.msk $0xffff, v12  }
0x42a: {  	v13 =	vor.u32 $0xC, v11;
	v12 =	vld.idx.msk [tilespmem:v14+s10+$0x0], $0xffff  }
0x42b: {  	v14 =	vor.u32 v48, v0;
	_ =	sdelay $0x3  }
0x42c: {  	[tilespmem:v13+s12+$0x0] =	vst.idx.msk $0xffff, v12  }
0x42d: {  	v13 =	vor.u32 $0xD, v11;
	v12 =	vld.idx.msk [tilespmem:v14+s10+$0x0], $0xffff  }
0x42e: {  	v14 =	vor.u32 v49, v0;
	_ =	sdelay $0x3  }
0x42f: {  	[tilespmem:v13+s12+$0x0] =	vst.idx.msk $0xffff, v12  }
0x430: {  	v13 =	vor.u32 $0xE, v11;
	v12 =	vld.idx.msk [tilespmem:v14+s10+$0x0], $0xffff  }
0x431: {  	v0 =	vor.u32 v50, v0;
	_ =	sdelay $0x3  }
0x432: {  	[tilespmem:v13+s12+$0x0] =	vst.idx.msk $0xffff, v12  }
0x433: {  	v11 =	vor.u32 $0xF, v11;
	v0 =	vld.idx.msk [tilespmem:v0+s10+$0x0], $0xffff;
	_ =	sdelay $0x4  }
0x434: {  	[tilespmem:v11+s12+$0x0] =	vst.idx.msk $0xffff, v0  }
0x435: {  	v0 =	vld [tilespmem:s17+$0x70]  }
0x436: {  	s31 =	sadd.s32 $0xF0, s15  }
0x437: {  	v11 =	vor.u32 s31, v63  }
0x438: {  	v12 =	vmul.u32 $0x4EC5, v11;
	_ =	sdelay $0x1  }
0x439: {  	v13 =	vshrl.u32 v12, $0x13;
	v0 =	vshll.u32 v0, $0x4  }
0x43a: {  	v13 =	vmul.u32 $0xFFFFFE6, v13;
	v0 =	vand.u32 $0x70, v0  }
0x43b: {  	v14 =	vor.u32 v51, v0  }
0x43c: {  	v15 =	vshrl.u32 v12, $0xA;
	v12 =	vshrl.u32 v12, $0xC;
	v11 =	vadd.s32 v11, v13  }
0x43d: {  	v15 =	vand.u32 $0x1FF000, v15;
	v13 =	vshll.u32 v11, $0x4;
	v11 =	vshll.u32 v11, $0x7  }
0x43e: {  	v12 =	vand.u32 $0x380, v12;
	v13 =	vand.u32 $0x70, v13;
	v11 =	vand.u32 $0xFFFFFC00, v11  }
0x43f: {  	v11 =	vadd.s32 v15, v11;
	v12 =	vor.u32 v12, v13  }
0x440: {  	v11 =	vor.u32 v11, v12;
	v12 =	vld.idx.msk [tilespmem:v14+s10+$0x0], $0xffff  }
0x441: {  	v10 =	vor.u32 v10, v0  }
0x442: {  	v2 =	vld [tilespmem:$0x1FC30];
	_ =	sdelay $0x2  }
0x443: {  	[tilespmem:v11+s12+$0x0] =	vst.idx.msk $0xffff, v12  }
0x444: {  	v12 =	vor.u32 $0x1, v11;
	v10 =	vld.idx.msk [tilespmem:v10+s10+$0x0], $0xffff  }
0x445: {  	v13 =	vor.u32 v2, v0;
	_ =	sdelay $0x3  }
0x446: {  	[tilespmem:v12+s12+$0x0] =	vst.idx.msk $0xffff, v10  }
0x447: {  	v12 =	vor.u32 $0x2, v11;
	v10 =	vld.idx.msk [tilespmem:v13+s10+$0x0], $0xffff  }
0x448: {  	v9 =	vor.u32 v9, v0;
	_ =	sdelay $0x3  }
0x449: {  	[tilespmem:v12+s12+$0x0] =	vst.idx.msk $0xffff, v10  }
0x44a: {  	v10 =	vor.u32 $0x3, v11;
	v9 =	vld.idx.msk [tilespmem:v9+s10+$0x0], $0xffff  }
0x44b: {  	v8 =	vor.u32 v8, v0;
	_ =	sdelay $0x3  }
0x44c: {  	[tilespmem:v10+s12+$0x0] =	vst.idx.msk $0xffff, v9  }
0x44d: {  	v9 =	vor.u32 $0x4, v11;
	v8 =	vld.idx.msk [tilespmem:v8+s10+$0x0], $0xffff  }
0x44e: {  	v7 =	vor.u32 v7, v0  }
0x44f: {  	v2 =	vld [tilespmem:$0x1FC40];
	_ =	sdelay $0x2  }
0x450: {  	[tilespmem:v9+s12+$0x0] =	vst.idx.msk $0xffff, v8  }
0x451: {  	v8 =	vor.u32 $0x5, v11;
	v7 =	vld.idx.msk [tilespmem:v7+s10+$0x0], $0xffff  }
0x452: {  	v52 =	vmov v6;
	v6 =	vor.u32 v2, v0;
	_ =	sdelay $0x3  }
0x453: {  	v16 =	vld [tilespmem:$0x1FDC0];
	[tilespmem:v8+s12+$0x0] =	vst.idx.msk $0xffff, v7  }
0x454: {  	v7 =	vor.u32 $0x6, v11;
	v6 =	vld.idx.msk [tilespmem:v6+s10+$0x0], $0xffff  }
0x455: {  	v54 =	vmov v5;
	v17 =	vld [tilespmem:$0x1FDD0];
	v5 =	vor.u32 v53, v0  }
0x456: {  	v2 =	vld [tilespmem:$0x1FC50]  }
0x457: {  	v19 =	vld [tilespmem:$0x1FDE0]  }
0x458: {  	v20 =	vld [tilespmem:$0x1FDF0]  }
0x459: {  	v21 =	vld [tilespmem:$0x1FE00];
	[tilespmem:v7+s12+$0x0] =	vst.idx.msk $0xffff, v6  }
0x45a: {  	v6 =	vor.u32 $0x7, v11;
	v5 =	vld.idx.msk [tilespmem:v5+s10+$0x0], $0xffff  }
0x45b: {  	v22 =	vld [tilespmem:$0x1FE10];
	v7 =	vor.u32 v2, v0  }
0x45c: {  	v2 =	vld [tilespmem:$0x1FC60]  }
0x45d: {  	v23 =	vld [tilespmem:$0x1FE20]  }
0x45e: {  	v24 =	vld [tilespmem:$0x1FE30]  }
0x45f: {  	v25 =	vld [tilespmem:$0x1FE40];
	[tilespmem:v6+s12+$0x0] =	vst.idx.msk $0xffff, v5  }
0x460: {  	v6 =	vor.u32 $0x8, v11;
	v5 =	vld.idx.msk [tilespmem:v7+s10+$0x0], $0xffff  }
0x461: {  	v26 =	vld [tilespmem:$0x1FE50];
	v7 =	vor.u32 v2, v0  }
0x462: {  	v2 =	vld [tilespmem:$0x1FC70]  }
0x463: {  	v27 =	vld [tilespmem:$0x1FE60]  }
0x464: {  	v28 =	vld [tilespmem:$0x1FE70]  }
0x465: {  	v29 =	vld [tilespmem:$0x1FE80];
	[tilespmem:v6+s12+$0x0] =	vst.idx.msk $0xffff, v5  }
0x466: {  	v6 =	vor.u32 $0x9, v11;
	v5 =	vld.idx.msk [tilespmem:v7+s10+$0x0], $0xffff  }
0x467: {  	v30 =	vld [tilespmem:$0x1FE90];
	v7 =	vor.u32 v2, v0  }
0x468: {  	v2 =	vld [tilespmem:$0x1FC80]  }
0x469: {  	v31 =	vld [tilespmem:$0x1FEA0]  }
0x46a: {  	v32 =	vld [tilespmem:$0x1FEB0]  }
0x46b: {  	v33 =	vld [tilespmem:$0x1FEC0];
	[tilespmem:v6+s12+$0x0] =	vst.idx.msk $0xffff, v5  }
0x46c: {  	v6 =	vor.u32 $0xA, v11;
	v5 =	vld.idx.msk [tilespmem:v7+s10+$0x0], $0xffff  }
0x46d: {  	v34 =	vld [tilespmem:$0x1FED0];
	v7 =	vor.u32 v2, v0  }
0x46e: {  	v2 =	vld [tilespmem:$0x1FC90]  }
0x46f: {  	v35 =	vld [tilespmem:$0x1FEE0]  }
0x470: {  	v36 =	vld [tilespmem:$0x1FEF0]  }
0x471: {  	v37 =	vld [tilespmem:$0x1FF00];
	[tilespmem:v6+s12+$0x0] =	vst.idx.msk $0xffff, v5  }
0x472: {  	v6 =	vor.u32 $0xB, v11;
	v5 =	vld.idx.msk [tilespmem:v7+s10+$0x0], $0xffff  }
0x473: {  	v38 =	vld [tilespmem:$0x1FF10];
	v7 =	vor.u32 v2, v0  }
0x474: {  	v2 =	vld [tilespmem:$0x1FCA0]  }
0x475: {  	v39 =	vld [tilespmem:$0x1FF20]  }
0x476: {  	v40 =	vld [tilespmem:$0x1FF30]  }
0x477: {  	v41 =	vld [tilespmem:$0x1FF40];
	[tilespmem:v6+s12+$0x0] =	vst.idx.msk $0xffff, v5  }
0x478: {  	v6 =	vor.u32 $0xC, v11;
	v5 =	vld.idx.msk [tilespmem:v7+s10+$0x0], $0xffff  }
0x479: {  	v42 =	vld [tilespmem:$0x1FF50];
	v4 =	vor.u32 v2, v0  }
0x47a: {  	v2 =	vld [tilespmem:$0x1FCB0]  }
0x47b: {  	v43 =	vld [tilespmem:$0x1FF60]  }
0x47c: {  	v44 =	vld [tilespmem:$0x1FF70]  }
0x47d: {  	v45 =	vld [tilespmem:$0x1FF80];
	[tilespmem:v6+s12+$0x0] =	vst.idx.msk $0xffff, v5  }
0x47e: {  	v5 =	vor.u32 $0xD, v11;
	v4 =	vld.idx.msk [tilespmem:v4+s10+$0x0], $0xffff  }
0x47f: {  	v46 =	vld [tilespmem:$0x1FF90];
	v3 =	vor.u32 v2, v0  }
0x480: {  	v2 =	vld [tilespmem:$0x1FCC0]  }
0x481: {  	v47 =	vld [tilespmem:$0x1FFA0]  }
0x482: {  	v48 =	vld [tilespmem:$0x1FFB0]  }
0x483: {  	v49 =	vld [tilespmem:$0x1FFC0];
	[tilespmem:v5+s12+$0x0] =	vst.idx.msk $0xffff, v4  }
0x484: {  	v4 =	vor.u32 $0xE, v11;
	v3 =	vld.idx.msk [tilespmem:v3+s10+$0x0], $0xffff  }
0x485: {  	v50 =	vld [tilespmem:$0x1FFD0];
	v0 =	vor.u32 v2, v0  }
0x486: {  	v51 =	vld [tilespmem:$0x1FFE0]  }
0x487: {  	v53 =	vld [tilespmem:$0x1FFF0]  }
0x488: {  	v15 =	vld [tilespmem:$0x1FDB0]  }
0x489: {  	v14 =	vld [tilespmem:$0x1FDA0];
	[tilespmem:v4+s12+$0x0] =	vst.idx.msk $0xffff, v3  }
0x48a: {  	p0 =	sne.s32 s15, $0xC00;
	v2 =	vor.u32 $0xF, v11;
	v0 =	vld.idx.msk [tilespmem:v0+s10+$0x0], $0xffff  }
.Ltmp1:
0x48b: {  	v13 =	vld [tilespmem:$0x1FD90];
	(pc) =	sbr.rel @p0 .LBB2_4-.Ltmp1, $4  }
0x48c: {  	v12 =	vld [tilespmem:$0x1FD80]  }
0x48d: {  	v10 =	vld [tilespmem:$0x1FD60]  }
0x48e: {  	v11 =	vld [tilespmem:$0x1FD70]  }
0x48f: {  	s16 =	sadd.s32 $0x100, s16;
	s15 =	sadd.s32 $0x100, s15;
	s17 =	sadd.s32 $0x100, s17;
	[tilespmem:v2+s12+$0x0] =	vst.idx.msk $0xffff, v0;
	v0 =	vld [tilespmem:$0x1FD50]  }
0x490: {  	s14 =	sadd.s32 $0x1, s14  }
0x491: {  	p0 =	sne.s32 s14, s6  }
.Ltmp2:
0x492: {  	_ = 	snop;
	(pc) =	sbr.rel @p0 .LBB2_1-.Ltmp2, $4  }
0x493: {  	[hbm4b:s5+s2] =	stream.linear.scatter [tilespmem:s12], [sflag:$0x3], $0x10000, $0x38;
	[tilespmem:$0x1A000] =	vst v63  }
0x494: {  	_ =	swait.ge [sflag:s7], $0x10000  }
0x495: {  	[sflag:s7] =	ssyncset.done $0x0  }
0x496: {  	[sflag:s7] =	ssyncadd.s32 $0xFFFF0000  }
0x497: {  	_ =	sfence.sel $0x180000  }
0x498: {  	[bflag:$0x0] =	sbarrier.arrive $0xFFFF  }
0x499: {  	p0 =	sne.s32 s1, $0x0;
	_ =	strace $0x90000047  }
0x49a: {  	s0 =	sadd.s32 @!p0 $0x100000, s0;
	[bflag:$0x2] =	sbarrier.arrive $0xFFFF  }
0x49b: {  	[sflag:s0] =	ssyncadd.tile.s32 @!p0 $0x1;
	_ =	shalt  }
.Lfunc_end2:
_tile_overlayer_lowered:
.L_overlay_start_2:
0x49c: {  	(tag) =	ssettag $0x2  }
0x49d: {  	s0 =	rddreg [dreg:$0x0];
	s2 =	stileid.u32  }
0x49e: {  	s1 =	rddreg [dreg:$0x1];
	p0 =	sne.s32 s2, $0x0  }
0x49f: {  	s3 =	rddreg [dreg:$0x2];
	[bflag:$0x3] =	sbarrier.arrive $0xFFFF;
	s2 =	simm.s32 @!p0 $0x1C03  }
0x4a0: {  	[timem:s3], [sflag:s2] =	dma.local @!p0 [hbm:s0], s1  }
0x4a1: {  	s0 =	simm.s32 @!p0 $0x3  }
0x4a2: {  	_ =	swait.ge @!p0 [sflag:s0], s1  }
0x4a3: {  	s1 =	ssub.s32 @!p0 $0x0, s1;
	[sflag:s0] =	ssyncset.done @!p0 $0x0  }
0x4a4: {  	[sflag:s0] =	ssyncadd.s32 @!p0 s1  }
0x4a5: {  	[bflag:$0x3] =	sbarrier.arrive $0xFFFF  }
0x4a6: {  	_ =	shalt  }

</sc_bundles>
